<compile_context>
chip_gen: v7x
topology: tpu7x:2x2x1
jax: 0.10.2.dev20260603
libtpu: 0.0.44.dev20260713+nightly
codegen_flags: <defaults>
</compile_context>

<pallas_src>
import jax
import jax.numpy as jnp
from jax import lax
from jax.experimental import pallas as pl
from jax.experimental.pallas import tpu as pltpu
from jax.experimental.pallas import tpu_sc as plsc

B = 16
N0 = 2048
S1 = 512
S2 = 128
K1 = 32
K2 = 64
R1SQ = 0.2 * 0.2
R2SQ = 0.4 * 0.4
EPS = 1e-5

NC = 2
NS = 16
LANES = 16
NTILES = NC * NS


def _fps_body(pts_ref, cen_ref, pp_ref, sx, sy, sz):
    x = pts_ref[:, 0, :]
    y = pts_ref[:, 1, :]
    z = pts_ref[:, 2, :]
    iota_n = lax.broadcasted_iota(jnp.int32, (B, N0), 1)

    def step(t, carry):
        dist, idxv = carry
        oh = (iota_n == idxv).astype(jnp.float32)
        cx = jnp.sum(x * oh, axis=1, keepdims=True)
        cy = jnp.sum(y * oh, axis=1, keepdims=True)
        cz = jnp.sum(z * oh, axis=1, keepdims=True)
        sx[pl.ds(t, 1), :] = cx.reshape(1, B)
        sy[pl.ds(t, 1), :] = cy.reshape(1, B)
        sz[pl.ds(t, 1), :] = cz.reshape(1, B)
        dx = x - cx
        dy = y - cy
        dz = z - cz
        d = (dx * dx + dy * dy) + dz * dz
        dist = jnp.minimum(dist, d)
        mx = jnp.max(dist, axis=1, keepdims=True)
        idxv = jnp.min(jnp.where(dist == mx, iota_n, N0), axis=1, keepdims=True)
        return dist, idxv

    dist0 = jnp.full((B, N0), 1e10, dtype=jnp.float32)
    idx0 = jnp.zeros((B, 1), dtype=jnp.int32)
    lax.fori_loop(0, S1, step, (dist0, idx0))
    for c, sref in enumerate((sx, sy, sz)):
        cen_ref[pl.ds(c * B, B), :] = jnp.transpose(sref[...])
        pp_ref[pl.ds(c * B, B), :] = pts_ref[:, c, :]


def _fps(points):
    return pl.pallas_call(
        _fps_body,
        out_shape=[
            jax.ShapeDtypeStruct((3 * B, S1), jnp.float32),
            jax.ShapeDtypeStruct((3 * B, N0), jnp.float32),
        ],
        scratch_shapes=[pltpu.VMEM((S1, B), jnp.float32),
                        pltpu.VMEM((S1, B), jnp.float32),
                        pltpu.VMEM((S1, B), jnp.float32)],
    )(points)


def _make_ballquery(n, s, k, r2, want_idx):
    spt = (B * s) // NTILES
    tiles_per_b = s // spt
    nchunks = n // LANES
    UB = 16
    nblocks = nchunks // UB
    bufsz = k + LANES

    def body(*refs):
        pts_hbm, cen_hbm = refs[0], refs[1]
        if want_idx:
            outs = refs[2:6]
            vpx, vpy, vpz, vcx, vcy, vcz, vbuf, vrel, vidx, sem = refs[6:]
        else:
            outs = refs[2:5]
            vpx, vpy, vpz, vcx, vcy, vcz, vbuf, vrel, sem = refs[5:]
            vidx = None
        w = lax.axis_index("s") * NC + lax.axis_index("c")
        b = w // tiles_per_b
        s0 = (w % tiles_per_b) * spt
        pltpu.sync_copy(pts_hbm.at[pl.ds(b * n, n)], vpx)
        pltpu.sync_copy(pts_hbm.at[pl.ds((B + b) * n, n)], vpy)
        pltpu.sync_copy(pts_hbm.at[pl.ds((2 * B + b) * n, n)], vpz)
        cbase = b * S1 + s0
        pltpu.sync_copy(cen_hbm.at[pl.ds(cbase, spt)], vcx)
        pltpu.sync_copy(cen_hbm.at[pl.ds(cbase + B * S1, spt)], vcy)
        pltpu.sync_copy(cen_hbm.at[pl.ds(cbase + 2 * B * S1, spt)], vcz)
        lane = lax.iota(jnp.int32, LANES)
        zero = lane * 0

        def per_s(si, _):
            sv = zero + si
            cx = plsc.load_gather(vcx, [sv])
            cy = plsc.load_gather(vcy, [sv])
            cz = plsc.load_gather(vcz, [sv])

            def cond(c):
                i, cnt = c
                return jnp.logical_and(i < nblocks, cnt < k)

            def block(c):
                i, cnt = c
                base = i * (UB * LANES)
                ms, mis, incls = [], [], []
                for u in range(UB):
                    ii = base + u * LANES
                    dx = vpx[pl.ds(ii, LANES)] - cx
                    dy = vpy[pl.ds(ii, LANES)] - cy
                    dz = vpz[pl.ds(ii, LANES)] - cz
                    d2 = (dx * dx + dy * dy) + dz * dz
                    m = d2 < r2
                    mi = m.astype(jnp.int32)
                    ms.append(m)
                    mis.append(mi)
                    incls.append(plsc.cumsum(mi))
                bases = []
                for u in range(UB):
                    bases.append(cnt)
                    cnt = cnt + incls[u][LANES - 1]
                for u in range(UB):
                    ii = base + u * LANES
                    pos = jnp.minimum(bases[u], k) + (incls[u] - mis[u])
                    plsc.store_scatter(vbuf, [pos], ii + lane, mask=ms[u])
                return i + 1, cnt

            _, cnt = lax.while_loop(cond, block, (0, 0))
            valid = jnp.minimum(cnt, k)
            for j in range(k // LANES):
                p = j * LANES + lane
                pos = jnp.where(p < valid, p, 0)
                gi = plsc.load_gather(vbuf, [pos])
                vrel[0, si, pl.ds(j * LANES, LANES)] = (
                    plsc.load_gather(vpx, [gi]) - cx)
                vrel[1, si, pl.ds(j * LANES, LANES)] = (
                    plsc.load_gather(vpy, [gi]) - cy)
                vrel[2, si, pl.ds(j * LANES, LANES)] = (
                    plsc.load_gather(vpz, [gi]) - cz)
                if want_idx:
                    vidx[si, pl.ds(j * LANES, LANES)] = gi
            return _

        lax.fori_loop(0, spt, per_s, 0)
        pltpu.sync_copy(vrel.at[0], outs[0].at[b, pl.ds(s0, spt), :])
        pltpu.sync_copy(vrel.at[1], outs[1].at[b, pl.ds(s0, spt), :])
        pltpu.sync_copy(vrel.at[2], outs[2].at[b, pl.ds(s0, spt), :])
        if want_idx:
            pltpu.sync_copy(vidx, outs[3].at[b, pl.ds(s0, spt), :])

    mesh = plsc.VectorSubcoreMesh(core_axis_name="c", subcore_axis_name="s")
    out_type = [jax.ShapeDtypeStruct((B, s, k), jnp.float32)] * 3
    if want_idx:
        out_type.append(jax.ShapeDtypeStruct((B, s, k), jnp.int32))
    scratch = [
        pltpu.VMEM((n,), jnp.float32),
        pltpu.VMEM((n,), jnp.float32),
        pltpu.VMEM((n,), jnp.float32),
        pltpu.VMEM((spt,), jnp.float32),
        pltpu.VMEM((spt,), jnp.float32),
        pltpu.VMEM((spt,), jnp.float32),
        pltpu.VMEM((bufsz,), jnp.int32),
        pltpu.VMEM((3, spt, k), jnp.float32),
    ]
    if want_idx:
        scratch.append(pltpu.VMEM((spt, k), jnp.int32))
    scratch.append(pltpu.SemaphoreType.DMA)
    return pl.kernel(body, out_type=tuple(out_type), mesh=mesh,
                     scratch_types=scratch,
                     compiler_params=pltpu.CompilerParams(
                         needs_layout_passes=False))


_SA1_CH = 4


def _bn_relu(y, gamma, beta):
    return jnp.maximum((y / jnp.sqrt(1.0 + EPS)) * gamma + beta, 0.0)


def _sa1_body(rx_ref, ry_ref, rz_ref, w1, g1, b1, w2, g2, b2, w3, g3, b3,
              out_ref):
    sc = S1 // _SA1_CH
    m = sc * K1
    x = jnp.concatenate(
        [jnp.transpose(rx_ref[0]).reshape(1, m),
         jnp.transpose(ry_ref[0]).reshape(1, m),
         jnp.transpose(rz_ref[0]).reshape(1, m)], axis=0)
    h = _bn_relu(jnp.dot(w1[...], x, preferred_element_type=jnp.float32),
                 g1[...], b1[...])
    h = _bn_relu(jnp.dot(w2[...], h, preferred_element_type=jnp.float32),
                 g2[...], b2[...])
    h = _bn_relu(jnp.dot(w3[...], h, preferred_element_type=jnp.float32),
                 g3[...], b3[...])
    out_ref[0] = jnp.max(h.reshape(128, K1, sc), axis=1)


def _sa1_mlp(r1x, r1y, r1z, ws):
    sc = S1 // _SA1_CH
    (w1, g1, b1), (w2, g2, b2), (w3, g3, b3) = ws
    cvec = lambda c: pl.BlockSpec((c, 1), lambda b, ch: (0, 0))
    return pl.pallas_call(
        _sa1_body,
        grid=(B, _SA1_CH),
        in_specs=[
            pl.BlockSpec((1, sc, K1), lambda b, c: (b, c, 0)),
            pl.BlockSpec((1, sc, K1), lambda b, c: (b, c, 0)),
            pl.BlockSpec((1, sc, K1), lambda b, c: (b, c, 0)),
            pl.BlockSpec((64, 3), lambda b, c: (0, 0)), cvec(64), cvec(64),
            pl.BlockSpec((64, 64), lambda b, c: (0, 0)), cvec(64), cvec(64),
            pl.BlockSpec((128, 64), lambda b, c: (0, 0)), cvec(128), cvec(128),
        ],
        out_specs=pl.BlockSpec((1, 128, sc), lambda b, c: (b, 0, c)),
        out_shape=jax.ShapeDtypeStruct((B, 128, S1), jnp.float32),
    )(r1x, r1y, r1z, w1, g1, b1, w2, g2, b2, w3, g3, b3)


_SA2_CH = 8
_SA2_CW = (S2 * K2) // _SA2_CH
_SA2_SPC = _SA2_CW // K2


def _sa2_body(idx_ref, rx_ref, ry_ref, rz_ref, f1_ref,
              w1, g1, b1, w2, g2, b2, w3, g3, b3,
              lw1, lg1, lb1, lw2, lg2, lb2, lw3, lg3, lb3,
              feats_ref, ami_ref):
    f1 = f1_ref[0]
    iota_n = lax.broadcasted_iota(jnp.int32, (S1, _SA2_CW), 0)
    kpc = K2 // _SA2_CH
    idxt = jnp.transpose(idx_ref[0])
    rxt = jnp.transpose(rx_ref[0])
    ryt = jnp.transpose(ry_ref[0])
    rzt = jnp.transpose(rz_ref[0])

    f2 = None
    for c in range(_SA2_CH):
        sl = slice(c * kpc, (c + 1) * kpc)
        idr = idxt[sl].reshape(1, _SA2_CW)
        e = (iota_n == idr).astype(jnp.float32)
        g = jnp.dot(f1, e, preferred_element_type=jnp.float32)
        x = jnp.concatenate(
            [rxt[sl].reshape(1, _SA2_CW),
             ryt[sl].reshape(1, _SA2_CW),
             rzt[sl].reshape(1, _SA2_CW), g], axis=0)
        h = _bn_relu(jnp.dot(w1[...], x, preferred_element_type=jnp.float32),
                     g1[...], b1[...])
        h = _bn_relu(jnp.dot(w2[...], h, preferred_element_type=jnp.float32),
                     g2[...], b2[...])
        h = _bn_relu(jnp.dot(w3[...], h, preferred_element_type=jnp.float32),
                     g3[...], b3[...])
        part = jnp.max(h.reshape(256, kpc, S2), axis=1)
        f2 = part if f2 is None else jnp.maximum(f2, part)
    h = _bn_relu(jnp.dot(lw1[...], f2, preferred_element_type=jnp.float32),
                 lg1[...], lb1[...])
    h = _bn_relu(jnp.dot(lw2[...], h, preferred_element_type=jnp.float32),
                 lg2[...], lb2[...])
    h = _bn_relu(jnp.dot(lw3[...], h, preferred_element_type=jnp.float32),
                 lg3[...], lb3[...])
    mx = jnp.max(h, axis=1)
    feats_ref[0, 0] = mx
    iota_s = lax.broadcasted_iota(jnp.int32, (1024, S2), 1)
    ami = jnp.min(jnp.where(h == mx[:, None], iota_s, S2), axis=1)
    ami_ref[0, 0] = ami.astype(jnp.int32)


def _sa2_local(idx2, r2x, r2y, r2z, feat1, ws2, wsl):
    (w1, g1, b1), (w2, g2, b2), (w3, g3, b3) = ws2
    (lw1, lg1, lb1), (lw2, lg2, lb2), (lw3, lg3, lb3) = wsl
    full = lambda *shape: pl.BlockSpec(shape, lambda b: tuple(0 for _ in shape))
    return pl.pallas_call(
        _sa2_body,
        grid=(B,),
        in_specs=[
            pl.BlockSpec((1, S2, K2), lambda b: (b, 0, 0)),
            pl.BlockSpec((1, S2, K2), lambda b: (b, 0, 0)),
            pl.BlockSpec((1, S2, K2), lambda b: (b, 0, 0)),
            pl.BlockSpec((1, S2, K2), lambda b: (b, 0, 0)),
            pl.BlockSpec((1, 128, S1), lambda b: (b, 0, 0)),
            full(128, 131), full(128, 1), full(128, 1),
            full(128, 128), full(128, 1), full(128, 1),
            full(256, 128), full(256, 1), full(256, 1),
            full(256, 256), full(256, 1), full(256, 1),
            full(512, 256), full(512, 1), full(512, 1),
            full(1024, 512), full(1024, 1), full(1024, 1),
        ],
        out_specs=[
            pl.BlockSpec((1, 1, 1024), lambda b: (b, 0, 0)),
            pl.BlockSpec((1, 1, 1024), lambda b: (b, 0, 0)),
        ],
        out_shape=[
            jax.ShapeDtypeStruct((B, 1, 1024), jnp.float32),
            jax.ShapeDtypeStruct((B, 1, 1024), jnp.int32),
        ],
    )(idx2, r2x, r2y, r2z, feat1, w1, g1, b1, w2, g2, b2, w3, g3, b3,
      lw1, lg1, lb1, lw2, lg2, lb2, lw3, lg3, lb3)


def _prep(layers):
    return [(w, gamma[:, None], beta[:, None]) for w, gamma, beta in layers]


def kernel(points, params):
    cen_pm, pts_pm = _fps(points)
    points_f = pts_pm.reshape(-1)
    centers_f = cen_pm.reshape(-1)

    bq1 = _make_ballquery(N0, S1, K1, R1SQ, want_idx=False)
    r1x, r1y, r1z = bq1(points_f, centers_f)

    sa1 = _prep(params["sa1"])
    feat1 = _sa1_mlp(r1x, r1y, r1z, sa1)

    bq2 = _make_ballquery(S1, S2, K2, R2SQ, want_idx=True)
    r2x, r2y, r2z, idx2 = bq2(centers_f, centers_f)

    ws2 = _prep(params["sa2"])
    wsl = _prep(params["local"])
    feats, ami = _sa2_local(idx2, r2x, r2y, r2z, feat1, ws2, wsl)
    return {"feats": feats[:, 0], "max_indices": ami[:, 0]}

# --- scband reference (transcript-rebuilt; emitter-appended) ---
"""Pipeline reference for scband-pn2-ssg-52802327937623 (READ-ONLY COPY).

The authoritative reference and input builder live on the scoring server;
editing this copy changes nothing except your own understanding.
"""

import jax, jax.numpy as jnp
import numpy as np

SA_CHANNELS = ((64, 64, 128), (128, 128, 256))
NUM_SAMPLES = (512, 128)
RADIUS = (0.2, 0.4)
NUM_NEIGHBORS = (32, 64)
LOCAL_CHANNELS = (256, 512, 1024)
EPS = 1e-5


def _init_mlp(key, c_in, channels):
    params = []
    for c_out in channels:
        key, k1 = jax.random.split(key)
        W = jax.random.normal(k1, (c_out, c_in), dtype=jnp.float32) * (1.0 / np.sqrt(c_in))
        gamma = jnp.ones((c_out,), jnp.float32)
        beta = jnp.zeros((c_out,), jnp.float32)
        params.append((W, gamma, beta))
        c_in = c_out
    return key, params


def setup_inputs(seed: int = 0):
    key = jax.random.key(seed)
    key, kp = jax.random.split(key)
    points = jax.random.uniform(kp, (16, 3, 2048), dtype=jnp.float32)
    key, sa1 = _init_mlp(key, 3, SA_CHANNELS[0])
    key, sa2 = _init_mlp(key, SA_CHANNELS[0][-1] + 3, SA_CHANNELS[1])
    key, local = _init_mlp(key, SA_CHANNELS[1][-1], LOCAL_CHANNELS)
    params = {"sa1": sa1, "sa2": sa2, "local": local}
    return {"points": points, "params": params}


def farthest_point_sample(points, S):
    # points: [B, 3, N] -> indices [B, S]
    B, _, N = points.shape
    pts = jnp.transpose(points, (0, 2, 1))  # [B, N, 3]
    dist0 = jnp.full((B, N), 1e10, dtype=jnp.float32)
    far0 = jnp.zeros((B,), dtype=jnp.int32)

    def step(carry, _):
        dist, far = carry
        centroid = jnp.take_along_axis(pts, far[:, None, None], axis=1)  # [B,1,3]
        d = jnp.sum((pts - centroid) ** 2, axis=-1)
        dist = jnp.minimum(dist, d)
        nxt = jnp.argmax(dist, axis=-1).astype(jnp.int32)
        return (dist, nxt), far

    (_, _), idxs = jax.lax.scan(step, (dist0, far0), None, length=S)
    return jnp.transpose(idxs, (1, 0))  # [B, S]


def batch_index_select(feat, idx):
    # feat [B, C, N], idx [B, S] -> [B, C, S]
    return jax.vmap(lambda f, i: f[:, i])(feat, idx)


def ball_query(new_xyz, xyz, radius, K):
    # new_xyz [B,3,S], xyz [B,3,N] -> idx [B,S,K]
    N = xyz.shape[2]
    d2 = jnp.sum((new_xyz[:, :, :, None] - xyz[:, :, None, :]) ** 2, axis=1)  # [B,S,N]
    mask = d2 < (radius * radius)
    cand = jnp.where(mask, jnp.arange(N, dtype=jnp.int32)[None, None, :], N)
    idx = jnp.sort(cand, axis=-1)[..., :K]
    first = idx[..., :1]
    idx = jnp.where(idx >= N, first, idx)
    idx = jnp.where(idx >= N, 0, idx)
    return idx


def group_points(feat, idx):
    # feat [B,C,N], idx [B,S,K] -> [B,C,S,K]
    B, C, _ = feat.shape
    S, K = idx.shape[1], idx.shape[2]
    idx_flat = idx.reshape(B, S * K)
    g = jax.vmap(lambda f, i: f[:, i])(feat, idx_flat)
    return g.reshape(B, C, S, K)


def apply_mlp2d(params, x):
    for W, gamma, beta in params:
        x = jnp.einsum('oc,bcsk->bosk', W, x)
        x = (x / jnp.sqrt(1.0 + EPS)) * gamma[None, :, None, None] + beta[None, :, None, None]
        x = jax.nn.relu(x)
    return x


def apply_mlp1d(params, x):
    for W, gamma, beta in params:
        x = jnp.einsum('oc,bcs->bos', W, x)
        x = (x / jnp.sqrt(1.0 + EPS)) * gamma[None, :, None] + beta[None, :, None]
        x = jax.nn.relu(x)
    return x


def set_abstraction(params, xyz, new_xyz, feature, radius, K, use_xyz=True):
    idx = ball_query(new_xyz, xyz, radius, K)
    group_xyz = group_points(xyz, idx) - new_xyz[:, :, :, None]
    if feature is not None:
        gf = group_points(feature, idx)
        x = jnp.concatenate([group_xyz, gf], axis=1) if use_xyz else gf
    else:
        x = group_xyz
    x = apply_mlp2d(params, x)
    return jnp.max(x, axis=3)  # [B, C_out, S]


def _forward(points, params):
    fps_idx = farthest_point_sample(points, NUM_SAMPLES[0])
    xyz_fps = batch_index_select(points, fps_idx)  # [B,3,512]
    xyz = points
    feature = None
    for i, name in enumerate(["sa1", "sa2"]):
        new_xyz = xyz_fps[:, :, :NUM_SAMPLES[i]]
        feature = set_abstraction(params[name], xyz, new_xyz, feature, RADIUS[i], NUM_NEIGHBORS[i], True)
        xyz = new_xyz
    local = apply_mlp1d(params["local"], feature)  # [B,1024,128]
    feats = jnp.max(local, axis=2)
    max_indices = jnp.argmax(local, axis=2)
    return feats, max_indices


def reference(points, params):
    feats, max_indices = _forward(points, params)
    return {"feats": feats, "max_indices": max_indices}

if __name__ == "__main__":
    import jax
    _d = setup_inputs()
    print(jax.jit(kernel)(*tuple(_d.values())))

</pallas_src>

<mosaic_0001>
#map = affine_map<(d0, d1) -> (0)>
#map1 = affine_map<(d0, d1) -> (0, 0, 0)>
module attributes {stable_mosaic.version = 14 : i64} {
  func.func @body(%arg0: i32, %arg1: i32, %arg2: memref<24576xf32, #tpu.memory_space<hbm>>, %arg3: memref<24576xf32, #tpu.memory_space<hbm>>, %arg4: memref<16x128x64xf32, #tpu.memory_space<hbm>>, %arg5: memref<16x128x64xf32, #tpu.memory_space<hbm>>, %arg6: memref<16x128x64xf32, #tpu.memory_space<hbm>>, %arg7: memref<16x128x64xi32, #tpu.memory_space<hbm>>, %arg8: memref<512xf32, #tpu.memory_space<vmem>>, %arg9: memref<512xf32, #tpu.memory_space<vmem>>, %arg10: memref<512xf32, #tpu.memory_space<vmem>>, %arg11: memref<64xf32, #tpu.memory_space<vmem>>, %arg12: memref<64xf32, #tpu.memory_space<vmem>>, %arg13: memref<64xf32, #tpu.memory_space<vmem>>, %arg14: memref<80xi32, #tpu.memory_space<vmem>>, %arg15: memref<3x64x64xf32, #tpu.memory_space<vmem>>, %arg16: memref<64x64xi32, #tpu.memory_space<vmem>>, %arg17: memref<!tpu.dma_semaphore, #tpu.memory_space<semaphore_mem>>) attributes {dimension_semantics = [#tpu.dimension_semantics<core_parallel>, #tpu.dimension_semantics<subcore_parallel>], iteration_bounds = array<i64: 2, 16>, scalar_prefetch = 0 : i64, scratch_operands = 10 : i64, tpu.core_type = #tpu.core_type<sc_vector_subcore>, window_params = [{transform_indices = #map}, {transform_indices = #map}, {transform_indices = #map1}, {transform_indices = #map1}, {transform_indices = #map1}, {transform_indices = #map1}]} {
    %mul3A = arith.constant 2 : i32
    %mul3A_0 = arith.muli %arg1, %mul3A : i32
    %add3A = arith.addi %mul3A_0, %arg0 : i32
    %jit3A = arith.constant 2 : i32
    %div3A = arith.divsi %add3A, %jit3A : i32
    %sign3A = arith.constant 0 : i32
    %sign3A_1 = arith.cmpi sgt, %add3A, %sign3A : i32
    %sign3A_2 = arith.extui %sign3A_1 : i1 to i32
    %sign3A_3 = arith.constant 0 : i32
    %sign3A_4 = arith.cmpi slt, %add3A, %sign3A_3 : i32
    %sign3A_5 = arith.extui %sign3A_4 : i1 to i32
    %sign3A_6 = arith.subi %sign3A_2, %sign3A_5 : i32
    %sign3A_7 = arith.constant 0 : i32
    %sign3A_8 = arith.cmpi sgt, %jit3A, %sign3A_7 : i32
    %sign3A_9 = arith.extui %sign3A_8 : i1 to i32
    %sign3A_10 = arith.constant 0 : i32
    %sign3A_11 = arith.cmpi slt, %jit3A, %sign3A_10 : i32
    %sign3A_12 = arith.extui %sign3A_11 : i1 to i32
    %sign3A_13 = arith.subi %sign3A_9, %sign3A_12 : i32
    %ne3A = arith.cmpi ne, %sign3A_6, %sign3A_13 : i32
    %rem3A = arith.remsi %add3A, %jit3A : i32
    %ne3A_14 = arith.constant 0 : i32
    %ne3A_15 = arith.cmpi ne, %rem3A, %ne3A_14 : i32
    %and3A = arith.andi %ne3A, %ne3A_15 : i1
    %sub3A = arith.constant 1 : i32
    %sub3A_16 = arith.subi %div3A, %sub3A : i32
    %select_n3A = arith.select %and3A, %sub3A_16, %div3A : i32
    %jit3A_17 = arith.constant 2 : i32
    %eq3A = arith.constant 0 : i32
    %eq3A_18 = arith.cmpi eq, %jit3A_17, %eq3A : i32
    %jit3A_19 = arith.constant 1 : i32
    %select_n3A_20 = arith.select %eq3A_18, %jit3A_19, %jit3A_17 : i32
    %rem3A_21 = arith.remsi %add3A, %select_n3A_20 : i32
    %ne3A_22 = arith.constant 0 : i32
    %ne3A_23 = arith.cmpi ne, %rem3A_21, %ne3A_22 : i32
    %lt3A = arith.constant 0 : i32
    %lt3A_24 = arith.cmpi slt, %rem3A_21, %lt3A : i32
    %lt3A_25 = arith.constant 0 : i32
    %lt3A_26 = arith.cmpi slt, %select_n3A_20, %lt3A_25 : i32
    %ne3A_27 = arith.xori %lt3A_24, %lt3A_26 : i1
    %and3A_28 = arith.andi %ne3A_27, %ne3A_23 : i1
    %add3A_29 = arith.addi %rem3A_21, %select_n3A_20 : i32
    %select_n3A_30 = arith.select %and3A_28, %add3A_29, %rem3A_21 : i32
    %mul3A_31 = arith.constant 64 : i32
    %mul3A_32 = arith.muli %select_n3A_30, %mul3A_31 : i32
    %mul3A_33 = arith.constant 512 : i32
    %mul3A_34 = arith.muli %select_n3A, %mul3A_33 : i32
    "tpu.region"() ({
      %run_scoped3A_61 = tpu.sem_alloc : memref<!tpu.dma_semaphore, #tpu.memory_space<semaphore_mem>>
      %dma_start3A = tpu.memref_slice %arg2[%mul3A_34] : memref<24576xf32, #tpu.memory_space<hbm>> -> memref<512xf32, #tpu.memory_space<hbm>>
      %dma_start3A_62 = tpu.memref_slice %arg2[%mul3A_34] : memref<24576xf32, #tpu.memory_space<hbm>> -> memref<512xf32, #tpu.memory_space<hbm>>
      tpu.enqueue_dma source(%dma_start3A_62 : memref<512xf32, #tpu.memory_space<hbm>>) target(%arg8 : memref<512xf32, #tpu.memory_space<vmem>>) target_semaphore(%run_scoped3A_61 : memref<!tpu.dma_semaphore, #tpu.memory_space<semaphore_mem>>)
      %dma_wait3A = tpu.memref_slice %arg2[%mul3A_34] : memref<24576xf32, #tpu.memory_space<hbm>> -> memref<512xf32, #tpu.memory_space<hbm>>
      %dma_wait3A_63 = tpu.memref_slice %arg2[%mul3A_34] : memref<24576xf32, #tpu.memory_space<hbm>> -> memref<512xf32, #tpu.memory_space<hbm>>
      tpu.wait_dma2 semaphore(%run_scoped3A_61 : memref<!tpu.dma_semaphore, #tpu.memory_space<semaphore_mem>>) src(%dma_wait3A_63 : memref<512xf32, #tpu.memory_space<hbm>>) dst(%arg8 : memref<512xf32, #tpu.memory_space<vmem>>)
      tpu.yield
    }) : () -> ()
    %add3A_35 = arith.constant 16 : i32
    %add3A_36 = arith.addi %add3A_35, %select_n3A : i32
    %mul3A_37 = arith.constant 512 : i32
    %mul3A_38 = arith.muli %add3A_36, %mul3A_37 : i32
    "tpu.region"() ({
      %run_scoped3A_61 = tpu.sem_alloc : memref<!tpu.dma_semaphore, #tpu.memory_space<semaphore_mem>>
      %dma_start3A = tpu.memref_slice %arg2[%mul3A_38] : memref<24576xf32, #tpu.memory_space<hbm>> -> memref<512xf32, #tpu.memory_space<hbm>>
      %dma_start3A_62 = tpu.memref_slice %arg2[%mul3A_38] : memref<24576xf32, #tpu.memory_space<hbm>> -> memref<512xf32, #tpu.memory_space<hbm>>
      tpu.enqueue_dma source(%dma_start3A_62 : memref<512xf32, #tpu.memory_space<hbm>>) target(%arg9 : memref<512xf32, #tpu.memory_space<vmem>>) target_semaphore(%run_scoped3A_61 : memref<!tpu.dma_semaphore, #tpu.memory_space<semaphore_mem>>)
      %dma_wait3A = tpu.memref_slice %arg2[%mul3A_38] : memref<24576xf32, #tpu.memory_space<hbm>> -> memref<512xf32, #tpu.memory_space<hbm>>
      %dma_wait3A_63 = tpu.memref_slice %arg2[%mul3A_38] : memref<24576xf32, #tpu.memory_space<hbm>> -> memref<512xf32, #tpu.memory_space<hbm>>
      tpu.wait_dma2 semaphore(%run_scoped3A_61 : memref<!tpu.dma_semaphore, #tpu.memory_space<semaphore_mem>>) src(%dma_wait3A_63 : memref<512xf32, #tpu.memory_space<hbm>>) dst(%arg9 : memref<512xf32, #tpu.memory_space<vmem>>)
      tpu.yield
    }) : () -> ()
    %add3A_39 = arith.constant 32 : i32
    %add3A_40 = arith.addi %add3A_39, %select_n3A : i32
    %mul3A_41 = arith.constant 512 : i32
    %mul3A_42 = arith.muli %add3A_40, %mul3A_41 : i32
    "tpu.region"() ({
      %run_scoped3A_61 = tpu.sem_alloc : memref<!tpu.dma_semaphore, #tpu.memory_space<semaphore_mem>>
      %dma_start3A = tpu.memref_slice %arg2[%mul3A_42] : memref<24576xf32, #tpu.memory_space<hbm>> -> memref<512xf32, #tpu.memory_space<hbm>>
      %dma_start3A_62 = tpu.memref_slice %arg2[%mul3A_42] : memref<24576xf32, #tpu.memory_space<hbm>> -> memref<512xf32, #tpu.memory_space<hbm>>
      tpu.enqueue_dma source(%dma_start3A_62 : memref<512xf32, #tpu.memory_space<hbm>>) target(%arg10 : memref<512xf32, #tpu.memory_space<vmem>>) target_semaphore(%run_scoped3A_61 : memref<!tpu.dma_semaphore, #tpu.memory_space<semaphore_mem>>)
      %dma_wait3A = tpu.memref_slice %arg2[%mul3A_42] : memref<24576xf32, #tpu.memory_space<hbm>> -> memref<512xf32, #tpu.memory_space<hbm>>
      %dma_wait3A_63 = tpu.memref_slice %arg2[%mul3A_42] : memref<24576xf32, #tpu.memory_space<hbm>> -> memref<512xf32, #tpu.memory_space<hbm>>
      tpu.wait_dma2 semaphore(%run_scoped3A_61 : memref<!tpu.dma_semaphore, #tpu.memory_space<semaphore_mem>>) src(%dma_wait3A_63 : memref<512xf32, #tpu.memory_space<hbm>>) dst(%arg10 : memref<512xf32, #tpu.memory_space<vmem>>)
      tpu.yield
    }) : () -> ()
    %mul3A_43 = arith.constant 512 : i32
    %mul3A_44 = arith.muli %select_n3A, %mul3A_43 : i32
    %add3A_45 = arith.addi %mul3A_44, %mul3A_32 : i32
    "tpu.region"() ({
      %run_scoped3A_61 = tpu.sem_alloc : memref<!tpu.dma_semaphore, #tpu.memory_space<semaphore_mem>>
      %dma_start3A = tpu.memref_slice %arg3[%add3A_45] : memref<24576xf32, #tpu.memory_space<hbm>> -> memref<64xf32, #tpu.memory_space<hbm>>
      %dma_start3A_62 = tpu.memref_slice %arg3[%add3A_45] : memref<24576xf32, #tpu.memory_space<hbm>> -> memref<64xf32, #tpu.memory_space<hbm>>
      tpu.enqueue_dma source(%dma_start3A_62 : memref<64xf32, #tpu.memory_space<hbm>>) target(%arg11 : memref<64xf32, #tpu.memory_space<vmem>>) target_semaphore(%run_scoped3A_61 : memref<!tpu.dma_semaphore, #tpu.memory_space<semaphore_mem>>)
      %dma_wait3A = tpu.memref_slice %arg3[%add3A_45] : memref<24576xf32, #tpu.memory_space<hbm>> -> memref<64xf32, #tpu.memory_space<hbm>>
      %dma_wait3A_63 = tpu.memref_slice %arg3[%add3A_45] : memref<24576xf32, #tpu.memory_space<hbm>> -> memref<64xf32, #tpu.memory_space<hbm>>
      tpu.wait_dma2 semaphore(%run_scoped3A_61 : memref<!tpu.dma_semaphore, #tpu.memory_space<semaphore_mem>>) src(%dma_wait3A_63 : memref<64xf32, #tpu.memory_space<hbm>>) dst(%arg11 : memref<64xf32, #tpu.memory_space<vmem>>)
      tpu.yield
    }) : () -> ()
    %add3A_46 = arith.constant 8192 : i32
    %add3A_47 = arith.addi %add3A_45, %add3A_46 : i32
    "tpu.region"() ({
      %run_scoped3A_61 = tpu.sem_alloc : memref<!tpu.dma_semaphore, #tpu.memory_space<semaphore_mem>>
      %dma_start3A = tpu.memref_slice %arg3[%add3A_47] : memref<24576xf32, #tpu.memory_space<hbm>> -> memref<64xf32, #tpu.memory_space<hbm>>
      %dma_start3A_62 = tpu.memref_slice %arg3[%add3A_47] : memref<24576xf32, #tpu.memory_space<hbm>> -> memref<64xf32, #tpu.memory_space<hbm>>
      tpu.enqueue_dma source(%dma_start3A_62 : memref<64xf32, #tpu.memory_space<hbm>>) target(%arg12 : memref<64xf32, #tpu.memory_space<vmem>>) target_semaphore(%run_scoped3A_61 : memref<!tpu.dma_semaphore, #tpu.memory_space<semaphore_mem>>)
      %dma_wait3A = tpu.memref_slice %arg3[%add3A_47] : memref<24576xf32, #tpu.memory_space<hbm>> -> memref<64xf32, #tpu.memory_space<hbm>>
      %dma_wait3A_63 = tpu.memref_slice %arg3[%add3A_47] : memref<24576xf32, #tpu.memory_space<hbm>> -> memref<64xf32, #tpu.memory_space<hbm>>
      tpu.wait_dma2 semaphore(%run_scoped3A_61 : memref<!tpu.dma_semaphore, #tpu.memory_space<semaphore_mem>>) src(%dma_wait3A_63 : memref<64xf32, #tpu.memory_space<hbm>>) dst(%arg12 : memref<64xf32, #tpu.memory_space<vmem>>)
      tpu.yield
    }) : () -> ()
    %add3A_48 = arith.constant 16384 : i32
    %add3A_49 = arith.addi %add3A_45, %add3A_48 : i32
    "tpu.region"() ({
      %run_scoped3A_61 = tpu.sem_alloc : memref<!tpu.dma_semaphore, #tpu.memory_space<semaphore_mem>>
      %dma_start3A = tpu.memref_slice %arg3[%add3A_49] : memref<24576xf32, #tpu.memory_space<hbm>> -> memref<64xf32, #tpu.memory_space<hbm>>
      %dma_start3A_62 = tpu.memref_slice %arg3[%add3A_49] : memref<24576xf32, #tpu.memory_space<hbm>> -> memref<64xf32, #tpu.memory_space<hbm>>
      tpu.enqueue_dma source(%dma_start3A_62 : memref<64xf32, #tpu.memory_space<hbm>>) target(%arg13 : memref<64xf32, #tpu.memory_space<vmem>>) target_semaphore(%run_scoped3A_61 : memref<!tpu.dma_semaphore, #tpu.memory_space<semaphore_mem>>)
      %dma_wait3A = tpu.memref_slice %arg3[%add3A_49] : memref<24576xf32, #tpu.memory_space<hbm>> -> memref<64xf32, #tpu.memory_space<hbm>>
      %dma_wait3A_63 = tpu.memref_slice %arg3[%add3A_49] : memref<24576xf32, #tpu.memory_space<hbm>> -> memref<64xf32, #tpu.memory_space<hbm>>
      tpu.wait_dma2 semaphore(%run_scoped3A_61 : memref<!tpu.dma_semaphore, #tpu.memory_space<semaphore_mem>>) src(%dma_wait3A_63 : memref<64xf32, #tpu.memory_space<hbm>>) dst(%arg13 : memref<64xf32, #tpu.memory_space<vmem>>)
      tpu.yield
    }) : () -> ()
    %iota3A = tpu.iota {dimensions = array<i32: 0>} : vector<16xi32>
    %mul3A_50 = arith.constant 0 : i32
    %mul3A_51 = vector.broadcast %mul3A_50 : i32 to vector<16xi32>
    %mul3A_52 = arith.muli %iota3A, %mul3A_51 : vector<16xi32>
    %scan3A = arith.constant 0 : i32
    %scan3A_53 = arith.constant 0 : i32
    %scan3A_54 = arith.constant 64 : i32
    %scan3A_55 = arith.addi %scan3A_53, %scan3A_54 : i32
    %scan3A_56 = arith.constant 1 : i32
    %scan3A_57 = scf.for %scan3A_61 = %scan3A_53 to %scan3A_55 step %scan3A_56 iter_args(%scan3A_62 = %scan3A) -> (i32)  : i32 {
      %add3A_63 = vector.broadcast %scan3A_61 : i32 to vector<16xi32>
      %add3A_64 = arith.addi %mul3A_52, %add3A_63 : vector<16xi32>
      %gather3A = tpu.vector_load_idx %arg11[%add3A_64] : memref<64xf32, #tpu.memory_space<vmem>>[vector<16xi32>], vector<16xf32>,
      %gather3A_65 = tpu.vector_load_idx %arg12[%add3A_64] : memref<64xf32, #tpu.memory_space<vmem>>[vector<16xi32>], vector<16xf32>,
      %gather3A_66 = tpu.vector_load_idx %arg13[%add3A_64] : memref<64xf32, #tpu.memory_space<vmem>>[vector<16xi32>], vector<16xf32>,
      %while3A = arith.constant 0 : i32
      %while3A_67 = arith.constant 0 : i32
      %while3A_68:2 = scf.while (%while3A_200 = %while3A, %while3A_201 = %while3A_67) : (i32, i32) -> (i32, i32) {
        %lt3A_202 = arith.constant 2 : i32
        %lt3A_203 = arith.cmpi slt, %while3A_200, %lt3A_202 : i32
        %lt3A_204 = arith.constant 64 : i32
        %lt3A_205 = arith.cmpi slt, %while3A_201, %lt3A_204 : i32
        %and3A_206 = arith.andi %lt3A_203, %lt3A_205 : i1
        scf.condition(%and3A_206) %while3A_200, %while3A_201 : i32, i32
      } do {
      ^bb0(%while3A_200: i32, %while3A_201: i32):
        %mul3A_202 = arith.constant 256 : i32
        %mul3A_203 = arith.muli %while3A_200, %mul3A_202 : i32
        %add3A_204 = arith.constant 0 : i32
        %add3A_205 = arith.addi %mul3A_203, %add3A_204 : i32
        %get3A = arith.index_cast %add3A_205 : i32 to index
        %get3A_206 = tpu.vector_load %arg8[%get3A] {strides = array<i32>} : memref<512xf32, #tpu.memory_space<vmem>>, vector<16xf32>,
        %sub3A_207 = arith.subf %get3A_206, %gather3A : vector<16xf32>
        %get3A_208 = arith.index_cast %add3A_205 : i32 to index
        %get3A_209 = tpu.vector_load %arg9[%get3A_208] {strides = array<i32>} : memref<512xf32, #tpu.memory_space<vmem>>, vector<16xf32>,
        %sub3A_210 = arith.subf %get3A_209, %gather3A_65 : vector<16xf32>
        %get3A_211 = arith.index_cast %add3A_205 : i32 to index
        %get3A_212 = tpu.vector_load %arg10[%get3A_211] {strides = array<i32>} : memref<512xf32, #tpu.memory_space<vmem>>, vector<16xf32>,
        %sub3A_213 = arith.subf %get3A_212, %gather3A_66 : vector<16xf32>
        %mul3A_214 = arith.mulf %sub3A_207, %sub3A_207 : vector<16xf32>
        %mul3A_215 = arith.mulf %sub3A_210, %sub3A_210 : vector<16xf32>
        %add3A_216 = arith.addf %mul3A_214, %mul3A_215 : vector<16xf32>
        %mul3A_217 = arith.mulf %sub3A_213, %sub3A_213 : vector<16xf32>
        %add3A_218 = arith.addf %add3A_216, %mul3A_217 : vector<16xf32>
        %lt3A_219 = arith.constant 1.600000e-01 : f32
        %lt3A_220 = vector.broadcast %lt3A_219 : f32 to vector<16xf32>
        %lt3A_221 = arith.cmpf olt, %add3A_218, %lt3A_220 : vector<16xf32>
        %convert_element_type3A = arith.extui %lt3A_221 : vector<16xi1> to vector<16xi32>
        %broadcast_in_dim3A_222 = arith.constant true
        %broadcast_in_dim3A_223 = vector.broadcast %broadcast_in_dim3A_222 : i1 to vector<16xi1>
        %masked_cumsum3A = tpu.scan <sum>, %convert_element_type3A masked %broadcast_in_dim3A_223 : vector<16xi32>, vector<16xi1> -> vector<16xi32>
        %add3A_224 = arith.constant 16 : i32
        %add3A_225 = arith.addi %mul3A_203, %add3A_224 : i32
        %get3A_226 = arith.index_cast %add3A_225 : i32 to index
        %get3A_227 = tpu.vector_load %arg8[%get3A_226] {strides = array<i32>} : memref<512xf32, #tpu.memory_space<vmem>>, vector<16xf32>,
        %sub3A_228 = arith.subf %get3A_227, %gather3A : vector<16xf32>
        %get3A_229 = arith.index_cast %add3A_225 : i32 to index
        %get3A_230 = tpu.vector_load %arg9[%get3A_229] {strides = array<i32>} : memref<512xf32, #tpu.memory_space<vmem>>, vector<16xf32>,
        %sub3A_231 = arith.subf %get3A_230, %gather3A_65 : vector<16xf32>
        %get3A_232 = arith.index_cast %add3A_225 : i32 to index
        %get3A_233 = tpu.vector_load %arg10[%get3A_232] {strides = array<i32>} : memref<512xf32, #tpu.memory_space<vmem>>, vector<16xf32>,
        %sub3A_234 = arith.subf %get3A_233, %gather3A_66 : vector<16xf32>
        %mul3A_235 = arith.mulf %sub3A_228, %sub3A_228 : vector<16xf32>
        %mul3A_236 = arith.mulf %sub3A_231, %sub3A_231 : vector<16xf32>
        %add3A_237 = arith.addf %mul3A_235, %mul3A_236 : vector<16xf32>
        %mul3A_238 = arith.mulf %sub3A_234, %sub3A_234 : vector<16xf32>
        %add3A_239 = arith.addf %add3A_237, %mul3A_238 : vector<16xf32>
        %lt3A_240 = arith.constant 1.600000e-01 : f32
        %lt3A_241 = vector.broadcast %lt3A_240 : f32 to vector<16xf32>
        %lt3A_242 = arith.cmpf olt, %add3A_239, %lt3A_241 : vector<16xf32>
        %convert_element_type3A_243 = arith.extui %lt3A_242 : vector<16xi1> to vector<16xi32>
        %broadcast_in_dim3A_244 = arith.constant true
        %broadcast_in_dim3A_245 = vector.broadcast %broadcast_in_dim3A_244 : i1 to vector<16xi1>
        %masked_cumsum3A_246 = tpu.scan <sum>, %convert_element_type3A_243 masked %broadcast_in_dim3A_245 : vector<16xi32>, vector<16xi1> -> vector<16xi32>
        %add3A_247 = arith.constant 32 : i32
        %add3A_248 = arith.addi %mul3A_203, %add3A_247 : i32
        %get3A_249 = arith.index_cast %add3A_248 : i32 to index
        %get3A_250 = tpu.vector_load %arg8[%get3A_249] {strides = array<i32>} : memref<512xf32, #tpu.memory_space<vmem>>, vector<16xf32>,
        %sub3A_251 = arith.subf %get3A_250, %gather3A : vector<16xf32>
        %get3A_252 = arith.index_cast %add3A_248 : i32 to index
        %get3A_253 = tpu.vector_load %arg9[%get3A_252] {strides = array<i32>} : memref<512xf32, #tpu.memory_space<vmem>>, vector<16xf32>,
        %sub3A_254 = arith.subf %get3A_253, %gather3A_65 : vector<16xf32>
        %get3A_255 = arith.index_cast %add3A_248 : i32 to index
        %get3A_256 = tpu.vector_load %arg10[%get3A_255] {strides = array<i32>} : memref<512xf32, #tpu.memory_space<vmem>>, vector<16xf32>,
        %sub3A_257 = arith.subf %get3A_256, %gather3A_66 : vector<16xf32>
        %mul3A_258 = arith.mulf %sub3A_251, %sub3A_251 : vector<16xf32>
        %mul3A_259 = arith.mulf %sub3A_254, %sub3A_254 : vector<16xf32>
        %add3A_260 = arith.addf %mul3A_258, %mul3A_259 : vector<16xf32>
        %mul3A_261 = arith.mulf %sub3A_257, %sub3A_257 : vector<16xf32>
        %add3A_262 = arith.addf %add3A_260, %mul3A_261 : vector<16xf32>
        %lt3A_263 = arith.constant 1.600000e-01 : f32
        %lt3A_264 = vector.broadcast %lt3A_263 : f32 to vector<16xf32>
        %lt3A_265 = arith.cmpf olt, %add3A_262, %lt3A_264 : vector<16xf32>
        %convert_element_type3A_266 = arith.extui %lt3A_265 : vector<16xi1> to vector<16xi32>
        %broadcast_in_dim3A_267 = arith.constant true
        %broadcast_in_dim3A_268 = vector.broadcast %broadcast_in_dim3A_267 : i1 to vector<16xi1>
        %masked_cumsum3A_269 = tpu.scan <sum>, %convert_element_type3A_266 masked %broadcast_in_dim3A_268 : vector<16xi32>, vector<16xi1> -> vector<16xi32>
        %add3A_270 = arith.constant 48 : i32
        %add3A_271 = arith.addi %mul3A_203, %add3A_270 : i32
        %get3A_272 = arith.index_cast %add3A_271 : i32 to index
        %get3A_273 = tpu.vector_load %arg8[%get3A_272] {strides = array<i32>} : memref<512xf32, #tpu.memory_space<vmem>>, vector<16xf32>,
        %sub3A_274 = arith.subf %get3A_273, %gather3A : vector<16xf32>
        %get3A_275 = arith.index_cast %add3A_271 : i32 to index
        %get3A_276 = tpu.vector_load %arg9[%get3A_275] {strides = array<i32>} : memref<512xf32, #tpu.memory_space<vmem>>, vector<16xf32>,
        %sub3A_277 = arith.subf %get3A_276, %gather3A_65 : vector<16xf32>
        %get3A_278 = arith.index_cast %add3A_271 : i32 to index
        %get3A_279 = tpu.vector_load %arg10[%get3A_278] {strides = array<i32>} : memref<512xf32, #tpu.memory_space<vmem>>, vector<16xf32>,
        %sub3A_280 = arith.subf %get3A_279, %gather3A_66 : vector<16xf32>
        %mul3A_281 = arith.mulf %sub3A_274, %sub3A_274 : vector<16xf32>
        %mul3A_282 = arith.mulf %sub3A_277, %sub3A_277 : vector<16xf32>
        %add3A_283 = arith.addf %mul3A_281, %mul3A_282 : vector<16xf32>
        %mul3A_284 = arith.mulf %sub3A_280, %sub3A_280 : vector<16xf32>
        %add3A_285 = arith.addf %add3A_283, %mul3A_284 : vector<16xf32>
        %lt3A_286 = arith.constant 1.600000e-01 : f32
        %lt3A_287 = vector.broadcast %lt3A_286 : f32 to vector<16xf32>
        %lt3A_288 = arith.cmpf olt, %add3A_285, %lt3A_287 : vector<16xf32>
        %convert_element_type3A_289 = arith.extui %lt3A_288 : vector<16xi1> to vector<16xi32>
        %broadcast_in_dim3A_290 = arith.constant true
        %broadcast_in_dim3A_291 = vector.broadcast %broadcast_in_dim3A_290 : i1 to vector<16xi1>
        %masked_cumsum3A_292 = tpu.scan <sum>, %convert_element_type3A_289 masked %broadcast_in_dim3A_291 : vector<16xi32>, vector<16xi1> -> vector<16xi32>
        %add3A_293 = arith.constant 64 : i32
        %add3A_294 = arith.addi %mul3A_203, %add3A_293 : i32
        %get3A_295 = arith.index_cast %add3A_294 : i32 to index
        %get3A_296 = tpu.vector_load %arg8[%get3A_295] {strides = array<i32>} : memref<512xf32, #tpu.memory_space<vmem>>, vector<16xf32>,
        %sub3A_297 = arith.subf %get3A_296, %gather3A : vector<16xf32>
        %get3A_298 = arith.index_cast %add3A_294 : i32 to index
        %get3A_299 = tpu.vector_load %arg9[%get3A_298] {strides = array<i32>} : memref<512xf32, #tpu.memory_space<vmem>>, vector<16xf32>,
        %sub3A_300 = arith.subf %get3A_299, %gather3A_65 : vector<16xf32>
        %get3A_301 = arith.index_cast %add3A_294 : i32 to index
        %get3A_302 = tpu.vector_load %arg10[%get3A_301] {strides = array<i32>} : memref<512xf32, #tpu.memory_space<vmem>>, vector<16xf32>,
        %sub3A_303 = arith.subf %get3A_302, %gather3A_66 : vector<16xf32>
        %mul3A_304 = arith.mulf %sub3A_297, %sub3A_297 : vector<16xf32>
        %mul3A_305 = arith.mulf %sub3A_300, %sub3A_300 : vector<16xf32>
        %add3A_306 = arith.addf %mul3A_304, %mul3A_305 : vector<16xf32>
        %mul3A_307 = arith.mulf %sub3A_303, %sub3A_303 : vector<16xf32>
        %add3A_308 = arith.addf %add3A_306, %mul3A_307 : vector<16xf32>
        %lt3A_309 = arith.constant 1.600000e-01 : f32
        %lt3A_310 = vector.broadcast %lt3A_309 : f32 to vector<16xf32>
        %lt3A_311 = arith.cmpf olt, %add3A_308, %lt3A_310 : vector<16xf32>
        %convert_element_type3A_312 = arith.extui %lt3A_311 : vector<16xi1> to vector<16xi32>
        %broadcast_in_dim3A_313 = arith.constant true
        %broadcast_in_dim3A_314 = vector.broadcast %broadcast_in_dim3A_313 : i1 to vector<16xi1>
        %masked_cumsum3A_315 = tpu.scan <sum>, %convert_element_type3A_312 masked %broadcast_in_dim3A_314 : vector<16xi32>, vector<16xi1> -> vector<16xi32>
        %add3A_316 = arith.constant 80 : i32
        %add3A_317 = arith.addi %mul3A_203, %add3A_316 : i32
        %get3A_318 = arith.index_cast %add3A_317 : i32 to index
        %get3A_319 = tpu.vector_load %arg8[%get3A_318] {strides = array<i32>} : memref<512xf32, #tpu.memory_space<vmem>>, vector<16xf32>,
        %sub3A_320 = arith.subf %get3A_319, %gather3A : vector<16xf32>
        %get3A_321 = arith.index_cast %add3A_317 : i32 to index
        %get3A_322 = tpu.vector_load %arg9[%get3A_321] {strides = array<i32>} : memref<512xf32, #tpu.memory_space<vmem>>, vector<16xf32>,
        %sub3A_323 = arith.subf %get3A_322, %gather3A_65 : vector<16xf32>
        %get3A_324 = arith.index_cast %add3A_317 : i32 to index
        %get3A_325 = tpu.vector_load %arg10[%get3A_324] {strides = array<i32>} : memref<512xf32, #tpu.memory_space<vmem>>, vector<16xf32>,
        %sub3A_326 = arith.subf %get3A_325, %gather3A_66 : vector<16xf32>
        %mul3A_327 = arith.mulf %sub3A_320, %sub3A_320 : vector<16xf32>
        %mul3A_328 = arith.mulf %sub3A_323, %sub3A_323 : vector<16xf32>
        %add3A_329 = arith.addf %mul3A_327, %mul3A_328 : vector<16xf32>
        %mul3A_330 = arith.mulf %sub3A_326, %sub3A_326 : vector<16xf32>
        %add3A_331 = arith.addf %add3A_329, %mul3A_330 : vector<16xf32>
        %lt3A_332 = arith.constant 1.600000e-01 : f32
        %lt3A_333 = vector.broadcast %lt3A_332 : f32 to vector<16xf32>
        %lt3A_334 = arith.cmpf olt, %add3A_331, %lt3A_333 : vector<16xf32>
        %convert_element_type3A_335 = arith.extui %lt3A_334 : vector<16xi1> to vector<16xi32>
        %broadcast_in_dim3A_336 = arith.constant true
        %broadcast_in_dim3A_337 = vector.broadcast %broadcast_in_dim3A_336 : i1 to vector<16xi1>
        %masked_cumsum3A_338 = tpu.scan <sum>, %convert_element_type3A_335 masked %broadcast_in_dim3A_337 : vector<16xi32>, vector<16xi1> -> vector<16xi32>
        %add3A_339 = arith.constant 96 : i32
        %add3A_340 = arith.addi %mul3A_203, %add3A_339 : i32
        %get3A_341 = arith.index_cast %add3A_340 : i32 to index
        %get3A_342 = tpu.vector_load %arg8[%get3A_341] {strides = array<i32>} : memref<512xf32, #tpu.memory_space<vmem>>, vector<16xf32>,
        %sub3A_343 = arith.subf %get3A_342, %gather3A : vector<16xf32>
        %get3A_344 = arith.index_cast %add3A_340 : i32 to index
        %get3A_345 = tpu.vector_load %arg9[%get3A_344] {strides = array<i32>} : memref<512xf32, #tpu.memory_space<vmem>>, vector<16xf32>,
        %sub3A_346 = arith.subf %get3A_345, %gather3A_65 : vector<16xf32>
        %get3A_347 = arith.index_cast %add3A_340 : i32 to index
        %get3A_348 = tpu.vector_load %arg10[%get3A_347] {strides = array<i32>} : memref<512xf32, #tpu.memory_space<vmem>>, vector<16xf32>,
        %sub3A_349 = arith.subf %get3A_348, %gather3A_66 : vector<16xf32>
        %mul3A_350 = arith.mulf %sub3A_343, %sub3A_343 : vector<16xf32>
        %mul3A_351 = arith.mulf %sub3A_346, %sub3A_346 : vector<16xf32>
        %add3A_352 = arith.addf %mul3A_350, %mul3A_351 : vector<16xf32>
        %mul3A_353 = arith.mulf %sub3A_349, %sub3A_349 : vector<16xf32>
        %add3A_354 = arith.addf %add3A_352, %mul3A_353 : vector<16xf32>
        %lt3A_355 = arith.constant 1.600000e-01 : f32
        %lt3A_356 = vector.broadcast %lt3A_355 : f32 to vector<16xf32>
        %lt3A_357 = arith.cmpf olt, %add3A_354, %lt3A_356 : vector<16xf32>
        %convert_element_type3A_358 = arith.extui %lt3A_357 : vector<16xi1> to vector<16xi32>
        %broadcast_in_dim3A_359 = arith.constant true
        %broadcast_in_dim3A_360 = vector.broadcast %broadcast_in_dim3A_359 : i1 to vector<16xi1>
        %masked_cumsum3A_361 = tpu.scan <sum>, %convert_element_type3A_358 masked %broadcast_in_dim3A_360 : vector<16xi32>, vector<16xi1> -> vector<16xi32>
        %add3A_362 = arith.constant 112 : i32
        %add3A_363 = arith.addi %mul3A_203, %add3A_362 : i32
        %get3A_364 = arith.index_cast %add3A_363 : i32 to index
        %get3A_365 = tpu.vector_load %arg8[%get3A_364] {strides = array<i32>} : memref<512xf32, #tpu.memory_space<vmem>>, vector<16xf32>,
        %sub3A_366 = arith.subf %get3A_365, %gather3A : vector<16xf32>
        %get3A_367 = arith.index_cast %add3A_363 : i32 to index
        %get3A_368 = tpu.vector_load %arg9[%get3A_367] {strides = array<i32>} : memref<512xf32, #tpu.memory_space<vmem>>, vector<16xf32>,
        %sub3A_369 = arith.subf %get3A_368, %gather3A_65 : vector<16xf32>
        %get3A_370 = arith.index_cast %add3A_363 : i32 to index
        %get3A_371 = tpu.vector_load %arg10[%get3A_370] {strides = array<i32>} : memref<512xf32, #tpu.memory_space<vmem>>, vector<16xf32>,
        %sub3A_372 = arith.subf %get3A_371, %gather3A_66 : vector<16xf32>
        %mul3A_373 = arith.mulf %sub3A_366, %sub3A_366 : vector<16xf32>
        %mul3A_374 = arith.mulf %sub3A_369, %sub3A_369 : vector<16xf32>
        %add3A_375 = arith.addf %mul3A_373, %mul3A_374 : vector<16xf32>
        %mul3A_376 = arith.mulf %sub3A_372, %sub3A_372 : vector<16xf32>
        %add3A_377 = arith.addf %add3A_375, %mul3A_376 : vector<16xf32>
        %lt3A_378 = arith.constant 1.600000e-01 : f32
        %lt3A_379 = vector.broadcast %lt3A_378 : f32 to vector<16xf32>
        %lt3A_380 = arith.cmpf olt, %add3A_377, %lt3A_379 : vector<16xf32>
        %convert_element_type3A_381 = arith.extui %lt3A_380 : vector<16xi1> to vector<16xi32>
        %broadcast_in_dim3A_382 = arith.constant true
        %broadcast_in_dim3A_383 = vector.broadcast %broadcast_in_dim3A_382 : i1 to vector<16xi1>
        %masked_cumsum3A_384 = tpu.scan <sum>, %convert_element_type3A_381 masked %broadcast_in_dim3A_383 : vector<16xi32>, vector<16xi1> -> vector<16xi32>
        %add3A_385 = arith.constant 128 : i32
        %add3A_386 = arith.addi %mul3A_203, %add3A_385 : i32
        %get3A_387 = arith.index_cast %add3A_386 : i32 to index
        %get3A_388 = tpu.vector_load %arg8[%get3A_387] {strides = array<i32>} : memref<512xf32, #tpu.memory_space<vmem>>, vector<16xf32>,
        %sub3A_389 = arith.subf %get3A_388, %gather3A : vector<16xf32>
        %get3A_390 = arith.index_cast %add3A_386 : i32 to index
        %get3A_391 = tpu.vector_load %arg9[%get3A_390] {strides = array<i32>} : memref<512xf32, #tpu.memory_space<vmem>>, vector<16xf32>,
        %sub3A_392 = arith.subf %get3A_391, %gather3A_65 : vector<16xf32>
        %get3A_393 = arith.index_cast %add3A_386 : i32 to index
        %get3A_394 = tpu.vector_load %arg10[%get3A_393] {strides = array<i32>} : memref<512xf32, #tpu.memory_space<vmem>>, vector<16xf32>,
        %sub3A_395 = arith.subf %get3A_394, %gather3A_66 : vector<16xf32>
        %mul3A_396 = arith.mulf %sub3A_389, %sub3A_389 : vector<16xf32>
        %mul3A_397 = arith.mulf %sub3A_392, %sub3A_392 : vector<16xf32>
        %add3A_398 = arith.addf %mul3A_396, %mul3A_397 : vector<16xf32>
        %mul3A_399 = arith.mulf %sub3A_395, %sub3A_395 : vector<16xf32>
        %add3A_400 = arith.addf %add3A_398, %mul3A_399 : vector<16xf32>
        %lt3A_401 = arith.constant 1.600000e-01 : f32
        %lt3A_402 = vector.broadcast %lt3A_401 : f32 to vector<16xf32>
        %lt3A_403 = arith.cmpf olt, %add3A_400, %lt3A_402 : vector<16xf32>
        %convert_element_type3A_404 = arith.extui %lt3A_403 : vector<16xi1> to vector<16xi32>
        %broadcast_in_dim3A_405 = arith.constant true
        %broadcast_in_dim3A_406 = vector.broadcast %broadcast_in_dim3A_405 : i1 to vector<16xi1>
        %masked_cumsum3A_407 = tpu.scan <sum>, %convert_element_type3A_404 masked %broadcast_in_dim3A_406 : vector<16xi32>, vector<16xi1> -> vector<16xi32>
        %add3A_408 = arith.constant 144 : i32
        %add3A_409 = arith.addi %mul3A_203, %add3A_408 : i32
        %get3A_410 = arith.index_cast %add3A_409 : i32 to index
        %get3A_411 = tpu.vector_load %arg8[%get3A_410] {strides = array<i32>} : memref<512xf32, #tpu.memory_space<vmem>>, vector<16xf32>,
        %sub3A_412 = arith.subf %get3A_411, %gather3A : vector<16xf32>
        %get3A_413 = arith.index_cast %add3A_409 : i32 to index
        %get3A_414 = tpu.vector_load %arg9[%get3A_413] {strides = array<i32>} : memref<512xf32, #tpu.memory_space<vmem>>, vector<16xf32>,
        %sub3A_415 = arith.subf %get3A_414, %gather3A_65 : vector<16xf32>
        %get3A_416 = arith.index_cast %add3A_409 : i32 to index
        %get3A_417 = tpu.vector_load %arg10[%get3A_416] {strides = array<i32>} : memref<512xf32, #tpu.memory_space<vmem>>, vector<16xf32>,
        %sub3A_418 = arith.subf %get3A_417, %gather3A_66 : vector<16xf32>
        %mul3A_419 = arith.mulf %sub3A_412, %sub3A_412 : vector<16xf32>
        %mul3A_420 = arith.mulf %sub3A_415, %sub3A_415 : vector<16xf32>
        %add3A_421 = arith.addf %mul3A_419, %mul3A_420 : vector<16xf32>
        %mul3A_422 = arith.mulf %sub3A_418, %sub3A_418 : vector<16xf32>
        %add3A_423 = arith.addf %add3A_421, %mul3A_422 : vector<16xf32>
        %lt3A_424 = arith.constant 1.600000e-01 : f32
        %lt3A_425 = vector.broadcast %lt3A_424 : f32 to vector<16xf32>
        %lt3A_426 = arith.cmpf olt, %add3A_423, %lt3A_425 : vector<16xf32>
        %convert_element_type3A_427 = arith.extui %lt3A_426 : vector<16xi1> to vector<16xi32>
        %broadcast_in_dim3A_428 = arith.constant true
        %broadcast_in_dim3A_429 = vector.broadcast %broadcast_in_dim3A_428 : i1 to vector<16xi1>
        %masked_cumsum3A_430 = tpu.scan <sum>, %convert_element_type3A_427 masked %broadcast_in_dim3A_429 : vector<16xi32>, vector<16xi1> -> vector<16xi32>
        %add3A_431 = arith.constant 160 : i32
        %add3A_432 = arith.addi %mul3A_203, %add3A_431 : i32
        %get3A_433 = arith.index_cast %add3A_432 : i32 to index
        %get3A_434 = tpu.vector_load %arg8[%get3A_433] {strides = array<i32>} : memref<512xf32, #tpu.memory_space<vmem>>, vector<16xf32>,
        %sub3A_435 = arith.subf %get3A_434, %gather3A : vector<16xf32>
        %get3A_436 = arith.index_cast %add3A_432 : i32 to index
        %get3A_437 = tpu.vector_load %arg9[%get3A_436] {strides = array<i32>} : memref<512xf32, #tpu.memory_space<vmem>>, vector<16xf32>,
        %sub3A_438 = arith.subf %get3A_437, %gather3A_65 : vector<16xf32>
        %get3A_439 = arith.index_cast %add3A_432 : i32 to index
        %get3A_440 = tpu.vector_load %arg10[%get3A_439] {strides = array<i32>} : memref<512xf32, #tpu.memory_space<vmem>>, vector<16xf32>,
        %sub3A_441 = arith.subf %get3A_440, %gather3A_66 : vector<16xf32>
        %mul3A_442 = arith.mulf %sub3A_435, %sub3A_435 : vector<16xf32>
        %mul3A_443 = arith.mulf %sub3A_438, %sub3A_438 : vector<16xf32>
        %add3A_444 = arith.addf %mul3A_442, %mul3A_443 : vector<16xf32>
        %mul3A_445 = arith.mulf %sub3A_441, %sub3A_441 : vector<16xf32>
        %add3A_446 = arith.addf %add3A_444, %mul3A_445 : vector<16xf32>
        %lt3A_447 = arith.constant 1.600000e-01 : f32
        %lt3A_448 = vector.broadcast %lt3A_447 : f32 to vector<16xf32>
        %lt3A_449 = arith.cmpf olt, %add3A_446, %lt3A_448 : vector<16xf32>
        %convert_element_type3A_450 = arith.extui %lt3A_449 : vector<16xi1> to vector<16xi32>
        %broadcast_in_dim3A_451 = arith.constant true
        %broadcast_in_dim3A_452 = vector.broadcast %broadcast_in_dim3A_451 : i1 to vector<16xi1>
        %masked_cumsum3A_453 = tpu.scan <sum>, %convert_element_type3A_450 masked %broadcast_in_dim3A_452 : vector<16xi32>, vector<16xi1> -> vector<16xi32>
        %add3A_454 = arith.constant 176 : i32
        %add3A_455 = arith.addi %mul3A_203, %add3A_454 : i32
        %get3A_456 = arith.index_cast %add3A_455 : i32 to index
        %get3A_457 = tpu.vector_load %arg8[%get3A_456] {strides = array<i32>} : memref<512xf32, #tpu.memory_space<vmem>>, vector<16xf32>,
        %sub3A_458 = arith.subf %get3A_457, %gather3A : vector<16xf32>
        %get3A_459 = arith.index_cast %add3A_455 : i32 to index
        %get3A_460 = tpu.vector_load %arg9[%get3A_459] {strides = array<i32>} : memref<512xf32, #tpu.memory_space<vmem>>, vector<16xf32>,
        %sub3A_461 = arith.subf %get3A_460, %gather3A_65 : vector<16xf32>
        %get3A_462 = arith.index_cast %add3A_455 : i32 to index
        %get3A_463 = tpu.vector_load %arg10[%get3A_462] {strides = array<i32>} : memref<512xf32, #tpu.memory_space<vmem>>, vector<16xf32>,
        %sub3A_464 = arith.subf %get3A_463, %gather3A_66 : vector<16xf32>
        %mul3A_465 = arith.mulf %sub3A_458, %sub3A_458 : vector<16xf32>
        %mul3A_466 = arith.mulf %sub3A_461, %sub3A_461 : vector<16xf32>
        %add3A_467 = arith.addf %mul3A_465, %mul3A_466 : vector<16xf32>
        %mul3A_468 = arith.mulf %sub3A_464, %sub3A_464 : vector<16xf32>
        %add3A_469 = arith.addf %add3A_467, %mul3A_468 : vector<16xf32>
        %lt3A_470 = arith.constant 1.600000e-01 : f32
        %lt3A_471 = vector.broadcast %lt3A_470 : f32 to vector<16xf32>
        %lt3A_472 = arith.cmpf olt, %add3A_469, %lt3A_471 : vector<16xf32>
        %convert_element_type3A_473 = arith.extui %lt3A_472 : vector<16xi1> to vector<16xi32>
        %broadcast_in_dim3A_474 = arith.constant true
        %broadcast_in_dim3A_475 = vector.broadcast %broadcast_in_dim3A_474 : i1 to vector<16xi1>
        %masked_cumsum3A_476 = tpu.scan <sum>, %convert_element_type3A_473 masked %broadcast_in_dim3A_475 : vector<16xi32>, vector<16xi1> -> vector<16xi32>
        %add3A_477 = arith.constant 192 : i32
        %add3A_478 = arith.addi %mul3A_203, %add3A_477 : i32
        %get3A_479 = arith.index_cast %add3A_478 : i32 to index
        %get3A_480 = tpu.vector_load %arg8[%get3A_479] {strides = array<i32>} : memref<512xf32, #tpu.memory_space<vmem>>, vector<16xf32>,
        %sub3A_481 = arith.subf %get3A_480, %gather3A : vector<16xf32>
        %get3A_482 = arith.index_cast %add3A_478 : i32 to index
        %get3A_483 = tpu.vector_load %arg9[%get3A_482] {strides = array<i32>} : memref<512xf32, #tpu.memory_space<vmem>>, vector<16xf32>,
        %sub3A_484 = arith.subf %get3A_483, %gather3A_65 : vector<16xf32>
        %get3A_485 = arith.index_cast %add3A_478 : i32 to index
        %get3A_486 = tpu.vector_load %arg10[%get3A_485] {strides = array<i32>} : memref<512xf32, #tpu.memory_space<vmem>>, vector<16xf32>,
        %sub3A_487 = arith.subf %get3A_486, %gather3A_66 : vector<16xf32>
        %mul3A_488 = arith.mulf %sub3A_481, %sub3A_481 : vector<16xf32>
        %mul3A_489 = arith.mulf %sub3A_484, %sub3A_484 : vector<16xf32>
        %add3A_490 = arith.addf %mul3A_488, %mul3A_489 : vector<16xf32>
        %mul3A_491 = arith.mulf %sub3A_487, %sub3A_487 : vector<16xf32>
        %add3A_492 = arith.addf %add3A_490, %mul3A_491 : vector<16xf32>
        %lt3A_493 = arith.constant 1.600000e-01 : f32
        %lt3A_494 = vector.broadcast %lt3A_493 : f32 to vector<16xf32>
        %lt3A_495 = arith.cmpf olt, %add3A_492, %lt3A_494 : vector<16xf32>
        %convert_element_type3A_496 = arith.extui %lt3A_495 : vector<16xi1> to vector<16xi32>
        %broadcast_in_dim3A_497 = arith.constant true
        %broadcast_in_dim3A_498 = vector.broadcast %broadcast_in_dim3A_497 : i1 to vector<16xi1>
        %masked_cumsum3A_499 = tpu.scan <sum>, %convert_element_type3A_496 masked %broadcast_in_dim3A_498 : vector<16xi32>, vector<16xi1> -> vector<16xi32>
        %add3A_500 = arith.constant 208 : i32
        %add3A_501 = arith.addi %mul3A_203, %add3A_500 : i32
        %get3A_502 = arith.index_cast %add3A_501 : i32 to index
        %get3A_503 = tpu.vector_load %arg8[%get3A_502] {strides = array<i32>} : memref<512xf32, #tpu.memory_space<vmem>>, vector<16xf32>,
        %sub3A_504 = arith.subf %get3A_503, %gather3A : vector<16xf32>
        %get3A_505 = arith.index_cast %add3A_501 : i32 to index
        %get3A_506 = tpu.vector_load %arg9[%get3A_505] {strides = array<i32>} : memref<512xf32, #tpu.memory_space<vmem>>, vector<16xf32>,
        %sub3A_507 = arith.subf %get3A_506, %gather3A_65 : vector<16xf32>
        %get3A_508 = arith.index_cast %add3A_501 : i32 to index
        %get3A_509 = tpu.vector_load %arg10[%get3A_508] {strides = array<i32>} : memref<512xf32, #tpu.memory_space<vmem>>, vector<16xf32>,
        %sub3A_510 = arith.subf %get3A_509, %gather3A_66 : vector<16xf32>
        %mul3A_511 = arith.mulf %sub3A_504, %sub3A_504 : vector<16xf32>
        %mul3A_512 = arith.mulf %sub3A_507, %sub3A_507 : vector<16xf32>
        %add3A_513 = arith.addf %mul3A_511, %mul3A_512 : vector<16xf32>
        %mul3A_514 = arith.mulf %sub3A_510, %sub3A_510 : vector<16xf32>
        %add3A_515 = arith.addf %add3A_513, %mul3A_514 : vector<16xf32>
        %lt3A_516 = arith.constant 1.600000e-01 : f32
        %lt3A_517 = vector.broadcast %lt3A_516 : f32 to vector<16xf32>
        %lt3A_518 = arith.cmpf olt, %add3A_515, %lt3A_517 : vector<16xf32>
        %convert_element_type3A_519 = arith.extui %lt3A_518 : vector<16xi1> to vector<16xi32>
        %broadcast_in_dim3A_520 = arith.constant true
        %broadcast_in_dim3A_521 = vector.broadcast %broadcast_in_dim3A_520 : i1 to vector<16xi1>
        %masked_cumsum3A_522 = tpu.scan <sum>, %convert_element_type3A_519 masked %broadcast_in_dim3A_521 : vector<16xi32>, vector<16xi1> -> vector<16xi32>
        %add3A_523 = arith.constant 224 : i32
        %add3A_524 = arith.addi %mul3A_203, %add3A_523 : i32
        %get3A_525 = arith.index_cast %add3A_524 : i32 to index
        %get3A_526 = tpu.vector_load %arg8[%get3A_525] {strides = array<i32>} : memref<512xf32, #tpu.memory_space<vmem>>, vector<16xf32>,
        %sub3A_527 = arith.subf %get3A_526, %gather3A : vector<16xf32>
        %get3A_528 = arith.index_cast %add3A_524 : i32 to index
        %get3A_529 = tpu.vector_load %arg9[%get3A_528] {strides = array<i32>} : memref<512xf32, #tpu.memory_space<vmem>>, vector<16xf32>,
        %sub3A_530 = arith.subf %get3A_529, %gather3A_65 : vector<16xf32>
        %get3A_531 = arith.index_cast %add3A_524 : i32 to index
        %get3A_532 = tpu.vector_load %arg10[%get3A_531] {strides = array<i32>} : memref<512xf32, #tpu.memory_space<vmem>>, vector<16xf32>,
        %sub3A_533 = arith.subf %get3A_532, %gather3A_66 : vector<16xf32>
        %mul3A_534 = arith.mulf %sub3A_527, %sub3A_527 : vector<16xf32>
        %mul3A_535 = arith.mulf %sub3A_530, %sub3A_530 : vector<16xf32>
        %add3A_536 = arith.addf %mul3A_534, %mul3A_535 : vector<16xf32>
        %mul3A_537 = arith.mulf %sub3A_533, %sub3A_533 : vector<16xf32>
        %add3A_538 = arith.addf %add3A_536, %mul3A_537 : vector<16xf32>
        %lt3A_539 = arith.constant 1.600000e-01 : f32
        %lt3A_540 = vector.broadcast %lt3A_539 : f32 to vector<16xf32>
        %lt3A_541 = arith.cmpf olt, %add3A_538, %lt3A_540 : vector<16xf32>
        %convert_element_type3A_542 = arith.extui %lt3A_541 : vector<16xi1> to vector<16xi32>
        %broadcast_in_dim3A_543 = arith.constant true
        %broadcast_in_dim3A_544 = vector.broadcast %broadcast_in_dim3A_543 : i1 to vector<16xi1>
        %masked_cumsum3A_545 = tpu.scan <sum>, %convert_element_type3A_542 masked %broadcast_in_dim3A_544 : vector<16xi32>, vector<16xi1> -> vector<16xi32>
        %add3A_546 = arith.constant 240 : i32
        %add3A_547 = arith.addi %mul3A_203, %add3A_546 : i32
        %get3A_548 = arith.index_cast %add3A_547 : i32 to index
        %get3A_549 = tpu.vector_load %arg8[%get3A_548] {strides = array<i32>} : memref<512xf32, #tpu.memory_space<vmem>>, vector<16xf32>,
        %sub3A_550 = arith.subf %get3A_549, %gather3A : vector<16xf32>
        %get3A_551 = arith.index_cast %add3A_547 : i32 to index
        %get3A_552 = tpu.vector_load %arg9[%get3A_551] {strides = array<i32>} : memref<512xf32, #tpu.memory_space<vmem>>, vector<16xf32>,
        %sub3A_553 = arith.subf %get3A_552, %gather3A_65 : vector<16xf32>
        %get3A_554 = arith.index_cast %add3A_547 : i32 to index
        %get3A_555 = tpu.vector_load %arg10[%get3A_554] {strides = array<i32>} : memref<512xf32, #tpu.memory_space<vmem>>, vector<16xf32>,
        %sub3A_556 = arith.subf %get3A_555, %gather3A_66 : vector<16xf32>
        %mul3A_557 = arith.mulf %sub3A_550, %sub3A_550 : vector<16xf32>
        %mul3A_558 = arith.mulf %sub3A_553, %sub3A_553 : vector<16xf32>
        %add3A_559 = arith.addf %mul3A_557, %mul3A_558 : vector<16xf32>
        %mul3A_560 = arith.mulf %sub3A_556, %sub3A_556 : vector<16xf32>
        %add3A_561 = arith.addf %add3A_559, %mul3A_560 : vector<16xf32>
        %lt3A_562 = arith.constant 1.600000e-01 : f32
        %lt3A_563 = vector.broadcast %lt3A_562 : f32 to vector<16xf32>
        %lt3A_564 = arith.cmpf olt, %add3A_561, %lt3A_563 : vector<16xf32>
        %convert_element_type3A_565 = arith.extui %lt3A_564 : vector<16xi1> to vector<16xi32>
        %broadcast_in_dim3A_566 = arith.constant true
        %broadcast_in_dim3A_567 = vector.broadcast %broadcast_in_dim3A_566 : i1 to vector<16xi1>
        %masked_cumsum3A_568 = tpu.scan <sum>, %convert_element_type3A_565 masked %broadcast_in_dim3A_567 : vector<16xi32>, vector<16xi1> -> vector<16xi32>
        %slice3A = vector.extract_strided_slice %masked_cumsum3A {offsets = [15], sizes = [1], strides = [1]} : vector<16xi32> to vector<1xi32>
        %squeeze3A = vector.extract %slice3A[0] : i32 from vector<1xi32>
        %add3A_569 = arith.addi %while3A_201, %squeeze3A : i32
        %slice3A_570 = vector.extract_strided_slice %masked_cumsum3A_246 {offsets = [15], sizes = [1], strides = [1]} : vector<16xi32> to vector<1xi32>
        %squeeze3A_571 = vector.extract %slice3A_570[0] : i32 from vector<1xi32>
        %add3A_572 = arith.addi %add3A_569, %squeeze3A_571 : i32
        %slice3A_573 = vector.extract_strided_slice %masked_cumsum3A_269 {offsets = [15], sizes = [1], strides = [1]} : vector<16xi32> to vector<1xi32>
        %squeeze3A_574 = vector.extract %slice3A_573[0] : i32 from vector<1xi32>
        %add3A_575 = arith.addi %add3A_572, %squeeze3A_574 : i32
        %slice3A_576 = vector.extract_strided_slice %masked_cumsum3A_292 {offsets = [15], sizes = [1], strides = [1]} : vector<16xi32> to vector<1xi32>
        %squeeze3A_577 = vector.extract %slice3A_576[0] : i32 from vector<1xi32>
        %add3A_578 = arith.addi %add3A_575, %squeeze3A_577 : i32
        %slice3A_579 = vector.extract_strided_slice %masked_cumsum3A_315 {offsets = [15], sizes = [1], strides = [1]} : vector<16xi32> to vector<1xi32>
        %squeeze3A_580 = vector.extract %slice3A_579[0] : i32 from vector<1xi32>
        %add3A_581 = arith.addi %add3A_578, %squeeze3A_580 : i32
        %slice3A_582 = vector.extract_strided_slice %masked_cumsum3A_338 {offsets = [15], sizes = [1], strides = [1]} : vector<16xi32> to vector<1xi32>
        %squeeze3A_583 = vector.extract %slice3A_582[0] : i32 from vector<1xi32>
        %add3A_584 = arith.addi %add3A_581, %squeeze3A_583 : i32
        %slice3A_585 = vector.extract_strided_slice %masked_cumsum3A_361 {offsets = [15], sizes = [1], strides = [1]} : vector<16xi32> to vector<1xi32>
        %squeeze3A_586 = vector.extract %slice3A_585[0] : i32 from vector<1xi32>
        %add3A_587 = arith.addi %add3A_584, %squeeze3A_586 : i32
        %slice3A_588 = vector.extract_strided_slice %masked_cumsum3A_384 {offsets = [15], sizes = [1], strides = [1]} : vector<16xi32> to vector<1xi32>
        %squeeze3A_589 = vector.extract %slice3A_588[0] : i32 from vector<1xi32>
        %add3A_590 = arith.addi %add3A_587, %squeeze3A_589 : i32
        %slice3A_591 = vector.extract_strided_slice %masked_cumsum3A_407 {offsets = [15], sizes = [1], strides = [1]} : vector<16xi32> to vector<1xi32>
        %squeeze3A_592 = vector.extract %slice3A_591[0] : i32 from vector<1xi32>
        %add3A_593 = arith.addi %add3A_590, %squeeze3A_592 : i32
        %slice3A_594 = vector.extract_strided_slice %masked_cumsum3A_430 {offsets = [15], sizes = [1], strides = [1]} : vector<16xi32> to vector<1xi32>
        %squeeze3A_595 = vector.extract %slice3A_594[0] : i32 from vector<1xi32>
        %add3A_596 = arith.addi %add3A_593, %squeeze3A_595 : i32
        %slice3A_597 = vector.extract_strided_slice %masked_cumsum3A_453 {offsets = [15], sizes = [1], strides = [1]} : vector<16xi32> to vector<1xi32>
        %squeeze3A_598 = vector.extract %slice3A_597[0] : i32 from vector<1xi32>
        %add3A_599 = arith.addi %add3A_596, %squeeze3A_598 : i32
        %slice3A_600 = vector.extract_strided_slice %masked_cumsum3A_476 {offsets = [15], sizes = [1], strides = [1]} : vector<16xi32> to vector<1xi32>
        %squeeze3A_601 = vector.extract %slice3A_600[0] : i32 from vector<1xi32>
        %add3A_602 = arith.addi %add3A_599, %squeeze3A_601 : i32
        %slice3A_603 = vector.extract_strided_slice %masked_cumsum3A_499 {offsets = [15], sizes = [1], strides = [1]} : vector<16xi32> to vector<1xi32>
        %squeeze3A_604 = vector.extract %slice3A_603[0] : i32 from vector<1xi32>
        %add3A_605 = arith.addi %add3A_602, %squeeze3A_604 : i32
        %slice3A_606 = vector.extract_strided_slice %masked_cumsum3A_522 {offsets = [15], sizes = [1], strides = [1]} : vector<16xi32> to vector<1xi32>
        %squeeze3A_607 = vector.extract %slice3A_606[0] : i32 from vector<1xi32>
        %add3A_608 = arith.addi %add3A_605, %squeeze3A_607 : i32
        %slice3A_609 = vector.extract_strided_slice %masked_cumsum3A_545 {offsets = [15], sizes = [1], strides = [1]} : vector<16xi32> to vector<1xi32>
        %squeeze3A_610 = vector.extract %slice3A_609[0] : i32 from vector<1xi32>
        %add3A_611 = arith.addi %add3A_608, %squeeze3A_610 : i32
        %slice3A_612 = vector.extract_strided_slice %masked_cumsum3A_568 {offsets = [15], sizes = [1], strides = [1]} : vector<16xi32> to vector<1xi32>
        %squeeze3A_613 = vector.extract %slice3A_612[0] : i32 from vector<1xi32>
        %add3A_614 = arith.addi %add3A_611, %squeeze3A_613 : i32
        %add3A_615 = arith.constant 0 : i32
        %add3A_616 = arith.addi %mul3A_203, %add3A_615 : i32
        %min3A_617 = arith.constant 64 : i32
        %min3A_618 = arith.minsi %while3A_201, %min3A_617 : i32
        %sub3A_619 = arith.subi %masked_cumsum3A, %convert_element_type3A : vector<16xi32>
        %add3A_620 = vector.broadcast %min3A_618 : i32 to vector<16xi32>
        %add3A_621 = arith.addi %add3A_620, %sub3A_619 : vector<16xi32>
        %add3A_622 = vector.broadcast %add3A_616 : i32 to vector<16xi32>
        %add3A_623 = arith.addi %add3A_622, %iota3A : vector<16xi32>
        tpu.vector_store_idx %arg14[%add3A_621], %add3A_623 masked %lt3A_221 : memref<80xi32, #tpu.memory_space<vmem>>[vector<16xi32>], vector<16xi32>, vector<16xi1>
        %add3A_624 = arith.constant 16 : i32
        %add3A_625 = arith.addi %mul3A_203, %add3A_624 : i32
        %min3A_626 = arith.constant 64 : i32
        %min3A_627 = arith.minsi %add3A_569, %min3A_626 : i32
        %sub3A_628 = arith.subi %masked_cumsum3A_246, %convert_element_type3A_243 : vector<16xi32>
        %add3A_629 = vector.broadcast %min3A_627 : i32 to vector<16xi32>
        %add3A_630 = arith.addi %add3A_629, %sub3A_628 : vector<16xi32>
        %add3A_631 = vector.broadcast %add3A_625 : i32 to vector<16xi32>
        %add3A_632 = arith.addi %add3A_631, %iota3A : vector<16xi32>
        tpu.vector_store_idx %arg14[%add3A_630], %add3A_632 masked %lt3A_242 : memref<80xi32, #tpu.memory_space<vmem>>[vector<16xi32>], vector<16xi32>, vector<16xi1>
        %add3A_633 = arith.constant 32 : i32
        %add3A_634 = arith.addi %mul3A_203, %add3A_633 : i32
        %min3A_635 = arith.constant 64 : i32
        %min3A_636 = arith.minsi %add3A_572, %min3A_635 : i32
        %sub3A_637 = arith.subi %masked_cumsum3A_269, %convert_element_type3A_266 : vector<16xi32>
        %add3A_638 = vector.broadcast %min3A_636 : i32 to vector<16xi32>
        %add3A_639 = arith.addi %add3A_638, %sub3A_637 : vector<16xi32>
        %add3A_640 = vector.broadcast %add3A_634 : i32 to vector<16xi32>
        %add3A_641 = arith.addi %add3A_640, %iota3A : vector<16xi32>
        tpu.vector_store_idx %arg14[%add3A_639], %add3A_641 masked %lt3A_265 : memref<80xi32, #tpu.memory_space<vmem>>[vector<16xi32>], vector<16xi32>, vector<16xi1>
        %add3A_642 = arith.constant 48 : i32
        %add3A_643 = arith.addi %mul3A_203, %add3A_642 : i32
        %min3A_644 = arith.constant 64 : i32
        %min3A_645 = arith.minsi %add3A_575, %min3A_644 : i32
        %sub3A_646 = arith.subi %masked_cumsum3A_292, %convert_element_type3A_289 : vector<16xi32>
        %add3A_647 = vector.broadcast %min3A_645 : i32 to vector<16xi32>
        %add3A_648 = arith.addi %add3A_647, %sub3A_646 : vector<16xi32>
        %add3A_649 = vector.broadcast %add3A_643 : i32 to vector<16xi32>
        %add3A_650 = arith.addi %add3A_649, %iota3A : vector<16xi32>
        tpu.vector_store_idx %arg14[%add3A_648], %add3A_650 masked %lt3A_288 : memref<80xi32, #tpu.memory_space<vmem>>[vector<16xi32>], vector<16xi32>, vector<16xi1>
        %add3A_651 = arith.constant 64 : i32
        %add3A_652 = arith.addi %mul3A_203, %add3A_651 : i32
        %min3A_653 = arith.constant 64 : i32
        %min3A_654 = arith.minsi %add3A_578, %min3A_653 : i32
        %sub3A_655 = arith.subi %masked_cumsum3A_315, %convert_element_type3A_312 : vector<16xi32>
        %add3A_656 = vector.broadcast %min3A_654 : i32 to vector<16xi32>
        %add3A_657 = arith.addi %add3A_656, %sub3A_655 : vector<16xi32>
        %add3A_658 = vector.broadcast %add3A_652 : i32 to vector<16xi32>
        %add3A_659 = arith.addi %add3A_658, %iota3A : vector<16xi32>
        tpu.vector_store_idx %arg14[%add3A_657], %add3A_659 masked %lt3A_311 : memref<80xi32, #tpu.memory_space<vmem>>[vector<16xi32>], vector<16xi32>, vector<16xi1>
        %add3A_660 = arith.constant 80 : i32
        %add3A_661 = arith.addi %mul3A_203, %add3A_660 : i32
        %min3A_662 = arith.constant 64 : i32
        %min3A_663 = arith.minsi %add3A_581, %min3A_662 : i32
        %sub3A_664 = arith.subi %masked_cumsum3A_338, %convert_element_type3A_335 : vector<16xi32>
        %add3A_665 = vector.broadcast %min3A_663 : i32 to vector<16xi32>
        %add3A_666 = arith.addi %add3A_665, %sub3A_664 : vector<16xi32>
        %add3A_667 = vector.broadcast %add3A_661 : i32 to vector<16xi32>
        %add3A_668 = arith.addi %add3A_667, %iota3A : vector<16xi32>
        tpu.vector_store_idx %arg14[%add3A_666], %add3A_668 masked %lt3A_334 : memref<80xi32, #tpu.memory_space<vmem>>[vector<16xi32>], vector<16xi32>, vector<16xi1>
        %add3A_669 = arith.constant 96 : i32
        %add3A_670 = arith.addi %mul3A_203, %add3A_669 : i32
        %min3A_671 = arith.constant 64 : i32
        %min3A_672 = arith.minsi %add3A_584, %min3A_671 : i32
        %sub3A_673 = arith.subi %masked_cumsum3A_361, %convert_element_type3A_358 : vector<16xi32>
        %add3A_674 = vector.broadcast %min3A_672 : i32 to vector<16xi32>
        %add3A_675 = arith.addi %add3A_674, %sub3A_673 : vector<16xi32>
        %add3A_676 = vector.broadcast %add3A_670 : i32 to vector<16xi32>
        %add3A_677 = arith.addi %add3A_676, %iota3A : vector<16xi32>
        tpu.vector_store_idx %arg14[%add3A_675], %add3A_677 masked %lt3A_357 : memref<80xi32, #tpu.memory_space<vmem>>[vector<16xi32>], vector<16xi32>, vector<16xi1>
        %add3A_678 = arith.constant 112 : i32
        %add3A_679 = arith.addi %mul3A_203, %add3A_678 : i32
        %min3A_680 = arith.constant 64 : i32
        %min3A_681 = arith.minsi %add3A_587, %min3A_680 : i32
        %sub3A_682 = arith.subi %masked_cumsum3A_384, %convert_element_type3A_381 : vector<16xi32>
        %add3A_683 = vector.broadcast %min3A_681 : i32 to vector<16xi32>
        %add3A_684 = arith.addi %add3A_683, %sub3A_682 : vector<16xi32>
        %add3A_685 = vector.broadcast %add3A_679 : i32 to vector<16xi32>
        %add3A_686 = arith.addi %add3A_685, %iota3A : vector<16xi32>
        tpu.vector_store_idx %arg14[%add3A_684], %add3A_686 masked %lt3A_380 : memref<80xi32, #tpu.memory_space<vmem>>[vector<16xi32>], vector<16xi32>, vector<16xi1>
        %add3A_687 = arith.constant 128 : i32
        %add3A_688 = arith.addi %mul3A_203, %add3A_687 : i32
        %min3A_689 = arith.constant 64 : i32
        %min3A_690 = arith.minsi %add3A_590, %min3A_689 : i32
        %sub3A_691 = arith.subi %masked_cumsum3A_407, %convert_element_type3A_404 : vector<16xi32>
        %add3A_692 = vector.broadcast %min3A_690 : i32 to vector<16xi32>
        %add3A_693 = arith.addi %add3A_692, %sub3A_691 : vector<16xi32>
        %add3A_694 = vector.broadcast %add3A_688 : i32 to vector<16xi32>
        %add3A_695 = arith.addi %add3A_694, %iota3A : vector<16xi32>
        tpu.vector_store_idx %arg14[%add3A_693], %add3A_695 masked %lt3A_403 : memref<80xi32, #tpu.memory_space<vmem>>[vector<16xi32>], vector<16xi32>, vector<16xi1>
        %add3A_696 = arith.constant 144 : i32
        %add3A_697 = arith.addi %mul3A_203, %add3A_696 : i32
        %min3A_698 = arith.constant 64 : i32
        %min3A_699 = arith.minsi %add3A_593, %min3A_698 : i32
        %sub3A_700 = arith.subi %masked_cumsum3A_430, %convert_element_type3A_427 : vector<16xi32>
        %add3A_701 = vector.broadcast %min3A_699 : i32 to vector<16xi32>
        %add3A_702 = arith.addi %add3A_701, %sub3A_700 : vector<16xi32>
        %add3A_703 = vector.broadcast %add3A_697 : i32 to vector<16xi32>
        %add3A_704 = arith.addi %add3A_703, %iota3A : vector<16xi32>
        tpu.vector_store_idx %arg14[%add3A_702], %add3A_704 masked %lt3A_426 : memref<80xi32, #tpu.memory_space<vmem>>[vector<16xi32>], vector<16xi32>, vector<16xi1>
        %add3A_705 = arith.constant 160 : i32
        %add3A_706 = arith.addi %mul3A_203, %add3A_705 : i32
        %min3A_707 = arith.constant 64 : i32
        %min3A_708 = arith.minsi %add3A_596, %min3A_707 : i32
        %sub3A_709 = arith.subi %masked_cumsum3A_453, %convert_element_type3A_450 : vector<16xi32>
        %add3A_710 = vector.broadcast %min3A_708 : i32 to vector<16xi32>
        %add3A_711 = arith.addi %add3A_710, %sub3A_709 : vector<16xi32>
        %add3A_712 = vector.broadcast %add3A_706 : i32 to vector<16xi32>
        %add3A_713 = arith.addi %add3A_712, %iota3A : vector<16xi32>
        tpu.vector_store_idx %arg14[%add3A_711], %add3A_713 masked %lt3A_449 : memref<80xi32, #tpu.memory_space<vmem>>[vector<16xi32>], vector<16xi32>, vector<16xi1>
        %add3A_714 = arith.constant 176 : i32
        %add3A_715 = arith.addi %mul3A_203, %add3A_714 : i32
        %min3A_716 = arith.constant 64 : i32
        %min3A_717 = arith.minsi %add3A_599, %min3A_716 : i32
        %sub3A_718 = arith.subi %masked_cumsum3A_476, %convert_element_type3A_473 : vector<16xi32>
        %add3A_719 = vector.broadcast %min3A_717 : i32 to vector<16xi32>
        %add3A_720 = arith.addi %add3A_719, %sub3A_718 : vector<16xi32>
        %add3A_721 = vector.broadcast %add3A_715 : i32 to vector<16xi32>
        %add3A_722 = arith.addi %add3A_721, %iota3A : vector<16xi32>
        tpu.vector_store_idx %arg14[%add3A_720], %add3A_722 masked %lt3A_472 : memref<80xi32, #tpu.memory_space<vmem>>[vector<16xi32>], vector<16xi32>, vector<16xi1>
        %add3A_723 = arith.constant 192 : i32
        %add3A_724 = arith.addi %mul3A_203, %add3A_723 : i32
        %min3A_725 = arith.constant 64 : i32
        %min3A_726 = arith.minsi %add3A_602, %min3A_725 : i32
        %sub3A_727 = arith.subi %masked_cumsum3A_499, %convert_element_type3A_496 : vector<16xi32>
        %add3A_728 = vector.broadcast %min3A_726 : i32 to vector<16xi32>
        %add3A_729 = arith.addi %add3A_728, %sub3A_727 : vector<16xi32>
        %add3A_730 = vector.broadcast %add3A_724 : i32 to vector<16xi32>
        %add3A_731 = arith.addi %add3A_730, %iota3A : vector<16xi32>
        tpu.vector_store_idx %arg14[%add3A_729], %add3A_731 masked %lt3A_495 : memref<80xi32, #tpu.memory_space<vmem>>[vector<16xi32>], vector<16xi32>, vector<16xi1>
        %add3A_732 = arith.constant 208 : i32
        %add3A_733 = arith.addi %mul3A_203, %add3A_732 : i32
        %min3A_734 = arith.constant 64 : i32
        %min3A_735 = arith.minsi %add3A_605, %min3A_734 : i32
        %sub3A_736 = arith.subi %masked_cumsum3A_522, %convert_element_type3A_519 : vector<16xi32>
        %add3A_737 = vector.broadcast %min3A_735 : i32 to vector<16xi32>
        %add3A_738 = arith.addi %add3A_737, %sub3A_736 : vector<16xi32>
        %add3A_739 = vector.broadcast %add3A_733 : i32 to vector<16xi32>
        %add3A_740 = arith.addi %add3A_739, %iota3A : vector<16xi32>
        tpu.vector_store_idx %arg14[%add3A_738], %add3A_740 masked %lt3A_518 : memref<80xi32, #tpu.memory_space<vmem>>[vector<16xi32>], vector<16xi32>, vector<16xi1>
        %add3A_741 = arith.constant 224 : i32
        %add3A_742 = arith.addi %mul3A_203, %add3A_741 : i32
        %min3A_743 = arith.constant 64 : i32
        %min3A_744 = arith.minsi %add3A_608, %min3A_743 : i32
        %sub3A_745 = arith.subi %masked_cumsum3A_545, %convert_element_type3A_542 : vector<16xi32>
        %add3A_746 = vector.broadcast %min3A_744 : i32 to vector<16xi32>
        %add3A_747 = arith.addi %add3A_746, %sub3A_745 : vector<16xi32>
        %add3A_748 = vector.broadcast %add3A_742 : i32 to vector<16xi32>
        %add3A_749 = arith.addi %add3A_748, %iota3A : vector<16xi32>
        tpu.vector_store_idx %arg14[%add3A_747], %add3A_749 masked %lt3A_541 : memref<80xi32, #tpu.memory_space<vmem>>[vector<16xi32>], vector<16xi32>, vector<16xi1>
        %add3A_750 = arith.constant 240 : i32
        %add3A_751 = arith.addi %mul3A_203, %add3A_750 : i32
        %min3A_752 = arith.constant 64 : i32
        %min3A_753 = arith.minsi %add3A_611, %min3A_752 : i32
        %sub3A_754 = arith.subi %masked_cumsum3A_568, %convert_element_type3A_565 : vector<16xi32>
        %add3A_755 = vector.broadcast %min3A_753 : i32 to vector<16xi32>
        %add3A_756 = arith.addi %add3A_755, %sub3A_754 : vector<16xi32>
        %add3A_757 = vector.broadcast %add3A_751 : i32 to vector<16xi32>
        %add3A_758 = arith.addi %add3A_757, %iota3A : vector<16xi32>
        tpu.vector_store_idx %arg14[%add3A_756], %add3A_758 masked %lt3A_564 : memref<80xi32, #tpu.memory_space<vmem>>[vector<16xi32>], vector<16xi32>, vector<16xi1>
        %add3A_759 = arith.constant 1 : i32
        %add3A_760 = arith.addi %while3A_200, %add3A_759 : i32
        scf.yield %add3A_760, %add3A_614 : i32, i32
      }
      %min3A = arith.constant 64 : i32
      %min3A_69 = arith.minsi %while3A_68#1, %min3A : i32
      %add3A_70 = arith.constant 0 : i32
      %add3A_71 = vector.broadcast %add3A_70 : i32 to vector<16xi32>
      %add3A_72 = arith.addi %add3A_71, %iota3A : vector<16xi32>
      %lt3A_73 = vector.broadcast %min3A_69 : i32 to vector<16xi32>
      %lt3A_74 = arith.cmpi slt, %add3A_72, %lt3A_73 : vector<16xi32>
      %jit3A_75 = arith.constant 0 : i32
      %broadcast_in_dim3A = vector.broadcast %jit3A_75 : i32 to vector<16xi32>
      %select_n3A_76 = arith.select %lt3A_74, %add3A_72, %broadcast_in_dim3A : vector<16xi1>, vector<16xi32>
      %gather3A_77 = tpu.vector_load_idx %arg14[%select_n3A_76] : memref<80xi32, #tpu.memory_space<vmem>>[vector<16xi32>], vector<16xi32>,
      %gather3A_78 = tpu.vector_load_idx %arg8[%gather3A_77] : memref<512xf32, #tpu.memory_space<vmem>>[vector<16xi32>], vector<16xf32>,
      %sub3A_79 = arith.subf %gather3A_78, %gather3A : vector<16xf32>
      %swap3A = arith.constant 0 : i32
      %swap3A_80 = arith.index_cast %swap3A : i32 to index
      %swap3A_81 = arith.index_cast %scan3A_61 : i32 to index
      %swap3A_82 = arith.constant 0 : index
      %swap3A_83 = tpu.vector_load %arg15[%swap3A_80, %swap3A_81, %swap3A_82] {strides = array<i32>} : memref<3x64x64xf32, #tpu.memory_space<vmem>>, vector<16xf32>,
      tpu.vector_store %arg15[%swap3A_80, %swap3A_81, %swap3A_82], %sub3A_79 {strides = array<i32>} : memref<3x64x64xf32, #tpu.memory_space<vmem>>, vector<16xf32>,
      %gather3A_84 = tpu.vector_load_idx %arg9[%gather3A_77] : memref<512xf32, #tpu.memory_space<vmem>>[vector<16xi32>], vector<16xf32>,
      %sub3A_85 = arith.subf %gather3A_84, %gather3A_65 : vector<16xf32>
      %swap3A_86 = arith.constant 1 : i32
      %swap3A_87 = arith.index_cast %swap3A_86 : i32 to index
      %swap3A_88 = arith.index_cast %scan3A_61 : i32 to index
      %swap3A_89 = arith.constant 0 : index
      %swap3A_90 = tpu.vector_load %arg15[%swap3A_87, %swap3A_88, %swap3A_89] {strides = array<i32>} : memref<3x64x64xf32, #tpu.memory_space<vmem>>, vector<16xf32>,
      tpu.vector_store %arg15[%swap3A_87, %swap3A_88, %swap3A_89], %sub3A_85 {strides = array<i32>} : memref<3x64x64xf32, #tpu.memory_space<vmem>>, vector<16xf32>,
      %gather3A_91 = tpu.vector_load_idx %arg10[%gather3A_77] : memref<512xf32, #tpu.memory_space<vmem>>[vector<16xi32>], vector<16xf32>,
      %sub3A_92 = arith.subf %gather3A_91, %gather3A_66 : vector<16xf32>
      %swap3A_93 = arith.constant 2 : i32
      %swap3A_94 = arith.index_cast %swap3A_93 : i32 to index
      %swap3A_95 = arith.index_cast %scan3A_61 : i32 to index
      %swap3A_96 = arith.constant 0 : index
      %swap3A_97 = tpu.vector_load %arg15[%swap3A_94, %swap3A_95, %swap3A_96] {strides = array<i32>} : memref<3x64x64xf32, #tpu.memory_space<vmem>>, vector<16xf32>,
      tpu.vector_store %arg15[%swap3A_94, %swap3A_95, %swap3A_96], %sub3A_92 {strides = array<i32>} : memref<3x64x64xf32, #tpu.memory_space<vmem>>, vector<16xf32>,
      %swap3A_98 = arith.index_cast %scan3A_61 : i32 to index
      %swap3A_99 = arith.constant 0 : index
      %swap3A_100 = tpu.vector_load %arg16[%swap3A_98, %swap3A_99] {strides = array<i32>} : memref<64x64xi32, #tpu.memory_space<vmem>>, vector<16xi32>,
      tpu.vector_store %arg16[%swap3A_98, %swap3A_99], %gather3A_77 {strides = array<i32>} : memref<64x64xi32, #tpu.memory_space<vmem>>, vector<16xi32>,
      %add3A_101 = arith.constant 16 : i32
      %add3A_102 = vector.broadcast %add3A_101 : i32 to vector<16xi32>
      %add3A_103 = arith.addi %add3A_102, %iota3A : vector<16xi32>
      %lt3A_104 = vector.broadcast %min3A_69 : i32 to vector<16xi32>
      %lt3A_105 = arith.cmpi slt, %add3A_103, %lt3A_104 : vector<16xi32>
      %jit3A_106 = arith.constant 0 : i32
      %broadcast_in_dim3A_107 = vector.broadcast %jit3A_106 : i32 to vector<16xi32>
      %select_n3A_108 = arith.select %lt3A_105, %add3A_103, %broadcast_in_dim3A_107 : vector<16xi1>, vector<16xi32>
      %gather3A_109 = tpu.vector_load_idx %arg14[%select_n3A_108] : memref<80xi32, #tpu.memory_space<vmem>>[vector<16xi32>], vector<16xi32>,
      %gather3A_110 = tpu.vector_load_idx %arg8[%gather3A_109] : memref<512xf32, #tpu.memory_space<vmem>>[vector<16xi32>], vector<16xf32>,
      %sub3A_111 = arith.subf %gather3A_110, %gather3A : vector<16xf32>
      %swap3A_112 = arith.constant 0 : i32
      %swap3A_113 = arith.index_cast %swap3A_112 : i32 to index
      %swap3A_114 = arith.index_cast %scan3A_61 : i32 to index
      %swap3A_115 = arith.constant 16 : index
      %swap3A_116 = tpu.vector_load %arg15[%swap3A_113, %swap3A_114, %swap3A_115] {strides = array<i32>} : memref<3x64x64xf32, #tpu.memory_space<vmem>>, vector<16xf32>,
      tpu.vector_store %arg15[%swap3A_113, %swap3A_114, %swap3A_115], %sub3A_111 {strides = array<i32>} : memref<3x64x64xf32, #tpu.memory_space<vmem>>, vector<16xf32>,
      %gather3A_117 = tpu.vector_load_idx %arg9[%gather3A_109] : memref<512xf32, #tpu.memory_space<vmem>>[vector<16xi32>], vector<16xf32>,
      %sub3A_118 = arith.subf %gather3A_117, %gather3A_65 : vector<16xf32>
      %swap3A_119 = arith.constant 1 : i32
      %swap3A_120 = arith.index_cast %swap3A_119 : i32 to index
      %swap3A_121 = arith.index_cast %scan3A_61 : i32 to index
      %swap3A_122 = arith.constant 16 : index
      %swap3A_123 = tpu.vector_load %arg15[%swap3A_120, %swap3A_121, %swap3A_122] {strides = array<i32>} : memref<3x64x64xf32, #tpu.memory_space<vmem>>, vector<16xf32>,
      tpu.vector_store %arg15[%swap3A_120, %swap3A_121, %swap3A_122], %sub3A_118 {strides = array<i32>} : memref<3x64x64xf32, #tpu.memory_space<vmem>>, vector<16xf32>,
      %gather3A_124 = tpu.vector_load_idx %arg10[%gather3A_109] : memref<512xf32, #tpu.memory_space<vmem>>[vector<16xi32>], vector<16xf32>,
      %sub3A_125 = arith.subf %gather3A_124, %gather3A_66 : vector<16xf32>
      %swap3A_126 = arith.constant 2 : i32
      %swap3A_127 = arith.index_cast %swap3A_126 : i32 to index
      %swap3A_128 = arith.index_cast %scan3A_61 : i32 to index
      %swap3A_129 = arith.constant 16 : index
      %swap3A_130 = tpu.vector_load %arg15[%swap3A_127, %swap3A_128, %swap3A_129] {strides = array<i32>} : memref<3x64x64xf32, #tpu.memory_space<vmem>>, vector<16xf32>,
      tpu.vector_store %arg15[%swap3A_127, %swap3A_128, %swap3A_129], %sub3A_125 {strides = array<i32>} : memref<3x64x64xf32, #tpu.memory_space<vmem>>, vector<16xf32>,
      %swap3A_131 = arith.index_cast %scan3A_61 : i32 to index
      %swap3A_132 = arith.constant 16 : index
      %swap3A_133 = tpu.vector_load %arg16[%swap3A_131, %swap3A_132] {strides = array<i32>} : memref<64x64xi32, #tpu.memory_space<vmem>>, vector<16xi32>,
      tpu.vector_store %arg16[%swap3A_131, %swap3A_132], %gather3A_109 {strides = array<i32>} : memref<64x64xi32, #tpu.memory_space<vmem>>, vector<16xi32>,
      %add3A_134 = arith.constant 32 : i32
      %add3A_135 = vector.broadcast %add3A_134 : i32 to vector<16xi32>
      %add3A_136 = arith.addi %add3A_135, %iota3A : vector<16xi32>
      %lt3A_137 = vector.broadcast %min3A_69 : i32 to vector<16xi32>
      %lt3A_138 = arith.cmpi slt, %add3A_136, %lt3A_137 : vector<16xi32>
      %jit3A_139 = arith.constant 0 : i32
      %broadcast_in_dim3A_140 = vector.broadcast %jit3A_139 : i32 to vector<16xi32>
      %select_n3A_141 = arith.select %lt3A_138, %add3A_136, %broadcast_in_dim3A_140 : vector<16xi1>, vector<16xi32>
      %gather3A_142 = tpu.vector_load_idx %arg14[%select_n3A_141] : memref<80xi32, #tpu.memory_space<vmem>>[vector<16xi32>], vector<16xi32>,
      %gather3A_143 = tpu.vector_load_idx %arg8[%gather3A_142] : memref<512xf32, #tpu.memory_space<vmem>>[vector<16xi32>], vector<16xf32>,
      %sub3A_144 = arith.subf %gather3A_143, %gather3A : vector<16xf32>
      %swap3A_145 = arith.constant 0 : i32
      %swap3A_146 = arith.index_cast %swap3A_145 : i32 to index
      %swap3A_147 = arith.index_cast %scan3A_61 : i32 to index
      %swap3A_148 = arith.constant 32 : index
      %swap3A_149 = tpu.vector_load %arg15[%swap3A_146, %swap3A_147, %swap3A_148] {strides = array<i32>} : memref<3x64x64xf32, #tpu.memory_space<vmem>>, vector<16xf32>,
      tpu.vector_store %arg15[%swap3A_146, %swap3A_147, %swap3A_148], %sub3A_144 {strides = array<i32>} : memref<3x64x64xf32, #tpu.memory_space<vmem>>, vector<16xf32>,
      %gather3A_150 = tpu.vector_load_idx %arg9[%gather3A_142] : memref<512xf32, #tpu.memory_space<vmem>>[vector<16xi32>], vector<16xf32>,
      %sub3A_151 = arith.subf %gather3A_150, %gather3A_65 : vector<16xf32>
      %swap3A_152 = arith.constant 1 : i32
      %swap3A_153 = arith.index_cast %swap3A_152 : i32 to index
      %swap3A_154 = arith.index_cast %scan3A_61 : i32 to index
      %swap3A_155 = arith.constant 32 : index
      %swap3A_156 = tpu.vector_load %arg15[%swap3A_153, %swap3A_154, %swap3A_155] {strides = array<i32>} : memref<3x64x64xf32, #tpu.memory_space<vmem>>, vector<16xf32>,
      tpu.vector_store %arg15[%swap3A_153, %swap3A_154, %swap3A_155], %sub3A_151 {strides = array<i32>} : memref<3x64x64xf32, #tpu.memory_space<vmem>>, vector<16xf32>,
      %gather3A_157 = tpu.vector_load_idx %arg10[%gather3A_142] : memref<512xf32, #tpu.memory_space<vmem>>[vector<16xi32>], vector<16xf32>,
      %sub3A_158 = arith.subf %gather3A_157, %gather3A_66 : vector<16xf32>
      %swap3A_159 = arith.constant 2 : i32
      %swap3A_160 = arith.index_cast %swap3A_159 : i32 to index
      %swap3A_161 = arith.index_cast %scan3A_61 : i32 to index
      %swap3A_162 = arith.constant 32 : index
      %swap3A_163 = tpu.vector_load %arg15[%swap3A_160, %swap3A_161, %swap3A_162] {strides = array<i32>} : memref<3x64x64xf32, #tpu.memory_space<vmem>>, vector<16xf32>,
      tpu.vector_store %arg15[%swap3A_160, %swap3A_161, %swap3A_162], %sub3A_158 {strides = array<i32>} : memref<3x64x64xf32, #tpu.memory_space<vmem>>, vector<16xf32>,
      %swap3A_164 = arith.index_cast %scan3A_61 : i32 to index
      %swap3A_165 = arith.constant 32 : index
      %swap3A_166 = tpu.vector_load %arg16[%swap3A_164, %swap3A_165] {strides = array<i32>} : memref<64x64xi32, #tpu.memory_space<vmem>>, vector<16xi32>,
      tpu.vector_store %arg16[%swap3A_164, %swap3A_165], %gather3A_142 {strides = array<i32>} : memref<64x64xi32, #tpu.memory_space<vmem>>, vector<16xi32>,
      %add3A_167 = arith.constant 48 : i32
      %add3A_168 = vector.broadcast %add3A_167 : i32 to vector<16xi32>
      %add3A_169 = arith.addi %add3A_168, %iota3A : vector<16xi32>
      %lt3A_170 = vector.broadcast %min3A_69 : i32 to vector<16xi32>
      %lt3A_171 = arith.cmpi slt, %add3A_169, %lt3A_170 : vector<16xi32>
      %jit3A_172 = arith.constant 0 : i32
      %broadcast_in_dim3A_173 = vector.broadcast %jit3A_172 : i32 to vector<16xi32>
      %select_n3A_174 = arith.select %lt3A_171, %add3A_169, %broadcast_in_dim3A_173 : vector<16xi1>, vector<16xi32>
      %gather3A_175 = tpu.vector_load_idx %arg14[%select_n3A_174] : memref<80xi32, #tpu.memory_space<vmem>>[vector<16xi32>], vector<16xi32>,
      %gather3A_176 = tpu.vector_load_idx %arg8[%gather3A_175] : memref<512xf32, #tpu.memory_space<vmem>>[vector<16xi32>], vector<16xf32>,
      %sub3A_177 = arith.subf %gather3A_176, %gather3A : vector<16xf32>
      %swap3A_178 = arith.constant 0 : i32
      %swap3A_179 = arith.index_cast %swap3A_178 : i32 to index
      %swap3A_180 = arith.index_cast %scan3A_61 : i32 to index
      %swap3A_181 = arith.constant 48 : index
      %swap3A_182 = tpu.vector_load %arg15[%swap3A_179, %swap3A_180, %swap3A_181] {strides = array<i32>} : memref<3x64x64xf32, #tpu.memory_space<vmem>>, vector<16xf32>,
      tpu.vector_store %arg15[%swap3A_179, %swap3A_180, %swap3A_181], %sub3A_177 {strides = array<i32>} : memref<3x64x64xf32, #tpu.memory_space<vmem>>, vector<16xf32>,
      %gather3A_183 = tpu.vector_load_idx %arg9[%gather3A_175] : memref<512xf32, #tpu.memory_space<vmem>>[vector<16xi32>], vector<16xf32>,
      %sub3A_184 = arith.subf %gather3A_183, %gather3A_65 : vector<16xf32>
      %swap3A_185 = arith.constant 1 : i32
      %swap3A_186 = arith.index_cast %swap3A_185 : i32 to index
      %swap3A_187 = arith.index_cast %scan3A_61 : i32 to index
      %swap3A_188 = arith.constant 48 : index
      %swap3A_189 = tpu.vector_load %arg15[%swap3A_186, %swap3A_187, %swap3A_188] {strides = array<i32>} : memref<3x64x64xf32, #tpu.memory_space<vmem>>, vector<16xf32>,
      tpu.vector_store %arg15[%swap3A_186, %swap3A_187, %swap3A_188], %sub3A_184 {strides = array<i32>} : memref<3x64x64xf32, #tpu.memory_space<vmem>>, vector<16xf32>,
      %gather3A_190 = tpu.vector_load_idx %arg10[%gather3A_175] : memref<512xf32, #tpu.memory_space<vmem>>[vector<16xi32>], vector<16xf32>,
      %sub3A_191 = arith.subf %gather3A_190, %gather3A_66 : vector<16xf32>
      %swap3A_192 = arith.constant 2 : i32
      %swap3A_193 = arith.index_cast %swap3A_192 : i32 to index
      %swap3A_194 = arith.index_cast %scan3A_61 : i32 to index
      %swap3A_195 = arith.constant 48 : index
      %swap3A_196 = tpu.vector_load %arg15[%swap3A_193, %swap3A_194, %swap3A_195] {strides = array<i32>} : memref<3x64x64xf32, #tpu.memory_space<vmem>>, vector<16xf32>,
      tpu.vector_store %arg15[%swap3A_193, %swap3A_194, %swap3A_195], %sub3A_191 {strides = array<i32>} : memref<3x64x64xf32, #tpu.memory_space<vmem>>, vector<16xf32>,
      %swap3A_197 = arith.index_cast %scan3A_61 : i32 to index
      %swap3A_198 = arith.constant 48 : index
      %swap3A_199 = tpu.vector_load %arg16[%swap3A_197, %swap3A_198] {strides = array<i32>} : memref<64x64xi32, #tpu.memory_space<vmem>>, vector<16xi32>,
      tpu.vector_store %arg16[%swap3A_197, %swap3A_198], %gather3A_175 {strides = array<i32>} : memref<64x64xi32, #tpu.memory_space<vmem>>, vector<16xi32>,
      scf.yield %while3A_68#0 : i32
    }
    %scan3A_58 = arith.constant 64 : i32
    %run_scoped3A = arith.constant 0 : i32
    "tpu.region"() ({
      %run_scoped3A_61 = tpu.sem_alloc : memref<!tpu.dma_semaphore, #tpu.memory_space<semaphore_mem>>
      %dma_start3A = arith.constant 0 : i32
      %dma_start3A_62 = arith.constant 0 : i32
      %dma_start3A_63 = tpu.memref_slice %arg15[%run_scoped3A, %dma_start3A, %dma_start3A_62] : memref<3x64x64xf32, #tpu.memory_space<vmem>> -> memref<1x64x64xf32, #tpu.memory_space<vmem>>
      %dma_start3A_64 = tpu.memref_squeeze %dma_start3A_63 : memref<1x64x64xf32, #tpu.memory_space<vmem>> -> memref<64x64xf32, #tpu.memory_space<vmem>>
      %dma_start3A_65 = arith.constant 0 : i32
      %dma_start3A_66 = tpu.memref_slice %arg4[%select_n3A, %mul3A_32, %dma_start3A_65] : memref<16x128x64xf32, #tpu.memory_space<hbm>> -> memref<1x64x64xf32, #tpu.memory_space<hbm>>
      %dma_start3A_67 = tpu.memref_squeeze %dma_start3A_66 : memref<1x64x64xf32, #tpu.memory_space<hbm>> -> memref<64x64xf32, #tpu.memory_space<hbm>>
      %dma_start3A_68 = arith.constant 0 : i32
      %dma_start3A_69 = tpu.memref_slice %arg4[%select_n3A, %mul3A_32, %dma_start3A_68] : memref<16x128x64xf32, #tpu.memory_space<hbm>> -> memref<1x64x64xf32, #tpu.memory_space<hbm>>
      %dma_start3A_70 = tpu.memref_squeeze %dma_start3A_69 : memref<1x64x64xf32, #tpu.memory_space<hbm>> -> memref<64x64xf32, #tpu.memory_space<hbm>>
      %dma_start3A_71 = arith.constant 0 : i32
      %dma_start3A_72 = arith.constant 0 : i32
      %dma_start3A_73 = tpu.memref_slice %arg15[%run_scoped3A, %dma_start3A_71, %dma_start3A_72] : memref<3x64x64xf32, #tpu.memory_space<vmem>> -> memref<1x64x64xf32, #tpu.memory_space<vmem>>
      %dma_start3A_74 = tpu.memref_squeeze %dma_start3A_73 : memref<1x64x64xf32, #tpu.memory_space<vmem>> -> memref<64x64xf32, #tpu.memory_space<vmem>>
      tpu.enqueue_dma source(%dma_start3A_74 : memref<64x64xf32, #tpu.memory_space<vmem>>) target(%dma_start3A_70 : memref<64x64xf32, #tpu.memory_space<hbm>>) target_semaphore(%run_scoped3A_61 : memref<!tpu.dma_semaphore, #tpu.memory_space<semaphore_mem>>)
      %dma_wait3A = arith.constant 0 : i32
      %dma_wait3A_75 = arith.constant 0 : i32
      %dma_wait3A_76 = tpu.memref_slice %arg15[%run_scoped3A, %dma_wait3A, %dma_wait3A_75] : memref<3x64x64xf32, #tpu.memory_space<vmem>> -> memref<1x64x64xf32, #tpu.memory_space<vmem>>
      %dma_wait3A_77 = tpu.memref_squeeze %dma_wait3A_76 : memref<1x64x64xf32, #tpu.memory_space<vmem>> -> memref<64x64xf32, #tpu.memory_space<vmem>>
      %dma_wait3A_78 = arith.constant 0 : i32
      %dma_wait3A_79 = tpu.memref_slice %arg4[%select_n3A, %mul3A_32, %dma_wait3A_78] : memref<16x128x64xf32, #tpu.memory_space<hbm>> -> memref<1x64x64xf32, #tpu.memory_space<hbm>>
      %dma_wait3A_80 = tpu.memref_squeeze %dma_wait3A_79 : memref<1x64x64xf32, #tpu.memory_space<hbm>> -> memref<64x64xf32, #tpu.memory_space<hbm>>
      %dma_wait3A_81 = arith.constant 0 : i32
      %dma_wait3A_82 = tpu.memref_slice %arg4[%select_n3A, %mul3A_32, %dma_wait3A_81] : memref<16x128x64xf32, #tpu.memory_space<hbm>> -> memref<1x64x64xf32, #tpu.memory_space<hbm>>
      %dma_wait3A_83 = tpu.memref_squeeze %dma_wait3A_82 : memref<1x64x64xf32, #tpu.memory_space<hbm>> -> memref<64x64xf32, #tpu.memory_space<hbm>>
      %dma_wait3A_84 = arith.constant 0 : i32
      %dma_wait3A_85 = arith.constant 0 : i32
      %dma_wait3A_86 = tpu.memref_slice %arg15[%run_scoped3A, %dma_wait3A_84, %dma_wait3A_85] : memref<3x64x64xf32, #tpu.memory_space<vmem>> -> memref<1x64x64xf32, #tpu.memory_space<vmem>>
      %dma_wait3A_87 = tpu.memref_squeeze %dma_wait3A_86 : memref<1x64x64xf32, #tpu.memory_space<vmem>> -> memref<64x64xf32, #tpu.memory_space<vmem>>
      tpu.wait_dma2 semaphore(%run_scoped3A_61 : memref<!tpu.dma_semaphore, #tpu.memory_space<semaphore_mem>>) src(%dma_wait3A_87 : memref<64x64xf32, #tpu.memory_space<vmem>>) dst(%dma_wait3A_83 : memref<64x64xf32, #tpu.memory_space<hbm>>)
      tpu.yield
    }) : () -> ()
    %run_scoped3A_59 = arith.constant 1 : i32
    "tpu.region"() ({
      %run_scoped3A_61 = tpu.sem_alloc : memref<!tpu.dma_semaphore, #tpu.memory_space<semaphore_mem>>
      %dma_start3A = arith.constant 0 : i32
      %dma_start3A_62 = arith.constant 0 : i32
      %dma_start3A_63 = tpu.memref_slice %arg15[%run_scoped3A_59, %dma_start3A, %dma_start3A_62] : memref<3x64x64xf32, #tpu.memory_space<vmem>> -> memref<1x64x64xf32, #tpu.memory_space<vmem>>
      %dma_start3A_64 = tpu.memref_squeeze %dma_start3A_63 : memref<1x64x64xf32, #tpu.memory_space<vmem>> -> memref<64x64xf32, #tpu.memory_space<vmem>>
      %dma_start3A_65 = arith.constant 0 : i32
      %dma_start3A_66 = tpu.memref_slice %arg5[%select_n3A, %mul3A_32, %dma_start3A_65] : memref<16x128x64xf32, #tpu.memory_space<hbm>> -> memref<1x64x64xf32, #tpu.memory_space<hbm>>
      %dma_start3A_67 = tpu.memref_squeeze %dma_start3A_66 : memref<1x64x64xf32, #tpu.memory_space<hbm>> -> memref<64x64xf32, #tpu.memory_space<hbm>>
      %dma_start3A_68 = arith.constant 0 : i32
      %dma_start3A_69 = tpu.memref_slice %arg5[%select_n3A, %mul3A_32, %dma_start3A_68] : memref<16x128x64xf32, #tpu.memory_space<hbm>> -> memref<1x64x64xf32, #tpu.memory_space<hbm>>
      %dma_start3A_70 = tpu.memref_squeeze %dma_start3A_69 : memref<1x64x64xf32, #tpu.memory_space<hbm>> -> memref<64x64xf32, #tpu.memory_space<hbm>>
      %dma_start3A_71 = arith.constant 0 : i32
      %dma_start3A_72 = arith.constant 0 : i32
      %dma_start3A_73 = tpu.memref_slice %arg15[%run_scoped3A_59, %dma_start3A_71, %dma_start3A_72] : memref<3x64x64xf32, #tpu.memory_space<vmem>> -> memref<1x64x64xf32, #tpu.memory_space<vmem>>
      %dma_start3A_74 = tpu.memref_squeeze %dma_start3A_73 : memref<1x64x64xf32, #tpu.memory_space<vmem>> -> memref<64x64xf32, #tpu.memory_space<vmem>>
      tpu.enqueue_dma source(%dma_start3A_74 : memref<64x64xf32, #tpu.memory_space<vmem>>) target(%dma_start3A_70 : memref<64x64xf32, #tpu.memory_space<hbm>>) target_semaphore(%run_scoped3A_61 : memref<!tpu.dma_semaphore, #tpu.memory_space<semaphore_mem>>)
      %dma_wait3A = arith.constant 0 : i32
      %dma_wait3A_75 = arith.constant 0 : i32
      %dma_wait3A_76 = tpu.memref_slice %arg15[%run_scoped3A_59, %dma_wait3A, %dma_wait3A_75] : memref<3x64x64xf32, #tpu.memory_space<vmem>> -> memref<1x64x64xf32, #tpu.memory_space<vmem>>
      %dma_wait3A_77 = tpu.memref_squeeze %dma_wait3A_76 : memref<1x64x64xf32, #tpu.memory_space<vmem>> -> memref<64x64xf32, #tpu.memory_space<vmem>>
      %dma_wait3A_78 = arith.constant 0 : i32
      %dma_wait3A_79 = tpu.memref_slice %arg5[%select_n3A, %mul3A_32, %dma_wait3A_78] : memref<16x128x64xf32, #tpu.memory_space<hbm>> -> memref<1x64x64xf32, #tpu.memory_space<hbm>>
      %dma_wait3A_80 = tpu.memref_squeeze %dma_wait3A_79 : memref<1x64x64xf32, #tpu.memory_space<hbm>> -> memref<64x64xf32, #tpu.memory_space<hbm>>
      %dma_wait3A_81 = arith.constant 0 : i32
      %dma_wait3A_82 = tpu.memref_slice %arg5[%select_n3A, %mul3A_32, %dma_wait3A_81] : memref<16x128x64xf32, #tpu.memory_space<hbm>> -> memref<1x64x64xf32, #tpu.memory_space<hbm>>
      %dma_wait3A_83 = tpu.memref_squeeze %dma_wait3A_82 : memref<1x64x64xf32, #tpu.memory_space<hbm>> -> memref<64x64xf32, #tpu.memory_space<hbm>>
      %dma_wait3A_84 = arith.constant 0 : i32
      %dma_wait3A_85 = arith.constant 0 : i32
      %dma_wait3A_86 = tpu.memref_slice %arg15[%run_scoped3A_59, %dma_wait3A_84, %dma_wait3A_85] : memref<3x64x64xf32, #tpu.memory_space<vmem>> -> memref<1x64x64xf32, #tpu.memory_space<vmem>>
      %dma_wait3A_87 = tpu.memref_squeeze %dma_wait3A_86 : memref<1x64x64xf32, #tpu.memory_space<vmem>> -> memref<64x64xf32, #tpu.memory_space<vmem>>
      tpu.wait_dma2 semaphore(%run_scoped3A_61 : memref<!tpu.dma_semaphore, #tpu.memory_space<semaphore_mem>>) src(%dma_wait3A_87 : memref<64x64xf32, #tpu.memory_space<vmem>>) dst(%dma_wait3A_83 : memref<64x64xf32, #tpu.memory_space<hbm>>)
      tpu.yield
    }) : () -> ()
    %run_scoped3A_60 = arith.constant 2 : i32
    "tpu.region"() ({
      %run_scoped3A_61 = tpu.sem_alloc : memref<!tpu.dma_semaphore, #tpu.memory_space<semaphore_mem>>
      %dma_start3A = arith.constant 0 : i32
      %dma_start3A_62 = arith.constant 0 : i32
      %dma_start3A_63 = tpu.memref_slice %arg15[%run_scoped3A_60, %dma_start3A, %dma_start3A_62] : memref<3x64x64xf32, #tpu.memory_space<vmem>> -> memref<1x64x64xf32, #tpu.memory_space<vmem>>
      %dma_start3A_64 = tpu.memref_squeeze %dma_start3A_63 : memref<1x64x64xf32, #tpu.memory_space<vmem>> -> memref<64x64xf32, #tpu.memory_space<vmem>>
      %dma_start3A_65 = arith.constant 0 : i32
      %dma_start3A_66 = tpu.memref_slice %arg6[%select_n3A, %mul3A_32, %dma_start3A_65] : memref<16x128x64xf32, #tpu.memory_space<hbm>> -> memref<1x64x64xf32, #tpu.memory_space<hbm>>
      %dma_start3A_67 = tpu.memref_squeeze %dma_start3A_66 : memref<1x64x64xf32, #tpu.memory_space<hbm>> -> memref<64x64xf32, #tpu.memory_space<hbm>>
      %dma_start3A_68 = arith.constant 0 : i32
      %dma_start3A_69 = tpu.memref_slice %arg6[%select_n3A, %mul3A_32, %dma_start3A_68] : memref<16x128x64xf32, #tpu.memory_space<hbm>> -> memref<1x64x64xf32, #tpu.memory_space<hbm>>
      %dma_start3A_70 = tpu.memref_squeeze %dma_start3A_69 : memref<1x64x64xf32, #tpu.memory_space<hbm>> -> memref<64x64xf32, #tpu.memory_space<hbm>>
      %dma_start3A_71 = arith.constant 0 : i32
      %dma_start3A_72 = arith.constant 0 : i32
      %dma_start3A_73 = tpu.memref_slice %arg15[%run_scoped3A_60, %dma_start3A_71, %dma_start3A_72] : memref<3x64x64xf32, #tpu.memory_space<vmem>> -> memref<1x64x64xf32, #tpu.memory_space<vmem>>
      %dma_start3A_74 = tpu.memref_squeeze %dma_start3A_73 : memref<1x64x64xf32, #tpu.memory_space<vmem>> -> memref<64x64xf32, #tpu.memory_space<vmem>>
      tpu.enqueue_dma source(%dma_start3A_74 : memref<64x64xf32, #tpu.memory_space<vmem>>) target(%dma_start3A_70 : memref<64x64xf32, #tpu.memory_space<hbm>>) target_semaphore(%run_scoped3A_61 : memref<!tpu.dma_semaphore, #tpu.memory_space<semaphore_mem>>)
      %dma_wait3A = arith.constant 0 : i32
      %dma_wait3A_75 = arith.constant 0 : i32
      %dma_wait3A_76 = tpu.memref_slice %arg15[%run_scoped3A_60, %dma_wait3A, %dma_wait3A_75] : memref<3x64x64xf32, #tpu.memory_space<vmem>> -> memref<1x64x64xf32, #tpu.memory_space<vmem>>
      %dma_wait3A_77 = tpu.memref_squeeze %dma_wait3A_76 : memref<1x64x64xf32, #tpu.memory_space<vmem>> -> memref<64x64xf32, #tpu.memory_space<vmem>>
      %dma_wait3A_78 = arith.constant 0 : i32
      %dma_wait3A_79 = tpu.memref_slice %arg6[%select_n3A, %mul3A_32, %dma_wait3A_78] : memref<16x128x64xf32, #tpu.memory_space<hbm>> -> memref<1x64x64xf32, #tpu.memory_space<hbm>>
      %dma_wait3A_80 = tpu.memref_squeeze %dma_wait3A_79 : memref<1x64x64xf32, #tpu.memory_space<hbm>> -> memref<64x64xf32, #tpu.memory_space<hbm>>
      %dma_wait3A_81 = arith.constant 0 : i32
      %dma_wait3A_82 = tpu.memref_slice %arg6[%select_n3A, %mul3A_32, %dma_wait3A_81] : memref<16x128x64xf32, #tpu.memory_space<hbm>> -> memref<1x64x64xf32, #tpu.memory_space<hbm>>
      %dma_wait3A_83 = tpu.memref_squeeze %dma_wait3A_82 : memref<1x64x64xf32, #tpu.memory_space<hbm>> -> memref<64x64xf32, #tpu.memory_space<hbm>>
      %dma_wait3A_84 = arith.constant 0 : i32
      %dma_wait3A_85 = arith.constant 0 : i32
      %dma_wait3A_86 = tpu.memref_slice %arg15[%run_scoped3A_60, %dma_wait3A_84, %dma_wait3A_85] : memref<3x64x64xf32, #tpu.memory_space<vmem>> -> memref<1x64x64xf32, #tpu.memory_space<vmem>>
      %dma_wait3A_87 = tpu.memref_squeeze %dma_wait3A_86 : memref<1x64x64xf32, #tpu.memory_space<vmem>> -> memref<64x64xf32, #tpu.memory_space<vmem>>
      tpu.wait_dma2 semaphore(%run_scoped3A_61 : memref<!tpu.dma_semaphore, #tpu.memory_space<semaphore_mem>>) src(%dma_wait3A_87 : memref<64x64xf32, #tpu.memory_space<vmem>>) dst(%dma_wait3A_83 : memref<64x64xf32, #tpu.memory_space<hbm>>)
      tpu.yield
    }) : () -> ()
    "tpu.region"() ({
      %run_scoped3A_61 = tpu.sem_alloc : memref<!tpu.dma_semaphore, #tpu.memory_space<semaphore_mem>>
      %dma_start3A = arith.constant 0 : i32
      %dma_start3A_62 = tpu.memref_slice %arg7[%select_n3A, %mul3A_32, %dma_start3A] : memref<16x128x64xi32, #tpu.memory_space<hbm>> -> memref<1x64x64xi32, #tpu.memory_space<hbm>>
      %dma_start3A_63 = tpu.memref_squeeze %dma_start3A_62 : memref<1x64x64xi32, #tpu.memory_space<hbm>> -> memref<64x64xi32, #tpu.memory_space<hbm>>
      %dma_start3A_64 = arith.constant 0 : i32
      %dma_start3A_65 = tpu.memref_slice %arg7[%select_n3A, %mul3A_32, %dma_start3A_64] : memref<16x128x64xi32, #tpu.memory_space<hbm>> -> memref<1x64x64xi32, #tpu.memory_space<hbm>>
      %dma_start3A_66 = tpu.memref_squeeze %dma_start3A_65 : memref<1x64x64xi32, #tpu.memory_space<hbm>> -> memref<64x64xi32, #tpu.memory_space<hbm>>
      tpu.enqueue_dma source(%arg16 : memref<64x64xi32, #tpu.memory_space<vmem>>) target(%dma_start3A_66 : memref<64x64xi32, #tpu.memory_space<hbm>>) target_semaphore(%run_scoped3A_61 : memref<!tpu.dma_semaphore, #tpu.memory_space<semaphore_mem>>)
      %dma_wait3A = arith.constant 0 : i32
      %dma_wait3A_67 = tpu.memref_slice %arg7[%select_n3A, %mul3A_32, %dma_wait3A] : memref<16x128x64xi32, #tpu.memory_space<hbm>> -> memref<1x64x64xi32, #tpu.memory_space<hbm>>
      %dma_wait3A_68 = tpu.memref_squeeze %dma_wait3A_67 : memref<1x64x64xi32, #tpu.memory_space<hbm>> -> memref<64x64xi32, #tpu.memory_space<hbm>>
      %dma_wait3A_69 = arith.constant 0 : i32
      %dma_wait3A_70 = tpu.memref_slice %arg7[%select_n3A, %mul3A_32, %dma_wait3A_69] : memref<16x128x64xi32, #tpu.memory_space<hbm>> -> memref<1x64x64xi32, #tpu.memory_space<hbm>>
      %dma_wait3A_71 = tpu.memref_squeeze %dma_wait3A_70 : memref<1x64x64xi32, #tpu.memory_space<hbm>> -> memref<64x64xi32, #tpu.memory_space<hbm>>
      tpu.wait_dma2 semaphore(%run_scoped3A_61 : memref<!tpu.dma_semaphore, #tpu.memory_space<semaphore_mem>>) src(%arg16 : memref<64x64xi32, #tpu.memory_space<vmem>>) dst(%dma_wait3A_71 : memref<64x64xi32, #tpu.memory_space<hbm>>)
      tpu.yield
    }) : () -> ()
    return
  }
}

#map = affine_map<(d0, d1) -> (0)>
#map1 = affine_map<(d0, d1) -> (0, 0, 0)>
module attributes {stable_mosaic.version = 14 : i64} {
  func.func @body(%arg0: i32, %arg1: i32, %arg2: memref<98304xf32, #tpu.memory_space<hbm>>, %arg3: memref<24576xf32, #tpu.memory_space<hbm>>, %arg4: memref<16x512x32xf32, #tpu.memory_space<hbm>>, %arg5: memref<16x512x32xf32, #tpu.memory_space<hbm>>, %arg6: memref<16x512x32xf32, #tpu.memory_space<hbm>>, %arg7: memref<2048xf32, #tpu.memory_space<vmem>>, %arg8: memref<2048xf32, #tpu.memory_space<vmem>>, %arg9: memref<2048xf32, #tpu.memory_space<vmem>>, %arg10: memref<256xf32, #tpu.memory_space<vmem>>, %arg11: memref<256xf32, #tpu.memory_space<vmem>>, %arg12: memref<256xf32, #tpu.memory_space<vmem>>, %arg13: memref<48xi32, #tpu.memory_space<vmem>>, %arg14: memref<3x256x32xf32, #tpu.memory_space<vmem>>, %arg15: memref<!tpu.dma_semaphore, #tpu.memory_space<semaphore_mem>>) attributes {dimension_semantics = [#tpu.dimension_semantics<core_parallel>, #tpu.dimension_semantics<subcore_parallel>], iteration_bounds = array<i64: 2, 16>, scalar_prefetch = 0 : i64, scratch_operands = 9 : i64, tpu.core_type = #tpu.core_type<sc_vector_subcore>, window_params = [{transform_indices = #map}, {transform_indices = #map}, {transform_indices = #map1}, {transform_indices = #map1}, {transform_indices = #map1}]} {
    %mul3A = arith.constant 2 : i32
    %mul3A_0 = arith.muli %arg1, %mul3A : i32
    %add3A = arith.addi %mul3A_0, %arg0 : i32
    %jit3A = arith.constant 2 : i32
    %div3A = arith.divsi %add3A, %jit3A : i32
    %sign3A = arith.constant 0 : i32
    %sign3A_1 = arith.cmpi sgt, %add3A, %sign3A : i32
    %sign3A_2 = arith.extui %sign3A_1 : i1 to i32
    %sign3A_3 = arith.constant 0 : i32
    %sign3A_4 = arith.cmpi slt, %add3A, %sign3A_3 : i32
    %sign3A_5 = arith.extui %sign3A_4 : i1 to i32
    %sign3A_6 = arith.subi %sign3A_2, %sign3A_5 : i32
    %sign3A_7 = arith.constant 0 : i32
    %sign3A_8 = arith.cmpi sgt, %jit3A, %sign3A_7 : i32
    %sign3A_9 = arith.extui %sign3A_8 : i1 to i32
    %sign3A_10 = arith.constant 0 : i32
    %sign3A_11 = arith.cmpi slt, %jit3A, %sign3A_10 : i32
    %sign3A_12 = arith.extui %sign3A_11 : i1 to i32
    %sign3A_13 = arith.subi %sign3A_9, %sign3A_12 : i32
    %ne3A = arith.cmpi ne, %sign3A_6, %sign3A_13 : i32
    %rem3A = arith.remsi %add3A, %jit3A : i32
    %ne3A_14 = arith.constant 0 : i32
    %ne3A_15 = arith.cmpi ne, %rem3A, %ne3A_14 : i32
    %and3A = arith.andi %ne3A, %ne3A_15 : i1
    %sub3A = arith.constant 1 : i32
    %sub3A_16 = arith.subi %div3A, %sub3A : i32
    %select_n3A = arith.select %and3A, %sub3A_16, %div3A : i32
    %jit3A_17 = arith.constant 2 : i32
    %eq3A = arith.constant 0 : i32
    %eq3A_18 = arith.cmpi eq, %jit3A_17, %eq3A : i32
    %jit3A_19 = arith.constant 1 : i32
    %select_n3A_20 = arith.select %eq3A_18, %jit3A_19, %jit3A_17 : i32
    %rem3A_21 = arith.remsi %add3A, %select_n3A_20 : i32
    %ne3A_22 = arith.constant 0 : i32
    %ne3A_23 = arith.cmpi ne, %rem3A_21, %ne3A_22 : i32
    %lt3A = arith.constant 0 : i32
    %lt3A_24 = arith.cmpi slt, %rem3A_21, %lt3A : i32
    %lt3A_25 = arith.constant 0 : i32
    %lt3A_26 = arith.cmpi slt, %select_n3A_20, %lt3A_25 : i32
    %ne3A_27 = arith.xori %lt3A_24, %lt3A_26 : i1
    %and3A_28 = arith.andi %ne3A_27, %ne3A_23 : i1
    %add3A_29 = arith.addi %rem3A_21, %select_n3A_20 : i32
    %select_n3A_30 = arith.select %and3A_28, %add3A_29, %rem3A_21 : i32
    %mul3A_31 = arith.constant 256 : i32
    %mul3A_32 = arith.muli %select_n3A_30, %mul3A_31 : i32
    %mul3A_33 = arith.constant 2048 : i32
    %mul3A_34 = arith.muli %select_n3A, %mul3A_33 : i32
    "tpu.region"() ({
      %run_scoped3A_61 = tpu.sem_alloc : memref<!tpu.dma_semaphore, #tpu.memory_space<semaphore_mem>>
      %dma_start3A = tpu.memref_slice %arg2[%mul3A_34] : memref<98304xf32, #tpu.memory_space<hbm>> -> memref<2048xf32, #tpu.memory_space<hbm>>
      %dma_start3A_62 = tpu.memref_slice %arg2[%mul3A_34] : memref<98304xf32, #tpu.memory_space<hbm>> -> memref<2048xf32, #tpu.memory_space<hbm>>
      tpu.enqueue_dma source(%dma_start3A_62 : memref<2048xf32, #tpu.memory_space<hbm>>) target(%arg7 : memref<2048xf32, #tpu.memory_space<vmem>>) target_semaphore(%run_scoped3A_61 : memref<!tpu.dma_semaphore, #tpu.memory_space<semaphore_mem>>)
      %dma_wait3A = tpu.memref_slice %arg2[%mul3A_34] : memref<98304xf32, #tpu.memory_space<hbm>> -> memref<2048xf32, #tpu.memory_space<hbm>>
      %dma_wait3A_63 = tpu.memref_slice %arg2[%mul3A_34] : memref<98304xf32, #tpu.memory_space<hbm>> -> memref<2048xf32, #tpu.memory_space<hbm>>
      tpu.wait_dma2 semaphore(%run_scoped3A_61 : memref<!tpu.dma_semaphore, #tpu.memory_space<semaphore_mem>>) src(%dma_wait3A_63 : memref<2048xf32, #tpu.memory_space<hbm>>) dst(%arg7 : memref<2048xf32, #tpu.memory_space<vmem>>)
      tpu.yield
    }) : () -> ()
    %add3A_35 = arith.constant 16 : i32
    %add3A_36 = arith.addi %add3A_35, %select_n3A : i32
    %mul3A_37 = arith.constant 2048 : i32
    %mul3A_38 = arith.muli %add3A_36, %mul3A_37 : i32
    "tpu.region"() ({
      %run_scoped3A_61 = tpu.sem_alloc : memref<!tpu.dma_semaphore, #tpu.memory_space<semaphore_mem>>
      %dma_start3A = tpu.memref_slice %arg2[%mul3A_38] : memref<98304xf32, #tpu.memory_space<hbm>> -> memref<2048xf32, #tpu.memory_space<hbm>>
      %dma_start3A_62 = tpu.memref_slice %arg2[%mul3A_38] : memref<98304xf32, #tpu.memory_space<hbm>> -> memref<2048xf32, #tpu.memory_space<hbm>>
      tpu.enqueue_dma source(%dma_start3A_62 : memref<2048xf32, #tpu.memory_space<hbm>>) target(%arg8 : memref<2048xf32, #tpu.memory_space<vmem>>) target_semaphore(%run_scoped3A_61 : memref<!tpu.dma_semaphore, #tpu.memory_space<semaphore_mem>>)
      %dma_wait3A = tpu.memref_slice %arg2[%mul3A_38] : memref<98304xf32, #tpu.memory_space<hbm>> -> memref<2048xf32, #tpu.memory_space<hbm>>
      %dma_wait3A_63 = tpu.memref_slice %arg2[%mul3A_38] : memref<98304xf32, #tpu.memory_space<hbm>> -> memref<2048xf32, #tpu.memory_space<hbm>>
      tpu.wait_dma2 semaphore(%run_scoped3A_61 : memref<!tpu.dma_semaphore, #tpu.memory_space<semaphore_mem>>) src(%dma_wait3A_63 : memref<2048xf32, #tpu.memory_space<hbm>>) dst(%arg8 : memref<2048xf32, #tpu.memory_space<vmem>>)
      tpu.yield
    }) : () -> ()
    %add3A_39 = arith.constant 32 : i32
    %add3A_40 = arith.addi %add3A_39, %select_n3A : i32
    %mul3A_41 = arith.constant 2048 : i32
    %mul3A_42 = arith.muli %add3A_40, %mul3A_41 : i32
    "tpu.region"() ({
      %run_scoped3A_61 = tpu.sem_alloc : memref<!tpu.dma_semaphore, #tpu.memory_space<semaphore_mem>>
      %dma_start3A = tpu.memref_slice %arg2[%mul3A_42] : memref<98304xf32, #tpu.memory_space<hbm>> -> memref<2048xf32, #tpu.memory_space<hbm>>
      %dma_start3A_62 = tpu.memref_slice %arg2[%mul3A_42] : memref<98304xf32, #tpu.memory_space<hbm>> -> memref<2048xf32, #tpu.memory_space<hbm>>
      tpu.enqueue_dma source(%dma_start3A_62 : memref<2048xf32, #tpu.memory_space<hbm>>) target(%arg9 : memref<2048xf32, #tpu.memory_space<vmem>>) target_semaphore(%run_scoped3A_61 : memref<!tpu.dma_semaphore, #tpu.memory_space<semaphore_mem>>)
      %dma_wait3A = tpu.memref_slice %arg2[%mul3A_42] : memref<98304xf32, #tpu.memory_space<hbm>> -> memref<2048xf32, #tpu.memory_space<hbm>>
      %dma_wait3A_63 = tpu.memref_slice %arg2[%mul3A_42] : memref<98304xf32, #tpu.memory_space<hbm>> -> memref<2048xf32, #tpu.memory_space<hbm>>
      tpu.wait_dma2 semaphore(%run_scoped3A_61 : memref<!tpu.dma_semaphore, #tpu.memory_space<semaphore_mem>>) src(%dma_wait3A_63 : memref<2048xf32, #tpu.memory_space<hbm>>) dst(%arg9 : memref<2048xf32, #tpu.memory_space<vmem>>)
      tpu.yield
    }) : () -> ()
    %mul3A_43 = arith.constant 512 : i32
    %mul3A_44 = arith.muli %select_n3A, %mul3A_43 : i32
    %add3A_45 = arith.addi %mul3A_44, %mul3A_32 : i32
    "tpu.region"() ({
      %run_scoped3A_61 = tpu.sem_alloc : memref<!tpu.dma_semaphore, #tpu.memory_space<semaphore_mem>>
      %dma_start3A = tpu.memref_slice %arg3[%add3A_45] : memref<24576xf32, #tpu.memory_space<hbm>> -> memref<256xf32, #tpu.memory_space<hbm>>
      %dma_start3A_62 = tpu.memref_slice %arg3[%add3A_45] : memref<24576xf32, #tpu.memory_space<hbm>> -> memref<256xf32, #tpu.memory_space<hbm>>
      tpu.enqueue_dma source(%dma_start3A_62 : memref<256xf32, #tpu.memory_space<hbm>>) target(%arg10 : memref<256xf32, #tpu.memory_space<vmem>>) target_semaphore(%run_scoped3A_61 : memref<!tpu.dma_semaphore, #tpu.memory_space<semaphore_mem>>)
      %dma_wait3A = tpu.memref_slice %arg3[%add3A_45] : memref<24576xf32, #tpu.memory_space<hbm>> -> memref<256xf32, #tpu.memory_space<hbm>>
      %dma_wait3A_63 = tpu.memref_slice %arg3[%add3A_45] : memref<24576xf32, #tpu.memory_space<hbm>> -> memref<256xf32, #tpu.memory_space<hbm>>
      tpu.wait_dma2 semaphore(%run_scoped3A_61 : memref<!tpu.dma_semaphore, #tpu.memory_space<semaphore_mem>>) src(%dma_wait3A_63 : memref<256xf32, #tpu.memory_space<hbm>>) dst(%arg10 : memref<256xf32, #tpu.memory_space<vmem>>)
      tpu.yield
    }) : () -> ()
    %add3A_46 = arith.constant 8192 : i32
    %add3A_47 = arith.addi %add3A_45, %add3A_46 : i32
    "tpu.region"() ({
      %run_scoped3A_61 = tpu.sem_alloc : memref<!tpu.dma_semaphore, #tpu.memory_space<semaphore_mem>>
      %dma_start3A = tpu.memref_slice %arg3[%add3A_47] : memref<24576xf32, #tpu.memory_space<hbm>> -> memref<256xf32, #tpu.memory_space<hbm>>
      %dma_start3A_62 = tpu.memref_slice %arg3[%add3A_47] : memref<24576xf32, #tpu.memory_space<hbm>> -> memref<256xf32, #tpu.memory_space<hbm>>
      tpu.enqueue_dma source(%dma_start3A_62 : memref<256xf32, #tpu.memory_space<hbm>>) target(%arg11 : memref<256xf32, #tpu.memory_space<vmem>>) target_semaphore(%run_scoped3A_61 : memref<!tpu.dma_semaphore, #tpu.memory_space<semaphore_mem>>)
      %dma_wait3A = tpu.memref_slice %arg3[%add3A_47] : memref<24576xf32, #tpu.memory_space<hbm>> -> memref<256xf32, #tpu.memory_space<hbm>>
      %dma_wait3A_63 = tpu.memref_slice %arg3[%add3A_47] : memref<24576xf32, #tpu.memory_space<hbm>> -> memref<256xf32, #tpu.memory_space<hbm>>
      tpu.wait_dma2 semaphore(%run_scoped3A_61 : memref<!tpu.dma_semaphore, #tpu.memory_space<semaphore_mem>>) src(%dma_wait3A_63 : memref<256xf32, #tpu.memory_space<hbm>>) dst(%arg11 : memref<256xf32, #tpu.memory_space<vmem>>)
      tpu.yield
    }) : () -> ()
    %add3A_48 = arith.constant 16384 : i32
    %add3A_49 = arith.addi %add3A_45, %add3A_48 : i32
    "tpu.region"() ({
      %run_scoped3A_61 = tpu.sem_alloc : memref<!tpu.dma_semaphore, #tpu.memory_space<semaphore_mem>>
      %dma_start3A = tpu.memref_slice %arg3[%add3A_49] : memref<24576xf32, #tpu.memory_space<hbm>> -> memref<256xf32, #tpu.memory_space<hbm>>
      %dma_start3A_62 = tpu.memref_slice %arg3[%add3A_49] : memref<24576xf32, #tpu.memory_space<hbm>> -> memref<256xf32, #tpu.memory_space<hbm>>
      tpu.enqueue_dma source(%dma_start3A_62 : memref<256xf32, #tpu.memory_space<hbm>>) target(%arg12 : memref<256xf32, #tpu.memory_space<vmem>>) target_semaphore(%run_scoped3A_61 : memref<!tpu.dma_semaphore, #tpu.memory_space<semaphore_mem>>)
      %dma_wait3A = tpu.memref_slice %arg3[%add3A_49] : memref<24576xf32, #tpu.memory_space<hbm>> -> memref<256xf32, #tpu.memory_space<hbm>>
      %dma_wait3A_63 = tpu.memref_slice %arg3[%add3A_49] : memref<24576xf32, #tpu.memory_space<hbm>> -> memref<256xf32, #tpu.memory_space<hbm>>
      tpu.wait_dma2 semaphore(%run_scoped3A_61 : memref<!tpu.dma_semaphore, #tpu.memory_space<semaphore_mem>>) src(%dma_wait3A_63 : memref<256xf32, #tpu.memory_space<hbm>>) dst(%arg12 : memref<256xf32, #tpu.memory_space<vmem>>)
      tpu.yield
    }) : () -> ()
    %iota3A = tpu.iota {dimensions = array<i32: 0>} : vector<16xi32>
    %mul3A_50 = arith.constant 0 : i32
    %mul3A_51 = vector.broadcast %mul3A_50 : i32 to vector<16xi32>
    %mul3A_52 = arith.muli %iota3A, %mul3A_51 : vector<16xi32>
    %scan3A = arith.constant 0 : i32
    %scan3A_53 = arith.constant 0 : i32
    %scan3A_54 = arith.constant 256 : i32
    %scan3A_55 = arith.addi %scan3A_53, %scan3A_54 : i32
    %scan3A_56 = arith.constant 1 : i32
    %scan3A_57 = scf.for %scan3A_61 = %scan3A_53 to %scan3A_55 step %scan3A_56 iter_args(%scan3A_62 = %scan3A) -> (i32)  : i32 {
      %add3A_63 = vector.broadcast %scan3A_61 : i32 to vector<16xi32>
      %add3A_64 = arith.addi %mul3A_52, %add3A_63 : vector<16xi32>
      %gather3A = tpu.vector_load_idx %arg10[%add3A_64] : memref<256xf32, #tpu.memory_space<vmem>>[vector<16xi32>], vector<16xf32>,
      %gather3A_65 = tpu.vector_load_idx %arg11[%add3A_64] : memref<256xf32, #tpu.memory_space<vmem>>[vector<16xi32>], vector<16xf32>,
      %gather3A_66 = tpu.vector_load_idx %arg12[%add3A_64] : memref<256xf32, #tpu.memory_space<vmem>>[vector<16xi32>], vector<16xf32>,
      %while3A = arith.constant 0 : i32
      %while3A_67 = arith.constant 0 : i32
      %while3A_68:2 = scf.while (%while3A_128 = %while3A, %while3A_129 = %while3A_67) : (i32, i32) -> (i32, i32) {
        %lt3A_130 = arith.constant 8 : i32
        %lt3A_131 = arith.cmpi slt, %while3A_128, %lt3A_130 : i32
        %lt3A_132 = arith.constant 32 : i32
        %lt3A_133 = arith.cmpi slt, %while3A_129, %lt3A_132 : i32
        %and3A_134 = arith.andi %lt3A_131, %lt3A_133 : i1
        scf.condition(%and3A_134) %while3A_128, %while3A_129 : i32, i32
      } do {
      ^bb0(%while3A_128: i32, %while3A_129: i32):
        %mul3A_130 = arith.constant 256 : i32
        %mul3A_131 = arith.muli %while3A_128, %mul3A_130 : i32
        %add3A_132 = arith.constant 0 : i32
        %add3A_133 = arith.addi %mul3A_131, %add3A_132 : i32
        %get3A = arith.index_cast %add3A_133 : i32 to index
        %get3A_134 = tpu.vector_load %arg7[%get3A] {strides = array<i32>} : memref<2048xf32, #tpu.memory_space<vmem>>, vector<16xf32>,
        %sub3A_135 = arith.subf %get3A_134, %gather3A : vector<16xf32>
        %get3A_136 = arith.index_cast %add3A_133 : i32 to index
        %get3A_137 = tpu.vector_load %arg8[%get3A_136] {strides = array<i32>} : memref<2048xf32, #tpu.memory_space<vmem>>, vector<16xf32>,
        %sub3A_138 = arith.subf %get3A_137, %gather3A_65 : vector<16xf32>
        %get3A_139 = arith.index_cast %add3A_133 : i32 to index
        %get3A_140 = tpu.vector_load %arg9[%get3A_139] {strides = array<i32>} : memref<2048xf32, #tpu.memory_space<vmem>>, vector<16xf32>,
        %sub3A_141 = arith.subf %get3A_140, %gather3A_66 : vector<16xf32>
        %mul3A_142 = arith.mulf %sub3A_135, %sub3A_135 : vector<16xf32>
        %mul3A_143 = arith.mulf %sub3A_138, %sub3A_138 : vector<16xf32>
        %add3A_144 = arith.addf %mul3A_142, %mul3A_143 : vector<16xf32>
        %mul3A_145 = arith.mulf %sub3A_141, %sub3A_141 : vector<16xf32>
        %add3A_146 = arith.addf %add3A_144, %mul3A_145 : vector<16xf32>
        %lt3A_147 = arith.constant 4.000000e-02 : f32
        %lt3A_148 = vector.broadcast %lt3A_147 : f32 to vector<16xf32>
        %lt3A_149 = arith.cmpf olt, %add3A_146, %lt3A_148 : vector<16xf32>
        %convert_element_type3A = arith.extui %lt3A_149 : vector<16xi1> to vector<16xi32>
        %broadcast_in_dim3A_150 = arith.constant true
        %broadcast_in_dim3A_151 = vector.broadcast %broadcast_in_dim3A_150 : i1 to vector<16xi1>
        %masked_cumsum3A = tpu.scan <sum>, %convert_element_type3A masked %broadcast_in_dim3A_151 : vector<16xi32>, vector<16xi1> -> vector<16xi32>
        %add3A_152 = arith.constant 16 : i32
        %add3A_153 = arith.addi %mul3A_131, %add3A_152 : i32
        %get3A_154 = arith.index_cast %add3A_153 : i32 to index
        %get3A_155 = tpu.vector_load %arg7[%get3A_154] {strides = array<i32>} : memref<2048xf32, #tpu.memory_space<vmem>>, vector<16xf32>,
        %sub3A_156 = arith.subf %get3A_155, %gather3A : vector<16xf32>
        %get3A_157 = arith.index_cast %add3A_153 : i32 to index
        %get3A_158 = tpu.vector_load %arg8[%get3A_157] {strides = array<i32>} : memref<2048xf32, #tpu.memory_space<vmem>>, vector<16xf32>,
        %sub3A_159 = arith.subf %get3A_158, %gather3A_65 : vector<16xf32>
        %get3A_160 = arith.index_cast %add3A_153 : i32 to index
        %get3A_161 = tpu.vector_load %arg9[%get3A_160] {strides = array<i32>} : memref<2048xf32, #tpu.memory_space<vmem>>, vector<16xf32>,
        %sub3A_162 = arith.subf %get3A_161, %gather3A_66 : vector<16xf32>
        %mul3A_163 = arith.mulf %sub3A_156, %sub3A_156 : vector<16xf32>
        %mul3A_164 = arith.mulf %sub3A_159, %sub3A_159 : vector<16xf32>
        %add3A_165 = arith.addf %mul3A_163, %mul3A_164 : vector<16xf32>
        %mul3A_166 = arith.mulf %sub3A_162, %sub3A_162 : vector<16xf32>
        %add3A_167 = arith.addf %add3A_165, %mul3A_166 : vector<16xf32>
        %lt3A_168 = arith.constant 4.000000e-02 : f32
        %lt3A_169 = vector.broadcast %lt3A_168 : f32 to vector<16xf32>
        %lt3A_170 = arith.cmpf olt, %add3A_167, %lt3A_169 : vector<16xf32>
        %convert_element_type3A_171 = arith.extui %lt3A_170 : vector<16xi1> to vector<16xi32>
        %broadcast_in_dim3A_172 = arith.constant true
        %broadcast_in_dim3A_173 = vector.broadcast %broadcast_in_dim3A_172 : i1 to vector<16xi1>
        %masked_cumsum3A_174 = tpu.scan <sum>, %convert_element_type3A_171 masked %broadcast_in_dim3A_173 : vector<16xi32>, vector<16xi1> -> vector<16xi32>
        %add3A_175 = arith.constant 32 : i32
        %add3A_176 = arith.addi %mul3A_131, %add3A_175 : i32
        %get3A_177 = arith.index_cast %add3A_176 : i32 to index
        %get3A_178 = tpu.vector_load %arg7[%get3A_177] {strides = array<i32>} : memref<2048xf32, #tpu.memory_space<vmem>>, vector<16xf32>,
        %sub3A_179 = arith.subf %get3A_178, %gather3A : vector<16xf32>
        %get3A_180 = arith.index_cast %add3A_176 : i32 to index
        %get3A_181 = tpu.vector_load %arg8[%get3A_180] {strides = array<i32>} : memref<2048xf32, #tpu.memory_space<vmem>>, vector<16xf32>,
        %sub3A_182 = arith.subf %get3A_181, %gather3A_65 : vector<16xf32>
        %get3A_183 = arith.index_cast %add3A_176 : i32 to index
        %get3A_184 = tpu.vector_load %arg9[%get3A_183] {strides = array<i32>} : memref<2048xf32, #tpu.memory_space<vmem>>, vector<16xf32>,
        %sub3A_185 = arith.subf %get3A_184, %gather3A_66 : vector<16xf32>
        %mul3A_186 = arith.mulf %sub3A_179, %sub3A_179 : vector<16xf32>
        %mul3A_187 = arith.mulf %sub3A_182, %sub3A_182 : vector<16xf32>
        %add3A_188 = arith.addf %mul3A_186, %mul3A_187 : vector<16xf32>
        %mul3A_189 = arith.mulf %sub3A_185, %sub3A_185 : vector<16xf32>
        %add3A_190 = arith.addf %add3A_188, %mul3A_189 : vector<16xf32>
        %lt3A_191 = arith.constant 4.000000e-02 : f32
        %lt3A_192 = vector.broadcast %lt3A_191 : f32 to vector<16xf32>
        %lt3A_193 = arith.cmpf olt, %add3A_190, %lt3A_192 : vector<16xf32>
        %convert_element_type3A_194 = arith.extui %lt3A_193 : vector<16xi1> to vector<16xi32>
        %broadcast_in_dim3A_195 = arith.constant true
        %broadcast_in_dim3A_196 = vector.broadcast %broadcast_in_dim3A_195 : i1 to vector<16xi1>
        %masked_cumsum3A_197 = tpu.scan <sum>, %convert_element_type3A_194 masked %broadcast_in_dim3A_196 : vector<16xi32>, vector<16xi1> -> vector<16xi32>
        %add3A_198 = arith.constant 48 : i32
        %add3A_199 = arith.addi %mul3A_131, %add3A_198 : i32
        %get3A_200 = arith.index_cast %add3A_199 : i32 to index
        %get3A_201 = tpu.vector_load %arg7[%get3A_200] {strides = array<i32>} : memref<2048xf32, #tpu.memory_space<vmem>>, vector<16xf32>,
        %sub3A_202 = arith.subf %get3A_201, %gather3A : vector<16xf32>
        %get3A_203 = arith.index_cast %add3A_199 : i32 to index
        %get3A_204 = tpu.vector_load %arg8[%get3A_203] {strides = array<i32>} : memref<2048xf32, #tpu.memory_space<vmem>>, vector<16xf32>,
        %sub3A_205 = arith.subf %get3A_204, %gather3A_65 : vector<16xf32>
        %get3A_206 = arith.index_cast %add3A_199 : i32 to index
        %get3A_207 = tpu.vector_load %arg9[%get3A_206] {strides = array<i32>} : memref<2048xf32, #tpu.memory_space<vmem>>, vector<16xf32>,
        %sub3A_208 = arith.subf %get3A_207, %gather3A_66 : vector<16xf32>
        %mul3A_209 = arith.mulf %sub3A_202, %sub3A_202 : vector<16xf32>
        %mul3A_210 = arith.mulf %sub3A_205, %sub3A_205 : vector<16xf32>
        %add3A_211 = arith.addf %mul3A_209, %mul3A_210 : vector<16xf32>
        %mul3A_212 = arith.mulf %sub3A_208, %sub3A_208 : vector<16xf32>
        %add3A_213 = arith.addf %add3A_211, %mul3A_212 : vector<16xf32>
        %lt3A_214 = arith.constant 4.000000e-02 : f32
        %lt3A_215 = vector.broadcast %lt3A_214 : f32 to vector<16xf32>
        %lt3A_216 = arith.cmpf olt, %add3A_213, %lt3A_215 : vector<16xf32>
        %convert_element_type3A_217 = arith.extui %lt3A_216 : vector<16xi1> to vector<16xi32>
        %broadcast_in_dim3A_218 = arith.constant true
        %broadcast_in_dim3A_219 = vector.broadcast %broadcast_in_dim3A_218 : i1 to vector<16xi1>
        %masked_cumsum3A_220 = tpu.scan <sum>, %convert_element_type3A_217 masked %broadcast_in_dim3A_219 : vector<16xi32>, vector<16xi1> -> vector<16xi32>
        %add3A_221 = arith.constant 64 : i32
        %add3A_222 = arith.addi %mul3A_131, %add3A_221 : i32
        %get3A_223 = arith.index_cast %add3A_222 : i32 to index
        %get3A_224 = tpu.vector_load %arg7[%get3A_223] {strides = array<i32>} : memref<2048xf32, #tpu.memory_space<vmem>>, vector<16xf32>,
        %sub3A_225 = arith.subf %get3A_224, %gather3A : vector<16xf32>
        %get3A_226 = arith.index_cast %add3A_222 : i32 to index
        %get3A_227 = tpu.vector_load %arg8[%get3A_226] {strides = array<i32>} : memref<2048xf32, #tpu.memory_space<vmem>>, vector<16xf32>,
        %sub3A_228 = arith.subf %get3A_227, %gather3A_65 : vector<16xf32>
        %get3A_229 = arith.index_cast %add3A_222 : i32 to index
        %get3A_230 = tpu.vector_load %arg9[%get3A_229] {strides = array<i32>} : memref<2048xf32, #tpu.memory_space<vmem>>, vector<16xf32>,
        %sub3A_231 = arith.subf %get3A_230, %gather3A_66 : vector<16xf32>
        %mul3A_232 = arith.mulf %sub3A_225, %sub3A_225 : vector<16xf32>
        %mul3A_233 = arith.mulf %sub3A_228, %sub3A_228 : vector<16xf32>
        %add3A_234 = arith.addf %mul3A_232, %mul3A_233 : vector<16xf32>
        %mul3A_235 = arith.mulf %sub3A_231, %sub3A_231 : vector<16xf32>
        %add3A_236 = arith.addf %add3A_234, %mul3A_235 : vector<16xf32>
        %lt3A_237 = arith.constant 4.000000e-02 : f32
        %lt3A_238 = vector.broadcast %lt3A_237 : f32 to vector<16xf32>
        %lt3A_239 = arith.cmpf olt, %add3A_236, %lt3A_238 : vector<16xf32>
        %convert_element_type3A_240 = arith.extui %lt3A_239 : vector<16xi1> to vector<16xi32>
        %broadcast_in_dim3A_241 = arith.constant true
        %broadcast_in_dim3A_242 = vector.broadcast %broadcast_in_dim3A_241 : i1 to vector<16xi1>
        %masked_cumsum3A_243 = tpu.scan <sum>, %convert_element_type3A_240 masked %broadcast_in_dim3A_242 : vector<16xi32>, vector<16xi1> -> vector<16xi32>
        %add3A_244 = arith.constant 80 : i32
        %add3A_245 = arith.addi %mul3A_131, %add3A_244 : i32
        %get3A_246 = arith.index_cast %add3A_245 : i32 to index
        %get3A_247 = tpu.vector_load %arg7[%get3A_246] {strides = array<i32>} : memref<2048xf32, #tpu.memory_space<vmem>>, vector<16xf32>,
        %sub3A_248 = arith.subf %get3A_247, %gather3A : vector<16xf32>
        %get3A_249 = arith.index_cast %add3A_245 : i32 to index
        %get3A_250 = tpu.vector_load %arg8[%get3A_249] {strides = array<i32>} : memref<2048xf32, #tpu.memory_space<vmem>>, vector<16xf32>,
        %sub3A_251 = arith.subf %get3A_250, %gather3A_65 : vector<16xf32>
        %get3A_252 = arith.index_cast %add3A_245 : i32 to index
        %get3A_253 = tpu.vector_load %arg9[%get3A_252] {strides = array<i32>} : memref<2048xf32, #tpu.memory_space<vmem>>, vector<16xf32>,
        %sub3A_254 = arith.subf %get3A_253, %gather3A_66 : vector<16xf32>
        %mul3A_255 = arith.mulf %sub3A_248, %sub3A_248 : vector<16xf32>
        %mul3A_256 = arith.mulf %sub3A_251, %sub3A_251 : vector<16xf32>
        %add3A_257 = arith.addf %mul3A_255, %mul3A_256 : vector<16xf32>
        %mul3A_258 = arith.mulf %sub3A_254, %sub3A_254 : vector<16xf32>
        %add3A_259 = arith.addf %add3A_257, %mul3A_258 : vector<16xf32>
        %lt3A_260 = arith.constant 4.000000e-02 : f32
        %lt3A_261 = vector.broadcast %lt3A_260 : f32 to vector<16xf32>
        %lt3A_262 = arith.cmpf olt, %add3A_259, %lt3A_261 : vector<16xf32>
        %convert_element_type3A_263 = arith.extui %lt3A_262 : vector<16xi1> to vector<16xi32>
        %broadcast_in_dim3A_264 = arith.constant true
        %broadcast_in_dim3A_265 = vector.broadcast %broadcast_in_dim3A_264 : i1 to vector<16xi1>
        %masked_cumsum3A_266 = tpu.scan <sum>, %convert_element_type3A_263 masked %broadcast_in_dim3A_265 : vector<16xi32>, vector<16xi1> -> vector<16xi32>
        %add3A_267 = arith.constant 96 : i32
        %add3A_268 = arith.addi %mul3A_131, %add3A_267 : i32
        %get3A_269 = arith.index_cast %add3A_268 : i32 to index
        %get3A_270 = tpu.vector_load %arg7[%get3A_269] {strides = array<i32>} : memref<2048xf32, #tpu.memory_space<vmem>>, vector<16xf32>,
        %sub3A_271 = arith.subf %get3A_270, %gather3A : vector<16xf32>
        %get3A_272 = arith.index_cast %add3A_268 : i32 to index
        %get3A_273 = tpu.vector_load %arg8[%get3A_272] {strides = array<i32>} : memref<2048xf32, #tpu.memory_space<vmem>>, vector<16xf32>,
        %sub3A_274 = arith.subf %get3A_273, %gather3A_65 : vector<16xf32>
        %get3A_275 = arith.index_cast %add3A_268 : i32 to index
        %get3A_276 = tpu.vector_load %arg9[%get3A_275] {strides = array<i32>} : memref<2048xf32, #tpu.memory_space<vmem>>, vector<16xf32>,
        %sub3A_277 = arith.subf %get3A_276, %gather3A_66 : vector<16xf32>
        %mul3A_278 = arith.mulf %sub3A_271, %sub3A_271 : vector<16xf32>
        %mul3A_279 = arith.mulf %sub3A_274, %sub3A_274 : vector<16xf32>
        %add3A_280 = arith.addf %mul3A_278, %mul3A_279 : vector<16xf32>
        %mul3A_281 = arith.mulf %sub3A_277, %sub3A_277 : vector<16xf32>
        %add3A_282 = arith.addf %add3A_280, %mul3A_281 : vector<16xf32>
        %lt3A_283 = arith.constant 4.000000e-02 : f32
        %lt3A_284 = vector.broadcast %lt3A_283 : f32 to vector<16xf32>
        %lt3A_285 = arith.cmpf olt, %add3A_282, %lt3A_284 : vector<16xf32>
        %convert_element_type3A_286 = arith.extui %lt3A_285 : vector<16xi1> to vector<16xi32>
        %broadcast_in_dim3A_287 = arith.constant true
        %broadcast_in_dim3A_288 = vector.broadcast %broadcast_in_dim3A_287 : i1 to vector<16xi1>
        %masked_cumsum3A_289 = tpu.scan <sum>, %convert_element_type3A_286 masked %broadcast_in_dim3A_288 : vector<16xi32>, vector<16xi1> -> vector<16xi32>
        %add3A_290 = arith.constant 112 : i32
        %add3A_291 = arith.addi %mul3A_131, %add3A_290 : i32
        %get3A_292 = arith.index_cast %add3A_291 : i32 to index
        %get3A_293 = tpu.vector_load %arg7[%get3A_292] {strides = array<i32>} : memref<2048xf32, #tpu.memory_space<vmem>>, vector<16xf32>,
        %sub3A_294 = arith.subf %get3A_293, %gather3A : vector<16xf32>
        %get3A_295 = arith.index_cast %add3A_291 : i32 to index
        %get3A_296 = tpu.vector_load %arg8[%get3A_295] {strides = array<i32>} : memref<2048xf32, #tpu.memory_space<vmem>>, vector<16xf32>,
        %sub3A_297 = arith.subf %get3A_296, %gather3A_65 : vector<16xf32>
        %get3A_298 = arith.index_cast %add3A_291 : i32 to index
        %get3A_299 = tpu.vector_load %arg9[%get3A_298] {strides = array<i32>} : memref<2048xf32, #tpu.memory_space<vmem>>, vector<16xf32>,
        %sub3A_300 = arith.subf %get3A_299, %gather3A_66 : vector<16xf32>
        %mul3A_301 = arith.mulf %sub3A_294, %sub3A_294 : vector<16xf32>
        %mul3A_302 = arith.mulf %sub3A_297, %sub3A_297 : vector<16xf32>
        %add3A_303 = arith.addf %mul3A_301, %mul3A_302 : vector<16xf32>
        %mul3A_304 = arith.mulf %sub3A_300, %sub3A_300 : vector<16xf32>
        %add3A_305 = arith.addf %add3A_303, %mul3A_304 : vector<16xf32>
        %lt3A_306 = arith.constant 4.000000e-02 : f32
        %lt3A_307 = vector.broadcast %lt3A_306 : f32 to vector<16xf32>
        %lt3A_308 = arith.cmpf olt, %add3A_305, %lt3A_307 : vector<16xf32>
        %convert_element_type3A_309 = arith.extui %lt3A_308 : vector<16xi1> to vector<16xi32>
        %broadcast_in_dim3A_310 = arith.constant true
        %broadcast_in_dim3A_311 = vector.broadcast %broadcast_in_dim3A_310 : i1 to vector<16xi1>
        %masked_cumsum3A_312 = tpu.scan <sum>, %convert_element_type3A_309 masked %broadcast_in_dim3A_311 : vector<16xi32>, vector<16xi1> -> vector<16xi32>
        %add3A_313 = arith.constant 128 : i32
        %add3A_314 = arith.addi %mul3A_131, %add3A_313 : i32
        %get3A_315 = arith.index_cast %add3A_314 : i32 to index
        %get3A_316 = tpu.vector_load %arg7[%get3A_315] {strides = array<i32>} : memref<2048xf32, #tpu.memory_space<vmem>>, vector<16xf32>,
        %sub3A_317 = arith.subf %get3A_316, %gather3A : vector<16xf32>
        %get3A_318 = arith.index_cast %add3A_314 : i32 to index
        %get3A_319 = tpu.vector_load %arg8[%get3A_318] {strides = array<i32>} : memref<2048xf32, #tpu.memory_space<vmem>>, vector<16xf32>,
        %sub3A_320 = arith.subf %get3A_319, %gather3A_65 : vector<16xf32>
        %get3A_321 = arith.index_cast %add3A_314 : i32 to index
        %get3A_322 = tpu.vector_load %arg9[%get3A_321] {strides = array<i32>} : memref<2048xf32, #tpu.memory_space<vmem>>, vector<16xf32>,
        %sub3A_323 = arith.subf %get3A_322, %gather3A_66 : vector<16xf32>
        %mul3A_324 = arith.mulf %sub3A_317, %sub3A_317 : vector<16xf32>
        %mul3A_325 = arith.mulf %sub3A_320, %sub3A_320 : vector<16xf32>
        %add3A_326 = arith.addf %mul3A_324, %mul3A_325 : vector<16xf32>
        %mul3A_327 = arith.mulf %sub3A_323, %sub3A_323 : vector<16xf32>
        %add3A_328 = arith.addf %add3A_326, %mul3A_327 : vector<16xf32>
        %lt3A_329 = arith.constant 4.000000e-02 : f32
        %lt3A_330 = vector.broadcast %lt3A_329 : f32 to vector<16xf32>
        %lt3A_331 = arith.cmpf olt, %add3A_328, %lt3A_330 : vector<16xf32>
        %convert_element_type3A_332 = arith.extui %lt3A_331 : vector<16xi1> to vector<16xi32>
        %broadcast_in_dim3A_333 = arith.constant true
        %broadcast_in_dim3A_334 = vector.broadcast %broadcast_in_dim3A_333 : i1 to vector<16xi1>
        %masked_cumsum3A_335 = tpu.scan <sum>, %convert_element_type3A_332 masked %broadcast_in_dim3A_334 : vector<16xi32>, vector<16xi1> -> vector<16xi32>
        %add3A_336 = arith.constant 144 : i32
        %add3A_337 = arith.addi %mul3A_131, %add3A_336 : i32
        %get3A_338 = arith.index_cast %add3A_337 : i32 to index
        %get3A_339 = tpu.vector_load %arg7[%get3A_338] {strides = array<i32>} : memref<2048xf32, #tpu.memory_space<vmem>>, vector<16xf32>,
        %sub3A_340 = arith.subf %get3A_339, %gather3A : vector<16xf32>
        %get3A_341 = arith.index_cast %add3A_337 : i32 to index
        %get3A_342 = tpu.vector_load %arg8[%get3A_341] {strides = array<i32>} : memref<2048xf32, #tpu.memory_space<vmem>>, vector<16xf32>,
        %sub3A_343 = arith.subf %get3A_342, %gather3A_65 : vector<16xf32>
        %get3A_344 = arith.index_cast %add3A_337 : i32 to index
        %get3A_345 = tpu.vector_load %arg9[%get3A_344] {strides = array<i32>} : memref<2048xf32, #tpu.memory_space<vmem>>, vector<16xf32>,
        %sub3A_346 = arith.subf %get3A_345, %gather3A_66 : vector<16xf32>
        %mul3A_347 = arith.mulf %sub3A_340, %sub3A_340 : vector<16xf32>
        %mul3A_348 = arith.mulf %sub3A_343, %sub3A_343 : vector<16xf32>
        %add3A_349 = arith.addf %mul3A_347, %mul3A_348 : vector<16xf32>
        %mul3A_350 = arith.mulf %sub3A_346, %sub3A_346 : vector<16xf32>
        %add3A_351 = arith.addf %add3A_349, %mul3A_350 : vector<16xf32>
        %lt3A_352 = arith.constant 4.000000e-02 : f32
        %lt3A_353 = vector.broadcast %lt3A_352 : f32 to vector<16xf32>
        %lt3A_354 = arith.cmpf olt, %add3A_351, %lt3A_353 : vector<16xf32>
        %convert_element_type3A_355 = arith.extui %lt3A_354 : vector<16xi1> to vector<16xi32>
        %broadcast_in_dim3A_356 = arith.constant true
        %broadcast_in_dim3A_357 = vector.broadcast %broadcast_in_dim3A_356 : i1 to vector<16xi1>
        %masked_cumsum3A_358 = tpu.scan <sum>, %convert_element_type3A_355 masked %broadcast_in_dim3A_357 : vector<16xi32>, vector<16xi1> -> vector<16xi32>
        %add3A_359 = arith.constant 160 : i32
        %add3A_360 = arith.addi %mul3A_131, %add3A_359 : i32
        %get3A_361 = arith.index_cast %add3A_360 : i32 to index
        %get3A_362 = tpu.vector_load %arg7[%get3A_361] {strides = array<i32>} : memref<2048xf32, #tpu.memory_space<vmem>>, vector<16xf32>,
        %sub3A_363 = arith.subf %get3A_362, %gather3A : vector<16xf32>
        %get3A_364 = arith.index_cast %add3A_360 : i32 to index
        %get3A_365 = tpu.vector_load %arg8[%get3A_364] {strides = array<i32>} : memref<2048xf32, #tpu.memory_space<vmem>>, vector<16xf32>,
        %sub3A_366 = arith.subf %get3A_365, %gather3A_65 : vector<16xf32>
        %get3A_367 = arith.index_cast %add3A_360 : i32 to index
        %get3A_368 = tpu.vector_load %arg9[%get3A_367] {strides = array<i32>} : memref<2048xf32, #tpu.memory_space<vmem>>, vector<16xf32>,
        %sub3A_369 = arith.subf %get3A_368, %gather3A_66 : vector<16xf32>
        %mul3A_370 = arith.mulf %sub3A_363, %sub3A_363 : vector<16xf32>
        %mul3A_371 = arith.mulf %sub3A_366, %sub3A_366 : vector<16xf32>
        %add3A_372 = arith.addf %mul3A_370, %mul3A_371 : vector<16xf32>
        %mul3A_373 = arith.mulf %sub3A_369, %sub3A_369 : vector<16xf32>
        %add3A_374 = arith.addf %add3A_372, %mul3A_373 : vector<16xf32>
        %lt3A_375 = arith.constant 4.000000e-02 : f32
        %lt3A_376 = vector.broadcast %lt3A_375 : f32 to vector<16xf32>
        %lt3A_377 = arith.cmpf olt, %add3A_374, %lt3A_376 : vector<16xf32>
        %convert_element_type3A_378 = arith.extui %lt3A_377 : vector<16xi1> to vector<16xi32>
        %broadcast_in_dim3A_379 = arith.constant true
        %broadcast_in_dim3A_380 = vector.broadcast %broadcast_in_dim3A_379 : i1 to vector<16xi1>
        %masked_cumsum3A_381 = tpu.scan <sum>, %convert_element_type3A_378 masked %broadcast_in_dim3A_380 : vector<16xi32>, vector<16xi1> -> vector<16xi32>
        %add3A_382 = arith.constant 176 : i32
        %add3A_383 = arith.addi %mul3A_131, %add3A_382 : i32
        %get3A_384 = arith.index_cast %add3A_383 : i32 to index
        %get3A_385 = tpu.vector_load %arg7[%get3A_384] {strides = array<i32>} : memref<2048xf32, #tpu.memory_space<vmem>>, vector<16xf32>,
        %sub3A_386 = arith.subf %get3A_385, %gather3A : vector<16xf32>
        %get3A_387 = arith.index_cast %add3A_383 : i32 to index
        %get3A_388 = tpu.vector_load %arg8[%get3A_387] {strides = array<i32>} : memref<2048xf32, #tpu.memory_space<vmem>>, vector<16xf32>,
        %sub3A_389 = arith.subf %get3A_388, %gather3A_65 : vector<16xf32>
        %get3A_390 = arith.index_cast %add3A_383 : i32 to index
        %get3A_391 = tpu.vector_load %arg9[%get3A_390] {strides = array<i32>} : memref<2048xf32, #tpu.memory_space<vmem>>, vector<16xf32>,
        %sub3A_392 = arith.subf %get3A_391, %gather3A_66 : vector<16xf32>
        %mul3A_393 = arith.mulf %sub3A_386, %sub3A_386 : vector<16xf32>
        %mul3A_394 = arith.mulf %sub3A_389, %sub3A_389 : vector<16xf32>
        %add3A_395 = arith.addf %mul3A_393, %mul3A_394 : vector<16xf32>
        %mul3A_396 = arith.mulf %sub3A_392, %sub3A_392 : vector<16xf32>
        %add3A_397 = arith.addf %add3A_395, %mul3A_396 : vector<16xf32>
        %lt3A_398 = arith.constant 4.000000e-02 : f32
        %lt3A_399 = vector.broadcast %lt3A_398 : f32 to vector<16xf32>
        %lt3A_400 = arith.cmpf olt, %add3A_397, %lt3A_399 : vector<16xf32>
        %convert_element_type3A_401 = arith.extui %lt3A_400 : vector<16xi1> to vector<16xi32>
        %broadcast_in_dim3A_402 = arith.constant true
        %broadcast_in_dim3A_403 = vector.broadcast %broadcast_in_dim3A_402 : i1 to vector<16xi1>
        %masked_cumsum3A_404 = tpu.scan <sum>, %convert_element_type3A_401 masked %broadcast_in_dim3A_403 : vector<16xi32>, vector<16xi1> -> vector<16xi32>
        %add3A_405 = arith.constant 192 : i32
        %add3A_406 = arith.addi %mul3A_131, %add3A_405 : i32
        %get3A_407 = arith.index_cast %add3A_406 : i32 to index
        %get3A_408 = tpu.vector_load %arg7[%get3A_407] {strides = array<i32>} : memref<2048xf32, #tpu.memory_space<vmem>>, vector<16xf32>,
        %sub3A_409 = arith.subf %get3A_408, %gather3A : vector<16xf32>
        %get3A_410 = arith.index_cast %add3A_406 : i32 to index
        %get3A_411 = tpu.vector_load %arg8[%get3A_410] {strides = array<i32>} : memref<2048xf32, #tpu.memory_space<vmem>>, vector<16xf32>,
        %sub3A_412 = arith.subf %get3A_411, %gather3A_65 : vector<16xf32>
        %get3A_413 = arith.index_cast %add3A_406 : i32 to index
        %get3A_414 = tpu.vector_load %arg9[%get3A_413] {strides = array<i32>} : memref<2048xf32, #tpu.memory_space<vmem>>, vector<16xf32>,
        %sub3A_415 = arith.subf %get3A_414, %gather3A_66 : vector<16xf32>
        %mul3A_416 = arith.mulf %sub3A_409, %sub3A_409 : vector<16xf32>
        %mul3A_417 = arith.mulf %sub3A_412, %sub3A_412 : vector<16xf32>
        %add3A_418 = arith.addf %mul3A_416, %mul3A_417 : vector<16xf32>
        %mul3A_419 = arith.mulf %sub3A_415, %sub3A_415 : vector<16xf32>
        %add3A_420 = arith.addf %add3A_418, %mul3A_419 : vector<16xf32>
        %lt3A_421 = arith.constant 4.000000e-02 : f32
        %lt3A_422 = vector.broadcast %lt3A_421 : f32 to vector<16xf32>
        %lt3A_423 = arith.cmpf olt, %add3A_420, %lt3A_422 : vector<16xf32>
        %convert_element_type3A_424 = arith.extui %lt3A_423 : vector<16xi1> to vector<16xi32>
        %broadcast_in_dim3A_425 = arith.constant true
        %broadcast_in_dim3A_426 = vector.broadcast %broadcast_in_dim3A_425 : i1 to vector<16xi1>
        %masked_cumsum3A_427 = tpu.scan <sum>, %convert_element_type3A_424 masked %broadcast_in_dim3A_426 : vector<16xi32>, vector<16xi1> -> vector<16xi32>
        %add3A_428 = arith.constant 208 : i32
        %add3A_429 = arith.addi %mul3A_131, %add3A_428 : i32
        %get3A_430 = arith.index_cast %add3A_429 : i32 to index
        %get3A_431 = tpu.vector_load %arg7[%get3A_430] {strides = array<i32>} : memref<2048xf32, #tpu.memory_space<vmem>>, vector<16xf32>,
        %sub3A_432 = arith.subf %get3A_431, %gather3A : vector<16xf32>
        %get3A_433 = arith.index_cast %add3A_429 : i32 to index
        %get3A_434 = tpu.vector_load %arg8[%get3A_433] {strides = array<i32>} : memref<2048xf32, #tpu.memory_space<vmem>>, vector<16xf32>,
        %sub3A_435 = arith.subf %get3A_434, %gather3A_65 : vector<16xf32>
        %get3A_436 = arith.index_cast %add3A_429 : i32 to index
        %get3A_437 = tpu.vector_load %arg9[%get3A_436] {strides = array<i32>} : memref<2048xf32, #tpu.memory_space<vmem>>, vector<16xf32>,
        %sub3A_438 = arith.subf %get3A_437, %gather3A_66 : vector<16xf32>
        %mul3A_439 = arith.mulf %sub3A_432, %sub3A_432 : vector<16xf32>
        %mul3A_440 = arith.mulf %sub3A_435, %sub3A_435 : vector<16xf32>
        %add3A_441 = arith.addf %mul3A_439, %mul3A_440 : vector<16xf32>
        %mul3A_442 = arith.mulf %sub3A_438, %sub3A_438 : vector<16xf32>
        %add3A_443 = arith.addf %add3A_441, %mul3A_442 : vector<16xf32>
        %lt3A_444 = arith.constant 4.000000e-02 : f32
        %lt3A_445 = vector.broadcast %lt3A_444 : f32 to vector<16xf32>
        %lt3A_446 = arith.cmpf olt, %add3A_443, %lt3A_445 : vector<16xf32>
        %convert_element_type3A_447 = arith.extui %lt3A_446 : vector<16xi1> to vector<16xi32>
        %broadcast_in_dim3A_448 = arith.constant true
        %broadcast_in_dim3A_449 = vector.broadcast %broadcast_in_dim3A_448 : i1 to vector<16xi1>
        %masked_cumsum3A_450 = tpu.scan <sum>, %convert_element_type3A_447 masked %broadcast_in_dim3A_449 : vector<16xi32>, vector<16xi1> -> vector<16xi32>
        %add3A_451 = arith.constant 224 : i32
        %add3A_452 = arith.addi %mul3A_131, %add3A_451 : i32
        %get3A_453 = arith.index_cast %add3A_452 : i32 to index
        %get3A_454 = tpu.vector_load %arg7[%get3A_453] {strides = array<i32>} : memref<2048xf32, #tpu.memory_space<vmem>>, vector<16xf32>,
        %sub3A_455 = arith.subf %get3A_454, %gather3A : vector<16xf32>
        %get3A_456 = arith.index_cast %add3A_452 : i32 to index
        %get3A_457 = tpu.vector_load %arg8[%get3A_456] {strides = array<i32>} : memref<2048xf32, #tpu.memory_space<vmem>>, vector<16xf32>,
        %sub3A_458 = arith.subf %get3A_457, %gather3A_65 : vector<16xf32>
        %get3A_459 = arith.index_cast %add3A_452 : i32 to index
        %get3A_460 = tpu.vector_load %arg9[%get3A_459] {strides = array<i32>} : memref<2048xf32, #tpu.memory_space<vmem>>, vector<16xf32>,
        %sub3A_461 = arith.subf %get3A_460, %gather3A_66 : vector<16xf32>
        %mul3A_462 = arith.mulf %sub3A_455, %sub3A_455 : vector<16xf32>
        %mul3A_463 = arith.mulf %sub3A_458, %sub3A_458 : vector<16xf32>
        %add3A_464 = arith.addf %mul3A_462, %mul3A_463 : vector<16xf32>
        %mul3A_465 = arith.mulf %sub3A_461, %sub3A_461 : vector<16xf32>
        %add3A_466 = arith.addf %add3A_464, %mul3A_465 : vector<16xf32>
        %lt3A_467 = arith.constant 4.000000e-02 : f32
        %lt3A_468 = vector.broadcast %lt3A_467 : f32 to vector<16xf32>
        %lt3A_469 = arith.cmpf olt, %add3A_466, %lt3A_468 : vector<16xf32>
        %convert_element_type3A_470 = arith.extui %lt3A_469 : vector<16xi1> to vector<16xi32>
        %broadcast_in_dim3A_471 = arith.constant true
        %broadcast_in_dim3A_472 = vector.broadcast %broadcast_in_dim3A_471 : i1 to vector<16xi1>
        %masked_cumsum3A_473 = tpu.scan <sum>, %convert_element_type3A_470 masked %broadcast_in_dim3A_472 : vector<16xi32>, vector<16xi1> -> vector<16xi32>
        %add3A_474 = arith.constant 240 : i32
        %add3A_475 = arith.addi %mul3A_131, %add3A_474 : i32
        %get3A_476 = arith.index_cast %add3A_475 : i32 to index
        %get3A_477 = tpu.vector_load %arg7[%get3A_476] {strides = array<i32>} : memref<2048xf32, #tpu.memory_space<vmem>>, vector<16xf32>,
        %sub3A_478 = arith.subf %get3A_477, %gather3A : vector<16xf32>
        %get3A_479 = arith.index_cast %add3A_475 : i32 to index
        %get3A_480 = tpu.vector_load %arg8[%get3A_479] {strides = array<i32>} : memref<2048xf32, #tpu.memory_space<vmem>>, vector<16xf32>,
        %sub3A_481 = arith.subf %get3A_480, %gather3A_65 : vector<16xf32>
        %get3A_482 = arith.index_cast %add3A_475 : i32 to index
        %get3A_483 = tpu.vector_load %arg9[%get3A_482] {strides = array<i32>} : memref<2048xf32, #tpu.memory_space<vmem>>, vector<16xf32>,
        %sub3A_484 = arith.subf %get3A_483, %gather3A_66 : vector<16xf32>
        %mul3A_485 = arith.mulf %sub3A_478, %sub3A_478 : vector<16xf32>
        %mul3A_486 = arith.mulf %sub3A_481, %sub3A_481 : vector<16xf32>
        %add3A_487 = arith.addf %mul3A_485, %mul3A_486 : vector<16xf32>
        %mul3A_488 = arith.mulf %sub3A_484, %sub3A_484 : vector<16xf32>
        %add3A_489 = arith.addf %add3A_487, %mul3A_488 : vector<16xf32>
        %lt3A_490 = arith.constant 4.000000e-02 : f32
        %lt3A_491 = vector.broadcast %lt3A_490 : f32 to vector<16xf32>
        %lt3A_492 = arith.cmpf olt, %add3A_489, %lt3A_491 : vector<16xf32>
        %convert_element_type3A_493 = arith.extui %lt3A_492 : vector<16xi1> to vector<16xi32>
        %broadcast_in_dim3A_494 = arith.constant true
        %broadcast_in_dim3A_495 = vector.broadcast %broadcast_in_dim3A_494 : i1 to vector<16xi1>
        %masked_cumsum3A_496 = tpu.scan <sum>, %convert_element_type3A_493 masked %broadcast_in_dim3A_495 : vector<16xi32>, vector<16xi1> -> vector<16xi32>
        %slice3A = vector.extract_strided_slice %masked_cumsum3A {offsets = [15], sizes = [1], strides = [1]} : vector<16xi32> to vector<1xi32>
        %squeeze3A = vector.extract %slice3A[0] : i32 from vector<1xi32>
        %add3A_497 = arith.addi %while3A_129, %squeeze3A : i32
        %slice3A_498 = vector.extract_strided_slice %masked_cumsum3A_174 {offsets = [15], sizes = [1], strides = [1]} : vector<16xi32> to vector<1xi32>
        %squeeze3A_499 = vector.extract %slice3A_498[0] : i32 from vector<1xi32>
        %add3A_500 = arith.addi %add3A_497, %squeeze3A_499 : i32
        %slice3A_501 = vector.extract_strided_slice %masked_cumsum3A_197 {offsets = [15], sizes = [1], strides = [1]} : vector<16xi32> to vector<1xi32>
        %squeeze3A_502 = vector.extract %slice3A_501[0] : i32 from vector<1xi32>
        %add3A_503 = arith.addi %add3A_500, %squeeze3A_502 : i32
        %slice3A_504 = vector.extract_strided_slice %masked_cumsum3A_220 {offsets = [15], sizes = [1], strides = [1]} : vector<16xi32> to vector<1xi32>
        %squeeze3A_505 = vector.extract %slice3A_504[0] : i32 from vector<1xi32>
        %add3A_506 = arith.addi %add3A_503, %squeeze3A_505 : i32
        %slice3A_507 = vector.extract_strided_slice %masked_cumsum3A_243 {offsets = [15], sizes = [1], strides = [1]} : vector<16xi32> to vector<1xi32>
        %squeeze3A_508 = vector.extract %slice3A_507[0] : i32 from vector<1xi32>
        %add3A_509 = arith.addi %add3A_506, %squeeze3A_508 : i32
        %slice3A_510 = vector.extract_strided_slice %masked_cumsum3A_266 {offsets = [15], sizes = [1], strides = [1]} : vector<16xi32> to vector<1xi32>
        %squeeze3A_511 = vector.extract %slice3A_510[0] : i32 from vector<1xi32>
        %add3A_512 = arith.addi %add3A_509, %squeeze3A_511 : i32
        %slice3A_513 = vector.extract_strided_slice %masked_cumsum3A_289 {offsets = [15], sizes = [1], strides = [1]} : vector<16xi32> to vector<1xi32>
        %squeeze3A_514 = vector.extract %slice3A_513[0] : i32 from vector<1xi32>
        %add3A_515 = arith.addi %add3A_512, %squeeze3A_514 : i32
        %slice3A_516 = vector.extract_strided_slice %masked_cumsum3A_312 {offsets = [15], sizes = [1], strides = [1]} : vector<16xi32> to vector<1xi32>
        %squeeze3A_517 = vector.extract %slice3A_516[0] : i32 from vector<1xi32>
        %add3A_518 = arith.addi %add3A_515, %squeeze3A_517 : i32
        %slice3A_519 = vector.extract_strided_slice %masked_cumsum3A_335 {offsets = [15], sizes = [1], strides = [1]} : vector<16xi32> to vector<1xi32>
        %squeeze3A_520 = vector.extract %slice3A_519[0] : i32 from vector<1xi32>
        %add3A_521 = arith.addi %add3A_518, %squeeze3A_520 : i32
        %slice3A_522 = vector.extract_strided_slice %masked_cumsum3A_358 {offsets = [15], sizes = [1], strides = [1]} : vector<16xi32> to vector<1xi32>
        %squeeze3A_523 = vector.extract %slice3A_522[0] : i32 from vector<1xi32>
        %add3A_524 = arith.addi %add3A_521, %squeeze3A_523 : i32
        %slice3A_525 = vector.extract_strided_slice %masked_cumsum3A_381 {offsets = [15], sizes = [1], strides = [1]} : vector<16xi32> to vector<1xi32>
        %squeeze3A_526 = vector.extract %slice3A_525[0] : i32 from vector<1xi32>
        %add3A_527 = arith.addi %add3A_524, %squeeze3A_526 : i32
        %slice3A_528 = vector.extract_strided_slice %masked_cumsum3A_404 {offsets = [15], sizes = [1], strides = [1]} : vector<16xi32> to vector<1xi32>
        %squeeze3A_529 = vector.extract %slice3A_528[0] : i32 from vector<1xi32>
        %add3A_530 = arith.addi %add3A_527, %squeeze3A_529 : i32
        %slice3A_531 = vector.extract_strided_slice %masked_cumsum3A_427 {offsets = [15], sizes = [1], strides = [1]} : vector<16xi32> to vector<1xi32>
        %squeeze3A_532 = vector.extract %slice3A_531[0] : i32 from vector<1xi32>
        %add3A_533 = arith.addi %add3A_530, %squeeze3A_532 : i32
        %slice3A_534 = vector.extract_strided_slice %masked_cumsum3A_450 {offsets = [15], sizes = [1], strides = [1]} : vector<16xi32> to vector<1xi32>
        %squeeze3A_535 = vector.extract %slice3A_534[0] : i32 from vector<1xi32>
        %add3A_536 = arith.addi %add3A_533, %squeeze3A_535 : i32
        %slice3A_537 = vector.extract_strided_slice %masked_cumsum3A_473 {offsets = [15], sizes = [1], strides = [1]} : vector<16xi32> to vector<1xi32>
        %squeeze3A_538 = vector.extract %slice3A_537[0] : i32 from vector<1xi32>
        %add3A_539 = arith.addi %add3A_536, %squeeze3A_538 : i32
        %slice3A_540 = vector.extract_strided_slice %masked_cumsum3A_496 {offsets = [15], sizes = [1], strides = [1]} : vector<16xi32> to vector<1xi32>
        %squeeze3A_541 = vector.extract %slice3A_540[0] : i32 from vector<1xi32>
        %add3A_542 = arith.addi %add3A_539, %squeeze3A_541 : i32
        %add3A_543 = arith.constant 0 : i32
        %add3A_544 = arith.addi %mul3A_131, %add3A_543 : i32
        %min3A_545 = arith.constant 32 : i32
        %min3A_546 = arith.minsi %while3A_129, %min3A_545 : i32
        %sub3A_547 = arith.subi %masked_cumsum3A, %convert_element_type3A : vector<16xi32>
        %add3A_548 = vector.broadcast %min3A_546 : i32 to vector<16xi32>
        %add3A_549 = arith.addi %add3A_548, %sub3A_547 : vector<16xi32>
        %add3A_550 = vector.broadcast %add3A_544 : i32 to vector<16xi32>
        %add3A_551 = arith.addi %add3A_550, %iota3A : vector<16xi32>
        tpu.vector_store_idx %arg13[%add3A_549], %add3A_551 masked %lt3A_149 : memref<48xi32, #tpu.memory_space<vmem>>[vector<16xi32>], vector<16xi32>, vector<16xi1>
        %add3A_552 = arith.constant 16 : i32
        %add3A_553 = arith.addi %mul3A_131, %add3A_552 : i32
        %min3A_554 = arith.constant 32 : i32
        %min3A_555 = arith.minsi %add3A_497, %min3A_554 : i32
        %sub3A_556 = arith.subi %masked_cumsum3A_174, %convert_element_type3A_171 : vector<16xi32>
        %add3A_557 = vector.broadcast %min3A_555 : i32 to vector<16xi32>
        %add3A_558 = arith.addi %add3A_557, %sub3A_556 : vector<16xi32>
        %add3A_559 = vector.broadcast %add3A_553 : i32 to vector<16xi32>
        %add3A_560 = arith.addi %add3A_559, %iota3A : vector<16xi32>
        tpu.vector_store_idx %arg13[%add3A_558], %add3A_560 masked %lt3A_170 : memref<48xi32, #tpu.memory_space<vmem>>[vector<16xi32>], vector<16xi32>, vector<16xi1>
        %add3A_561 = arith.constant 32 : i32
        %add3A_562 = arith.addi %mul3A_131, %add3A_561 : i32
        %min3A_563 = arith.constant 32 : i32
        %min3A_564 = arith.minsi %add3A_500, %min3A_563 : i32
        %sub3A_565 = arith.subi %masked_cumsum3A_197, %convert_element_type3A_194 : vector<16xi32>
        %add3A_566 = vector.broadcast %min3A_564 : i32 to vector<16xi32>
        %add3A_567 = arith.addi %add3A_566, %sub3A_565 : vector<16xi32>
        %add3A_568 = vector.broadcast %add3A_562 : i32 to vector<16xi32>
        %add3A_569 = arith.addi %add3A_568, %iota3A : vector<16xi32>
        tpu.vector_store_idx %arg13[%add3A_567], %add3A_569 masked %lt3A_193 : memref<48xi32, #tpu.memory_space<vmem>>[vector<16xi32>], vector<16xi32>, vector<16xi1>
        %add3A_570 = arith.constant 48 : i32
        %add3A_571 = arith.addi %mul3A_131, %add3A_570 : i32
        %min3A_572 = arith.constant 32 : i32
        %min3A_573 = arith.minsi %add3A_503, %min3A_572 : i32
        %sub3A_574 = arith.subi %masked_cumsum3A_220, %convert_element_type3A_217 : vector<16xi32>
        %add3A_575 = vector.broadcast %min3A_573 : i32 to vector<16xi32>
        %add3A_576 = arith.addi %add3A_575, %sub3A_574 : vector<16xi32>
        %add3A_577 = vector.broadcast %add3A_571 : i32 to vector<16xi32>
        %add3A_578 = arith.addi %add3A_577, %iota3A : vector<16xi32>
        tpu.vector_store_idx %arg13[%add3A_576], %add3A_578 masked %lt3A_216 : memref<48xi32, #tpu.memory_space<vmem>>[vector<16xi32>], vector<16xi32>, vector<16xi1>
        %add3A_579 = arith.constant 64 : i32
        %add3A_580 = arith.addi %mul3A_131, %add3A_579 : i32
        %min3A_581 = arith.constant 32 : i32
        %min3A_582 = arith.minsi %add3A_506, %min3A_581 : i32
        %sub3A_583 = arith.subi %masked_cumsum3A_243, %convert_element_type3A_240 : vector<16xi32>
        %add3A_584 = vector.broadcast %min3A_582 : i32 to vector<16xi32>
        %add3A_585 = arith.addi %add3A_584, %sub3A_583 : vector<16xi32>
        %add3A_586 = vector.broadcast %add3A_580 : i32 to vector<16xi32>
        %add3A_587 = arith.addi %add3A_586, %iota3A : vector<16xi32>
        tpu.vector_store_idx %arg13[%add3A_585], %add3A_587 masked %lt3A_239 : memref<48xi32, #tpu.memory_space<vmem>>[vector<16xi32>], vector<16xi32>, vector<16xi1>
        %add3A_588 = arith.constant 80 : i32
        %add3A_589 = arith.addi %mul3A_131, %add3A_588 : i32
        %min3A_590 = arith.constant 32 : i32
        %min3A_591 = arith.minsi %add3A_509, %min3A_590 : i32
        %sub3A_592 = arith.subi %masked_cumsum3A_266, %convert_element_type3A_263 : vector<16xi32>
        %add3A_593 = vector.broadcast %min3A_591 : i32 to vector<16xi32>
        %add3A_594 = arith.addi %add3A_593, %sub3A_592 : vector<16xi32>
        %add3A_595 = vector.broadcast %add3A_589 : i32 to vector<16xi32>
        %add3A_596 = arith.addi %add3A_595, %iota3A : vector<16xi32>
        tpu.vector_store_idx %arg13[%add3A_594], %add3A_596 masked %lt3A_262 : memref<48xi32, #tpu.memory_space<vmem>>[vector<16xi32>], vector<16xi32>, vector<16xi1>
        %add3A_597 = arith.constant 96 : i32
        %add3A_598 = arith.addi %mul3A_131, %add3A_597 : i32
        %min3A_599 = arith.constant 32 : i32
        %min3A_600 = arith.minsi %add3A_512, %min3A_599 : i32
        %sub3A_601 = arith.subi %masked_cumsum3A_289, %convert_element_type3A_286 : vector<16xi32>
        %add3A_602 = vector.broadcast %min3A_600 : i32 to vector<16xi32>
        %add3A_603 = arith.addi %add3A_602, %sub3A_601 : vector<16xi32>
        %add3A_604 = vector.broadcast %add3A_598 : i32 to vector<16xi32>
        %add3A_605 = arith.addi %add3A_604, %iota3A : vector<16xi32>
        tpu.vector_store_idx %arg13[%add3A_603], %add3A_605 masked %lt3A_285 : memref<48xi32, #tpu.memory_space<vmem>>[vector<16xi32>], vector<16xi32>, vector<16xi1>
        %add3A_606 = arith.constant 112 : i32
        %add3A_607 = arith.addi %mul3A_131, %add3A_606 : i32
        %min3A_608 = arith.constant 32 : i32
        %min3A_609 = arith.minsi %add3A_515, %min3A_608 : i32
        %sub3A_610 = arith.subi %masked_cumsum3A_312, %convert_element_type3A_309 : vector<16xi32>
        %add3A_611 = vector.broadcast %min3A_609 : i32 to vector<16xi32>
        %add3A_612 = arith.addi %add3A_611, %sub3A_610 : vector<16xi32>
        %add3A_613 = vector.broadcast %add3A_607 : i32 to vector<16xi32>
        %add3A_614 = arith.addi %add3A_613, %iota3A : vector<16xi32>
        tpu.vector_store_idx %arg13[%add3A_612], %add3A_614 masked %lt3A_308 : memref<48xi32, #tpu.memory_space<vmem>>[vector<16xi32>], vector<16xi32>, vector<16xi1>
        %add3A_615 = arith.constant 128 : i32
        %add3A_616 = arith.addi %mul3A_131, %add3A_615 : i32
        %min3A_617 = arith.constant 32 : i32
        %min3A_618 = arith.minsi %add3A_518, %min3A_617 : i32
        %sub3A_619 = arith.subi %masked_cumsum3A_335, %convert_element_type3A_332 : vector<16xi32>
        %add3A_620 = vector.broadcast %min3A_618 : i32 to vector<16xi32>
        %add3A_621 = arith.addi %add3A_620, %sub3A_619 : vector<16xi32>
        %add3A_622 = vector.broadcast %add3A_616 : i32 to vector<16xi32>
        %add3A_623 = arith.addi %add3A_622, %iota3A : vector<16xi32>
        tpu.vector_store_idx %arg13[%add3A_621], %add3A_623 masked %lt3A_331 : memref<48xi32, #tpu.memory_space<vmem>>[vector<16xi32>], vector<16xi32>, vector<16xi1>
        %add3A_624 = arith.constant 144 : i32
        %add3A_625 = arith.addi %mul3A_131, %add3A_624 : i32
        %min3A_626 = arith.constant 32 : i32
        %min3A_627 = arith.minsi %add3A_521, %min3A_626 : i32
        %sub3A_628 = arith.subi %masked_cumsum3A_358, %convert_element_type3A_355 : vector<16xi32>
        %add3A_629 = vector.broadcast %min3A_627 : i32 to vector<16xi32>
        %add3A_630 = arith.addi %add3A_629, %sub3A_628 : vector<16xi32>
        %add3A_631 = vector.broadcast %add3A_625 : i32 to vector<16xi32>
        %add3A_632 = arith.addi %add3A_631, %iota3A : vector<16xi32>
        tpu.vector_store_idx %arg13[%add3A_630], %add3A_632 masked %lt3A_354 : memref<48xi32, #tpu.memory_space<vmem>>[vector<16xi32>], vector<16xi32>, vector<16xi1>
        %add3A_633 = arith.constant 160 : i32
        %add3A_634 = arith.addi %mul3A_131, %add3A_633 : i32
        %min3A_635 = arith.constant 32 : i32
        %min3A_636 = arith.minsi %add3A_524, %min3A_635 : i32
        %sub3A_637 = arith.subi %masked_cumsum3A_381, %convert_element_type3A_378 : vector<16xi32>
        %add3A_638 = vector.broadcast %min3A_636 : i32 to vector<16xi32>
        %add3A_639 = arith.addi %add3A_638, %sub3A_637 : vector<16xi32>
        %add3A_640 = vector.broadcast %add3A_634 : i32 to vector<16xi32>
        %add3A_641 = arith.addi %add3A_640, %iota3A : vector<16xi32>
        tpu.vector_store_idx %arg13[%add3A_639], %add3A_641 masked %lt3A_377 : memref<48xi32, #tpu.memory_space<vmem>>[vector<16xi32>], vector<16xi32>, vector<16xi1>
        %add3A_642 = arith.constant 176 : i32
        %add3A_643 = arith.addi %mul3A_131, %add3A_642 : i32
        %min3A_644 = arith.constant 32 : i32
        %min3A_645 = arith.minsi %add3A_527, %min3A_644 : i32
        %sub3A_646 = arith.subi %masked_cumsum3A_404, %convert_element_type3A_401 : vector<16xi32>
        %add3A_647 = vector.broadcast %min3A_645 : i32 to vector<16xi32>
        %add3A_648 = arith.addi %add3A_647, %sub3A_646 : vector<16xi32>
        %add3A_649 = vector.broadcast %add3A_643 : i32 to vector<16xi32>
        %add3A_650 = arith.addi %add3A_649, %iota3A : vector<16xi32>
        tpu.vector_store_idx %arg13[%add3A_648], %add3A_650 masked %lt3A_400 : memref<48xi32, #tpu.memory_space<vmem>>[vector<16xi32>], vector<16xi32>, vector<16xi1>
        %add3A_651 = arith.constant 192 : i32
        %add3A_652 = arith.addi %mul3A_131, %add3A_651 : i32
        %min3A_653 = arith.constant 32 : i32
        %min3A_654 = arith.minsi %add3A_530, %min3A_653 : i32
        %sub3A_655 = arith.subi %masked_cumsum3A_427, %convert_element_type3A_424 : vector<16xi32>
        %add3A_656 = vector.broadcast %min3A_654 : i32 to vector<16xi32>
        %add3A_657 = arith.addi %add3A_656, %sub3A_655 : vector<16xi32>
        %add3A_658 = vector.broadcast %add3A_652 : i32 to vector<16xi32>
        %add3A_659 = arith.addi %add3A_658, %iota3A : vector<16xi32>
        tpu.vector_store_idx %arg13[%add3A_657], %add3A_659 masked %lt3A_423 : memref<48xi32, #tpu.memory_space<vmem>>[vector<16xi32>], vector<16xi32>, vector<16xi1>
        %add3A_660 = arith.constant 208 : i32
        %add3A_661 = arith.addi %mul3A_131, %add3A_660 : i32
        %min3A_662 = arith.constant 32 : i32
        %min3A_663 = arith.minsi %add3A_533, %min3A_662 : i32
        %sub3A_664 = arith.subi %masked_cumsum3A_450, %convert_element_type3A_447 : vector<16xi32>
        %add3A_665 = vector.broadcast %min3A_663 : i32 to vector<16xi32>
        %add3A_666 = arith.addi %add3A_665, %sub3A_664 : vector<16xi32>
        %add3A_667 = vector.broadcast %add3A_661 : i32 to vector<16xi32>
        %add3A_668 = arith.addi %add3A_667, %iota3A : vector<16xi32>
        tpu.vector_store_idx %arg13[%add3A_666], %add3A_668 masked %lt3A_446 : memref<48xi32, #tpu.memory_space<vmem>>[vector<16xi32>], vector<16xi32>, vector<16xi1>
        %add3A_669 = arith.constant 224 : i32
        %add3A_670 = arith.addi %mul3A_131, %add3A_669 : i32
        %min3A_671 = arith.constant 32 : i32
        %min3A_672 = arith.minsi %add3A_536, %min3A_671 : i32
        %sub3A_673 = arith.subi %masked_cumsum3A_473, %convert_element_type3A_470 : vector<16xi32>
        %add3A_674 = vector.broadcast %min3A_672 : i32 to vector<16xi32>
        %add3A_675 = arith.addi %add3A_674, %sub3A_673 : vector<16xi32>
        %add3A_676 = vector.broadcast %add3A_670 : i32 to vector<16xi32>
        %add3A_677 = arith.addi %add3A_676, %iota3A : vector<16xi32>
        tpu.vector_store_idx %arg13[%add3A_675], %add3A_677 masked %lt3A_469 : memref<48xi32, #tpu.memory_space<vmem>>[vector<16xi32>], vector<16xi32>, vector<16xi1>
        %add3A_678 = arith.constant 240 : i32
        %add3A_679 = arith.addi %mul3A_131, %add3A_678 : i32
        %min3A_680 = arith.constant 32 : i32
        %min3A_681 = arith.minsi %add3A_539, %min3A_680 : i32
        %sub3A_682 = arith.subi %masked_cumsum3A_496, %convert_element_type3A_493 : vector<16xi32>
        %add3A_683 = vector.broadcast %min3A_681 : i32 to vector<16xi32>
        %add3A_684 = arith.addi %add3A_683, %sub3A_682 : vector<16xi32>
        %add3A_685 = vector.broadcast %add3A_679 : i32 to vector<16xi32>
        %add3A_686 = arith.addi %add3A_685, %iota3A : vector<16xi32>
        tpu.vector_store_idx %arg13[%add3A_684], %add3A_686 masked %lt3A_492 : memref<48xi32, #tpu.memory_space<vmem>>[vector<16xi32>], vector<16xi32>, vector<16xi1>
        %add3A_687 = arith.constant 1 : i32
        %add3A_688 = arith.addi %while3A_128, %add3A_687 : i32
        scf.yield %add3A_688, %add3A_542 : i32, i32
      }
      %min3A = arith.constant 32 : i32
      %min3A_69 = arith.minsi %while3A_68#1, %min3A : i32
      %add3A_70 = arith.constant 0 : i32
      %add3A_71 = vector.broadcast %add3A_70 : i32 to vector<16xi32>
      %add3A_72 = arith.addi %add3A_71, %iota3A : vector<16xi32>
      %lt3A_73 = vector.broadcast %min3A_69 : i32 to vector<16xi32>
      %lt3A_74 = arith.cmpi slt, %add3A_72, %lt3A_73 : vector<16xi32>
      %jit3A_75 = arith.constant 0 : i32
      %broadcast_in_dim3A = vector.broadcast %jit3A_75 : i32 to vector<16xi32>
      %select_n3A_76 = arith.select %lt3A_74, %add3A_72, %broadcast_in_dim3A : vector<16xi1>, vector<16xi32>
      %gather3A_77 = tpu.vector_load_idx %arg13[%select_n3A_76] : memref<48xi32, #tpu.memory_space<vmem>>[vector<16xi32>], vector<16xi32>,
      %gather3A_78 = tpu.vector_load_idx %arg7[%gather3A_77] : memref<2048xf32, #tpu.memory_space<vmem>>[vector<16xi32>], vector<16xf32>,
      %sub3A_79 = arith.subf %gather3A_78, %gather3A : vector<16xf32>
      %swap3A = arith.constant 0 : i32
      %swap3A_80 = arith.index_cast %swap3A : i32 to index
      %swap3A_81 = arith.index_cast %scan3A_61 : i32 to index
      %swap3A_82 = arith.constant 0 : index
      %swap3A_83 = tpu.vector_load %arg14[%swap3A_80, %swap3A_81, %swap3A_82] {strides = array<i32>} : memref<3x256x32xf32, #tpu.memory_space<vmem>>, vector<16xf32>,
      tpu.vector_store %arg14[%swap3A_80, %swap3A_81, %swap3A_82], %sub3A_79 {strides = array<i32>} : memref<3x256x32xf32, #tpu.memory_space<vmem>>, vector<16xf32>,
      %gather3A_84 = tpu.vector_load_idx %arg8[%gather3A_77] : memref<2048xf32, #tpu.memory_space<vmem>>[vector<16xi32>], vector<16xf32>,
      %sub3A_85 = arith.subf %gather3A_84, %gather3A_65 : vector<16xf32>
      %swap3A_86 = arith.constant 1 : i32
      %swap3A_87 = arith.index_cast %swap3A_86 : i32 to index
      %swap3A_88 = arith.index_cast %scan3A_61 : i32 to index
      %swap3A_89 = arith.constant 0 : index
      %swap3A_90 = tpu.vector_load %arg14[%swap3A_87, %swap3A_88, %swap3A_89] {strides = array<i32>} : memref<3x256x32xf32, #tpu.memory_space<vmem>>, vector<16xf32>,
      tpu.vector_store %arg14[%swap3A_87, %swap3A_88, %swap3A_89], %sub3A_85 {strides = array<i32>} : memref<3x256x32xf32, #tpu.memory_space<vmem>>, vector<16xf32>,
      %gather3A_91 = tpu.vector_load_idx %arg9[%gather3A_77] : memref<2048xf32, #tpu.memory_space<vmem>>[vector<16xi32>], vector<16xf32>,
      %sub3A_92 = arith.subf %gather3A_91, %gather3A_66 : vector<16xf32>
      %swap3A_93 = arith.constant 2 : i32
      %swap3A_94 = arith.index_cast %swap3A_93 : i32 to index
      %swap3A_95 = arith.index_cast %scan3A_61 : i32 to index
      %swap3A_96 = arith.constant 0 : index
      %swap3A_97 = tpu.vector_load %arg14[%swap3A_94, %swap3A_95, %swap3A_96] {strides = array<i32>} : memref<3x256x32xf32, #tpu.memory_space<vmem>>, vector<16xf32>,
      tpu.vector_store %arg14[%swap3A_94, %swap3A_95, %swap3A_96], %sub3A_92 {strides = array<i32>} : memref<3x256x32xf32, #tpu.memory_space<vmem>>, vector<16xf32>,
      %add3A_98 = arith.constant 16 : i32
      %add3A_99 = vector.broadcast %add3A_98 : i32 to vector<16xi32>
      %add3A_100 = arith.addi %add3A_99, %iota3A : vector<16xi32>
      %lt3A_101 = vector.broadcast %min3A_69 : i32 to vector<16xi32>
      %lt3A_102 = arith.cmpi slt, %add3A_100, %lt3A_101 : vector<16xi32>
      %jit3A_103 = arith.constant 0 : i32
      %broadcast_in_dim3A_104 = vector.broadcast %jit3A_103 : i32 to vector<16xi32>
      %select_n3A_105 = arith.select %lt3A_102, %add3A_100, %broadcast_in_dim3A_104 : vector<16xi1>, vector<16xi32>
      %gather3A_106 = tpu.vector_load_idx %arg13[%select_n3A_105] : memref<48xi32, #tpu.memory_space<vmem>>[vector<16xi32>], vector<16xi32>,
      %gather3A_107 = tpu.vector_load_idx %arg7[%gather3A_106] : memref<2048xf32, #tpu.memory_space<vmem>>[vector<16xi32>], vector<16xf32>,
      %sub3A_108 = arith.subf %gather3A_107, %gather3A : vector<16xf32>
      %swap3A_109 = arith.constant 0 : i32
      %swap3A_110 = arith.index_cast %swap3A_109 : i32 to index
      %swap3A_111 = arith.index_cast %scan3A_61 : i32 to index
      %swap3A_112 = arith.constant 16 : index
      %swap3A_113 = tpu.vector_load %arg14[%swap3A_110, %swap3A_111, %swap3A_112] {strides = array<i32>} : memref<3x256x32xf32, #tpu.memory_space<vmem>>, vector<16xf32>,
      tpu.vector_store %arg14[%swap3A_110, %swap3A_111, %swap3A_112], %sub3A_108 {strides = array<i32>} : memref<3x256x32xf32, #tpu.memory_space<vmem>>, vector<16xf32>,
      %gather3A_114 = tpu.vector_load_idx %arg8[%gather3A_106] : memref<2048xf32, #tpu.memory_space<vmem>>[vector<16xi32>], vector<16xf32>,
      %sub3A_115 = arith.subf %gather3A_114, %gather3A_65 : vector<16xf32>
      %swap3A_116 = arith.constant 1 : i32
      %swap3A_117 = arith.index_cast %swap3A_116 : i32 to index
      %swap3A_118 = arith.index_cast %scan3A_61 : i32 to index
      %swap3A_119 = arith.constant 16 : index
      %swap3A_120 = tpu.vector_load %arg14[%swap3A_117, %swap3A_118, %swap3A_119] {strides = array<i32>} : memref<3x256x32xf32, #tpu.memory_space<vmem>>, vector<16xf32>,
      tpu.vector_store %arg14[%swap3A_117, %swap3A_118, %swap3A_119], %sub3A_115 {strides = array<i32>} : memref<3x256x32xf32, #tpu.memory_space<vmem>>, vector<16xf32>,
      %gather3A_121 = tpu.vector_load_idx %arg9[%gather3A_106] : memref<2048xf32, #tpu.memory_space<vmem>>[vector<16xi32>], vector<16xf32>,
      %sub3A_122 = arith.subf %gather3A_121, %gather3A_66 : vector<16xf32>
      %swap3A_123 = arith.constant 2 : i32
      %swap3A_124 = arith.index_cast %swap3A_123 : i32 to index
      %swap3A_125 = arith.index_cast %scan3A_61 : i32 to index
      %swap3A_126 = arith.constant 16 : index
      %swap3A_127 = tpu.vector_load %arg14[%swap3A_124, %swap3A_125, %swap3A_126] {strides = array<i32>} : memref<3x256x32xf32, #tpu.memory_space<vmem>>, vector<16xf32>,
      tpu.vector_store %arg14[%swap3A_124, %swap3A_125, %swap3A_126], %sub3A_122 {strides = array<i32>} : memref<3x256x32xf32, #tpu.memory_space<vmem>>, vector<16xf32>,
      scf.yield %while3A_68#0 : i32
    }
    %scan3A_58 = arith.constant 256 : i32
    %run_scoped3A = arith.constant 0 : i32
    "tpu.region"() ({
      %run_scoped3A_61 = tpu.sem_alloc : memref<!tpu.dma_semaphore, #tpu.memory_space<semaphore_mem>>
      %dma_start3A = arith.constant 0 : i32
      %dma_start3A_62 = arith.constant 0 : i32
      %dma_start3A_63 = tpu.memref_slice %arg14[%run_scoped3A, %dma_start3A, %dma_start3A_62] : memref<3x256x32xf32, #tpu.memory_space<vmem>> -> memref<1x256x32xf32, #tpu.memory_space<vmem>>
      %dma_start3A_64 = tpu.memref_squeeze %dma_start3A_63 : memref<1x256x32xf32, #tpu.memory_space<vmem>> -> memref<256x32xf32, #tpu.memory_space<vmem>>
      %dma_start3A_65 = arith.constant 0 : i32
      %dma_start3A_66 = tpu.memref_slice %arg4[%select_n3A, %mul3A_32, %dma_start3A_65] : memref<16x512x32xf32, #tpu.memory_space<hbm>> -> memref<1x256x32xf32, #tpu.memory_space<hbm>>
      %dma_start3A_67 = tpu.memref_squeeze %dma_start3A_66 : memref<1x256x32xf32, #tpu.memory_space<hbm>> -> memref<256x32xf32, #tpu.memory_space<hbm>>
      %dma_start3A_68 = arith.constant 0 : i32
      %dma_start3A_69 = tpu.memref_slice %arg4[%select_n3A, %mul3A_32, %dma_start3A_68] : memref<16x512x32xf32, #tpu.memory_space<hbm>> -> memref<1x256x32xf32, #tpu.memory_space<hbm>>
      %dma_start3A_70 = tpu.memref_squeeze %dma_start3A_69 : memref<1x256x32xf32, #tpu.memory_space<hbm>> -> memref<256x32xf32, #tpu.memory_space<hbm>>
      %dma_start3A_71 = arith.constant 0 : i32
      %dma_start3A_72 = arith.constant 0 : i32
      %dma_start3A_73 = tpu.memref_slice %arg14[%run_scoped3A, %dma_start3A_71, %dma_start3A_72] : memref<3x256x32xf32, #tpu.memory_space<vmem>> -> memref<1x256x32xf32, #tpu.memory_space<vmem>>
      %dma_start3A_74 = tpu.memref_squeeze %dma_start3A_73 : memref<1x256x32xf32, #tpu.memory_space<vmem>> -> memref<256x32xf32, #tpu.memory_space<vmem>>
      tpu.enqueue_dma source(%dma_start3A_74 : memref<256x32xf32, #tpu.memory_space<vmem>>) target(%dma_start3A_70 : memref<256x32xf32, #tpu.memory_space<hbm>>) target_semaphore(%run_scoped3A_61 : memref<!tpu.dma_semaphore, #tpu.memory_space<semaphore_mem>>)
      %dma_wait3A = arith.constant 0 : i32
      %dma_wait3A_75 = arith.constant 0 : i32
      %dma_wait3A_76 = tpu.memref_slice %arg14[%run_scoped3A, %dma_wait3A, %dma_wait3A_75] : memref<3x256x32xf32, #tpu.memory_space<vmem>> -> memref<1x256x32xf32, #tpu.memory_space<vmem>>
      %dma_wait3A_77 = tpu.memref_squeeze %dma_wait3A_76 : memref<1x256x32xf32, #tpu.memory_space<vmem>> -> memref<256x32xf32, #tpu.memory_space<vmem>>
      %dma_wait3A_78 = arith.constant 0 : i32
      %dma_wait3A_79 = tpu.memref_slice %arg4[%select_n3A, %mul3A_32, %dma_wait3A_78] : memref<16x512x32xf32, #tpu.memory_space<hbm>> -> memref<1x256x32xf32, #tpu.memory_space<hbm>>
      %dma_wait3A_80 = tpu.memref_squeeze %dma_wait3A_79 : memref<1x256x32xf32, #tpu.memory_space<hbm>> -> memref<256x32xf32, #tpu.memory_space<hbm>>
      %dma_wait3A_81 = arith.constant 0 : i32
      %dma_wait3A_82 = tpu.memref_slice %arg4[%select_n3A, %mul3A_32, %dma_wait3A_81] : memref<16x512x32xf32, #tpu.memory_space<hbm>> -> memref<1x256x32xf32, #tpu.memory_space<hbm>>
      %dma_wait3A_83 = tpu.memref_squeeze %dma_wait3A_82 : memref<1x256x32xf32, #tpu.memory_space<hbm>> -> memref<256x32xf32, #tpu.memory_space<hbm>>
      %dma_wait3A_84 = arith.constant 0 : i32
      %dma_wait3A_85 = arith.constant 0 : i32
      %dma_wait3A_86 = tpu.memref_slice %arg14[%run_scoped3A, %dma_wait3A_84, %dma_wait3A_85] : memref<3x256x32xf32, #tpu.memory_space<vmem>> -> memref<1x256x32xf32, #tpu.memory_space<vmem>>
      %dma_wait3A_87 = tpu.memref_squeeze %dma_wait3A_86 : memref<1x256x32xf32, #tpu.memory_space<vmem>> -> memref<256x32xf32, #tpu.memory_space<vmem>>
      tpu.wait_dma2 semaphore(%run_scoped3A_61 : memref<!tpu.dma_semaphore, #tpu.memory_space<semaphore_mem>>) src(%dma_wait3A_87 : memref<256x32xf32, #tpu.memory_space<vmem>>) dst(%dma_wait3A_83 : memref<256x32xf32, #tpu.memory_space<hbm>>)
      tpu.yield
    }) : () -> ()
    %run_scoped3A_59 = arith.constant 1 : i32
    "tpu.region"() ({
      %run_scoped3A_61 = tpu.sem_alloc : memref<!tpu.dma_semaphore, #tpu.memory_space<semaphore_mem>>
      %dma_start3A = arith.constant 0 : i32
      %dma_start3A_62 = arith.constant 0 : i32
      %dma_start3A_63 = tpu.memref_slice %arg14[%run_scoped3A_59, %dma_start3A, %dma_start3A_62] : memref<3x256x32xf32, #tpu.memory_space<vmem>> -> memref<1x256x32xf32, #tpu.memory_space<vmem>>
      %dma_start3A_64 = tpu.memref_squeeze %dma_start3A_63 : memref<1x256x32xf32, #tpu.memory_space<vmem>> -> memref<256x32xf32, #tpu.memory_space<vmem>>
      %dma_start3A_65 = arith.constant 0 : i32
      %dma_start3A_66 = tpu.memref_slice %arg5[%select_n3A, %mul3A_32, %dma_start3A_65] : memref<16x512x32xf32, #tpu.memory_space<hbm>> -> memref<1x256x32xf32, #tpu.memory_space<hbm>>
      %dma_start3A_67 = tpu.memref_squeeze %dma_start3A_66 : memref<1x256x32xf32, #tpu.memory_space<hbm>> -> memref<256x32xf32, #tpu.memory_space<hbm>>
      %dma_start3A_68 = arith.constant 0 : i32
      %dma_start3A_69 = tpu.memref_slice %arg5[%select_n3A, %mul3A_32, %dma_start3A_68] : memref<16x512x32xf32, #tpu.memory_space<hbm>> -> memref<1x256x32xf32, #tpu.memory_space<hbm>>
      %dma_start3A_70 = tpu.memref_squeeze %dma_start3A_69 : memref<1x256x32xf32, #tpu.memory_space<hbm>> -> memref<256x32xf32, #tpu.memory_space<hbm>>
      %dma_start3A_71 = arith.constant 0 : i32
      %dma_start3A_72 = arith.constant 0 : i32
      %dma_start3A_73 = tpu.memref_slice %arg14[%run_scoped3A_59, %dma_start3A_71, %dma_start3A_72] : memref<3x256x32xf32, #tpu.memory_space<vmem>> -> memref<1x256x32xf32, #tpu.memory_space<vmem>>
      %dma_start3A_74 = tpu.memref_squeeze %dma_start3A_73 : memref<1x256x32xf32, #tpu.memory_space<vmem>> -> memref<256x32xf32, #tpu.memory_space<vmem>>
      tpu.enqueue_dma source(%dma_start3A_74 : memref<256x32xf32, #tpu.memory_space<vmem>>) target(%dma_start3A_70 : memref<256x32xf32, #tpu.memory_space<hbm>>) target_semaphore(%run_scoped3A_61 : memref<!tpu.dma_semaphore, #tpu.memory_space<semaphore_mem>>)
      %dma_wait3A = arith.constant 0 : i32
      %dma_wait3A_75 = arith.constant 0 : i32
      %dma_wait3A_76 = tpu.memref_slice %arg14[%run_scoped3A_59, %dma_wait3A, %dma_wait3A_75] : memref<3x256x32xf32, #tpu.memory_space<vmem>> -> memref<1x256x32xf32, #tpu.memory_space<vmem>>
      %dma_wait3A_77 = tpu.memref_squeeze %dma_wait3A_76 : memref<1x256x32xf32, #tpu.memory_space<vmem>> -> memref<256x32xf32, #tpu.memory_space<vmem>>
      %dma_wait3A_78 = arith.constant 0 : i32
      %dma_wait3A_79 = tpu.memref_slice %arg5[%select_n3A, %mul3A_32, %dma_wait3A_78] : memref<16x512x32xf32, #tpu.memory_space<hbm>> -> memref<1x256x32xf32, #tpu.memory_space<hbm>>
      %dma_wait3A_80 = tpu.memref_squeeze %dma_wait3A_79 : memref<1x256x32xf32, #tpu.memory_space<hbm>> -> memref<256x32xf32, #tpu.memory_space<hbm>>
      %dma_wait3A_81 = arith.constant 0 : i32
      %dma_wait3A_82 = tpu.memref_slice %arg5[%select_n3A, %mul3A_32, %dma_wait3A_81] : memref<16x512x32xf32, #tpu.memory_space<hbm>> -> memref<1x256x32xf32, #tpu.memory_space<hbm>>
      %dma_wait3A_83 = tpu.memref_squeeze %dma_wait3A_82 : memref<1x256x32xf32, #tpu.memory_space<hbm>> -> memref<256x32xf32, #tpu.memory_space<hbm>>
      %dma_wait3A_84 = arith.constant 0 : i32
      %dma_wait3A_85 = arith.constant 0 : i32
      %dma_wait3A_86 = tpu.memref_slice %arg14[%run_scoped3A_59, %dma_wait3A_84, %dma_wait3A_85] : memref<3x256x32xf32, #tpu.memory_space<vmem>> -> memref<1x256x32xf32, #tpu.memory_space<vmem>>
      %dma_wait3A_87 = tpu.memref_squeeze %dma_wait3A_86 : memref<1x256x32xf32, #tpu.memory_space<vmem>> -> memref<256x32xf32, #tpu.memory_space<vmem>>
      tpu.wait_dma2 semaphore(%run_scoped3A_61 : memref<!tpu.dma_semaphore, #tpu.memory_space<semaphore_mem>>) src(%dma_wait3A_87 : memref<256x32xf32, #tpu.memory_space<vmem>>) dst(%dma_wait3A_83 : memref<256x32xf32, #tpu.memory_space<hbm>>)
      tpu.yield
    }) : () -> ()
    %run_scoped3A_60 = arith.constant 2 : i32
    "tpu.region"() ({
      %run_scoped3A_61 = tpu.sem_alloc : memref<!tpu.dma_semaphore, #tpu.memory_space<semaphore_mem>>
      %dma_start3A = arith.constant 0 : i32
      %dma_start3A_62 = arith.constant 0 : i32
      %dma_start3A_63 = tpu.memref_slice %arg14[%run_scoped3A_60, %dma_start3A, %dma_start3A_62] : memref<3x256x32xf32, #tpu.memory_space<vmem>> -> memref<1x256x32xf32, #tpu.memory_space<vmem>>
      %dma_start3A_64 = tpu.memref_squeeze %dma_start3A_63 : memref<1x256x32xf32, #tpu.memory_space<vmem>> -> memref<256x32xf32, #tpu.memory_space<vmem>>
      %dma_start3A_65 = arith.constant 0 : i32
      %dma_start3A_66 = tpu.memref_slice %arg6[%select_n3A, %mul3A_32, %dma_start3A_65] : memref<16x512x32xf32, #tpu.memory_space<hbm>> -> memref<1x256x32xf32, #tpu.memory_space<hbm>>
      %dma_start3A_67 = tpu.memref_squeeze %dma_start3A_66 : memref<1x256x32xf32, #tpu.memory_space<hbm>> -> memref<256x32xf32, #tpu.memory_space<hbm>>
      %dma_start3A_68 = arith.constant 0 : i32
      %dma_start3A_69 = tpu.memref_slice %arg6[%select_n3A, %mul3A_32, %dma_start3A_68] : memref<16x512x32xf32, #tpu.memory_space<hbm>> -> memref<1x256x32xf32, #tpu.memory_space<hbm>>
      %dma_start3A_70 = tpu.memref_squeeze %dma_start3A_69 : memref<1x256x32xf32, #tpu.memory_space<hbm>> -> memref<256x32xf32, #tpu.memory_space<hbm>>
      %dma_start3A_71 = arith.constant 0 : i32
      %dma_start3A_72 = arith.constant 0 : i32
      %dma_start3A_73 = tpu.memref_slice %arg14[%run_scoped3A_60, %dma_start3A_71, %dma_start3A_72] : memref<3x256x32xf32, #tpu.memory_space<vmem>> -> memref<1x256x32xf32, #tpu.memory_space<vmem>>
      %dma_start3A_74 = tpu.memref_squeeze %dma_start3A_73 : memref<1x256x32xf32, #tpu.memory_space<vmem>> -> memref<256x32xf32, #tpu.memory_space<vmem>>
      tpu.enqueue_dma source(%dma_start3A_74 : memref<256x32xf32, #tpu.memory_space<vmem>>) target(%dma_start3A_70 : memref<256x32xf32, #tpu.memory_space<hbm>>) target_semaphore(%run_scoped3A_61 : memref<!tpu.dma_semaphore, #tpu.memory_space<semaphore_mem>>)
      %dma_wait3A = arith.constant 0 : i32
      %dma_wait3A_75 = arith.constant 0 : i32
      %dma_wait3A_76 = tpu.memref_slice %arg14[%run_scoped3A_60, %dma_wait3A, %dma_wait3A_75] : memref<3x256x32xf32, #tpu.memory_space<vmem>> -> memref<1x256x32xf32, #tpu.memory_space<vmem>>
      %dma_wait3A_77 = tpu.memref_squeeze %dma_wait3A_76 : memref<1x256x32xf32, #tpu.memory_space<vmem>> -> memref<256x32xf32, #tpu.memory_space<vmem>>
      %dma_wait3A_78 = arith.constant 0 : i32
      %dma_wait3A_79 = tpu.memref_slice %arg6[%select_n3A, %mul3A_32, %dma_wait3A_78] : memref<16x512x32xf32, #tpu.memory_space<hbm>> -> memref<1x256x32xf32, #tpu.memory_space<hbm>>
      %dma_wait3A_80 = tpu.memref_squeeze %dma_wait3A_79 : memref<1x256x32xf32, #tpu.memory_space<hbm>> -> memref<256x32xf32, #tpu.memory_space<hbm>>
      %dma_wait3A_81 = arith.constant 0 : i32
      %dma_wait3A_82 = tpu.memref_slice %arg6[%select_n3A, %mul3A_32, %dma_wait3A_81] : memref<16x512x32xf32, #tpu.memory_space<hbm>> -> memref<1x256x32xf32, #tpu.memory_space<hbm>>
      %dma_wait3A_83 = tpu.memref_squeeze %dma_wait3A_82 : memref<1x256x32xf32, #tpu.memory_space<hbm>> -> memref<256x32xf32, #tpu.memory_space<hbm>>
      %dma_wait3A_84 = arith.constant 0 : i32
      %dma_wait3A_85 = arith.constant 0 : i32
      %dma_wait3A_86 = tpu.memref_slice %arg14[%run_scoped3A_60, %dma_wait3A_84, %dma_wait3A_85] : memref<3x256x32xf32, #tpu.memory_space<vmem>> -> memref<1x256x32xf32, #tpu.memory_space<vmem>>
      %dma_wait3A_87 = tpu.memref_squeeze %dma_wait3A_86 : memref<1x256x32xf32, #tpu.memory_space<vmem>> -> memref<256x32xf32, #tpu.memory_space<vmem>>
      tpu.wait_dma2 semaphore(%run_scoped3A_61 : memref<!tpu.dma_semaphore, #tpu.memory_space<semaphore_mem>>) src(%dma_wait3A_87 : memref<256x32xf32, #tpu.memory_space<vmem>>) dst(%dma_wait3A_83 : memref<256x32xf32, #tpu.memory_space<hbm>>)
      tpu.yield
    }) : () -> ()
    return
  }
}

module attributes {stable_mosaic.version = 14 : i64} {
  func.func @_fps_body(%arg0: memref<16x3x2048xf32, #tpu.memory_space<vmem>>, %arg1: memref<48x512xf32, #tpu.memory_space<vmem>>, %arg2: memref<48x2048xf32, #tpu.memory_space<vmem>>, %arg3: memref<512x16xf32, #tpu.memory_space<vmem>>, %arg4: memref<512x16xf32, #tpu.memory_space<vmem>>, %arg5: memref<512x16xf32, #tpu.memory_space<vmem>>) attributes {dimension_semantics = [], scalar_prefetch = 0 : i64, scratch_operands = 3 : i64, tpu.core_type = #tpu.core_type<tc>} {
    %get3A = arith.constant 0 : index
    %get3A_0 = arith.constant 0 : index
    %get3A_1 = arith.constant 0 : index
    %get3A_2 = vector.load %arg0[%get3A, %get3A_0, %get3A_1] : memref<16x3x2048xf32, #tpu.memory_space<vmem>>, vector<16x1x2048xf32>
    %get3A_3 = vector.shape_cast %get3A_2 : vector<16x1x2048xf32> to vector<16x2048xf32>
    %get3A_4 = arith.constant 0 : index
    %get3A_5 = arith.constant 1 : index
    %get3A_6 = arith.constant 0 : index
    %get3A_7 = vector.load %arg0[%get3A_4, %get3A_5, %get3A_6] : memref<16x3x2048xf32, #tpu.memory_space<vmem>>, vector<16x1x2048xf32>
    %get3A_8 = vector.shape_cast %get3A_7 : vector<16x1x2048xf32> to vector<16x2048xf32>
    %get3A_9 = arith.constant 0 : index
    %get3A_10 = arith.constant 2 : index
    %get3A_11 = arith.constant 0 : index
    %get3A_12 = vector.load %arg0[%get3A_9, %get3A_10, %get3A_11] : memref<16x3x2048xf32, #tpu.memory_space<vmem>>, vector<16x1x2048xf32>
    %get3A_13 = vector.shape_cast %get3A_12 : vector<16x1x2048xf32> to vector<16x2048xf32>
    %iota3A = tpu.iota {dimensions = array<i32: 1>} : vector<16x2048xi32>
    %broadcast_in_dim3A = arith.constant 1.000000e+10 : f32
    %broadcast_in_dim3A_14 = vector.broadcast %broadcast_in_dim3A : f32 to vector<16x2048xf32>
    %broadcast_in_dim3A_15 = arith.constant 0 : i32
    %broadcast_in_dim3A_16 = vector.broadcast %broadcast_in_dim3A_15 : i32 to vector<16x1xi32>
    %scan3A = arith.constant 0 : i32
    %scan3A_17 = arith.constant 512 : i32
    %scan3A_18 = arith.addi %scan3A, %scan3A_17 : i32
    %scan3A_19 = arith.constant 1 : i32
    %scan3A_20:2 = scf.for %scan3A_65 = %scan3A to %scan3A_18 step %scan3A_19 iter_args(%scan3A_66 = %broadcast_in_dim3A_14, %scan3A_67 = %broadcast_in_dim3A_16) -> (vector<16x2048xf32>, vector<16x1xi32>)  : i32 {
      %eq3A = vector.broadcast %scan3A_67 : vector<16x1xi32> to vector<16x2048xi32>
      %eq3A_68 = arith.cmpi eq, %iota3A, %eq3A : vector<16x2048xi32>
      %convert_element_type3A = arith.extui %eq3A_68 : vector<16x2048xi1> to vector<16x2048xi32>
      %convert_element_type3A_69 = arith.sitofp %convert_element_type3A : vector<16x2048xi32> to vector<16x2048xf32>
      %mul3A = arith.mulf %get3A_3, %convert_element_type3A_69 : vector<16x2048xf32>
      %reduce_sum3A = arith.constant dense<0.000000e+00> : vector<16xf32>
      %reduce_sum3A_70 = vector.multi_reduction <add>, %mul3A, %reduce_sum3A [1] : vector<16x2048xf32> to vector<16xf32>
      %broadcast_in_dim3A_71 = vector.shape_cast %reduce_sum3A_70 : vector<16xf32> to vector<16x1xf32>
      %mul3A_72 = arith.mulf %get3A_8, %convert_element_type3A_69 : vector<16x2048xf32>
      %reduce_sum3A_73 = arith.constant dense<0.000000e+00> : vector<16xf32>
      %reduce_sum3A_74 = vector.multi_reduction <add>, %mul3A_72, %reduce_sum3A_73 [1] : vector<16x2048xf32> to vector<16xf32>
      %broadcast_in_dim3A_75 = vector.shape_cast %reduce_sum3A_74 : vector<16xf32> to vector<16x1xf32>
      %mul3A_76 = arith.mulf %get3A_13, %convert_element_type3A_69 : vector<16x2048xf32>
      %reduce_sum3A_77 = arith.constant dense<0.000000e+00> : vector<16xf32>
      %reduce_sum3A_78 = vector.multi_reduction <add>, %mul3A_76, %reduce_sum3A_77 [1] : vector<16x2048xf32> to vector<16xf32>
      %broadcast_in_dim3A_79 = vector.shape_cast %reduce_sum3A_78 : vector<16xf32> to vector<16x1xf32>
      %reshape3A = vector.shape_cast %broadcast_in_dim3A_71 : vector<16x1xf32> to vector<1x16xf32>
      %swap3A_80 = arith.index_cast %scan3A_65 : i32 to index
      %swap3A_81 = arith.constant 0 : index
      %swap3A_82 = vector.load %arg3[%swap3A_80, %swap3A_81] : memref<512x16xf32, #tpu.memory_space<vmem>>, vector<1x16xf32>
      tpu.vector_store %arg3[%swap3A_80, %swap3A_81], %reshape3A {strides = array<i32>} : memref<512x16xf32, #tpu.memory_space<vmem>>, vector<1x16xf32>,
      %reshape3A_83 = vector.shape_cast %broadcast_in_dim3A_75 : vector<16x1xf32> to vector<1x16xf32>
      %swap3A_84 = arith.index_cast %scan3A_65 : i32 to index
      %swap3A_85 = arith.constant 0 : index
      %swap3A_86 = vector.load %arg4[%swap3A_84, %swap3A_85] : memref<512x16xf32, #tpu.memory_space<vmem>>, vector<1x16xf32>
      tpu.vector_store %arg4[%swap3A_84, %swap3A_85], %reshape3A_83 {strides = array<i32>} : memref<512x16xf32, #tpu.memory_space<vmem>>, vector<1x16xf32>,
      %reshape3A_87 = vector.shape_cast %broadcast_in_dim3A_79 : vector<16x1xf32> to vector<1x16xf32>
      %swap3A_88 = arith.index_cast %scan3A_65 : i32 to index
      %swap3A_89 = arith.constant 0 : index
      %swap3A_90 = vector.load %arg5[%swap3A_88, %swap3A_89] : memref<512x16xf32, #tpu.memory_space<vmem>>, vector<1x16xf32>
      tpu.vector_store %arg5[%swap3A_88, %swap3A_89], %reshape3A_87 {strides = array<i32>} : memref<512x16xf32, #tpu.memory_space<vmem>>, vector<1x16xf32>,
      %sub3A = vector.broadcast %broadcast_in_dim3A_71 : vector<16x1xf32> to vector<16x2048xf32>
      %sub3A_91 = arith.subf %get3A_3, %sub3A : vector<16x2048xf32>
      %sub3A_92 = vector.broadcast %broadcast_in_dim3A_75 : vector<16x1xf32> to vector<16x2048xf32>
      %sub3A_93 = arith.subf %get3A_8, %sub3A_92 : vector<16x2048xf32>
      %sub3A_94 = vector.broadcast %broadcast_in_dim3A_79 : vector<16x1xf32> to vector<16x2048xf32>
      %sub3A_95 = arith.subf %get3A_13, %sub3A_94 : vector<16x2048xf32>
      %mul3A_96 = arith.mulf %sub3A_91, %sub3A_91 : vector<16x2048xf32>
      %mul3A_97 = arith.mulf %sub3A_93, %sub3A_93 : vector<16x2048xf32>
      %add3A = arith.addf %mul3A_96, %mul3A_97 : vector<16x2048xf32>
      %mul3A_98 = arith.mulf %sub3A_95, %sub3A_95 : vector<16x2048xf32>
      %add3A_99 = arith.addf %add3A, %mul3A_98 : vector<16x2048xf32>
      %min3A = arith.minimumf %scan3A_66, %add3A_99 : vector<16x2048xf32>
      %reduce_max3A = arith.constant dense<0xFF800000> : vector<16xf32>
      %reduce_max3A_100 = vector.multi_reduction <maximumf>, %min3A, %reduce_max3A [1] : vector<16x2048xf32> to vector<16xf32>
      %broadcast_in_dim3A_101 = vector.shape_cast %reduce_max3A_100 : vector<16xf32> to vector<16x1xf32>
      %eq3A_102 = vector.broadcast %broadcast_in_dim3A_101 : vector<16x1xf32> to vector<16x2048xf32>
      %eq3A_103 = arith.cmpf oeq, %min3A, %eq3A_102 : vector<16x2048xf32>
      %jit3A = arith.constant 2048 : i32
      %broadcast_in_dim3A_104 = vector.broadcast %jit3A : i32 to vector<16x2048xi32>
      %select_n3A = arith.select %eq3A_103, %iota3A, %broadcast_in_dim3A_104 : vector<16x2048xi1>, vector<16x2048xi32>
      %reduce_min3A = arith.constant dense<2147483647> : vector<16xi32>
      %reduce_min3A_105 = vector.multi_reduction <minsi>, %select_n3A, %reduce_min3A [1] : vector<16x2048xi32> to vector<16xi32>
      %broadcast_in_dim3A_106 = vector.shape_cast %reduce_min3A_105 : vector<16xi32> to vector<16x1xi32>
      scf.yield %min3A, %broadcast_in_dim3A_106 : vector<16x2048xf32>, vector<16x1xi32>
    }
    %scan3A_21 = arith.constant 512 : i32
    %get3A_22 = arith.constant 0 : index
    %get3A_23 = arith.constant 0 : index
    %get3A_24 = vector.load %arg3[%get3A_22, %get3A_23] : memref<512x16xf32, #tpu.memory_space<vmem>>, vector<512x16xf32>
    %transpose3A = tpu.transpose %get3A_24, [1, 0] : vector<512x16xf32> -> vector<16x512xf32>
    %swap3A = arith.constant 0 : index
    %swap3A_25 = arith.constant 0 : index
    %swap3A_26 = vector.load %arg1[%swap3A, %swap3A_25] : memref<48x512xf32, #tpu.memory_space<vmem>>, vector<16x512xf32>
    tpu.vector_store %arg1[%swap3A, %swap3A_25], %transpose3A {strides = array<i32>} : memref<48x512xf32, #tpu.memory_space<vmem>>, vector<16x512xf32>,
    %get3A_27 = arith.constant 0 : index
    %get3A_28 = arith.constant 0 : index
    %get3A_29 = arith.constant 0 : index
    %get3A_30 = vector.load %arg0[%get3A_27, %get3A_28, %get3A_29] : memref<16x3x2048xf32, #tpu.memory_space<vmem>>, vector<16x1x2048xf32>
    %get3A_31 = vector.shape_cast %get3A_30 : vector<16x1x2048xf32> to vector<16x2048xf32>
    %swap3A_32 = arith.constant 0 : index
    %swap3A_33 = arith.constant 0 : index
    %swap3A_34 = vector.load %arg2[%swap3A_32, %swap3A_33] : memref<48x2048xf32, #tpu.memory_space<vmem>>, vector<16x2048xf32>
    tpu.vector_store %arg2[%swap3A_32, %swap3A_33], %get3A_31 {strides = array<i32>} : memref<48x2048xf32, #tpu.memory_space<vmem>>, vector<16x2048xf32>,
    %get3A_35 = arith.constant 0 : index
    %get3A_36 = arith.constant 0 : index
    %get3A_37 = vector.load %arg4[%get3A_35, %get3A_36] : memref<512x16xf32, #tpu.memory_space<vmem>>, vector<512x16xf32>
    %transpose3A_38 = tpu.transpose %get3A_37, [1, 0] : vector<512x16xf32> -> vector<16x512xf32>
    %swap3A_39 = arith.constant 16 : index
    %swap3A_40 = arith.constant 0 : index
    %swap3A_41 = vector.load %arg1[%swap3A_39, %swap3A_40] : memref<48x512xf32, #tpu.memory_space<vmem>>, vector<16x512xf32>
    tpu.vector_store %arg1[%swap3A_39, %swap3A_40], %transpose3A_38 {strides = array<i32>} : memref<48x512xf32, #tpu.memory_space<vmem>>, vector<16x512xf32>,
    %get3A_42 = arith.constant 0 : index
    %get3A_43 = arith.constant 1 : index
    %get3A_44 = arith.constant 0 : index
    %get3A_45 = vector.load %arg0[%get3A_42, %get3A_43, %get3A_44] : memref<16x3x2048xf32, #tpu.memory_space<vmem>>, vector<16x1x2048xf32>
    %get3A_46 = vector.shape_cast %get3A_45 : vector<16x1x2048xf32> to vector<16x2048xf32>
    %swap3A_47 = arith.constant 16 : index
    %swap3A_48 = arith.constant 0 : index
    %swap3A_49 = vector.load %arg2[%swap3A_47, %swap3A_48] : memref<48x2048xf32, #tpu.memory_space<vmem>>, vector<16x2048xf32>
    tpu.vector_store %arg2[%swap3A_47, %swap3A_48], %get3A_46 {strides = array<i32>} : memref<48x2048xf32, #tpu.memory_space<vmem>>, vector<16x2048xf32>,
    %get3A_50 = arith.constant 0 : index
    %get3A_51 = arith.constant 0 : index
    %get3A_52 = vector.load %arg5[%get3A_50, %get3A_51] : memref<512x16xf32, #tpu.memory_space<vmem>>, vector<512x16xf32>
    %transpose3A_53 = tpu.transpose %get3A_52, [1, 0] : vector<512x16xf32> -> vector<16x512xf32>
    %swap3A_54 = arith.constant 32 : index
    %swap3A_55 = arith.constant 0 : index
    %swap3A_56 = vector.load %arg1[%swap3A_54, %swap3A_55] : memref<48x512xf32, #tpu.memory_space<vmem>>, vector<16x512xf32>
    tpu.vector_store %arg1[%swap3A_54, %swap3A_55], %transpose3A_53 {strides = array<i32>} : memref<48x512xf32, #tpu.memory_space<vmem>>, vector<16x512xf32>,
    %get3A_57 = arith.constant 0 : index
    %get3A_58 = arith.constant 2 : index
    %get3A_59 = arith.constant 0 : index
    %get3A_60 = vector.load %arg0[%get3A_57, %get3A_58, %get3A_59] : memref<16x3x2048xf32, #tpu.memory_space<vmem>>, vector<16x1x2048xf32>
    %get3A_61 = vector.shape_cast %get3A_60 : vector<16x1x2048xf32> to vector<16x2048xf32>
    %swap3A_62 = arith.constant 32 : index
    %swap3A_63 = arith.constant 0 : index
    %swap3A_64 = vector.load %arg2[%swap3A_62, %swap3A_63] : memref<48x2048xf32, #tpu.memory_space<vmem>>, vector<16x2048xf32>
    tpu.vector_store %arg2[%swap3A_62, %swap3A_63], %get3A_61 {strides = array<i32>} : memref<48x2048xf32, #tpu.memory_space<vmem>>, vector<16x2048xf32>,
    return
  }
}

module attributes {stable_mosaic.version = 14 : i64} {
  func.func @_sa1_body(%arg0: i32, %arg1: i32, %arg2: memref<1x128x32xf32, #tpu.memory_space<vmem>>, %arg3: memref<1x128x32xf32, #tpu.memory_space<vmem>>, %arg4: memref<1x128x32xf32, #tpu.memory_space<vmem>>, %arg5: memref<64x3xf32, #tpu.memory_space<vmem>>, %arg6: memref<64x1xf32, #tpu.memory_space<vmem>>, %arg7: memref<64x1xf32, #tpu.memory_space<vmem>>, %arg8: memref<64x64xf32, #tpu.memory_space<vmem>>, %arg9: memref<64x1xf32, #tpu.memory_space<vmem>>, %arg10: memref<64x1xf32, #tpu.memory_space<vmem>>, %arg11: memref<128x64xf32, #tpu.memory_space<vmem>>, %arg12: memref<128x1xf32, #tpu.memory_space<vmem>>, %arg13: memref<128x1xf32, #tpu.memory_space<vmem>>, %arg14: memref<1x128x128xf32, #tpu.memory_space<vmem>>) attributes {dimension_semantics = [#tpu.dimension_semantics<arbitrary>, #tpu.dimension_semantics<arbitrary>], iteration_bounds = array<i64: 16, 4>, scalar_prefetch = 0 : i64, scratch_operands = 0 : i64, tpu.core_type = #tpu.core_type<tc>, window_params = [{transform_indices = @transform_0, window_bounds = array<i64: 1, 128, 32>}, {transform_indices = @transform_1, window_bounds = array<i64: 1, 128, 32>}, {transform_indices = @transform_2, window_bounds = array<i64: 1, 128, 32>}, {pipeline_mode = #tpu.pipeline_mode<synchronous>, transform_indices = @transform_3, window_bounds = array<i64: 64, 3>}, {pipeline_mode = #tpu.pipeline_mode<synchronous>, transform_indices = @transform_4, window_bounds = array<i64: 64, 1>}, {pipeline_mode = #tpu.pipeline_mode<synchronous>, transform_indices = @transform_5, window_bounds = array<i64: 64, 1>}, {pipeline_mode = #tpu.pipeline_mode<synchronous>, transform_indices = @transform_6, window_bounds = array<i64: 64, 64>}, {pipeline_mode = #tpu.pipeline_mode<synchronous>, transform_indices = @transform_7, window_bounds = array<i64: 64, 1>}, {pipeline_mode = #tpu.pipeline_mode<synchronous>, transform_indices = @transform_8, window_bounds = array<i64: 64, 1>}, {pipeline_mode = #tpu.pipeline_mode<synchronous>, transform_indices = @transform_9, window_bounds = array<i64: 128, 64>}, {pipeline_mode = #tpu.pipeline_mode<synchronous>, transform_indices = @transform_10, window_bounds = array<i64: 128, 1>}, {pipeline_mode = #tpu.pipeline_mode<synchronous>, transform_indices = @transform_11, window_bounds = array<i64: 128, 1>}, {transform_indices = @transform_12, window_bounds = array<i64: 1, 128, 128>}]} {
    %get3A = arith.constant 0 : index
    %get3A_0 = arith.constant 0 : index
    %get3A_1 = arith.constant 0 : index
    %get3A_2 = vector.load %arg2[%get3A, %get3A_0, %get3A_1] : memref<1x128x32xf32, #tpu.memory_space<vmem>>, vector<1x128x32xf32>
    %get3A_3 = vector.shape_cast %get3A_2 : vector<1x128x32xf32> to vector<128x32xf32>
    %transpose3A = tpu.transpose %get3A_3, [1, 0] : vector<128x32xf32> -> vector<32x128xf32>
    %reshape3A = vector.shape_cast %transpose3A : vector<32x128xf32> to vector<1x4096xf32>
    %get3A_4 = arith.constant 0 : index
    %get3A_5 = arith.constant 0 : index
    %get3A_6 = arith.constant 0 : index
    %get3A_7 = vector.load %arg3[%get3A_4, %get3A_5, %get3A_6] : memref<1x128x32xf32, #tpu.memory_space<vmem>>, vector<1x128x32xf32>
    %get3A_8 = vector.shape_cast %get3A_7 : vector<1x128x32xf32> to vector<128x32xf32>
    %transpose3A_9 = tpu.transpose %get3A_8, [1, 0] : vector<128x32xf32> -> vector<32x128xf32>
    %reshape3A_10 = vector.shape_cast %transpose3A_9 : vector<32x128xf32> to vector<1x4096xf32>
    %get3A_11 = arith.constant 0 : index
    %get3A_12 = arith.constant 0 : index
    %get3A_13 = arith.constant 0 : index
    %get3A_14 = vector.load %arg4[%get3A_11, %get3A_12, %get3A_13] : memref<1x128x32xf32, #tpu.memory_space<vmem>>, vector<1x128x32xf32>
    %get3A_15 = vector.shape_cast %get3A_14 : vector<1x128x32xf32> to vector<128x32xf32>
    %transpose3A_16 = tpu.transpose %get3A_15, [1, 0] : vector<128x32xf32> -> vector<32x128xf32>
    %reshape3A_17 = vector.shape_cast %transpose3A_16 : vector<32x128xf32> to vector<1x4096xf32>
    %concatenate3A = tpu.concatenate %reshape3A, %reshape3A_10, %reshape3A_17 in 0 : vector<1x4096xf32>, vector<1x4096xf32>, vector<1x4096xf32> -> vector<3x4096xf32>
    %get3A_18 = arith.constant 0 : index
    %get3A_19 = arith.constant 0 : index
    %get3A_20 = vector.load %arg5[%get3A_18, %get3A_19] : memref<64x3xf32, #tpu.memory_space<vmem>>, vector<64x3xf32>
    %dot_general3A = arith.constant dense<0.000000e+00> : vector<64x4096xf32>
    %dot_general3A_21 = tpu.matmul %get3A_20, %concatenate3A, %dot_general3A {dimension_numbers = #tpu.dot_dimension_numbers<[1], [0], [0], [1], [0, 0, 1, 1], [], []>, transpose_lhs_hint = false} : vector<64x3xf32>, vector<3x4096xf32>, vector<64x4096xf32> -> vector<64x4096xf32>
    %get3A_22 = arith.constant 0 : index
    %get3A_23 = arith.constant 0 : index
    %get3A_24 = vector.load %arg6[%get3A_22, %get3A_23] : memref<64x1xf32, #tpu.memory_space<vmem>>, vector<64x1xf32>
    %get3A_25 = arith.constant 0 : index
    %get3A_26 = arith.constant 0 : index
    %get3A_27 = vector.load %arg7[%get3A_25, %get3A_26] : memref<64x1xf32, #tpu.memory_space<vmem>>, vector<64x1xf32>
    %sqrt3A = arith.constant 1.000010e+00 : f32
    %sqrt3A_28 = math.sqrt %sqrt3A : f32
    %div3A = vector.broadcast %sqrt3A_28 : f32 to vector<64x4096xf32>
    %div3A_29 = arith.divf %dot_general3A_21, %div3A : vector<64x4096xf32>
    %mul3A = vector.broadcast %get3A_24 : vector<64x1xf32> to vector<64x4096xf32>
    %mul3A_30 = arith.mulf %div3A_29, %mul3A : vector<64x4096xf32>
    %add3A = vector.broadcast %get3A_27 : vector<64x1xf32> to vector<64x4096xf32>
    %add3A_31 = arith.addf %mul3A_30, %add3A : vector<64x4096xf32>
    %max3A = arith.constant 0.000000e+00 : f32
    %max3A_32 = vector.broadcast %max3A : f32 to vector<64x4096xf32>
    %max3A_33 = arith.maximumf %add3A_31, %max3A_32 : vector<64x4096xf32>
    %get3A_34 = arith.constant 0 : index
    %get3A_35 = arith.constant 0 : index
    %get3A_36 = vector.load %arg8[%get3A_34, %get3A_35] : memref<64x64xf32, #tpu.memory_space<vmem>>, vector<64x64xf32>
    %dot_general3A_37 = arith.constant dense<0.000000e+00> : vector<64x4096xf32>
    %dot_general3A_38 = tpu.matmul %get3A_36, %max3A_33, %dot_general3A_37 {dimension_numbers = #tpu.dot_dimension_numbers<[1], [0], [0], [1], [0, 0, 1, 1], [], []>, transpose_lhs_hint = false} : vector<64x64xf32>, vector<64x4096xf32>, vector<64x4096xf32> -> vector<64x4096xf32>
    %get3A_39 = arith.constant 0 : index
    %get3A_40 = arith.constant 0 : index
    %get3A_41 = vector.load %arg9[%get3A_39, %get3A_40] : memref<64x1xf32, #tpu.memory_space<vmem>>, vector<64x1xf32>
    %get3A_42 = arith.constant 0 : index
    %get3A_43 = arith.constant 0 : index
    %get3A_44 = vector.load %arg10[%get3A_42, %get3A_43] : memref<64x1xf32, #tpu.memory_space<vmem>>, vector<64x1xf32>
    %sqrt3A_45 = arith.constant 1.000010e+00 : f32
    %sqrt3A_46 = math.sqrt %sqrt3A_45 : f32
    %div3A_47 = vector.broadcast %sqrt3A_46 : f32 to vector<64x4096xf32>
    %div3A_48 = arith.divf %dot_general3A_38, %div3A_47 : vector<64x4096xf32>
    %mul3A_49 = vector.broadcast %get3A_41 : vector<64x1xf32> to vector<64x4096xf32>
    %mul3A_50 = arith.mulf %div3A_48, %mul3A_49 : vector<64x4096xf32>
    %add3A_51 = vector.broadcast %get3A_44 : vector<64x1xf32> to vector<64x4096xf32>
    %add3A_52 = arith.addf %mul3A_50, %add3A_51 : vector<64x4096xf32>
    %max3A_53 = arith.constant 0.000000e+00 : f32
    %max3A_54 = vector.broadcast %max3A_53 : f32 to vector<64x4096xf32>
    %max3A_55 = arith.maximumf %add3A_52, %max3A_54 : vector<64x4096xf32>
    %get3A_56 = arith.constant 0 : index
    %get3A_57 = arith.constant 0 : index
    %get3A_58 = vector.load %arg11[%get3A_56, %get3A_57] : memref<128x64xf32, #tpu.memory_space<vmem>>, vector<128x64xf32>
    %dot_general3A_59 = arith.constant dense<0.000000e+00> : vector<128x4096xf32>
    %dot_general3A_60 = tpu.matmul %get3A_58, %max3A_55, %dot_general3A_59 {dimension_numbers = #tpu.dot_dimension_numbers<[1], [0], [0], [1], [0, 0, 1, 1], [], []>, transpose_lhs_hint = false} : vector<128x64xf32>, vector<64x4096xf32>, vector<128x4096xf32> -> vector<128x4096xf32>
    %get3A_61 = arith.constant 0 : index
    %get3A_62 = arith.constant 0 : index
    %get3A_63 = vector.load %arg12[%get3A_61, %get3A_62] : memref<128x1xf32, #tpu.memory_space<vmem>>, vector<128x1xf32>
    %get3A_64 = arith.constant 0 : index
    %get3A_65 = arith.constant 0 : index
    %get3A_66 = vector.load %arg13[%get3A_64, %get3A_65] : memref<128x1xf32, #tpu.memory_space<vmem>>, vector<128x1xf32>
    %sqrt3A_67 = arith.constant 1.000010e+00 : f32
    %sqrt3A_68 = math.sqrt %sqrt3A_67 : f32
    %div3A_69 = vector.broadcast %sqrt3A_68 : f32 to vector<128x4096xf32>
    %div3A_70 = arith.divf %dot_general3A_60, %div3A_69 : vector<128x4096xf32>
    %mul3A_71 = vector.broadcast %get3A_63 : vector<128x1xf32> to vector<128x4096xf32>
    %mul3A_72 = arith.mulf %div3A_70, %mul3A_71 : vector<128x4096xf32>
    %add3A_73 = vector.broadcast %get3A_66 : vector<128x1xf32> to vector<128x4096xf32>
    %add3A_74 = arith.addf %mul3A_72, %add3A_73 : vector<128x4096xf32>
    %max3A_75 = arith.constant 0.000000e+00 : f32
    %max3A_76 = vector.broadcast %max3A_75 : f32 to vector<128x4096xf32>
    %max3A_77 = arith.maximumf %add3A_74, %max3A_76 : vector<128x4096xf32>
    %reshape3A_78 = vector.shape_cast %max3A_77 : vector<128x4096xf32> to vector<128x32x128xf32>
    %reduce_max3A = arith.constant dense<0xFF800000> : vector<128x128xf32>
    %reduce_max3A_79 = vector.multi_reduction <maximumf>, %reshape3A_78, %reduce_max3A [1] : vector<128x32x128xf32> to vector<128x128xf32>
    %swap3A = arith.constant 0 : index
    %swap3A_80 = arith.constant 0 : index
    %swap3A_81 = arith.constant 0 : index
    %swap3A_82 = vector.load %arg14[%swap3A, %swap3A_80, %swap3A_81] : memref<1x128x128xf32, #tpu.memory_space<vmem>>, vector<1x128x128xf32>
    %swap3A_83 = vector.shape_cast %swap3A_82 : vector<1x128x128xf32> to vector<128x128xf32>
    %swap3A_84 = vector.shape_cast %reduce_max3A_79 : vector<128x128xf32> to vector<1x128x128xf32>
    tpu.vector_store %arg14[%swap3A, %swap3A_80, %swap3A_81], %swap3A_84 {strides = array<i32>} : memref<1x128x128xf32, #tpu.memory_space<vmem>>, vector<1x128x128xf32>,
    return
  }
  func.func @transform_0(%arg0: i32, %arg1: i32) -> (i32, i32, i32) {
    %c0_i32 = arith.constant 0 : i32
    %c0_i32_0 = arith.constant 0 : i32
    return %arg0, %arg1, %c0_i32 : i32, i32, i32
  }
  func.func @transform_1(%arg0: i32, %arg1: i32) -> (i32, i32, i32) {
    %c0_i32 = arith.constant 0 : i32
    %c0_i32_0 = arith.constant 0 : i32
    return %arg0, %arg1, %c0_i32 : i32, i32, i32
  }
  func.func @transform_2(%arg0: i32, %arg1: i32) -> (i32, i32, i32) {
    %c0_i32 = arith.constant 0 : i32
    %c0_i32_0 = arith.constant 0 : i32
    return %arg0, %arg1, %c0_i32 : i32, i32, i32
  }
  func.func @transform_3(%arg0: i32, %arg1: i32) -> (i32, i32) {
    %c0_i32 = arith.constant 0 : i32
    %c0_i32_0 = arith.constant 0 : i32
    %c0_i32_1 = arith.constant 0 : i32
    return %c0_i32, %c0_i32_0 : i32, i32
  }
  func.func @transform_4(%arg0: i32, %arg1: i32) -> (i32, i32) {
    %c0_i32 = arith.constant 0 : i32
    %c0_i32_0 = arith.constant 0 : i32
    %c0_i32_1 = arith.constant 0 : i32
    return %c0_i32, %c0_i32_0 : i32, i32
  }
  func.func @transform_5(%arg0: i32, %arg1: i32) -> (i32, i32) {
    %c0_i32 = arith.constant 0 : i32
    %c0_i32_0 = arith.constant 0 : i32
    %c0_i32_1 = arith.constant 0 : i32
    return %c0_i32, %c0_i32_0 : i32, i32
  }
  func.func @transform_6(%arg0: i32, %arg1: i32) -> (i32, i32) {
    %c0_i32 = arith.constant 0 : i32
    %c0_i32_0 = arith.constant 0 : i32
    %c0_i32_1 = arith.constant 0 : i32
    return %c0_i32, %c0_i32_0 : i32, i32
  }
  func.func @transform_7(%arg0: i32, %arg1: i32) -> (i32, i32) {
    %c0_i32 = arith.constant 0 : i32
    %c0_i32_0 = arith.constant 0 : i32
    %c0_i32_1 = arith.constant 0 : i32
    return %c0_i32, %c0_i32_0 : i32, i32
  }
  func.func @transform_8(%arg0: i32, %arg1: i32) -> (i32, i32) {
    %c0_i32 = arith.constant 0 : i32
    %c0_i32_0 = arith.constant 0 : i32
    %c0_i32_1 = arith.constant 0 : i32
    return %c0_i32, %c0_i32_0 : i32, i32
  }
  func.func @transform_9(%arg0: i32, %arg1: i32) -> (i32, i32) {
    %c0_i32 = arith.constant 0 : i32
    %c0_i32_0 = arith.constant 0 : i32
    %c0_i32_1 = arith.constant 0 : i32
    return %c0_i32, %c0_i32_0 : i32, i32
  }
  func.func @transform_10(%arg0: i32, %arg1: i32) -> (i32, i32) {
    %c0_i32 = arith.constant 0 : i32
    %c0_i32_0 = arith.constant 0 : i32
    %c0_i32_1 = arith.constant 0 : i32
    return %c0_i32, %c0_i32_0 : i32, i32
  }
  func.func @transform_11(%arg0: i32, %arg1: i32) -> (i32, i32) {
    %c0_i32 = arith.constant 0 : i32
    %c0_i32_0 = arith.constant 0 : i32
    %c0_i32_1 = arith.constant 0 : i32
    return %c0_i32, %c0_i32_0 : i32, i32
  }
  func.func @transform_12(%arg0: i32, %arg1: i32) -> (i32, i32, i32) {
    %c0_i32 = arith.constant 0 : i32
    %c0_i32_0 = arith.constant 0 : i32
    return %arg0, %c0_i32, %arg1 : i32, i32, i32
  }
}

module attributes {stable_mosaic.version = 14 : i64} {
  func.func @_sa2_body(%arg0: i32, %arg1: memref<1x128x64xi32, #tpu.memory_space<vmem>>, %arg2: memref<1x128x64xf32, #tpu.memory_space<vmem>>, %arg3: memref<1x128x64xf32, #tpu.memory_space<vmem>>, %arg4: memref<1x128x64xf32, #tpu.memory_space<vmem>>, %arg5: memref<1x128x512xf32, #tpu.memory_space<vmem>>, %arg6: memref<128x131xf32, #tpu.memory_space<vmem>>, %arg7: memref<128x1xf32, #tpu.memory_space<vmem>>, %arg8: memref<128x1xf32, #tpu.memory_space<vmem>>, %arg9: memref<128x128xf32, #tpu.memory_space<vmem>>, %arg10: memref<128x1xf32, #tpu.memory_space<vmem>>, %arg11: memref<128x1xf32, #tpu.memory_space<vmem>>, %arg12: memref<256x128xf32, #tpu.memory_space<vmem>>, %arg13: memref<256x1xf32, #tpu.memory_space<vmem>>, %arg14: memref<256x1xf32, #tpu.memory_space<vmem>>, %arg15: memref<256x256xf32, #tpu.memory_space<vmem>>, %arg16: memref<256x1xf32, #tpu.memory_space<vmem>>, %arg17: memref<256x1xf32, #tpu.memory_space<vmem>>, %arg18: memref<512x256xf32, #tpu.memory_space<vmem>>, %arg19: memref<512x1xf32, #tpu.memory_space<vmem>>, %arg20: memref<512x1xf32, #tpu.memory_space<vmem>>, %arg21: memref<1024x512xf32, #tpu.memory_space<vmem>>, %arg22: memref<1024x1xf32, #tpu.memory_space<vmem>>, %arg23: memref<1024x1xf32, #tpu.memory_space<vmem>>, %arg24: memref<1x1x1024xf32, #tpu.memory_space<vmem>>, %arg25: memref<1x1x1024xi32, #tpu.memory_space<vmem>>) attributes {dimension_semantics = [#tpu.dimension_semantics<arbitrary>], iteration_bounds = array<i64: 16>, scalar_prefetch = 0 : i64, scratch_operands = 0 : i64, tpu.core_type = #tpu.core_type<tc>, window_params = [{transform_indices = @transform_0, window_bounds = array<i64: 1, 128, 64>}, {transform_indices = @transform_1, window_bounds = array<i64: 1, 128, 64>}, {transform_indices = @transform_2, window_bounds = array<i64: 1, 128, 64>}, {transform_indices = @transform_3, window_bounds = array<i64: 1, 128, 64>}, {transform_indices = @transform_4, window_bounds = array<i64: 1, 128, 512>}, {pipeline_mode = #tpu.pipeline_mode<synchronous>, transform_indices = @transform_5, window_bounds = array<i64: 128, 131>}, {pipeline_mode = #tpu.pipeline_mode<synchronous>, transform_indices = @transform_6, window_bounds = array<i64: 128, 1>}, {pipeline_mode = #tpu.pipeline_mode<synchronous>, transform_indices = @transform_7, window_bounds = array<i64: 128, 1>}, {pipeline_mode = #tpu.pipeline_mode<synchronous>, transform_indices = @transform_8, window_bounds = array<i64: 128, 128>}, {pipeline_mode = #tpu.pipeline_mode<synchronous>, transform_indices = @transform_9, window_bounds = array<i64: 128, 1>}, {pipeline_mode = #tpu.pipeline_mode<synchronous>, transform_indices = @transform_10, window_bounds = array<i64: 128, 1>}, {pipeline_mode = #tpu.pipeline_mode<synchronous>, transform_indices = @transform_11, window_bounds = array<i64: 256, 128>}, {pipeline_mode = #tpu.pipeline_mode<synchronous>, transform_indices = @transform_12, window_bounds = array<i64: 256, 1>}, {pipeline_mode = #tpu.pipeline_mode<synchronous>, transform_indices = @transform_13, window_bounds = array<i64: 256, 1>}, {pipeline_mode = #tpu.pipeline_mode<synchronous>, transform_indices = @transform_14, window_bounds = array<i64: 256, 256>}, {pipeline_mode = #tpu.pipeline_mode<synchronous>, transform_indices = @transform_15, window_bounds = array<i64: 256, 1>}, {pipeline_mode = #tpu.pipeline_mode<synchronous>, transform_indices = @transform_16, window_bounds = array<i64: 256, 1>}, {pipeline_mode = #tpu.pipeline_mode<synchronous>, transform_indices = @transform_17, window_bounds = array<i64: 512, 256>}, {pipeline_mode = #tpu.pipeline_mode<synchronous>, transform_indices = @transform_18, window_bounds = array<i64: 512, 1>}, {pipeline_mode = #tpu.pipeline_mode<synchronous>, transform_indices = @transform_19, window_bounds = array<i64: 512, 1>}, {pipeline_mode = #tpu.pipeline_mode<synchronous>, transform_indices = @transform_20, window_bounds = array<i64: 1024, 512>}, {pipeline_mode = #tpu.pipeline_mode<synchronous>, transform_indices = @transform_21, window_bounds = array<i64: 1024, 1>}, {pipeline_mode = #tpu.pipeline_mode<synchronous>, transform_indices = @transform_22, window_bounds = array<i64: 1024, 1>}, {transform_indices = @transform_23, window_bounds = array<i64: 1, 1, 1024>}, {transform_indices = @transform_24, window_bounds = array<i64: 1, 1, 1024>}]} {
    %get3A = arith.constant 0 : index
    %get3A_0 = arith.constant 0 : index
    %get3A_1 = arith.constant 0 : index
    %get3A_2 = vector.load %arg5[%get3A, %get3A_0, %get3A_1] : memref<1x128x512xf32, #tpu.memory_space<vmem>>, vector<1x128x512xf32>
    %get3A_3 = vector.shape_cast %get3A_2 : vector<1x128x512xf32> to vector<128x512xf32>
    %iota3A = tpu.iota {dimensions = array<i32: 0>} : vector<512x1024xi32>
    %get3A_4 = arith.constant 0 : index
    %get3A_5 = arith.constant 0 : index
    %get3A_6 = arith.constant 0 : index
    %get3A_7 = vector.load %arg1[%get3A_4, %get3A_5, %get3A_6] : memref<1x128x64xi32, #tpu.memory_space<vmem>>, vector<1x128x64xi32>
    %get3A_8 = vector.shape_cast %get3A_7 : vector<1x128x64xi32> to vector<128x64xi32>
    %transpose3A = tpu.transpose %get3A_8, [1, 0] : vector<128x64xi32> -> vector<64x128xi32>
    %get3A_9 = arith.constant 0 : index
    %get3A_10 = arith.constant 0 : index
    %get3A_11 = arith.constant 0 : index
    %get3A_12 = vector.load %arg2[%get3A_9, %get3A_10, %get3A_11] : memref<1x128x64xf32, #tpu.memory_space<vmem>>, vector<1x128x64xf32>
    %get3A_13 = vector.shape_cast %get3A_12 : vector<1x128x64xf32> to vector<128x64xf32>
    %transpose3A_14 = tpu.transpose %get3A_13, [1, 0] : vector<128x64xf32> -> vector<64x128xf32>
    %get3A_15 = arith.constant 0 : index
    %get3A_16 = arith.constant 0 : index
    %get3A_17 = arith.constant 0 : index
    %get3A_18 = vector.load %arg3[%get3A_15, %get3A_16, %get3A_17] : memref<1x128x64xf32, #tpu.memory_space<vmem>>, vector<1x128x64xf32>
    %get3A_19 = vector.shape_cast %get3A_18 : vector<1x128x64xf32> to vector<128x64xf32>
    %transpose3A_20 = tpu.transpose %get3A_19, [1, 0] : vector<128x64xf32> -> vector<64x128xf32>
    %get3A_21 = arith.constant 0 : index
    %get3A_22 = arith.constant 0 : index
    %get3A_23 = arith.constant 0 : index
    %get3A_24 = vector.load %arg4[%get3A_21, %get3A_22, %get3A_23] : memref<1x128x64xf32, #tpu.memory_space<vmem>>, vector<1x128x64xf32>
    %get3A_25 = vector.shape_cast %get3A_24 : vector<1x128x64xf32> to vector<128x64xf32>
    %transpose3A_26 = tpu.transpose %get3A_25, [1, 0] : vector<128x64xf32> -> vector<64x128xf32>
    %slice3A = vector.extract_strided_slice %transpose3A {offsets = [0, 0], sizes = [8, 128], strides = [1, 1]} : vector<64x128xi32> to vector<8x128xi32>
    %reshape3A = vector.shape_cast %slice3A : vector<8x128xi32> to vector<1x1024xi32>
    %eq3A = vector.broadcast %reshape3A : vector<1x1024xi32> to vector<512x1024xi32>
    %eq3A_27 = arith.cmpi eq, %iota3A, %eq3A : vector<512x1024xi32>
    %convert_element_type3A = arith.extui %eq3A_27 : vector<512x1024xi1> to vector<512x1024xi32>
    %convert_element_type3A_28 = arith.sitofp %convert_element_type3A : vector<512x1024xi32> to vector<512x1024xf32>
    %dot_general3A = arith.constant dense<0.000000e+00> : vector<128x1024xf32>
    %dot_general3A_29 = tpu.matmul %get3A_3, %convert_element_type3A_28, %dot_general3A {dimension_numbers = #tpu.dot_dimension_numbers<[1], [0], [0], [1], [0, 0, 1, 1], [], []>, transpose_lhs_hint = false} : vector<128x512xf32>, vector<512x1024xf32>, vector<128x1024xf32> -> vector<128x1024xf32>
    %slice3A_30 = vector.extract_strided_slice %transpose3A_14 {offsets = [0, 0], sizes = [8, 128], strides = [1, 1]} : vector<64x128xf32> to vector<8x128xf32>
    %reshape3A_31 = vector.shape_cast %slice3A_30 : vector<8x128xf32> to vector<1x1024xf32>
    %slice3A_32 = vector.extract_strided_slice %transpose3A_20 {offsets = [0, 0], sizes = [8, 128], strides = [1, 1]} : vector<64x128xf32> to vector<8x128xf32>
    %reshape3A_33 = vector.shape_cast %slice3A_32 : vector<8x128xf32> to vector<1x1024xf32>
    %slice3A_34 = vector.extract_strided_slice %transpose3A_26 {offsets = [0, 0], sizes = [8, 128], strides = [1, 1]} : vector<64x128xf32> to vector<8x128xf32>
    %reshape3A_35 = vector.shape_cast %slice3A_34 : vector<8x128xf32> to vector<1x1024xf32>
    %concatenate3A = tpu.concatenate %reshape3A_31, %reshape3A_33, %reshape3A_35, %dot_general3A_29 in 0 : vector<1x1024xf32>, vector<1x1024xf32>, vector<1x1024xf32>, vector<128x1024xf32> -> vector<131x1024xf32>
    %get3A_36 = arith.constant 0 : index
    %get3A_37 = arith.constant 0 : index
    %get3A_38 = vector.load %arg6[%get3A_36, %get3A_37] : memref<128x131xf32, #tpu.memory_space<vmem>>, vector<128x131xf32>
    %dot_general3A_39 = arith.constant dense<0.000000e+00> : vector<128x1024xf32>
    %dot_general3A_40 = tpu.matmul %get3A_38, %concatenate3A, %dot_general3A_39 {dimension_numbers = #tpu.dot_dimension_numbers<[1], [0], [0], [1], [0, 0, 1, 1], [], []>, transpose_lhs_hint = false} : vector<128x131xf32>, vector<131x1024xf32>, vector<128x1024xf32> -> vector<128x1024xf32>
    %get3A_41 = arith.constant 0 : index
    %get3A_42 = arith.constant 0 : index
    %get3A_43 = vector.load %arg7[%get3A_41, %get3A_42] : memref<128x1xf32, #tpu.memory_space<vmem>>, vector<128x1xf32>
    %get3A_44 = arith.constant 0 : index
    %get3A_45 = arith.constant 0 : index
    %get3A_46 = vector.load %arg8[%get3A_44, %get3A_45] : memref<128x1xf32, #tpu.memory_space<vmem>>, vector<128x1xf32>
    %sqrt3A = arith.constant 1.000010e+00 : f32
    %sqrt3A_47 = math.sqrt %sqrt3A : f32
    %div3A = vector.broadcast %sqrt3A_47 : f32 to vector<128x1024xf32>
    %div3A_48 = arith.divf %dot_general3A_40, %div3A : vector<128x1024xf32>
    %mul3A = vector.broadcast %get3A_43 : vector<128x1xf32> to vector<128x1024xf32>
    %mul3A_49 = arith.mulf %div3A_48, %mul3A : vector<128x1024xf32>
    %add3A = vector.broadcast %get3A_46 : vector<128x1xf32> to vector<128x1024xf32>
    %add3A_50 = arith.addf %mul3A_49, %add3A : vector<128x1024xf32>
    %max3A = arith.constant 0.000000e+00 : f32
    %max3A_51 = vector.broadcast %max3A : f32 to vector<128x1024xf32>
    %max3A_52 = arith.maximumf %add3A_50, %max3A_51 : vector<128x1024xf32>
    %get3A_53 = arith.constant 0 : index
    %get3A_54 = arith.constant 0 : index
    %get3A_55 = vector.load %arg9[%get3A_53, %get3A_54] : memref<128x128xf32, #tpu.memory_space<vmem>>, vector<128x128xf32>
    %dot_general3A_56 = arith.constant dense<0.000000e+00> : vector<128x1024xf32>
    %dot_general3A_57 = tpu.matmul %get3A_55, %max3A_52, %dot_general3A_56 {dimension_numbers = #tpu.dot_dimension_numbers<[1], [0], [0], [1], [0, 0, 1, 1], [], []>, transpose_lhs_hint = false} : vector<128x128xf32>, vector<128x1024xf32>, vector<128x1024xf32> -> vector<128x1024xf32>
    %get3A_58 = arith.constant 0 : index
    %get3A_59 = arith.constant 0 : index
    %get3A_60 = vector.load %arg10[%get3A_58, %get3A_59] : memref<128x1xf32, #tpu.memory_space<vmem>>, vector<128x1xf32>
    %get3A_61 = arith.constant 0 : index
    %get3A_62 = arith.constant 0 : index
    %get3A_63 = vector.load %arg11[%get3A_61, %get3A_62] : memref<128x1xf32, #tpu.memory_space<vmem>>, vector<128x1xf32>
    %sqrt3A_64 = arith.constant 1.000010e+00 : f32
    %sqrt3A_65 = math.sqrt %sqrt3A_64 : f32
    %div3A_66 = vector.broadcast %sqrt3A_65 : f32 to vector<128x1024xf32>
    %div3A_67 = arith.divf %dot_general3A_57, %div3A_66 : vector<128x1024xf32>
    %mul3A_68 = vector.broadcast %get3A_60 : vector<128x1xf32> to vector<128x1024xf32>
    %mul3A_69 = arith.mulf %div3A_67, %mul3A_68 : vector<128x1024xf32>
    %add3A_70 = vector.broadcast %get3A_63 : vector<128x1xf32> to vector<128x1024xf32>
    %add3A_71 = arith.addf %mul3A_69, %add3A_70 : vector<128x1024xf32>
    %max3A_72 = arith.constant 0.000000e+00 : f32
    %max3A_73 = vector.broadcast %max3A_72 : f32 to vector<128x1024xf32>
    %max3A_74 = arith.maximumf %add3A_71, %max3A_73 : vector<128x1024xf32>
    %get3A_75 = arith.constant 0 : index
    %get3A_76 = arith.constant 0 : index
    %get3A_77 = vector.load %arg12[%get3A_75, %get3A_76] : memref<256x128xf32, #tpu.memory_space<vmem>>, vector<256x128xf32>
    %dot_general3A_78 = arith.constant dense<0.000000e+00> : vector<256x1024xf32>
    %dot_general3A_79 = tpu.matmul %get3A_77, %max3A_74, %dot_general3A_78 {dimension_numbers = #tpu.dot_dimension_numbers<[1], [0], [0], [1], [0, 0, 1, 1], [], []>, transpose_lhs_hint = false} : vector<256x128xf32>, vector<128x1024xf32>, vector<256x1024xf32> -> vector<256x1024xf32>
    %get3A_80 = arith.constant 0 : index
    %get3A_81 = arith.constant 0 : index
    %get3A_82 = vector.load %arg13[%get3A_80, %get3A_81] : memref<256x1xf32, #tpu.memory_space<vmem>>, vector<256x1xf32>
    %get3A_83 = arith.constant 0 : index
    %get3A_84 = arith.constant 0 : index
    %get3A_85 = vector.load %arg14[%get3A_83, %get3A_84] : memref<256x1xf32, #tpu.memory_space<vmem>>, vector<256x1xf32>
    %sqrt3A_86 = arith.constant 1.000010e+00 : f32
    %sqrt3A_87 = math.sqrt %sqrt3A_86 : f32
    %div3A_88 = vector.broadcast %sqrt3A_87 : f32 to vector<256x1024xf32>
    %div3A_89 = arith.divf %dot_general3A_79, %div3A_88 : vector<256x1024xf32>
    %mul3A_90 = vector.broadcast %get3A_82 : vector<256x1xf32> to vector<256x1024xf32>
    %mul3A_91 = arith.mulf %div3A_89, %mul3A_90 : vector<256x1024xf32>
    %add3A_92 = vector.broadcast %get3A_85 : vector<256x1xf32> to vector<256x1024xf32>
    %add3A_93 = arith.addf %mul3A_91, %add3A_92 : vector<256x1024xf32>
    %max3A_94 = arith.constant 0.000000e+00 : f32
    %max3A_95 = vector.broadcast %max3A_94 : f32 to vector<256x1024xf32>
    %max3A_96 = arith.maximumf %add3A_93, %max3A_95 : vector<256x1024xf32>
    %reshape3A_97 = vector.shape_cast %max3A_96 : vector<256x1024xf32> to vector<256x8x128xf32>
    %reduce_max3A = arith.constant dense<0xFF800000> : vector<256x128xf32>
    %reduce_max3A_98 = vector.multi_reduction <maximumf>, %reshape3A_97, %reduce_max3A [1] : vector<256x8x128xf32> to vector<256x128xf32>
    %slice3A_99 = vector.extract_strided_slice %transpose3A {offsets = [8, 0], sizes = [8, 128], strides = [1, 1]} : vector<64x128xi32> to vector<8x128xi32>
    %reshape3A_100 = vector.shape_cast %slice3A_99 : vector<8x128xi32> to vector<1x1024xi32>
    %eq3A_101 = vector.broadcast %reshape3A_100 : vector<1x1024xi32> to vector<512x1024xi32>
    %eq3A_102 = arith.cmpi eq, %iota3A, %eq3A_101 : vector<512x1024xi32>
    %convert_element_type3A_103 = arith.extui %eq3A_102 : vector<512x1024xi1> to vector<512x1024xi32>
    %convert_element_type3A_104 = arith.sitofp %convert_element_type3A_103 : vector<512x1024xi32> to vector<512x1024xf32>
    %dot_general3A_105 = arith.constant dense<0.000000e+00> : vector<128x1024xf32>
    %dot_general3A_106 = tpu.matmul %get3A_3, %convert_element_type3A_104, %dot_general3A_105 {dimension_numbers = #tpu.dot_dimension_numbers<[1], [0], [0], [1], [0, 0, 1, 1], [], []>, transpose_lhs_hint = false} : vector<128x512xf32>, vector<512x1024xf32>, vector<128x1024xf32> -> vector<128x1024xf32>
    %slice3A_107 = vector.extract_strided_slice %transpose3A_14 {offsets = [8, 0], sizes = [8, 128], strides = [1, 1]} : vector<64x128xf32> to vector<8x128xf32>
    %reshape3A_108 = vector.shape_cast %slice3A_107 : vector<8x128xf32> to vector<1x1024xf32>
    %slice3A_109 = vector.extract_strided_slice %transpose3A_20 {offsets = [8, 0], sizes = [8, 128], strides = [1, 1]} : vector<64x128xf32> to vector<8x128xf32>
    %reshape3A_110 = vector.shape_cast %slice3A_109 : vector<8x128xf32> to vector<1x1024xf32>
    %slice3A_111 = vector.extract_strided_slice %transpose3A_26 {offsets = [8, 0], sizes = [8, 128], strides = [1, 1]} : vector<64x128xf32> to vector<8x128xf32>
    %reshape3A_112 = vector.shape_cast %slice3A_111 : vector<8x128xf32> to vector<1x1024xf32>
    %concatenate3A_113 = tpu.concatenate %reshape3A_108, %reshape3A_110, %reshape3A_112, %dot_general3A_106 in 0 : vector<1x1024xf32>, vector<1x1024xf32>, vector<1x1024xf32>, vector<128x1024xf32> -> vector<131x1024xf32>
    %get3A_114 = arith.constant 0 : index
    %get3A_115 = arith.constant 0 : index
    %get3A_116 = vector.load %arg6[%get3A_114, %get3A_115] : memref<128x131xf32, #tpu.memory_space<vmem>>, vector<128x131xf32>
    %dot_general3A_117 = arith.constant dense<0.000000e+00> : vector<128x1024xf32>
    %dot_general3A_118 = tpu.matmul %get3A_116, %concatenate3A_113, %dot_general3A_117 {dimension_numbers = #tpu.dot_dimension_numbers<[1], [0], [0], [1], [0, 0, 1, 1], [], []>, transpose_lhs_hint = false} : vector<128x131xf32>, vector<131x1024xf32>, vector<128x1024xf32> -> vector<128x1024xf32>
    %get3A_119 = arith.constant 0 : index
    %get3A_120 = arith.constant 0 : index
    %get3A_121 = vector.load %arg7[%get3A_119, %get3A_120] : memref<128x1xf32, #tpu.memory_space<vmem>>, vector<128x1xf32>
    %get3A_122 = arith.constant 0 : index
    %get3A_123 = arith.constant 0 : index
    %get3A_124 = vector.load %arg8[%get3A_122, %get3A_123] : memref<128x1xf32, #tpu.memory_space<vmem>>, vector<128x1xf32>
    %sqrt3A_125 = arith.constant 1.000010e+00 : f32
    %sqrt3A_126 = math.sqrt %sqrt3A_125 : f32
    %div3A_127 = vector.broadcast %sqrt3A_126 : f32 to vector<128x1024xf32>
    %div3A_128 = arith.divf %dot_general3A_118, %div3A_127 : vector<128x1024xf32>
    %mul3A_129 = vector.broadcast %get3A_121 : vector<128x1xf32> to vector<128x1024xf32>
    %mul3A_130 = arith.mulf %div3A_128, %mul3A_129 : vector<128x1024xf32>
    %add3A_131 = vector.broadcast %get3A_124 : vector<128x1xf32> to vector<128x1024xf32>
    %add3A_132 = arith.addf %mul3A_130, %add3A_131 : vector<128x1024xf32>
    %max3A_133 = arith.constant 0.000000e+00 : f32
    %max3A_134 = vector.broadcast %max3A_133 : f32 to vector<128x1024xf32>
    %max3A_135 = arith.maximumf %add3A_132, %max3A_134 : vector<128x1024xf32>
    %get3A_136 = arith.constant 0 : index
    %get3A_137 = arith.constant 0 : index
    %get3A_138 = vector.load %arg9[%get3A_136, %get3A_137] : memref<128x128xf32, #tpu.memory_space<vmem>>, vector<128x128xf32>
    %dot_general3A_139 = arith.constant dense<0.000000e+00> : vector<128x1024xf32>
    %dot_general3A_140 = tpu.matmul %get3A_138, %max3A_135, %dot_general3A_139 {dimension_numbers = #tpu.dot_dimension_numbers<[1], [0], [0], [1], [0, 0, 1, 1], [], []>, transpose_lhs_hint = false} : vector<128x128xf32>, vector<128x1024xf32>, vector<128x1024xf32> -> vector<128x1024xf32>
    %get3A_141 = arith.constant 0 : index
    %get3A_142 = arith.constant 0 : index
    %get3A_143 = vector.load %arg10[%get3A_141, %get3A_142] : memref<128x1xf32, #tpu.memory_space<vmem>>, vector<128x1xf32>
    %get3A_144 = arith.constant 0 : index
    %get3A_145 = arith.constant 0 : index
    %get3A_146 = vector.load %arg11[%get3A_144, %get3A_145] : memref<128x1xf32, #tpu.memory_space<vmem>>, vector<128x1xf32>
    %sqrt3A_147 = arith.constant 1.000010e+00 : f32
    %sqrt3A_148 = math.sqrt %sqrt3A_147 : f32
    %div3A_149 = vector.broadcast %sqrt3A_148 : f32 to vector<128x1024xf32>
    %div3A_150 = arith.divf %dot_general3A_140, %div3A_149 : vector<128x1024xf32>
    %mul3A_151 = vector.broadcast %get3A_143 : vector<128x1xf32> to vector<128x1024xf32>
    %mul3A_152 = arith.mulf %div3A_150, %mul3A_151 : vector<128x1024xf32>
    %add3A_153 = vector.broadcast %get3A_146 : vector<128x1xf32> to vector<128x1024xf32>
    %add3A_154 = arith.addf %mul3A_152, %add3A_153 : vector<128x1024xf32>
    %max3A_155 = arith.constant 0.000000e+00 : f32
    %max3A_156 = vector.broadcast %max3A_155 : f32 to vector<128x1024xf32>
    %max3A_157 = arith.maximumf %add3A_154, %max3A_156 : vector<128x1024xf32>
    %get3A_158 = arith.constant 0 : index
    %get3A_159 = arith.constant 0 : index
    %get3A_160 = vector.load %arg12[%get3A_158, %get3A_159] : memref<256x128xf32, #tpu.memory_space<vmem>>, vector<256x128xf32>
    %dot_general3A_161 = arith.constant dense<0.000000e+00> : vector<256x1024xf32>
    %dot_general3A_162 = tpu.matmul %get3A_160, %max3A_157, %dot_general3A_161 {dimension_numbers = #tpu.dot_dimension_numbers<[1], [0], [0], [1], [0, 0, 1, 1], [], []>, transpose_lhs_hint = false} : vector<256x128xf32>, vector<128x1024xf32>, vector<256x1024xf32> -> vector<256x1024xf32>
    %get3A_163 = arith.constant 0 : index
    %get3A_164 = arith.constant 0 : index
    %get3A_165 = vector.load %arg13[%get3A_163, %get3A_164] : memref<256x1xf32, #tpu.memory_space<vmem>>, vector<256x1xf32>
    %get3A_166 = arith.constant 0 : index
    %get3A_167 = arith.constant 0 : index
    %get3A_168 = vector.load %arg14[%get3A_166, %get3A_167] : memref<256x1xf32, #tpu.memory_space<vmem>>, vector<256x1xf32>
    %sqrt3A_169 = arith.constant 1.000010e+00 : f32
    %sqrt3A_170 = math.sqrt %sqrt3A_169 : f32
    %div3A_171 = vector.broadcast %sqrt3A_170 : f32 to vector<256x1024xf32>
    %div3A_172 = arith.divf %dot_general3A_162, %div3A_171 : vector<256x1024xf32>
    %mul3A_173 = vector.broadcast %get3A_165 : vector<256x1xf32> to vector<256x1024xf32>
    %mul3A_174 = arith.mulf %div3A_172, %mul3A_173 : vector<256x1024xf32>
    %add3A_175 = vector.broadcast %get3A_168 : vector<256x1xf32> to vector<256x1024xf32>
    %add3A_176 = arith.addf %mul3A_174, %add3A_175 : vector<256x1024xf32>
    %max3A_177 = arith.constant 0.000000e+00 : f32
    %max3A_178 = vector.broadcast %max3A_177 : f32 to vector<256x1024xf32>
    %max3A_179 = arith.maximumf %add3A_176, %max3A_178 : vector<256x1024xf32>
    %reshape3A_180 = vector.shape_cast %max3A_179 : vector<256x1024xf32> to vector<256x8x128xf32>
    %reduce_max3A_181 = arith.constant dense<0xFF800000> : vector<256x128xf32>
    %reduce_max3A_182 = vector.multi_reduction <maximumf>, %reshape3A_180, %reduce_max3A_181 [1] : vector<256x8x128xf32> to vector<256x128xf32>
    %max3A_183 = arith.maximumf %reduce_max3A_98, %reduce_max3A_182 : vector<256x128xf32>
    %slice3A_184 = vector.extract_strided_slice %transpose3A {offsets = [16, 0], sizes = [8, 128], strides = [1, 1]} : vector<64x128xi32> to vector<8x128xi32>
    %reshape3A_185 = vector.shape_cast %slice3A_184 : vector<8x128xi32> to vector<1x1024xi32>
    %eq3A_186 = vector.broadcast %reshape3A_185 : vector<1x1024xi32> to vector<512x1024xi32>
    %eq3A_187 = arith.cmpi eq, %iota3A, %eq3A_186 : vector<512x1024xi32>
    %convert_element_type3A_188 = arith.extui %eq3A_187 : vector<512x1024xi1> to vector<512x1024xi32>
    %convert_element_type3A_189 = arith.sitofp %convert_element_type3A_188 : vector<512x1024xi32> to vector<512x1024xf32>
    %dot_general3A_190 = arith.constant dense<0.000000e+00> : vector<128x1024xf32>
    %dot_general3A_191 = tpu.matmul %get3A_3, %convert_element_type3A_189, %dot_general3A_190 {dimension_numbers = #tpu.dot_dimension_numbers<[1], [0], [0], [1], [0, 0, 1, 1], [], []>, transpose_lhs_hint = false} : vector<128x512xf32>, vector<512x1024xf32>, vector<128x1024xf32> -> vector<128x1024xf32>
    %slice3A_192 = vector.extract_strided_slice %transpose3A_14 {offsets = [16, 0], sizes = [8, 128], strides = [1, 1]} : vector<64x128xf32> to vector<8x128xf32>
    %reshape3A_193 = vector.shape_cast %slice3A_192 : vector<8x128xf32> to vector<1x1024xf32>
    %slice3A_194 = vector.extract_strided_slice %transpose3A_20 {offsets = [16, 0], sizes = [8, 128], strides = [1, 1]} : vector<64x128xf32> to vector<8x128xf32>
    %reshape3A_195 = vector.shape_cast %slice3A_194 : vector<8x128xf32> to vector<1x1024xf32>
    %slice3A_196 = vector.extract_strided_slice %transpose3A_26 {offsets = [16, 0], sizes = [8, 128], strides = [1, 1]} : vector<64x128xf32> to vector<8x128xf32>
    %reshape3A_197 = vector.shape_cast %slice3A_196 : vector<8x128xf32> to vector<1x1024xf32>
    %concatenate3A_198 = tpu.concatenate %reshape3A_193, %reshape3A_195, %reshape3A_197, %dot_general3A_191 in 0 : vector<1x1024xf32>, vector<1x1024xf32>, vector<1x1024xf32>, vector<128x1024xf32> -> vector<131x1024xf32>
    %get3A_199 = arith.constant 0 : index
    %get3A_200 = arith.constant 0 : index
    %get3A_201 = vector.load %arg6[%get3A_199, %get3A_200] : memref<128x131xf32, #tpu.memory_space<vmem>>, vector<128x131xf32>
    %dot_general3A_202 = arith.constant dense<0.000000e+00> : vector<128x1024xf32>
    %dot_general3A_203 = tpu.matmul %get3A_201, %concatenate3A_198, %dot_general3A_202 {dimension_numbers = #tpu.dot_dimension_numbers<[1], [0], [0], [1], [0, 0, 1, 1], [], []>, transpose_lhs_hint = false} : vector<128x131xf32>, vector<131x1024xf32>, vector<128x1024xf32> -> vector<128x1024xf32>
    %get3A_204 = arith.constant 0 : index
    %get3A_205 = arith.constant 0 : index
    %get3A_206 = vector.load %arg7[%get3A_204, %get3A_205] : memref<128x1xf32, #tpu.memory_space<vmem>>, vector<128x1xf32>
    %get3A_207 = arith.constant 0 : index
    %get3A_208 = arith.constant 0 : index
    %get3A_209 = vector.load %arg8[%get3A_207, %get3A_208] : memref<128x1xf32, #tpu.memory_space<vmem>>, vector<128x1xf32>
    %sqrt3A_210 = arith.constant 1.000010e+00 : f32
    %sqrt3A_211 = math.sqrt %sqrt3A_210 : f32
    %div3A_212 = vector.broadcast %sqrt3A_211 : f32 to vector<128x1024xf32>
    %div3A_213 = arith.divf %dot_general3A_203, %div3A_212 : vector<128x1024xf32>
    %mul3A_214 = vector.broadcast %get3A_206 : vector<128x1xf32> to vector<128x1024xf32>
    %mul3A_215 = arith.mulf %div3A_213, %mul3A_214 : vector<128x1024xf32>
    %add3A_216 = vector.broadcast %get3A_209 : vector<128x1xf32> to vector<128x1024xf32>
    %add3A_217 = arith.addf %mul3A_215, %add3A_216 : vector<128x1024xf32>
    %max3A_218 = arith.constant 0.000000e+00 : f32
    %max3A_219 = vector.broadcast %max3A_218 : f32 to vector<128x1024xf32>
    %max3A_220 = arith.maximumf %add3A_217, %max3A_219 : vector<128x1024xf32>
    %get3A_221 = arith.constant 0 : index
    %get3A_222 = arith.constant 0 : index
    %get3A_223 = vector.load %arg9[%get3A_221, %get3A_222] : memref<128x128xf32, #tpu.memory_space<vmem>>, vector<128x128xf32>
    %dot_general3A_224 = arith.constant dense<0.000000e+00> : vector<128x1024xf32>
    %dot_general3A_225 = tpu.matmul %get3A_223, %max3A_220, %dot_general3A_224 {dimension_numbers = #tpu.dot_dimension_numbers<[1], [0], [0], [1], [0, 0, 1, 1], [], []>, transpose_lhs_hint = false} : vector<128x128xf32>, vector<128x1024xf32>, vector<128x1024xf32> -> vector<128x1024xf32>
    %get3A_226 = arith.constant 0 : index
    %get3A_227 = arith.constant 0 : index
    %get3A_228 = vector.load %arg10[%get3A_226, %get3A_227] : memref<128x1xf32, #tpu.memory_space<vmem>>, vector<128x1xf32>
    %get3A_229 = arith.constant 0 : index
    %get3A_230 = arith.constant 0 : index
    %get3A_231 = vector.load %arg11[%get3A_229, %get3A_230] : memref<128x1xf32, #tpu.memory_space<vmem>>, vector<128x1xf32>
    %sqrt3A_232 = arith.constant 1.000010e+00 : f32
    %sqrt3A_233 = math.sqrt %sqrt3A_232 : f32
    %div3A_234 = vector.broadcast %sqrt3A_233 : f32 to vector<128x1024xf32>
    %div3A_235 = arith.divf %dot_general3A_225, %div3A_234 : vector<128x1024xf32>
    %mul3A_236 = vector.broadcast %get3A_228 : vector<128x1xf32> to vector<128x1024xf32>
    %mul3A_237 = arith.mulf %div3A_235, %mul3A_236 : vector<128x1024xf32>
    %add3A_238 = vector.broadcast %get3A_231 : vector<128x1xf32> to vector<128x1024xf32>
    %add3A_239 = arith.addf %mul3A_237, %add3A_238 : vector<128x1024xf32>
    %max3A_240 = arith.constant 0.000000e+00 : f32
    %max3A_241 = vector.broadcast %max3A_240 : f32 to vector<128x1024xf32>
    %max3A_242 = arith.maximumf %add3A_239, %max3A_241 : vector<128x1024xf32>
    %get3A_243 = arith.constant 0 : index
    %get3A_244 = arith.constant 0 : index
    %get3A_245 = vector.load %arg12[%get3A_243, %get3A_244] : memref<256x128xf32, #tpu.memory_space<vmem>>, vector<256x128xf32>
    %dot_general3A_246 = arith.constant dense<0.000000e+00> : vector<256x1024xf32>
    %dot_general3A_247 = tpu.matmul %get3A_245, %max3A_242, %dot_general3A_246 {dimension_numbers = #tpu.dot_dimension_numbers<[1], [0], [0], [1], [0, 0, 1, 1], [], []>, transpose_lhs_hint = false} : vector<256x128xf32>, vector<128x1024xf32>, vector<256x1024xf32> -> vector<256x1024xf32>
    %get3A_248 = arith.constant 0 : index
    %get3A_249 = arith.constant 0 : index
    %get3A_250 = vector.load %arg13[%get3A_248, %get3A_249] : memref<256x1xf32, #tpu.memory_space<vmem>>, vector<256x1xf32>
    %get3A_251 = arith.constant 0 : index
    %get3A_252 = arith.constant 0 : index
    %get3A_253 = vector.load %arg14[%get3A_251, %get3A_252] : memref<256x1xf32, #tpu.memory_space<vmem>>, vector<256x1xf32>
    %sqrt3A_254 = arith.constant 1.000010e+00 : f32
    %sqrt3A_255 = math.sqrt %sqrt3A_254 : f32
    %div3A_256 = vector.broadcast %sqrt3A_255 : f32 to vector<256x1024xf32>
    %div3A_257 = arith.divf %dot_general3A_247, %div3A_256 : vector<256x1024xf32>
    %mul3A_258 = vector.broadcast %get3A_250 : vector<256x1xf32> to vector<256x1024xf32>
    %mul3A_259 = arith.mulf %div3A_257, %mul3A_258 : vector<256x1024xf32>
    %add3A_260 = vector.broadcast %get3A_253 : vector<256x1xf32> to vector<256x1024xf32>
    %add3A_261 = arith.addf %mul3A_259, %add3A_260 : vector<256x1024xf32>
    %max3A_262 = arith.constant 0.000000e+00 : f32
    %max3A_263 = vector.broadcast %max3A_262 : f32 to vector<256x1024xf32>
    %max3A_264 = arith.maximumf %add3A_261, %max3A_263 : vector<256x1024xf32>
    %reshape3A_265 = vector.shape_cast %max3A_264 : vector<256x1024xf32> to vector<256x8x128xf32>
    %reduce_max3A_266 = arith.constant dense<0xFF800000> : vector<256x128xf32>
    %reduce_max3A_267 = vector.multi_reduction <maximumf>, %reshape3A_265, %reduce_max3A_266 [1] : vector<256x8x128xf32> to vector<256x128xf32>
    %max3A_268 = arith.maximumf %max3A_183, %reduce_max3A_267 : vector<256x128xf32>
    %slice3A_269 = vector.extract_strided_slice %transpose3A {offsets = [24, 0], sizes = [8, 128], strides = [1, 1]} : vector<64x128xi32> to vector<8x128xi32>
    %reshape3A_270 = vector.shape_cast %slice3A_269 : vector<8x128xi32> to vector<1x1024xi32>
    %eq3A_271 = vector.broadcast %reshape3A_270 : vector<1x1024xi32> to vector<512x1024xi32>
    %eq3A_272 = arith.cmpi eq, %iota3A, %eq3A_271 : vector<512x1024xi32>
    %convert_element_type3A_273 = arith.extui %eq3A_272 : vector<512x1024xi1> to vector<512x1024xi32>
    %convert_element_type3A_274 = arith.sitofp %convert_element_type3A_273 : vector<512x1024xi32> to vector<512x1024xf32>
    %dot_general3A_275 = arith.constant dense<0.000000e+00> : vector<128x1024xf32>
    %dot_general3A_276 = tpu.matmul %get3A_3, %convert_element_type3A_274, %dot_general3A_275 {dimension_numbers = #tpu.dot_dimension_numbers<[1], [0], [0], [1], [0, 0, 1, 1], [], []>, transpose_lhs_hint = false} : vector<128x512xf32>, vector<512x1024xf32>, vector<128x1024xf32> -> vector<128x1024xf32>
    %slice3A_277 = vector.extract_strided_slice %transpose3A_14 {offsets = [24, 0], sizes = [8, 128], strides = [1, 1]} : vector<64x128xf32> to vector<8x128xf32>
    %reshape3A_278 = vector.shape_cast %slice3A_277 : vector<8x128xf32> to vector<1x1024xf32>
    %slice3A_279 = vector.extract_strided_slice %transpose3A_20 {offsets = [24, 0], sizes = [8, 128], strides = [1, 1]} : vector<64x128xf32> to vector<8x128xf32>
    %reshape3A_280 = vector.shape_cast %slice3A_279 : vector<8x128xf32> to vector<1x1024xf32>
    %slice3A_281 = vector.extract_strided_slice %transpose3A_26 {offsets = [24, 0], sizes = [8, 128], strides = [1, 1]} : vector<64x128xf32> to vector<8x128xf32>
    %reshape3A_282 = vector.shape_cast %slice3A_281 : vector<8x128xf32> to vector<1x1024xf32>
    %concatenate3A_283 = tpu.concatenate %reshape3A_278, %reshape3A_280, %reshape3A_282, %dot_general3A_276 in 0 : vector<1x1024xf32>, vector<1x1024xf32>, vector<1x1024xf32>, vector<128x1024xf32> -> vector<131x1024xf32>
    %get3A_284 = arith.constant 0 : index
    %get3A_285 = arith.constant 0 : index
    %get3A_286 = vector.load %arg6[%get3A_284, %get3A_285] : memref<128x131xf32, #tpu.memory_space<vmem>>, vector<128x131xf32>
    %dot_general3A_287 = arith.constant dense<0.000000e+00> : vector<128x1024xf32>
    %dot_general3A_288 = tpu.matmul %get3A_286, %concatenate3A_283, %dot_general3A_287 {dimension_numbers = #tpu.dot_dimension_numbers<[1], [0], [0], [1], [0, 0, 1, 1], [], []>, transpose_lhs_hint = false} : vector<128x131xf32>, vector<131x1024xf32>, vector<128x1024xf32> -> vector<128x1024xf32>
    %get3A_289 = arith.constant 0 : index
    %get3A_290 = arith.constant 0 : index
    %get3A_291 = vector.load %arg7[%get3A_289, %get3A_290] : memref<128x1xf32, #tpu.memory_space<vmem>>, vector<128x1xf32>
    %get3A_292 = arith.constant 0 : index
    %get3A_293 = arith.constant 0 : index
    %get3A_294 = vector.load %arg8[%get3A_292, %get3A_293] : memref<128x1xf32, #tpu.memory_space<vmem>>, vector<128x1xf32>
    %sqrt3A_295 = arith.constant 1.000010e+00 : f32
    %sqrt3A_296 = math.sqrt %sqrt3A_295 : f32
    %div3A_297 = vector.broadcast %sqrt3A_296 : f32 to vector<128x1024xf32>
    %div3A_298 = arith.divf %dot_general3A_288, %div3A_297 : vector<128x1024xf32>
    %mul3A_299 = vector.broadcast %get3A_291 : vector<128x1xf32> to vector<128x1024xf32>
    %mul3A_300 = arith.mulf %div3A_298, %mul3A_299 : vector<128x1024xf32>
    %add3A_301 = vector.broadcast %get3A_294 : vector<128x1xf32> to vector<128x1024xf32>
    %add3A_302 = arith.addf %mul3A_300, %add3A_301 : vector<128x1024xf32>
    %max3A_303 = arith.constant 0.000000e+00 : f32
    %max3A_304 = vector.broadcast %max3A_303 : f32 to vector<128x1024xf32>
    %max3A_305 = arith.maximumf %add3A_302, %max3A_304 : vector<128x1024xf32>
    %get3A_306 = arith.constant 0 : index
    %get3A_307 = arith.constant 0 : index
    %get3A_308 = vector.load %arg9[%get3A_306, %get3A_307] : memref<128x128xf32, #tpu.memory_space<vmem>>, vector<128x128xf32>
    %dot_general3A_309 = arith.constant dense<0.000000e+00> : vector<128x1024xf32>
    %dot_general3A_310 = tpu.matmul %get3A_308, %max3A_305, %dot_general3A_309 {dimension_numbers = #tpu.dot_dimension_numbers<[1], [0], [0], [1], [0, 0, 1, 1], [], []>, transpose_lhs_hint = false} : vector<128x128xf32>, vector<128x1024xf32>, vector<128x1024xf32> -> vector<128x1024xf32>
    %get3A_311 = arith.constant 0 : index
    %get3A_312 = arith.constant 0 : index
    %get3A_313 = vector.load %arg10[%get3A_311, %get3A_312] : memref<128x1xf32, #tpu.memory_space<vmem>>, vector<128x1xf32>
    %get3A_314 = arith.constant 0 : index
    %get3A_315 = arith.constant 0 : index
    %get3A_316 = vector.load %arg11[%get3A_314, %get3A_315] : memref<128x1xf32, #tpu.memory_space<vmem>>, vector<128x1xf32>
    %sqrt3A_317 = arith.constant 1.000010e+00 : f32
    %sqrt3A_318 = math.sqrt %sqrt3A_317 : f32
    %div3A_319 = vector.broadcast %sqrt3A_318 : f32 to vector<128x1024xf32>
    %div3A_320 = arith.divf %dot_general3A_310, %div3A_319 : vector<128x1024xf32>
    %mul3A_321 = vector.broadcast %get3A_313 : vector<128x1xf32> to vector<128x1024xf32>
    %mul3A_322 = arith.mulf %div3A_320, %mul3A_321 : vector<128x1024xf32>
    %add3A_323 = vector.broadcast %get3A_316 : vector<128x1xf32> to vector<128x1024xf32>
    %add3A_324 = arith.addf %mul3A_322, %add3A_323 : vector<128x1024xf32>
    %max3A_325 = arith.constant 0.000000e+00 : f32
    %max3A_326 = vector.broadcast %max3A_325 : f32 to vector<128x1024xf32>
    %max3A_327 = arith.maximumf %add3A_324, %max3A_326 : vector<128x1024xf32>
    %get3A_328 = arith.constant 0 : index
    %get3A_329 = arith.constant 0 : index
    %get3A_330 = vector.load %arg12[%get3A_328, %get3A_329] : memref<256x128xf32, #tpu.memory_space<vmem>>, vector<256x128xf32>
    %dot_general3A_331 = arith.constant dense<0.000000e+00> : vector<256x1024xf32>
    %dot_general3A_332 = tpu.matmul %get3A_330, %max3A_327, %dot_general3A_331 {dimension_numbers = #tpu.dot_dimension_numbers<[1], [0], [0], [1], [0, 0, 1, 1], [], []>, transpose_lhs_hint = false} : vector<256x128xf32>, vector<128x1024xf32>, vector<256x1024xf32> -> vector<256x1024xf32>
    %get3A_333 = arith.constant 0 : index
    %get3A_334 = arith.constant 0 : index
    %get3A_335 = vector.load %arg13[%get3A_333, %get3A_334] : memref<256x1xf32, #tpu.memory_space<vmem>>, vector<256x1xf32>
    %get3A_336 = arith.constant 0 : index
    %get3A_337 = arith.constant 0 : index
    %get3A_338 = vector.load %arg14[%get3A_336, %get3A_337] : memref<256x1xf32, #tpu.memory_space<vmem>>, vector<256x1xf32>
    %sqrt3A_339 = arith.constant 1.000010e+00 : f32
    %sqrt3A_340 = math.sqrt %sqrt3A_339 : f32
    %div3A_341 = vector.broadcast %sqrt3A_340 : f32 to vector<256x1024xf32>
    %div3A_342 = arith.divf %dot_general3A_332, %div3A_341 : vector<256x1024xf32>
    %mul3A_343 = vector.broadcast %get3A_335 : vector<256x1xf32> to vector<256x1024xf32>
    %mul3A_344 = arith.mulf %div3A_342, %mul3A_343 : vector<256x1024xf32>
    %add3A_345 = vector.broadcast %get3A_338 : vector<256x1xf32> to vector<256x1024xf32>
    %add3A_346 = arith.addf %mul3A_344, %add3A_345 : vector<256x1024xf32>
    %max3A_347 = arith.constant 0.000000e+00 : f32
    %max3A_348 = vector.broadcast %max3A_347 : f32 to vector<256x1024xf32>
    %max3A_349 = arith.maximumf %add3A_346, %max3A_348 : vector<256x1024xf32>
    %reshape3A_350 = vector.shape_cast %max3A_349 : vector<256x1024xf32> to vector<256x8x128xf32>
    %reduce_max3A_351 = arith.constant dense<0xFF800000> : vector<256x128xf32>
    %reduce_max3A_352 = vector.multi_reduction <maximumf>, %reshape3A_350, %reduce_max3A_351 [1] : vector<256x8x128xf32> to vector<256x128xf32>
    %max3A_353 = arith.maximumf %max3A_268, %reduce_max3A_352 : vector<256x128xf32>
    %slice3A_354 = vector.extract_strided_slice %transpose3A {offsets = [32, 0], sizes = [8, 128], strides = [1, 1]} : vector<64x128xi32> to vector<8x128xi32>
    %reshape3A_355 = vector.shape_cast %slice3A_354 : vector<8x128xi32> to vector<1x1024xi32>
    %eq3A_356 = vector.broadcast %reshape3A_355 : vector<1x1024xi32> to vector<512x1024xi32>
    %eq3A_357 = arith.cmpi eq, %iota3A, %eq3A_356 : vector<512x1024xi32>
    %convert_element_type3A_358 = arith.extui %eq3A_357 : vector<512x1024xi1> to vector<512x1024xi32>
    %convert_element_type3A_359 = arith.sitofp %convert_element_type3A_358 : vector<512x1024xi32> to vector<512x1024xf32>
    %dot_general3A_360 = arith.constant dense<0.000000e+00> : vector<128x1024xf32>
    %dot_general3A_361 = tpu.matmul %get3A_3, %convert_element_type3A_359, %dot_general3A_360 {dimension_numbers = #tpu.dot_dimension_numbers<[1], [0], [0], [1], [0, 0, 1, 1], [], []>, transpose_lhs_hint = false} : vector<128x512xf32>, vector<512x1024xf32>, vector<128x1024xf32> -> vector<128x1024xf32>
    %slice3A_362 = vector.extract_strided_slice %transpose3A_14 {offsets = [32, 0], sizes = [8, 128], strides = [1, 1]} : vector<64x128xf32> to vector<8x128xf32>
    %reshape3A_363 = vector.shape_cast %slice3A_362 : vector<8x128xf32> to vector<1x1024xf32>
    %slice3A_364 = vector.extract_strided_slice %transpose3A_20 {offsets = [32, 0], sizes = [8, 128], strides = [1, 1]} : vector<64x128xf32> to vector<8x128xf32>
    %reshape3A_365 = vector.shape_cast %slice3A_364 : vector<8x128xf32> to vector<1x1024xf32>
    %slice3A_366 = vector.extract_strided_slice %transpose3A_26 {offsets = [32, 0], sizes = [8, 128], strides = [1, 1]} : vector<64x128xf32> to vector<8x128xf32>
    %reshape3A_367 = vector.shape_cast %slice3A_366 : vector<8x128xf32> to vector<1x1024xf32>
    %concatenate3A_368 = tpu.concatenate %reshape3A_363, %reshape3A_365, %reshape3A_367, %dot_general3A_361 in 0 : vector<1x1024xf32>, vector<1x1024xf32>, vector<1x1024xf32>, vector<128x1024xf32> -> vector<131x1024xf32>
    %get3A_369 = arith.constant 0 : index
    %get3A_370 = arith.constant 0 : index
    %get3A_371 = vector.load %arg6[%get3A_369, %get3A_370] : memref<128x131xf32, #tpu.memory_space<vmem>>, vector<128x131xf32>
    %dot_general3A_372 = arith.constant dense<0.000000e+00> : vector<128x1024xf32>
    %dot_general3A_373 = tpu.matmul %get3A_371, %concatenate3A_368, %dot_general3A_372 {dimension_numbers = #tpu.dot_dimension_numbers<[1], [0], [0], [1], [0, 0, 1, 1], [], []>, transpose_lhs_hint = false} : vector<128x131xf32>, vector<131x1024xf32>, vector<128x1024xf32> -> vector<128x1024xf32>
    %get3A_374 = arith.constant 0 : index
    %get3A_375 = arith.constant 0 : index
    %get3A_376 = vector.load %arg7[%get3A_374, %get3A_375] : memref<128x1xf32, #tpu.memory_space<vmem>>, vector<128x1xf32>
    %get3A_377 = arith.constant 0 : index
    %get3A_378 = arith.constant 0 : index
    %get3A_379 = vector.load %arg8[%get3A_377, %get3A_378] : memref<128x1xf32, #tpu.memory_space<vmem>>, vector<128x1xf32>
    %sqrt3A_380 = arith.constant 1.000010e+00 : f32
    %sqrt3A_381 = math.sqrt %sqrt3A_380 : f32
    %div3A_382 = vector.broadcast %sqrt3A_381 : f32 to vector<128x1024xf32>
    %div3A_383 = arith.divf %dot_general3A_373, %div3A_382 : vector<128x1024xf32>
    %mul3A_384 = vector.broadcast %get3A_376 : vector<128x1xf32> to vector<128x1024xf32>
    %mul3A_385 = arith.mulf %div3A_383, %mul3A_384 : vector<128x1024xf32>
    %add3A_386 = vector.broadcast %get3A_379 : vector<128x1xf32> to vector<128x1024xf32>
    %add3A_387 = arith.addf %mul3A_385, %add3A_386 : vector<128x1024xf32>
    %max3A_388 = arith.constant 0.000000e+00 : f32
    %max3A_389 = vector.broadcast %max3A_388 : f32 to vector<128x1024xf32>
    %max3A_390 = arith.maximumf %add3A_387, %max3A_389 : vector<128x1024xf32>
    %get3A_391 = arith.constant 0 : index
    %get3A_392 = arith.constant 0 : index
    %get3A_393 = vector.load %arg9[%get3A_391, %get3A_392] : memref<128x128xf32, #tpu.memory_space<vmem>>, vector<128x128xf32>
    %dot_general3A_394 = arith.constant dense<0.000000e+00> : vector<128x1024xf32>
    %dot_general3A_395 = tpu.matmul %get3A_393, %max3A_390, %dot_general3A_394 {dimension_numbers = #tpu.dot_dimension_numbers<[1], [0], [0], [1], [0, 0, 1, 1], [], []>, transpose_lhs_hint = false} : vector<128x128xf32>, vector<128x1024xf32>, vector<128x1024xf32> -> vector<128x1024xf32>
    %get3A_396 = arith.constant 0 : index
    %get3A_397 = arith.constant 0 : index
    %get3A_398 = vector.load %arg10[%get3A_396, %get3A_397] : memref<128x1xf32, #tpu.memory_space<vmem>>, vector<128x1xf32>
    %get3A_399 = arith.constant 0 : index
    %get3A_400 = arith.constant 0 : index
    %get3A_401 = vector.load %arg11[%get3A_399, %get3A_400] : memref<128x1xf32, #tpu.memory_space<vmem>>, vector<128x1xf32>
    %sqrt3A_402 = arith.constant 1.000010e+00 : f32
    %sqrt3A_403 = math.sqrt %sqrt3A_402 : f32
    %div3A_404 = vector.broadcast %sqrt3A_403 : f32 to vector<128x1024xf32>
    %div3A_405 = arith.divf %dot_general3A_395, %div3A_404 : vector<128x1024xf32>
    %mul3A_406 = vector.broadcast %get3A_398 : vector<128x1xf32> to vector<128x1024xf32>
    %mul3A_407 = arith.mulf %div3A_405, %mul3A_406 : vector<128x1024xf32>
    %add3A_408 = vector.broadcast %get3A_401 : vector<128x1xf32> to vector<128x1024xf32>
    %add3A_409 = arith.addf %mul3A_407, %add3A_408 : vector<128x1024xf32>
    %max3A_410 = arith.constant 0.000000e+00 : f32
    %max3A_411 = vector.broadcast %max3A_410 : f32 to vector<128x1024xf32>
    %max3A_412 = arith.maximumf %add3A_409, %max3A_411 : vector<128x1024xf32>
    %get3A_413 = arith.constant 0 : index
    %get3A_414 = arith.constant 0 : index
    %get3A_415 = vector.load %arg12[%get3A_413, %get3A_414] : memref<256x128xf32, #tpu.memory_space<vmem>>, vector<256x128xf32>
    %dot_general3A_416 = arith.constant dense<0.000000e+00> : vector<256x1024xf32>
    %dot_general3A_417 = tpu.matmul %get3A_415, %max3A_412, %dot_general3A_416 {dimension_numbers = #tpu.dot_dimension_numbers<[1], [0], [0], [1], [0, 0, 1, 1], [], []>, transpose_lhs_hint = false} : vector<256x128xf32>, vector<128x1024xf32>, vector<256x1024xf32> -> vector<256x1024xf32>
    %get3A_418 = arith.constant 0 : index
    %get3A_419 = arith.constant 0 : index
    %get3A_420 = vector.load %arg13[%get3A_418, %get3A_419] : memref<256x1xf32, #tpu.memory_space<vmem>>, vector<256x1xf32>
    %get3A_421 = arith.constant 0 : index
    %get3A_422 = arith.constant 0 : index
    %get3A_423 = vector.load %arg14[%get3A_421, %get3A_422] : memref<256x1xf32, #tpu.memory_space<vmem>>, vector<256x1xf32>
    %sqrt3A_424 = arith.constant 1.000010e+00 : f32
    %sqrt3A_425 = math.sqrt %sqrt3A_424 : f32
    %div3A_426 = vector.broadcast %sqrt3A_425 : f32 to vector<256x1024xf32>
    %div3A_427 = arith.divf %dot_general3A_417, %div3A_426 : vector<256x1024xf32>
    %mul3A_428 = vector.broadcast %get3A_420 : vector<256x1xf32> to vector<256x1024xf32>
    %mul3A_429 = arith.mulf %div3A_427, %mul3A_428 : vector<256x1024xf32>
    %add3A_430 = vector.broadcast %get3A_423 : vector<256x1xf32> to vector<256x1024xf32>
    %add3A_431 = arith.addf %mul3A_429, %add3A_430 : vector<256x1024xf32>
    %max3A_432 = arith.constant 0.000000e+00 : f32
    %max3A_433 = vector.broadcast %max3A_432 : f32 to vector<256x1024xf32>
    %max3A_434 = arith.maximumf %add3A_431, %max3A_433 : vector<256x1024xf32>
    %reshape3A_435 = vector.shape_cast %max3A_434 : vector<256x1024xf32> to vector<256x8x128xf32>
    %reduce_max3A_436 = arith.constant dense<0xFF800000> : vector<256x128xf32>
    %reduce_max3A_437 = vector.multi_reduction <maximumf>, %reshape3A_435, %reduce_max3A_436 [1] : vector<256x8x128xf32> to vector<256x128xf32>
    %max3A_438 = arith.maximumf %max3A_353, %reduce_max3A_437 : vector<256x128xf32>
    %slice3A_439 = vector.extract_strided_slice %transpose3A {offsets = [40, 0], sizes = [8, 128], strides = [1, 1]} : vector<64x128xi32> to vector<8x128xi32>
    %reshape3A_440 = vector.shape_cast %slice3A_439 : vector<8x128xi32> to vector<1x1024xi32>
    %eq3A_441 = vector.broadcast %reshape3A_440 : vector<1x1024xi32> to vector<512x1024xi32>
    %eq3A_442 = arith.cmpi eq, %iota3A, %eq3A_441 : vector<512x1024xi32>
    %convert_element_type3A_443 = arith.extui %eq3A_442 : vector<512x1024xi1> to vector<512x1024xi32>
    %convert_element_type3A_444 = arith.sitofp %convert_element_type3A_443 : vector<512x1024xi32> to vector<512x1024xf32>
    %dot_general3A_445 = arith.constant dense<0.000000e+00> : vector<128x1024xf32>
    %dot_general3A_446 = tpu.matmul %get3A_3, %convert_element_type3A_444, %dot_general3A_445 {dimension_numbers = #tpu.dot_dimension_numbers<[1], [0], [0], [1], [0, 0, 1, 1], [], []>, transpose_lhs_hint = false} : vector<128x512xf32>, vector<512x1024xf32>, vector<128x1024xf32> -> vector<128x1024xf32>
    %slice3A_447 = vector.extract_strided_slice %transpose3A_14 {offsets = [40, 0], sizes = [8, 128], strides = [1, 1]} : vector<64x128xf32> to vector<8x128xf32>
    %reshape3A_448 = vector.shape_cast %slice3A_447 : vector<8x128xf32> to vector<1x1024xf32>
    %slice3A_449 = vector.extract_strided_slice %transpose3A_20 {offsets = [40, 0], sizes = [8, 128], strides = [1, 1]} : vector<64x128xf32> to vector<8x128xf32>
    %reshape3A_450 = vector.shape_cast %slice3A_449 : vector<8x128xf32> to vector<1x1024xf32>
    %slice3A_451 = vector.extract_strided_slice %transpose3A_26 {offsets = [40, 0], sizes = [8, 128], strides = [1, 1]} : vector<64x128xf32> to vector<8x128xf32>
    %reshape3A_452 = vector.shape_cast %slice3A_451 : vector<8x128xf32> to vector<1x1024xf32>
    %concatenate3A_453 = tpu.concatenate %reshape3A_448, %reshape3A_450, %reshape3A_452, %dot_general3A_446 in 0 : vector<1x1024xf32>, vector<1x1024xf32>, vector<1x1024xf32>, vector<128x1024xf32> -> vector<131x1024xf32>
    %get3A_454 = arith.constant 0 : index
    %get3A_455 = arith.constant 0 : index
    %get3A_456 = vector.load %arg6[%get3A_454, %get3A_455] : memref<128x131xf32, #tpu.memory_space<vmem>>, vector<128x131xf32>
    %dot_general3A_457 = arith.constant dense<0.000000e+00> : vector<128x1024xf32>
    %dot_general3A_458 = tpu.matmul %get3A_456, %concatenate3A_453, %dot_general3A_457 {dimension_numbers = #tpu.dot_dimension_numbers<[1], [0], [0], [1], [0, 0, 1, 1], [], []>, transpose_lhs_hint = false} : vector<128x131xf32>, vector<131x1024xf32>, vector<128x1024xf32> -> vector<128x1024xf32>
    %get3A_459 = arith.constant 0 : index
    %get3A_460 = arith.constant 0 : index
    %get3A_461 = vector.load %arg7[%get3A_459, %get3A_460] : memref<128x1xf32, #tpu.memory_space<vmem>>, vector<128x1xf32>
    %get3A_462 = arith.constant 0 : index
    %get3A_463 = arith.constant 0 : index
    %get3A_464 = vector.load %arg8[%get3A_462, %get3A_463] : memref<128x1xf32, #tpu.memory_space<vmem>>, vector<128x1xf32>
    %sqrt3A_465 = arith.constant 1.000010e+00 : f32
    %sqrt3A_466 = math.sqrt %sqrt3A_465 : f32
    %div3A_467 = vector.broadcast %sqrt3A_466 : f32 to vector<128x1024xf32>
    %div3A_468 = arith.divf %dot_general3A_458, %div3A_467 : vector<128x1024xf32>
    %mul3A_469 = vector.broadcast %get3A_461 : vector<128x1xf32> to vector<128x1024xf32>
    %mul3A_470 = arith.mulf %div3A_468, %mul3A_469 : vector<128x1024xf32>
    %add3A_471 = vector.broadcast %get3A_464 : vector<128x1xf32> to vector<128x1024xf32>
    %add3A_472 = arith.addf %mul3A_470, %add3A_471 : vector<128x1024xf32>
    %max3A_473 = arith.constant 0.000000e+00 : f32
    %max3A_474 = vector.broadcast %max3A_473 : f32 to vector<128x1024xf32>
    %max3A_475 = arith.maximumf %add3A_472, %max3A_474 : vector<128x1024xf32>
    %get3A_476 = arith.constant 0 : index
    %get3A_477 = arith.constant 0 : index
    %get3A_478 = vector.load %arg9[%get3A_476, %get3A_477] : memref<128x128xf32, #tpu.memory_space<vmem>>, vector<128x128xf32>
    %dot_general3A_479 = arith.constant dense<0.000000e+00> : vector<128x1024xf32>
    %dot_general3A_480 = tpu.matmul %get3A_478, %max3A_475, %dot_general3A_479 {dimension_numbers = #tpu.dot_dimension_numbers<[1], [0], [0], [1], [0, 0, 1, 1], [], []>, transpose_lhs_hint = false} : vector<128x128xf32>, vector<128x1024xf32>, vector<128x1024xf32> -> vector<128x1024xf32>
    %get3A_481 = arith.constant 0 : index
    %get3A_482 = arith.constant 0 : index
    %get3A_483 = vector.load %arg10[%get3A_481, %get3A_482] : memref<128x1xf32, #tpu.memory_space<vmem>>, vector<128x1xf32>
    %get3A_484 = arith.constant 0 : index
    %get3A_485 = arith.constant 0 : index
    %get3A_486 = vector.load %arg11[%get3A_484, %get3A_485] : memref<128x1xf32, #tpu.memory_space<vmem>>, vector<128x1xf32>
    %sqrt3A_487 = arith.constant 1.000010e+00 : f32
    %sqrt3A_488 = math.sqrt %sqrt3A_487 : f32
    %div3A_489 = vector.broadcast %sqrt3A_488 : f32 to vector<128x1024xf32>
    %div3A_490 = arith.divf %dot_general3A_480, %div3A_489 : vector<128x1024xf32>
    %mul3A_491 = vector.broadcast %get3A_483 : vector<128x1xf32> to vector<128x1024xf32>
    %mul3A_492 = arith.mulf %div3A_490, %mul3A_491 : vector<128x1024xf32>
    %add3A_493 = vector.broadcast %get3A_486 : vector<128x1xf32> to vector<128x1024xf32>
    %add3A_494 = arith.addf %mul3A_492, %add3A_493 : vector<128x1024xf32>
    %max3A_495 = arith.constant 0.000000e+00 : f32
    %max3A_496 = vector.broadcast %max3A_495 : f32 to vector<128x1024xf32>
    %max3A_497 = arith.maximumf %add3A_494, %max3A_496 : vector<128x1024xf32>
    %get3A_498 = arith.constant 0 : index
    %get3A_499 = arith.constant 0 : index
    %get3A_500 = vector.load %arg12[%get3A_498, %get3A_499] : memref<256x128xf32, #tpu.memory_space<vmem>>, vector<256x128xf32>
    %dot_general3A_501 = arith.constant dense<0.000000e+00> : vector<256x1024xf32>
    %dot_general3A_502 = tpu.matmul %get3A_500, %max3A_497, %dot_general3A_501 {dimension_numbers = #tpu.dot_dimension_numbers<[1], [0], [0], [1], [0, 0, 1, 1], [], []>, transpose_lhs_hint = false} : vector<256x128xf32>, vector<128x1024xf32>, vector<256x1024xf32> -> vector<256x1024xf32>
    %get3A_503 = arith.constant 0 : index
    %get3A_504 = arith.constant 0 : index
    %get3A_505 = vector.load %arg13[%get3A_503, %get3A_504] : memref<256x1xf32, #tpu.memory_space<vmem>>, vector<256x1xf32>
    %get3A_506 = arith.constant 0 : index
    %get3A_507 = arith.constant 0 : index
    %get3A_508 = vector.load %arg14[%get3A_506, %get3A_507] : memref<256x1xf32, #tpu.memory_space<vmem>>, vector<256x1xf32>
    %sqrt3A_509 = arith.constant 1.000010e+00 : f32
    %sqrt3A_510 = math.sqrt %sqrt3A_509 : f32
    %div3A_511 = vector.broadcast %sqrt3A_510 : f32 to vector<256x1024xf32>
    %div3A_512 = arith.divf %dot_general3A_502, %div3A_511 : vector<256x1024xf32>
    %mul3A_513 = vector.broadcast %get3A_505 : vector<256x1xf32> to vector<256x1024xf32>
    %mul3A_514 = arith.mulf %div3A_512, %mul3A_513 : vector<256x1024xf32>
    %add3A_515 = vector.broadcast %get3A_508 : vector<256x1xf32> to vector<256x1024xf32>
    %add3A_516 = arith.addf %mul3A_514, %add3A_515 : vector<256x1024xf32>
    %max3A_517 = arith.constant 0.000000e+00 : f32
    %max3A_518 = vector.broadcast %max3A_517 : f32 to vector<256x1024xf32>
    %max3A_519 = arith.maximumf %add3A_516, %max3A_518 : vector<256x1024xf32>
    %reshape3A_520 = vector.shape_cast %max3A_519 : vector<256x1024xf32> to vector<256x8x128xf32>
    %reduce_max3A_521 = arith.constant dense<0xFF800000> : vector<256x128xf32>
    %reduce_max3A_522 = vector.multi_reduction <maximumf>, %reshape3A_520, %reduce_max3A_521 [1] : vector<256x8x128xf32> to vector<256x128xf32>
    %max3A_523 = arith.maximumf %max3A_438, %reduce_max3A_522 : vector<256x128xf32>
    %slice3A_524 = vector.extract_strided_slice %transpose3A {offsets = [48, 0], sizes = [8, 128], strides = [1, 1]} : vector<64x128xi32> to vector<8x128xi32>
    %reshape3A_525 = vector.shape_cast %slice3A_524 : vector<8x128xi32> to vector<1x1024xi32>
    %eq3A_526 = vector.broadcast %reshape3A_525 : vector<1x1024xi32> to vector<512x1024xi32>
    %eq3A_527 = arith.cmpi eq, %iota3A, %eq3A_526 : vector<512x1024xi32>
    %convert_element_type3A_528 = arith.extui %eq3A_527 : vector<512x1024xi1> to vector<512x1024xi32>
    %convert_element_type3A_529 = arith.sitofp %convert_element_type3A_528 : vector<512x1024xi32> to vector<512x1024xf32>
    %dot_general3A_530 = arith.constant dense<0.000000e+00> : vector<128x1024xf32>
    %dot_general3A_531 = tpu.matmul %get3A_3, %convert_element_type3A_529, %dot_general3A_530 {dimension_numbers = #tpu.dot_dimension_numbers<[1], [0], [0], [1], [0, 0, 1, 1], [], []>, transpose_lhs_hint = false} : vector<128x512xf32>, vector<512x1024xf32>, vector<128x1024xf32> -> vector<128x1024xf32>
    %slice3A_532 = vector.extract_strided_slice %transpose3A_14 {offsets = [48, 0], sizes = [8, 128], strides = [1, 1]} : vector<64x128xf32> to vector<8x128xf32>
    %reshape3A_533 = vector.shape_cast %slice3A_532 : vector<8x128xf32> to vector<1x1024xf32>
    %slice3A_534 = vector.extract_strided_slice %transpose3A_20 {offsets = [48, 0], sizes = [8, 128], strides = [1, 1]} : vector<64x128xf32> to vector<8x128xf32>
    %reshape3A_535 = vector.shape_cast %slice3A_534 : vector<8x128xf32> to vector<1x1024xf32>
    %slice3A_536 = vector.extract_strided_slice %transpose3A_26 {offsets = [48, 0], sizes = [8, 128], strides = [1, 1]} : vector<64x128xf32> to vector<8x128xf32>
    %reshape3A_537 = vector.shape_cast %slice3A_536 : vector<8x128xf32> to vector<1x1024xf32>
    %concatenate3A_538 = tpu.concatenate %reshape3A_533, %reshape3A_535, %reshape3A_537, %dot_general3A_531 in 0 : vector<1x1024xf32>, vector<1x1024xf32>, vector<1x1024xf32>, vector<128x1024xf32> -> vector<131x1024xf32>
    %get3A_539 = arith.constant 0 : index
    %get3A_540 = arith.constant 0 : index
    %get3A_541 = vector.load %arg6[%get3A_539, %get3A_540] : memref<128x131xf32, #tpu.memory_space<vmem>>, vector<128x131xf32>
    %dot_general3A_542 = arith.constant dense<0.000000e+00> : vector<128x1024xf32>
    %dot_general3A_543 = tpu.matmul %get3A_541, %concatenate3A_538, %dot_general3A_542 {dimension_numbers = #tpu.dot_dimension_numbers<[1], [0], [0], [1], [0, 0, 1, 1], [], []>, transpose_lhs_hint = false} : vector<128x131xf32>, vector<131x1024xf32>, vector<128x1024xf32> -> vector<128x1024xf32>
    %get3A_544 = arith.constant 0 : index
    %get3A_545 = arith.constant 0 : index
    %get3A_546 = vector.load %arg7[%get3A_544, %get3A_545] : memref<128x1xf32, #tpu.memory_space<vmem>>, vector<128x1xf32>
    %get3A_547 = arith.constant 0 : index
    %get3A_548 = arith.constant 0 : index
    %get3A_549 = vector.load %arg8[%get3A_547, %get3A_548] : memref<128x1xf32, #tpu.memory_space<vmem>>, vector<128x1xf32>
    %sqrt3A_550 = arith.constant 1.000010e+00 : f32
    %sqrt3A_551 = math.sqrt %sqrt3A_550 : f32
    %div3A_552 = vector.broadcast %sqrt3A_551 : f32 to vector<128x1024xf32>
    %div3A_553 = arith.divf %dot_general3A_543, %div3A_552 : vector<128x1024xf32>
    %mul3A_554 = vector.broadcast %get3A_546 : vector<128x1xf32> to vector<128x1024xf32>
    %mul3A_555 = arith.mulf %div3A_553, %mul3A_554 : vector<128x1024xf32>
    %add3A_556 = vector.broadcast %get3A_549 : vector<128x1xf32> to vector<128x1024xf32>
    %add3A_557 = arith.addf %mul3A_555, %add3A_556 : vector<128x1024xf32>
    %max3A_558 = arith.constant 0.000000e+00 : f32
    %max3A_559 = vector.broadcast %max3A_558 : f32 to vector<128x1024xf32>
    %max3A_560 = arith.maximumf %add3A_557, %max3A_559 : vector<128x1024xf32>
    %get3A_561 = arith.constant 0 : index
    %get3A_562 = arith.constant 0 : index
    %get3A_563 = vector.load %arg9[%get3A_561, %get3A_562] : memref<128x128xf32, #tpu.memory_space<vmem>>, vector<128x128xf32>
    %dot_general3A_564 = arith.constant dense<0.000000e+00> : vector<128x1024xf32>
    %dot_general3A_565 = tpu.matmul %get3A_563, %max3A_560, %dot_general3A_564 {dimension_numbers = #tpu.dot_dimension_numbers<[1], [0], [0], [1], [0, 0, 1, 1], [], []>, transpose_lhs_hint = false} : vector<128x128xf32>, vector<128x1024xf32>, vector<128x1024xf32> -> vector<128x1024xf32>
    %get3A_566 = arith.constant 0 : index
    %get3A_567 = arith.constant 0 : index
    %get3A_568 = vector.load %arg10[%get3A_566, %get3A_567] : memref<128x1xf32, #tpu.memory_space<vmem>>, vector<128x1xf32>
    %get3A_569 = arith.constant 0 : index
    %get3A_570 = arith.constant 0 : index
    %get3A_571 = vector.load %arg11[%get3A_569, %get3A_570] : memref<128x1xf32, #tpu.memory_space<vmem>>, vector<128x1xf32>
    %sqrt3A_572 = arith.constant 1.000010e+00 : f32
    %sqrt3A_573 = math.sqrt %sqrt3A_572 : f32
    %div3A_574 = vector.broadcast %sqrt3A_573 : f32 to vector<128x1024xf32>
    %div3A_575 = arith.divf %dot_general3A_565, %div3A_574 : vector<128x1024xf32>
    %mul3A_576 = vector.broadcast %get3A_568 : vector<128x1xf32> to vector<128x1024xf32>
    %mul3A_577 = arith.mulf %div3A_575, %mul3A_576 : vector<128x1024xf32>
    %add3A_578 = vector.broadcast %get3A_571 : vector<128x1xf32> to vector<128x1024xf32>
    %add3A_579 = arith.addf %mul3A_577, %add3A_578 : vector<128x1024xf32>
    %max3A_580 = arith.constant 0.000000e+00 : f32
    %max3A_581 = vector.broadcast %max3A_580 : f32 to vector<128x1024xf32>
    %max3A_582 = arith.maximumf %add3A_579, %max3A_581 : vector<128x1024xf32>
    %get3A_583 = arith.constant 0 : index
    %get3A_584 = arith.constant 0 : index
    %get3A_585 = vector.load %arg12[%get3A_583, %get3A_584] : memref<256x128xf32, #tpu.memory_space<vmem>>, vector<256x128xf32>
    %dot_general3A_586 = arith.constant dense<0.000000e+00> : vector<256x1024xf32>
    %dot_general3A_587 = tpu.matmul %get3A_585, %max3A_582, %dot_general3A_586 {dimension_numbers = #tpu.dot_dimension_numbers<[1], [0], [0], [1], [0, 0, 1, 1], [], []>, transpose_lhs_hint = false} : vector<256x128xf32>, vector<128x1024xf32>, vector<256x1024xf32> -> vector<256x1024xf32>
    %get3A_588 = arith.constant 0 : index
    %get3A_589 = arith.constant 0 : index
    %get3A_590 = vector.load %arg13[%get3A_588, %get3A_589] : memref<256x1xf32, #tpu.memory_space<vmem>>, vector<256x1xf32>
    %get3A_591 = arith.constant 0 : index
    %get3A_592 = arith.constant 0 : index
    %get3A_593 = vector.load %arg14[%get3A_591, %get3A_592] : memref<256x1xf32, #tpu.memory_space<vmem>>, vector<256x1xf32>
    %sqrt3A_594 = arith.constant 1.000010e+00 : f32
    %sqrt3A_595 = math.sqrt %sqrt3A_594 : f32
    %div3A_596 = vector.broadcast %sqrt3A_595 : f32 to vector<256x1024xf32>
    %div3A_597 = arith.divf %dot_general3A_587, %div3A_596 : vector<256x1024xf32>
    %mul3A_598 = vector.broadcast %get3A_590 : vector<256x1xf32> to vector<256x1024xf32>
    %mul3A_599 = arith.mulf %div3A_597, %mul3A_598 : vector<256x1024xf32>
    %add3A_600 = vector.broadcast %get3A_593 : vector<256x1xf32> to vector<256x1024xf32>
    %add3A_601 = arith.addf %mul3A_599, %add3A_600 : vector<256x1024xf32>
    %max3A_602 = arith.constant 0.000000e+00 : f32
    %max3A_603 = vector.broadcast %max3A_602 : f32 to vector<256x1024xf32>
    %max3A_604 = arith.maximumf %add3A_601, %max3A_603 : vector<256x1024xf32>
    %reshape3A_605 = vector.shape_cast %max3A_604 : vector<256x1024xf32> to vector<256x8x128xf32>
    %reduce_max3A_606 = arith.constant dense<0xFF800000> : vector<256x128xf32>
    %reduce_max3A_607 = vector.multi_reduction <maximumf>, %reshape3A_605, %reduce_max3A_606 [1] : vector<256x8x128xf32> to vector<256x128xf32>
    %max3A_608 = arith.maximumf %max3A_523, %reduce_max3A_607 : vector<256x128xf32>
    %slice3A_609 = vector.extract_strided_slice %transpose3A {offsets = [56, 0], sizes = [8, 128], strides = [1, 1]} : vector<64x128xi32> to vector<8x128xi32>
    %reshape3A_610 = vector.shape_cast %slice3A_609 : vector<8x128xi32> to vector<1x1024xi32>
    %eq3A_611 = vector.broadcast %reshape3A_610 : vector<1x1024xi32> to vector<512x1024xi32>
    %eq3A_612 = arith.cmpi eq, %iota3A, %eq3A_611 : vector<512x1024xi32>
    %convert_element_type3A_613 = arith.extui %eq3A_612 : vector<512x1024xi1> to vector<512x1024xi32>
    %convert_element_type3A_614 = arith.sitofp %convert_element_type3A_613 : vector<512x1024xi32> to vector<512x1024xf32>
    %dot_general3A_615 = arith.constant dense<0.000000e+00> : vector<128x1024xf32>
    %dot_general3A_616 = tpu.matmul %get3A_3, %convert_element_type3A_614, %dot_general3A_615 {dimension_numbers = #tpu.dot_dimension_numbers<[1], [0], [0], [1], [0, 0, 1, 1], [], []>, transpose_lhs_hint = false} : vector<128x512xf32>, vector<512x1024xf32>, vector<128x1024xf32> -> vector<128x1024xf32>
    %slice3A_617 = vector.extract_strided_slice %transpose3A_14 {offsets = [56, 0], sizes = [8, 128], strides = [1, 1]} : vector<64x128xf32> to vector<8x128xf32>
    %reshape3A_618 = vector.shape_cast %slice3A_617 : vector<8x128xf32> to vector<1x1024xf32>
    %slice3A_619 = vector.extract_strided_slice %transpose3A_20 {offsets = [56, 0], sizes = [8, 128], strides = [1, 1]} : vector<64x128xf32> to vector<8x128xf32>
    %reshape3A_620 = vector.shape_cast %slice3A_619 : vector<8x128xf32> to vector<1x1024xf32>
    %slice3A_621 = vector.extract_strided_slice %transpose3A_26 {offsets = [56, 0], sizes = [8, 128], strides = [1, 1]} : vector<64x128xf32> to vector<8x128xf32>
    %reshape3A_622 = vector.shape_cast %slice3A_621 : vector<8x128xf32> to vector<1x1024xf32>
    %concatenate3A_623 = tpu.concatenate %reshape3A_618, %reshape3A_620, %reshape3A_622, %dot_general3A_616 in 0 : vector<1x1024xf32>, vector<1x1024xf32>, vector<1x1024xf32>, vector<128x1024xf32> -> vector<131x1024xf32>
    %get3A_624 = arith.constant 0 : index
    %get3A_625 = arith.constant 0 : index
    %get3A_626 = vector.load %arg6[%get3A_624, %get3A_625] : memref<128x131xf32, #tpu.memory_space<vmem>>, vector<128x131xf32>
    %dot_general3A_627 = arith.constant dense<0.000000e+00> : vector<128x1024xf32>
    %dot_general3A_628 = tpu.matmul %get3A_626, %concatenate3A_623, %dot_general3A_627 {dimension_numbers = #tpu.dot_dimension_numbers<[1], [0], [0], [1], [0, 0, 1, 1], [], []>, transpose_lhs_hint = false} : vector<128x131xf32>, vector<131x1024xf32>, vector<128x1024xf32> -> vector<128x1024xf32>
    %get3A_629 = arith.constant 0 : index
    %get3A_630 = arith.constant 0 : index
    %get3A_631 = vector.load %arg7[%get3A_629, %get3A_630] : memref<128x1xf32, #tpu.memory_space<vmem>>, vector<128x1xf32>
    %get3A_632 = arith.constant 0 : index
    %get3A_633 = arith.constant 0 : index
    %get3A_634 = vector.load %arg8[%get3A_632, %get3A_633] : memref<128x1xf32, #tpu.memory_space<vmem>>, vector<128x1xf32>
    %sqrt3A_635 = arith.constant 1.000010e+00 : f32
    %sqrt3A_636 = math.sqrt %sqrt3A_635 : f32
    %div3A_637 = vector.broadcast %sqrt3A_636 : f32 to vector<128x1024xf32>
    %div3A_638 = arith.divf %dot_general3A_628, %div3A_637 : vector<128x1024xf32>
    %mul3A_639 = vector.broadcast %get3A_631 : vector<128x1xf32> to vector<128x1024xf32>
    %mul3A_640 = arith.mulf %div3A_638, %mul3A_639 : vector<128x1024xf32>
    %add3A_641 = vector.broadcast %get3A_634 : vector<128x1xf32> to vector<128x1024xf32>
    %add3A_642 = arith.addf %mul3A_640, %add3A_641 : vector<128x1024xf32>
    %max3A_643 = arith.constant 0.000000e+00 : f32
    %max3A_644 = vector.broadcast %max3A_643 : f32 to vector<128x1024xf32>
    %max3A_645 = arith.maximumf %add3A_642, %max3A_644 : vector<128x1024xf32>
    %get3A_646 = arith.constant 0 : index
    %get3A_647 = arith.constant 0 : index
    %get3A_648 = vector.load %arg9[%get3A_646, %get3A_647] : memref<128x128xf32, #tpu.memory_space<vmem>>, vector<128x128xf32>
    %dot_general3A_649 = arith.constant dense<0.000000e+00> : vector<128x1024xf32>
    %dot_general3A_650 = tpu.matmul %get3A_648, %max3A_645, %dot_general3A_649 {dimension_numbers = #tpu.dot_dimension_numbers<[1], [0], [0], [1], [0, 0, 1, 1], [], []>, transpose_lhs_hint = false} : vector<128x128xf32>, vector<128x1024xf32>, vector<128x1024xf32> -> vector<128x1024xf32>
    %get3A_651 = arith.constant 0 : index
    %get3A_652 = arith.constant 0 : index
    %get3A_653 = vector.load %arg10[%get3A_651, %get3A_652] : memref<128x1xf32, #tpu.memory_space<vmem>>, vector<128x1xf32>
    %get3A_654 = arith.constant 0 : index
    %get3A_655 = arith.constant 0 : index
    %get3A_656 = vector.load %arg11[%get3A_654, %get3A_655] : memref<128x1xf32, #tpu.memory_space<vmem>>, vector<128x1xf32>
    %sqrt3A_657 = arith.constant 1.000010e+00 : f32
    %sqrt3A_658 = math.sqrt %sqrt3A_657 : f32
    %div3A_659 = vector.broadcast %sqrt3A_658 : f32 to vector<128x1024xf32>
    %div3A_660 = arith.divf %dot_general3A_650, %div3A_659 : vector<128x1024xf32>
    %mul3A_661 = vector.broadcast %get3A_653 : vector<128x1xf32> to vector<128x1024xf32>
    %mul3A_662 = arith.mulf %div3A_660, %mul3A_661 : vector<128x1024xf32>
    %add3A_663 = vector.broadcast %get3A_656 : vector<128x1xf32> to vector<128x1024xf32>
    %add3A_664 = arith.addf %mul3A_662, %add3A_663 : vector<128x1024xf32>
    %max3A_665 = arith.constant 0.000000e+00 : f32
    %max3A_666 = vector.broadcast %max3A_665 : f32 to vector<128x1024xf32>
    %max3A_667 = arith.maximumf %add3A_664, %max3A_666 : vector<128x1024xf32>
    %get3A_668 = arith.constant 0 : index
    %get3A_669 = arith.constant 0 : index
    %get3A_670 = vector.load %arg12[%get3A_668, %get3A_669] : memref<256x128xf32, #tpu.memory_space<vmem>>, vector<256x128xf32>
    %dot_general3A_671 = arith.constant dense<0.000000e+00> : vector<256x1024xf32>
    %dot_general3A_672 = tpu.matmul %get3A_670, %max3A_667, %dot_general3A_671 {dimension_numbers = #tpu.dot_dimension_numbers<[1], [0], [0], [1], [0, 0, 1, 1], [], []>, transpose_lhs_hint = false} : vector<256x128xf32>, vector<128x1024xf32>, vector<256x1024xf32> -> vector<256x1024xf32>
    %get3A_673 = arith.constant 0 : index
    %get3A_674 = arith.constant 0 : index
    %get3A_675 = vector.load %arg13[%get3A_673, %get3A_674] : memref<256x1xf32, #tpu.memory_space<vmem>>, vector<256x1xf32>
    %get3A_676 = arith.constant 0 : index
    %get3A_677 = arith.constant 0 : index
    %get3A_678 = vector.load %arg14[%get3A_676, %get3A_677] : memref<256x1xf32, #tpu.memory_space<vmem>>, vector<256x1xf32>
    %sqrt3A_679 = arith.constant 1.000010e+00 : f32
    %sqrt3A_680 = math.sqrt %sqrt3A_679 : f32
    %div3A_681 = vector.broadcast %sqrt3A_680 : f32 to vector<256x1024xf32>
    %div3A_682 = arith.divf %dot_general3A_672, %div3A_681 : vector<256x1024xf32>
    %mul3A_683 = vector.broadcast %get3A_675 : vector<256x1xf32> to vector<256x1024xf32>
    %mul3A_684 = arith.mulf %div3A_682, %mul3A_683 : vector<256x1024xf32>
    %add3A_685 = vector.broadcast %get3A_678 : vector<256x1xf32> to vector<256x1024xf32>
    %add3A_686 = arith.addf %mul3A_684, %add3A_685 : vector<256x1024xf32>
    %max3A_687 = arith.constant 0.000000e+00 : f32
    %max3A_688 = vector.broadcast %max3A_687 : f32 to vector<256x1024xf32>
    %max3A_689 = arith.maximumf %add3A_686, %max3A_688 : vector<256x1024xf32>
    %reshape3A_690 = vector.shape_cast %max3A_689 : vector<256x1024xf32> to vector<256x8x128xf32>
    %reduce_max3A_691 = arith.constant dense<0xFF800000> : vector<256x128xf32>
    %reduce_max3A_692 = vector.multi_reduction <maximumf>, %reshape3A_690, %reduce_max3A_691 [1] : vector<256x8x128xf32> to vector<256x128xf32>
    %max3A_693 = arith.maximumf %max3A_608, %reduce_max3A_692 : vector<256x128xf32>
    %get3A_694 = arith.constant 0 : index
    %get3A_695 = arith.constant 0 : index
    %get3A_696 = vector.load %arg15[%get3A_694, %get3A_695] : memref<256x256xf32, #tpu.memory_space<vmem>>, vector<256x256xf32>
    %dot_general3A_697 = arith.constant dense<0.000000e+00> : vector<256x128xf32>
    %dot_general3A_698 = tpu.matmul %get3A_696, %max3A_693, %dot_general3A_697 {dimension_numbers = #tpu.dot_dimension_numbers<[1], [0], [0], [1], [0, 0, 1, 1], [], []>, transpose_lhs_hint = false} : vector<256x256xf32>, vector<256x128xf32>, vector<256x128xf32> -> vector<256x128xf32>
    %get3A_699 = arith.constant 0 : index
    %get3A_700 = arith.constant 0 : index
    %get3A_701 = vector.load %arg16[%get3A_699, %get3A_700] : memref<256x1xf32, #tpu.memory_space<vmem>>, vector<256x1xf32>
    %get3A_702 = arith.constant 0 : index
    %get3A_703 = arith.constant 0 : index
    %get3A_704 = vector.load %arg17[%get3A_702, %get3A_703] : memref<256x1xf32, #tpu.memory_space<vmem>>, vector<256x1xf32>
    %sqrt3A_705 = arith.constant 1.000010e+00 : f32
    %sqrt3A_706 = math.sqrt %sqrt3A_705 : f32
    %div3A_707 = vector.broadcast %sqrt3A_706 : f32 to vector<256x128xf32>
    %div3A_708 = arith.divf %dot_general3A_698, %div3A_707 : vector<256x128xf32>
    %mul3A_709 = vector.broadcast %get3A_701 : vector<256x1xf32> to vector<256x128xf32>
    %mul3A_710 = arith.mulf %div3A_708, %mul3A_709 : vector<256x128xf32>
    %add3A_711 = vector.broadcast %get3A_704 : vector<256x1xf32> to vector<256x128xf32>
    %add3A_712 = arith.addf %mul3A_710, %add3A_711 : vector<256x128xf32>
    %max3A_713 = arith.constant 0.000000e+00 : f32
    %max3A_714 = vector.broadcast %max3A_713 : f32 to vector<256x128xf32>
    %max3A_715 = arith.maximumf %add3A_712, %max3A_714 : vector<256x128xf32>
    %get3A_716 = arith.constant 0 : index
    %get3A_717 = arith.constant 0 : index
    %get3A_718 = vector.load %arg18[%get3A_716, %get3A_717] : memref<512x256xf32, #tpu.memory_space<vmem>>, vector<512x256xf32>
    %dot_general3A_719 = arith.constant dense<0.000000e+00> : vector<512x128xf32>
    %dot_general3A_720 = tpu.matmul %get3A_718, %max3A_715, %dot_general3A_719 {dimension_numbers = #tpu.dot_dimension_numbers<[1], [0], [0], [1], [0, 0, 1, 1], [], []>, transpose_lhs_hint = false} : vector<512x256xf32>, vector<256x128xf32>, vector<512x128xf32> -> vector<512x128xf32>
    %get3A_721 = arith.constant 0 : index
    %get3A_722 = arith.constant 0 : index
    %get3A_723 = vector.load %arg19[%get3A_721, %get3A_722] : memref<512x1xf32, #tpu.memory_space<vmem>>, vector<512x1xf32>
    %get3A_724 = arith.constant 0 : index
    %get3A_725 = arith.constant 0 : index
    %get3A_726 = vector.load %arg20[%get3A_724, %get3A_725] : memref<512x1xf32, #tpu.memory_space<vmem>>, vector<512x1xf32>
    %sqrt3A_727 = arith.constant 1.000010e+00 : f32
    %sqrt3A_728 = math.sqrt %sqrt3A_727 : f32
    %div3A_729 = vector.broadcast %sqrt3A_728 : f32 to vector<512x128xf32>
    %div3A_730 = arith.divf %dot_general3A_720, %div3A_729 : vector<512x128xf32>
    %mul3A_731 = vector.broadcast %get3A_723 : vector<512x1xf32> to vector<512x128xf32>
    %mul3A_732 = arith.mulf %div3A_730, %mul3A_731 : vector<512x128xf32>
    %add3A_733 = vector.broadcast %get3A_726 : vector<512x1xf32> to vector<512x128xf32>
    %add3A_734 = arith.addf %mul3A_732, %add3A_733 : vector<512x128xf32>
    %max3A_735 = arith.constant 0.000000e+00 : f32
    %max3A_736 = vector.broadcast %max3A_735 : f32 to vector<512x128xf32>
    %max3A_737 = arith.maximumf %add3A_734, %max3A_736 : vector<512x128xf32>
    %get3A_738 = arith.constant 0 : index
    %get3A_739 = arith.constant 0 : index
    %get3A_740 = vector.load %arg21[%get3A_738, %get3A_739] : memref<1024x512xf32, #tpu.memory_space<vmem>>, vector<1024x512xf32>
    %dot_general3A_741 = arith.constant dense<0.000000e+00> : vector<1024x128xf32>
    %dot_general3A_742 = tpu.matmul %get3A_740, %max3A_737, %dot_general3A_741 {dimension_numbers = #tpu.dot_dimension_numbers<[1], [0], [0], [1], [0, 0, 1, 1], [], []>, transpose_lhs_hint = false} : vector<1024x512xf32>, vector<512x128xf32>, vector<1024x128xf32> -> vector<1024x128xf32>
    %get3A_743 = arith.constant 0 : index
    %get3A_744 = arith.constant 0 : index
    %get3A_745 = vector.load %arg22[%get3A_743, %get3A_744] : memref<1024x1xf32, #tpu.memory_space<vmem>>, vector<1024x1xf32>
    %get3A_746 = arith.constant 0 : index
    %get3A_747 = arith.constant 0 : index
    %get3A_748 = vector.load %arg23[%get3A_746, %get3A_747] : memref<1024x1xf32, #tpu.memory_space<vmem>>, vector<1024x1xf32>
    %sqrt3A_749 = arith.constant 1.000010e+00 : f32
    %sqrt3A_750 = math.sqrt %sqrt3A_749 : f32
    %div3A_751 = vector.broadcast %sqrt3A_750 : f32 to vector<1024x128xf32>
    %div3A_752 = arith.divf %dot_general3A_742, %div3A_751 : vector<1024x128xf32>
    %mul3A_753 = vector.broadcast %get3A_745 : vector<1024x1xf32> to vector<1024x128xf32>
    %mul3A_754 = arith.mulf %div3A_752, %mul3A_753 : vector<1024x128xf32>
    %add3A_755 = vector.broadcast %get3A_748 : vector<1024x1xf32> to vector<1024x128xf32>
    %add3A_756 = arith.addf %mul3A_754, %add3A_755 : vector<1024x128xf32>
    %max3A_757 = arith.constant 0.000000e+00 : f32
    %max3A_758 = vector.broadcast %max3A_757 : f32 to vector<1024x128xf32>
    %max3A_759 = arith.maximumf %add3A_756, %max3A_758 : vector<1024x128xf32>
    %reduce_max3A_760 = arith.constant dense<0xFF800000> : vector<1024xf32>
    %reduce_max3A_761 = vector.multi_reduction <maximumf>, %max3A_759, %reduce_max3A_760 [1] : vector<1024x128xf32> to vector<1024xf32>
    %swap3A = arith.constant 0 : index
    %swap3A_762 = arith.constant 0 : index
    %swap3A_763 = arith.constant 0 : index
    %swap3A_764 = vector.load %arg24[%swap3A, %swap3A_762, %swap3A_763] : memref<1x1x1024xf32, #tpu.memory_space<vmem>>, vector<1x1x1024xf32>
    %swap3A_765 = vector.shape_cast %swap3A_764 : vector<1x1x1024xf32> to vector<1024xf32>
    %swap3A_766 = vector.shape_cast %reduce_max3A_761 : vector<1024xf32> to vector<1x1x1024xf32>
    tpu.vector_store %arg24[%swap3A, %swap3A_762, %swap3A_763], %swap3A_766 {strides = array<i32>} : memref<1x1x1024xf32, #tpu.memory_space<vmem>>, vector<1x1x1024xf32>,
    %iota3A_767 = tpu.iota {dimensions = array<i32: 1>} : vector<1024x128xi32>
    %broadcast_in_dim3A = vector.shape_cast %reduce_max3A_761 : vector<1024xf32> to vector<1024x1xf32>
    %eq3A_768 = vector.broadcast %broadcast_in_dim3A : vector<1024x1xf32> to vector<1024x128xf32>
    %eq3A_769 = arith.cmpf oeq, %max3A_759, %eq3A_768 : vector<1024x128xf32>
    %jit3A = arith.constant 128 : i32
    %broadcast_in_dim3A_770 = vector.broadcast %jit3A : i32 to vector<1024x128xi32>
    %select_n3A = arith.select %eq3A_769, %iota3A_767, %broadcast_in_dim3A_770 : vector<1024x128xi1>, vector<1024x128xi32>
    %reduce_min3A = arith.constant dense<2147483647> : vector<1024xi32>
    %reduce_min3A_771 = vector.multi_reduction <minsi>, %select_n3A, %reduce_min3A [1] : vector<1024x128xi32> to vector<1024xi32>
    %swap3A_772 = arith.constant 0 : index
    %swap3A_773 = arith.constant 0 : index
    %swap3A_774 = arith.constant 0 : index
    %swap3A_775 = vector.load %arg25[%swap3A_772, %swap3A_773, %swap3A_774] : memref<1x1x1024xi32, #tpu.memory_space<vmem>>, vector<1x1x1024xi32>
    %swap3A_776 = vector.shape_cast %swap3A_775 : vector<1x1x1024xi32> to vector<1024xi32>
    %swap3A_777 = vector.shape_cast %reduce_min3A_771 : vector<1024xi32> to vector<1x1x1024xi32>
    tpu.vector_store %arg25[%swap3A_772, %swap3A_773, %swap3A_774], %swap3A_777 {strides = array<i32>} : memref<1x1x1024xi32, #tpu.memory_space<vmem>>, vector<1x1x1024xi32>,
    return
  }
  func.func @transform_0(%arg0: i32) -> (i32, i32, i32) {
    %c0_i32 = arith.constant 0 : i32
    %c0_i32_0 = arith.constant 0 : i32
    %c0_i32_1 = arith.constant 0 : i32
    return %arg0, %c0_i32, %c0_i32_0 : i32, i32, i32
  }
  func.func @transform_1(%arg0: i32) -> (i32, i32, i32) {
    %c0_i32 = arith.constant 0 : i32
    %c0_i32_0 = arith.constant 0 : i32
    %c0_i32_1 = arith.constant 0 : i32
    return %arg0, %c0_i32, %c0_i32_0 : i32, i32, i32
  }
  func.func @transform_2(%arg0: i32) -> (i32, i32, i32) {
    %c0_i32 = arith.constant 0 : i32
    %c0_i32_0 = arith.constant 0 : i32
    %c0_i32_1 = arith.constant 0 : i32
    return %arg0, %c0_i32, %c0_i32_0 : i32, i32, i32
  }
  func.func @transform_3(%arg0: i32) -> (i32, i32, i32) {
    %c0_i32 = arith.constant 0 : i32
    %c0_i32_0 = arith.constant 0 : i32
    %c0_i32_1 = arith.constant 0 : i32
    return %arg0, %c0_i32, %c0_i32_0 : i32, i32, i32
  }
  func.func @transform_4(%arg0: i32) -> (i32, i32, i32) {
    %c0_i32 = arith.constant 0 : i32
    %c0_i32_0 = arith.constant 0 : i32
    %c0_i32_1 = arith.constant 0 : i32
    return %arg0, %c0_i32, %c0_i32_0 : i32, i32, i32
  }
  func.func @transform_5(%arg0: i32) -> (i32, i32) {
    %c0_i32 = arith.constant 0 : i32
    %c0_i32_0 = arith.constant 0 : i32
    %c0_i32_1 = arith.constant 0 : i32
    return %c0_i32, %c0_i32_0 : i32, i32
  }
  func.func @transform_6(%arg0: i32) -> (i32, i32) {
    %c0_i32 = arith.constant 0 : i32
    %c0_i32_0 = arith.constant 0 : i32
    %c0_i32_1 = arith.constant 0 : i32
    return %c0_i32, %c0_i32_0 : i32, i32
  }
  func.func @transform_7(%arg0: i32) -> (i32, i32) {
    %c0_i32 = arith.constant 0 : i32
    %c0_i32_0 = arith.constant 0 : i32
    %c0_i32_1 = arith.constant 0 : i32
    return %c0_i32, %c0_i32_0 : i32, i32
  }
  func.func @transform_8(%arg0: i32) -> (i32, i32) {
    %c0_i32 = arith.constant 0 : i32
    %c0_i32_0 = arith.constant 0 : i32
    %c0_i32_1 = arith.constant 0 : i32
    return %c0_i32, %c0_i32_0 : i32, i32
  }
  func.func @transform_9(%arg0: i32) -> (i32, i32) {
    %c0_i32 = arith.constant 0 : i32
    %c0_i32_0 = arith.constant 0 : i32
    %c0_i32_1 = arith.constant 0 : i32
    return %c0_i32, %c0_i32_0 : i32, i32
  }
  func.func @transform_10(%arg0: i32) -> (i32, i32) {
    %c0_i32 = arith.constant 0 : i32
    %c0_i32_0 = arith.constant 0 : i32
    %c0_i32_1 = arith.constant 0 : i32
    return %c0_i32, %c0_i32_0 : i32, i32
  }
  func.func @transform_11(%arg0: i32) -> (i32, i32) {
    %c0_i32 = arith.constant 0 : i32
    %c0_i32_0 = arith.constant 0 : i32
    %c0_i32_1 = arith.constant 0 : i32
    return %c0_i32, %c0_i32_0 : i32, i32
  }
  func.func @transform_12(%arg0: i32) -> (i32, i32) {
    %c0_i32 = arith.constant 0 : i32
    %c0_i32_0 = arith.constant 0 : i32
    %c0_i32_1 = arith.constant 0 : i32
    return %c0_i32, %c0_i32_0 : i32, i32
  }
  func.func @transform_13(%arg0: i32) -> (i32, i32) {
    %c0_i32 = arith.constant 0 : i32
    %c0_i32_0 = arith.constant 0 : i32
    %c0_i32_1 = arith.constant 0 : i32
    return %c0_i32, %c0_i32_0 : i32, i32
  }
  func.func @transform_14(%arg0: i32) -> (i32, i32) {
    %c0_i32 = arith.constant 0 : i32
    %c0_i32_0 = arith.constant 0 : i32
    %c0_i32_1 = arith.constant 0 : i32
    return %c0_i32, %c0_i32_0 : i32, i32
  }
  func.func @transform_15(%arg0: i32) -> (i32, i32) {
    %c0_i32 = arith.constant 0 : i32
    %c0_i32_0 = arith.constant 0 : i32
    %c0_i32_1 = arith.constant 0 : i32
    return %c0_i32, %c0_i32_0 : i32, i32
  }
  func.func @transform_16(%arg0: i32) -> (i32, i32) {
    %c0_i32 = arith.constant 0 : i32
    %c0_i32_0 = arith.constant 0 : i32
    %c0_i32_1 = arith.constant 0 : i32
    return %c0_i32, %c0_i32_0 : i32, i32
  }
  func.func @transform_17(%arg0: i32) -> (i32, i32) {
    %c0_i32 = arith.constant 0 : i32
    %c0_i32_0 = arith.constant 0 : i32
    %c0_i32_1 = arith.constant 0 : i32
    return %c0_i32, %c0_i32_0 : i32, i32
  }
  func.func @transform_18(%arg0: i32) -> (i32, i32) {
    %c0_i32 = arith.constant 0 : i32
    %c0_i32_0 = arith.constant 0 : i32
    %c0_i32_1 = arith.constant 0 : i32
    return %c0_i32, %c0_i32_0 : i32, i32
  }
  func.func @transform_19(%arg0: i32) -> (i32, i32) {
    %c0_i32 = arith.constant 0 : i32
    %c0_i32_0 = arith.constant 0 : i32
    %c0_i32_1 = arith.constant 0 : i32
    return %c0_i32, %c0_i32_0 : i32, i32
  }
  func.func @transform_20(%arg0: i32) -> (i32, i32) {
    %c0_i32 = arith.constant 0 : i32
    %c0_i32_0 = arith.constant 0 : i32
    %c0_i32_1 = arith.constant 0 : i32
    return %c0_i32, %c0_i32_0 : i32, i32
  }
  func.func @transform_21(%arg0: i32) -> (i32, i32) {
    %c0_i32 = arith.constant 0 : i32
    %c0_i32_0 = arith.constant 0 : i32
    %c0_i32_1 = arith.constant 0 : i32
    return %c0_i32, %c0_i32_0 : i32, i32
  }
  func.func @transform_22(%arg0: i32) -> (i32, i32) {
    %c0_i32 = arith.constant 0 : i32
    %c0_i32_0 = arith.constant 0 : i32
    %c0_i32_1 = arith.constant 0 : i32
    return %c0_i32, %c0_i32_0 : i32, i32
  }
  func.func @transform_23(%arg0: i32) -> (i32, i32, i32) {
    %c0_i32 = arith.constant 0 : i32
    %c0_i32_0 = arith.constant 0 : i32
    %c0_i32_1 = arith.constant 0 : i32
    return %arg0, %c0_i32, %c0_i32_0 : i32, i32, i32
  }
  func.func @transform_24(%arg0: i32) -> (i32, i32, i32) {
    %c0_i32 = arith.constant 0 : i32
    %c0_i32_0 = arith.constant 0 : i32
    %c0_i32_1 = arith.constant 0 : i32
    return %arg0, %c0_i32, %c0_i32_0 : i32, i32, i32
  }
}

</mosaic_0001>

<sc_bundles>
// kernel: kernel.10.cloned.1.call-start
scs
__scs_entry_jumppad:
0x0: {  	(pc) =	sbr.rel $0x88, $3  }
0x1: {  	(tag) =	ssettag $0x0;
	lr =	simm.s32 $0x1  }
0x2: {  	[smem:$0x3F85] =	sst lr;
	_ =	strace $0xD0000000  }
0x3: {  	_ = 	snop  }
0x4: {  	_ = 	snop  }
0x5: {  	_ = 	snop  }
0x6: {  	_ = 	snop  }
0x7: {  	_ = 	snop  }
__scs_overlays_trampoline_lowered:
0x8: {  	[smem:$0x3F94] =	sst s0  }
0x9: {  	[smem:$0x3F95] =	sst s1  }
0xa: {  	[smem:$0x3F96] =	sst s2  }
0xb: {  	[smem:$0x3F97] =	sst s3  }
0xc: {  	[smem:$0x3F98] =	sst s4  }
0xd: {  	[smem:$0x3F99] =	sst s5  }
0xe: {  	[smem:$0x3F9A] =	sst s6  }
0xf: {  	[smem:$0x3F9B] =	sst s7  }
0x10: {  	[smem:$0x3F9C] =	sst s8  }
0x11: {  	[smem:$0x3F9D] =	sst s9;
	s0 =	simm.s32 @!p0 $0x0  }
0x12: {  	s1 =	sld [smem:$0x3F83];
	s0 =	simm.s32 @p0 $0x1  }
0x13: {  	[smem:$0x3F9E] =	sst s0;
	s0 =	simm.s32 @!p1 $0x0  }
0x14: {  	s2 =	sld [smem:$0x3F82];
	s0 =	simm.s32 @p1 $0x1  }
0x15: {  	[smem:$0x3F9F] =	sst s0;
	s0 =	simm.s32 @!p2 $0x0  }
0x16: {  	s3 =	sld [smem:$0x3FDB];
	s0 =	simm.s32 @p2 $0x1  }
0x17: {  	s4 =	simm.s32 $0x1BF5;
	[smem:$0x3FA1] =	sst s0  }
0x18: {  	s0 =	sld [smem:$0x3F84];
	_ =	swait.ge [sflag:s4], $0x0  }
0x19: {  	s7 =	sld [smem:$0x3F85]  }
0x1a: {  	s8 =	sadd.s32 $0xFFFFE003, lr  }
0x1b: {  	s9 =	sadd.s32 $0xFFFFFEF7, lr;
	s5 =	simm.s32 $0xFFFFFFFF;
	p2 =	slt.u32 s8, $0xFFFFF086  }
0x1c: {  	p1 =	slt.u32 s9, $0xF7A;
	s5 =	simm.s32 @!p2 $0x0  }
0x1d: {  	s5 =	simm.s32 @p1 $0x1;
	p0 =	seq.s32 s7, s2  }
0x1e: {  	s7 =	smul.u32 @!p0 $0xF7A, s2;
	p2 =	seq.s32 @!p0 s5, $0x0  }
0x1f: {  	s9 =	smul.u32 $0xF7A, s1;
	s8 =	simm.s32 @!p0 $0x1BF5;
	p2 =	por !p2, p0  }
0x20: {  	[sflag:s8] =	ssyncset.s32 @!p0 $0xFFFFF086;
	s6 =	sadd.s32 @!p0 s3, s7;
	s7 =	simm.s32 @!p0 $0x108  }
0x21: {  	s3 =	sadd.s32 s3, s9;
	s6 =	sadd.s32 @!p0 $0x88, s6;
	s7 =	simm.s32 @p2 $0x1082  }
0x22: {  	[simem:s7], [sflag:s8] =	dma.local @!p0 [hbm:s6], $0xF7A  }
0x23: {  	s9 =	sor.u32 $0xD0000000, s2;
	s6 =	simm.s32 $0x108;
	_ =	swait.ge @!p0 [sflag:s8], $0x0  }
0x24: {  	s3 =	sadd.s32 $0x88, s3;
	s6 =	simm.s32 @!p1 $0x1082;
	[sflag:s4] =	ssyncset.s32 $0xFFFFF086  }
0x25: {  	[simem:s6], [sflag:s4] =	dma.local [hbm:s3], $0xF7A  }
0x26: {  	[smem:$0x3F85] =	sst s1;
	(tag) =	ssettag s2;
	_ =	strace s9  }
0x27: {  	s1 =	sld [smem:$0x3F95]  }
0x28: {  	s2 =	sld [smem:$0x3F96]  }
0x29: {  	s4 =	sld [smem:$0x3F98]  }
0x2a: {  	p0 =	seq.s32 s5, $0x0;
	s5 =	sld [smem:$0x3F99]  }
0x2b: {  	s6 =	sld [smem:$0x3F9A]  }
0x2c: {  	s7 =	sld [smem:$0x3F9B]  }
0x2d: {  	s3 =	simm.s32 $0x108;
	s8 =	sld [smem:$0x3F9C]  }
0x2e: {  	s3 =	simm.s32 @!p0 $0x1082;
	s9 =	sld [smem:$0x3F9D]  }
0x2f: {  	lr =	sadd.s32 s0, s3;
	s0 =	sld [smem:$0x3F94]  }
0x30: {  	s3 =	sld [smem:$0x3F97]  }
0x31: {  	[smem:$0x3FA0] =	sst s10  }
0x32: {  	s10 =	sld [smem:$0x3F9E];
	_ =	sdelay $0x3  }
0x33: {  	p0 =	seq.s32 s10, $0x1;
	s10 =	sld [smem:$0x3FA0];
	_ =	sdelay $0x3  }
0x34: {  	[smem:$0x3FA0] =	sst s10  }
0x35: {  	s10 =	sld [smem:$0x3F9F];
	_ =	sdelay $0x3  }
0x36: {  	p1 =	seq.s32 s10, $0x1;
	s10 =	sld [smem:$0x3FA0];
	_ =	sdelay $0x3  }
0x37: {  	[smem:$0x3FA0] =	sst s10  }
0x38: {  	s10 =	sld [smem:$0x3FA1]  }
0x39: {  	_ = 	snop;
	(pc) =	sbr.ind lr, $3  }
0x3a: {  	_ = 	snop  }
0x3b: {  	_ = 	snop  }
0x3c: {  	p2 =	seq.s32 s10, $0x1;
	s10 =	sld [smem:$0x3FA0]  }
0x3d: {  	_ =	shalt  }
0x3e: {  	_ =	shalt  }
0x3f: {  	_ =	shalt  }
0x40: {  	_ =	shalt  }
0x41: {  	_ =	shalt  }
0x42: {  	_ =	shalt  }
0x43: {  	_ =	shalt  }
0x44: {  	_ =	shalt  }
0x45: {  	_ =	shalt  }
0x46: {  	_ =	shalt  }
0x47: {  	_ =	shalt  }
0x48: {  	_ =	shalt  }
0x49: {  	_ =	shalt  }
0x4a: {  	_ =	shalt  }
0x4b: {  	_ =	shalt  }
0x4c: {  	_ =	shalt  }
0x4d: {  	_ =	shalt  }
0x4e: {  	_ =	shalt  }
0x4f: {  	_ =	shalt  }
0x50: {  	_ =	shalt  }
0x51: {  	_ =	shalt  }
0x52: {  	_ =	shalt  }
0x53: {  	_ =	shalt  }
0x54: {  	_ =	shalt  }
0x55: {  	_ =	shalt  }
0x56: {  	_ =	shalt  }
0x57: {  	_ =	shalt  }
0x58: {  	_ =	shalt  }
0x59: {  	_ =	shalt  }
0x5a: {  	_ =	shalt  }
0x5b: {  	_ =	shalt  }
0x5c: {  	_ =	shalt  }
0x5d: {  	_ =	shalt  }
0x5e: {  	_ =	shalt  }
0x5f: {  	_ =	shalt  }
0x60: {  	_ =	shalt  }
0x61: {  	_ =	shalt  }
0x62: {  	_ =	shalt  }
0x63: {  	_ =	shalt  }
0x64: {  	_ =	shalt  }
0x65: {  	_ =	shalt  }
0x66: {  	_ =	shalt  }
0x67: {  	_ =	shalt  }
0x68: {  	_ =	shalt  }
0x69: {  	_ =	shalt  }
0x6a: {  	_ =	shalt  }
0x6b: {  	_ =	shalt  }
0x6c: {  	_ =	shalt  }
0x6d: {  	_ =	shalt  }
0x6e: {  	_ =	shalt  }
0x6f: {  	_ =	shalt  }
0x70: {  	_ =	shalt  }
0x71: {  	_ =	shalt  }
0x72: {  	_ =	shalt  }
0x73: {  	_ =	shalt  }
0x74: {  	_ =	shalt  }
0x75: {  	_ =	shalt  }
0x76: {  	_ =	shalt  }
0x77: {  	_ =	shalt  }
0x78: {  	_ =	shalt  }
0x79: {  	_ =	shalt  }
0x7a: {  	_ =	shalt  }
0x7b: {  	_ =	shalt  }
0x7c: {  	_ =	shalt  }
0x7d: {  	_ =	shalt  }
0x7e: {  	_ =	shalt  }
0x7f: {  	_ =	shalt  }
0x80: {  	_ =	shalt  }
0x81: {  	_ =	shalt  }
0x82: {  	_ =	shalt  }
0x83: {  	_ =	shalt  }
0x84: {  	_ =	shalt  }
0x85: {  	_ =	shalt  }
0x86: {  	_ =	shalt  }
0x87: {  	_ =	shalt  }
.Lfunc_end0:
.L_simem_size_0:
called_computation.1_lowered:
.L_overlay_start_0:
0x88: {  	s2 =	sld [smem:$0x3FD9]  }
0x89: {  	s3 =	sld [smem:$0x3FFE];
	_ =	sdelay $0x1  }
0x8a: {  	s1 =	srdreg.scid  }
0x8b: {  	s0 =	sand.u32 $0x1, s1  }
0x8c: {  	s17 =	sshll.u32 s0, $0xA;
	s2 =	sadd.s32 s3, s2  }
0x8d: {  	s2 =	sadd.s32 s2, s17  }
0x8e: {  	[smem:$0x3FAC] =	sst s2  }
0x8f: {  	_ = 	snop  }
0x90: {  	(tm) =	ssettm $0x1  }
0x91: {  	s18 =	sld [smem:$0x3FFB];
	_ =	sdelay $0x3  }
0x92: {  	_ =	strace s18  }
0x93: {  	s2 =	sld [smem:$0x3FFC];
	_ =	sdelay $0x3  }
0x94: {  	_ =	strace s2  }
0x95: {  	s2 =	sld [smem:$0x3FFD];
	_ =	sdelay $0x3  }
0x96: {  	_ =	strace s2  }
0x97: {  	_ =	strace $0x8FFFFFFF  }
0x98: {  	s19 =	sld [smem:$0x3FDB];
	_ =	sdelay $0x1  }
0x99: {  	s20 =	simm.s32 $_scs_section_size  }
0x9a: {  	s4 =	simm.s32 $_size__tile_overlayer_lowered;
	s5 =	simm.s32 $_tile_overlayer_lowered  }
0x9b: {  	s6 =	simm.s32 $0x1BFF;
	s21 =	sshll.u32 s5, $0x1;
	s3 =	sadd.s32 s20, s19  }
0x9c: {  	s22 =	simm.s32 $0x0;
	s4 =	sshll.u32 s4, $0x1;
	s5 =	sadd.s32 s21, s3  }
0x9d: {  	[timem:s22], [sflag:s6] =	dma.local [hbm:s5], s4  }
0x9e: {  	_ =	swait.ge [sflag:s6], s4  }
0x9f: {  	s4 =	ssub.s32 $0x0, s4;
	[sflag:s6] =	ssyncset.done $0x0  }
0xa0: {  	[sflag:s6] =	ssyncadd.s32 s4;
	_ =	sdelay $0x1  }
0xa1: {  	s23 =	simm.s32 $0x1B8B  }
0xa2: {  	_ =	swait.ge [sflag:s23], $0x1  }
0xa3: {  	[sflag:s23] =	ssyncset.done $0x0  }
0xa4: {  	[sflag:s23] =	ssyncadd.s32 $0xFFFFFFFF  }
0xa5: {  	s4 =	sld [smem:$0x0]  }
0xa6: {  	s5 =	sand.u32 $0xFFFFFFFE, s1  }
0xa7: {  	p0 =	sne.s32 s1, s5  }
0xa8: {  	s5 =	sshll.u32 @p0 s5, $0xE  }
0xa9: {  	s5 =	sadd.s32 @p0 $0x11B8D, s5;
	s6 =	sshll.u32 @p0 s4, $0x11  }
0xaa: {  	s5 =	sor.u32 @p0 s6, s5  }
0xab: {  	[sflag:s5] =	ssyncadd.remote.s32 @p0 $0x1;
	_ =	sdelay $0x1  }
0xac: {  	s5 =	simm.s32 @p0 $0x1B8D  }
0xad: {  	_ =	swait.eq @p0 [sflag:s5], $0x1  }
0xae: {  	[sflag:s5] =	ssyncadd.s32 @p0 $0xFFFFFFFF  }
0xaf: {  	s6 =	sshll.u32 @!p0 s1, $0xE  }
0xb0: {  	s6 =	sor.u32 @!p0 $0x4000, s6;
	s5 =	simm.s32 @!p0 $0x1B8D  }
0xb1: {  	s4 =	sshll.u32 @!p0 s4, $0x11;
	s6 =	sadd.s32 @!p0 $0x11B8D, s6;
	_ =	swait.eq @!p0 [sflag:s5], $0x1  }
0xb2: {  	s4 =	sor.u32 @!p0 s4, s6;
	[sflag:s5] =	ssyncadd.s32 @!p0 $0xFFFFFFFF  }
0xb3: {  	s25 =	simm.s32 $0x1B8E;
	s24 =	sld [smem:$0x3FFE];
	[sflag:s4] =	ssyncadd.remote.s32 @!p0 $0x1  }
0xb4: {  	s26 =	simm.s32 $execute0_lowered;
	[smem:$0x3FD2] =	sst s25  }
0xb5: {  	s5 =	sshll.u32 s26, $0x1;
	_ =	strace $0x80000049;
	[dreg:$0x1] =	wrdreg $0xFFFFFFFF  }
0xb6: {  	s28 =	simm.s32 $_size_execute0_lowered;
	s3 =	sadd.s32 s3, s5;
	[dreg:$0x0] =	wrdreg $0x0  }
0xb7: {  	s5 =	sshll.u32 s28, $0x1;
	[dreg:$0x2] =	wrdreg s3  }
0xb8: {  	[dreg:$0x3] =	wrdreg s5  }
0xb9: {  	[dreg:$0x4] =	wrdreg $0xC0  }
0xba: {  	_ =	task [dreg:s22], $0x5FFFF  }
0xbb: {  	[dreg:$0x1] =	wrdreg $0xFFFFFFFF  }
0xbc: {  	[dreg:$0x0] =	wrdreg $0x60  }
0xbd: {  	[dreg:$0x2] =	wrdreg s24  }
0xbe: {  	[dreg:$0x3] =	wrdreg $0xA  }
0xbf: {  	_ =	task.clear_ibuf [dreg:s22], $0x4FFFF;
	_ =	strace $0x90000049  }
0xc0: {  	s29 =	simm.s32 $0xA;
	_ =	strace $0x8000004B  }
0xc1: {  	_ =	swait.ge [sflag:s29], $0x1  }
0xc2: {  	[sflag:s29] =	ssyncadd.s32 $0xFFFFFFFF  }
0xc3: {  	_ =	strace $0x9000004B  }
0xc4: {  	_ =	sfence  }
0xc5: {  	s30 =	sld [smem:$0x0];
	_ =	sdelay $0x2  }
0xc6: {  	s31 =	sshll.u32 s1, $0xD;
	s1 =	sshrl.u32 s1, $0x2  }
0xc7: {  	s4 =	sand.u32 $0x4000, s31;
	s1 =	sadd.s32 s1, s30  }
0xc8: {  	s0 =	sor.u32 s4, s0;
	s1 =	sshll.u32 s1, $0x11  }
0xc9: {  	s0 =	sor.u32 s1, s0  }
0xca: {  	s0 =	sadd.s32 $0x8F2B, s0  }
0xcb: {  	[sflag:s0] =	ssyncadd.remote.s32 $0x1  }
0xcc: {  	_ =	sfence.sel $0xFFFF  }
0xcd: {  	[dreg:$0x0] =	wrdreg $0xFFFFFFFF;
	(pc) =	sbr.abs _section_cstart, $3  }
0xce: {  	[dreg:$0x1] =	wrdreg $0xFFFFFFFF  }
0xcf: {  	_ =	task.clear_ibuf [dreg:s22], $0x2FFFF;
	_ =	strace $0x9FFFFFFF  }
0xd0: {  	(tm) =	ssettm $0x7FFFFFFF  }
0xd1: {  	_ =	shalt  }
tec
execute0_lowered:
.L_overlay_start_1:
0x0: {  	(tag) =	ssettag $0x1  }
0x1: {  	s0 =	srdreg.scid  }
0x2: {  	s3 =	stileid.u32;
	s0 =	sand.u32 $0x1, s0  }
0x3: {  	s4 =	rddreg [dreg:$0x0];
	s1 =	sor.u32 s0, s3  }
0x4: {  	s2 =	simm.s32 $0x0;
	p1 =	seq.s32 s0, $0x1;
	p0 =	seq.s32 s1, $0x0  }
0x5: {  	[smem:$0x7FF] =	sst s2;
	p0 =	por !p0, !p1  }
0x6: {  	s18 =	sadd.s32 $0x5800, s4;
	s1 =	simm.s32 $0x1;
	p0 =	por !p0, !p0  }
0x7: {  	s5 =	sshll.u32 s0, $0xD;
	_ =	strace $0x8000004A;
	s1 =	simm.s32 @!p0 $0x0  }
0x8: {  	s7 =	ssub.s32 $0x2, s0;
	s0 =	sshll.u32 s0, $0x6;
	s1 =	ssub.s32 s3, s1  }
0x9: {  	s19 =	sshrl.u32 s7, $0x1;
	s3 =	sshll.u32 s1, $0xE;
	s1 =	sshll.u32 s1, $0x9  }
0xa: {  	s3 =	sor.u32 s5, s3;
	s20 =	sshrl.u32 s1, $0x3;
	s8 =	sadd.s32 $0x2000, s1  }
0xb: {  	s9 =	sadd.s32 $0x4000, s1;
	s0 =	sor.u32 s0, s1;
	s6 =	sshrl.u32 s3, $0x3  }
0xc: {  	s21 =	sshrl.u32 s8, $0x3;
	s22 =	sshrl.u32 s9, $0x3;
	s1 =	sshrl.u32 s0, $0x3  }
0xd: {  	s4 =	sadd.s32 s6, s4;
	s6 =	ssub.s32 s7, s19;
	s7 =	sadd.s32 s18, s20  }
0xe: {  	s24 =	sadd.s32 $0x2000, s0;
	s23 =	sadd.s32 s18, s22;
	[dreg:$0x2] =	wrdreg s7  }
0xf: {  	s0 =	sadd.s32 $0x4000, s0;
	s1 =	sadd.s32 s18, s1;
	[dreg:$0x4] =	wrdreg s23  }
0x10: {  	s25 =	sshrl.u32 s24, $0x3;
	s7 =	sadd.s32 s18, s21;
	[dreg:$0x5] =	wrdreg s1  }
0x11: {  	s0 =	sshrl.u32 s0, $0x3;
	s1 =	sadd.s32 s18, s25;
	[dreg:$0x3] =	wrdreg s7  }
0x12: {  	s0 =	sadd.s32 s18, s0;
	[dreg:$0x6] =	wrdreg s1  }
0x13: {  	s15 =	simm.s32 $0x200;
	s26 =	sadd.s32 $0x69400, s4;
	[dreg:$0x7] =	wrdreg s0  }
0x14: {  	s16 =	simm.s32 $0x400;
	s28 =	sadd.s32 $0x71400, s4;
	[dreg:$0x8] =	wrdreg s26  }
0x15: {  	s3 =	simm.s32 $0x1;
	s29 =	sadd.s32 $0x79400, s4;
	[dreg:$0x9] =	wrdreg s28  }
0x16: {  	s19 =	simm.s32 $0x700;
	s30 =	sadd.s32 $0x81400, s4;
	[dreg:$0xa] =	wrdreg s29  }
0x17: {  	s20 =	simm.s32 $0x780;
	s31 =	smax.u32 s6, $0x1;
	[dreg:$0xb] =	wrdreg s30  }
0x18: {  	v0 =	vimm.s32 $0x0;
	v1 =	vlaneseq.u32;
	s18 =	simm.s32 $0x680;
	[dreg:$0xc] =	wrdreg s31;
	s1 =	simm.s32 $0x0  }
.LBB2_1:
0x19: {  	[dreg:$0xd] =	wrdreg s1  }
0x1a: {  	s0 =	rddreg [dreg:$0x2]  }
0x1b: {  	[tilespmem:s2], [sflag:$0x1] =	stream.linear.gather [hbm4b:s0+s2], $0x200, $0x38;
	[tilespmem:$0x8800] =	vst v63  }
0x1c: {  	_ =	swait.ge [sflag:s3], $0x200  }
0x1d: {  	[sflag:s3] =	ssyncset.done $0x0  }
0x1e: {  	s25 =	rddreg [dreg:$0x3];
	[sflag:s3] =	ssyncadd.s32 $0xFFFFFE00  }
0x1f: {  	[tilespmem:s15], [sflag:$0x1] =	stream.linear.gather [hbm4b:s25+s2], $0x200, $0x38;
	[tilespmem:$0x8800] =	vst v63  }
0x20: {  	_ =	swait.ge [sflag:s3], $0x200  }
0x21: {  	[sflag:s3] =	ssyncset.done $0x0  }
0x22: {  	s26 =	rddreg [dreg:$0x4];
	[sflag:s3] =	ssyncadd.s32 $0xFFFFFE00  }
0x23: {  	[tilespmem:s16], [sflag:$0x1] =	stream.linear.gather [hbm4b:s26+s2], $0x200, $0x38;
	[tilespmem:$0x8800] =	vst v63  }
0x24: {  	_ =	swait.ge [sflag:s3], $0x200  }
0x25: {  	[sflag:s3] =	ssyncset.done $0x0  }
0x26: {  	s29 =	simm.s32 $0x600;
	s28 =	rddreg [dreg:$0x5];
	[sflag:s3] =	ssyncadd.s32 $0xFFFFFE00  }
0x27: {  	[tilespmem:s29], [sflag:$0x1] =	stream.linear.gather [hbm4b:s28+s2], $0x40, $0x38;
	[tilespmem:$0x8800] =	vst v63  }
0x28: {  	_ =	swait.ge [sflag:s3], $0x40  }
0x29: {  	[sflag:s3] =	ssyncset.done $0x0  }
0x2a: {  	s30 =	rddreg [dreg:$0x6];
	[sflag:s3] =	ssyncadd.s32 $0xFFFFFFC0  }
0x2b: {  	[tilespmem:s18], [sflag:$0x1] =	stream.linear.gather [hbm4b:s30+s2], $0x40, $0x38;
	[tilespmem:$0x8800] =	vst v63  }
0x2c: {  	_ =	swait.ge [sflag:s3], $0x40  }
0x2d: {  	[sflag:s3] =	ssyncset.done $0x0  }
0x2e: {  	s31 =	rddreg [dreg:$0x7];
	[sflag:s3] =	ssyncadd.s32 $0xFFFFFFC0  }
0x2f: {  	[tilespmem:s19], [sflag:$0x1] =	stream.linear.gather [hbm4b:s31+s2], $0x40, $0x38;
	[tilespmem:$0x8800] =	vst v63  }
0x30: {  	_ =	swait.ge [sflag:s3], $0x40  }
0x31: {  	[sflag:s3] =	ssyncset.done $0x0  }
0x32: {  	s26 =	simm.s32 $0x0;
	[sflag:s3] =	ssyncadd.s32 $0xFFFFFFC0  }
.LBB2_2:
0x33: {  	v2 =	vmov s26;
	_ =	sdelay $0x3  }
0x34: {  	s0 =	simm.s32 $0x600  }
0x35: {  	v4 =	vld.idx.msk [tilespmem:v2+s0+$0x0], $0xffff  }
0x36: {  	v3 =	vld.idx.msk [tilespmem:v2+s18+$0x0], $0xffff  }
0x37: {  	p0 =	por $0x1, $0x1;
	s28 =	simm.s32 $0x0;
	s21 =	simm.s32 $0x0;
	v2 =	vld.idx.msk [tilespmem:v2+s19+$0x0], $0xffff  }
.LBB2_3:
0x38: {  	v5 =	vld [tilespmem:s21+$0x0]  }
0x39: {  	v6 =	vld [tilespmem:s21+$0x200]  }
0x3a: {  	v7 =	vld [tilespmem:s21+$0x400]  }
0x3b: {  	v9 =	vld [tilespmem:s21+$0x210]  }
0x3c: {  	v10 =	vld [tilespmem:s21+$0x410]  }
0x3d: {  	v12 =	vld [tilespmem:s21+$0x220]  }
0x3e: {  	v13 =	vld [tilespmem:s21+$0x420]  }
0x3f: {  	v15 =	vld [tilespmem:s21+$0x430]  }
0x40: {  	v19 =	vld [tilespmem:s21+$0x440]  }
0x41: {  	v23 =	vld [tilespmem:s21+$0x250]  }
0x42: {  	v24 =	vld [tilespmem:s21+$0x450]  }
0x43: {  	v27 =	vld [tilespmem:s21+$0x260]  }
0x44: {  	v32 =	vld [tilespmem:s21+$0x270];
	v5 =	vsub.f32 v5, v4;
	v6 =	vsub.f32 v6, v3  }
0x45: {  	v36 =	vld [tilespmem:s21+$0x280];
	v7 =	vsub.f32 v7, v2;
	v9 =	vsub.f32 v9, v3  }
0x46: {  	s1 =	sor.u32 $0x10, s21;
	v50 =	vld [tilespmem:s21+$0x2B0];
	v10 =	vsub.f32 v10, v2;
	v12 =	vsub.f32 v12, v3  }
0x47: {  	s31 =	sor.u32 $0x20, s21;
	v8 =	vld [tilespmem:s1+$0x0];
	v18 =	vsub.f32 v13, v2;
	v22 =	vsub.f32 v15, v2  }
0x48: {  	v11 =	vld [tilespmem:s31+$0x0];
	v26 =	vsub.f32 v19, v2;
	v31 =	vsub.f32 v23, v3  }
0x49: {  	v15 =	vsub.f32 v24, v2;
	v35 =	vsub.f32 v27, v3  }
0x4a: {  	v60 =	vld [tilespmem:s21+$0x4D0];
	v39 =	vsub.f32 v32, v3;
	v13 =	vsub.f32 v36, v3  }
0x4b: {  	v51 =	vld [tilespmem:s21+$0x2C0];
	s8 =	sor.u32 $0xD0, s21;
	v57 =	vsub.f32 v50, v3;
	v5 =	vmul.f32 v5, v5;
	v6 =	vmul.f32 v6, v6  }
0x4c: {  	s30 =	sor.u32 $0x30, s21;
	v58 =	vld [tilespmem:s8+$0x0];
	v8 =	vsub.f32 v8, v4;
	v9 =	vmul.f32 v9, v9;
	v63 =	vmul.f32 v10, v10  }
0x4d: {  	v14 =	vld [tilespmem:s30+$0x0];
	v11 =	vsub.f32 v11, v4;
	v12 =	vmul.f32 v12, v12;
	v10 =	vmul.f32 v18, v18  }
0x4e: {  	v29 =	vmul.f32 v26, v26;
	v5 =	vadd.f32 v6, v5;
	v6 =	vmul.f32 v7, v7;
	v7 =	vld [tilespmem:s21+$0x230]  }
0x4f: {  	s29 =	sor.u32 $0x40, s21;
	v17 =	vld [tilespmem:s21+$0x240];
	v27 =	vsub.f32 v60, v2;
	v37 =	vmul.f32 v15, v15;
	v8 =	vmul.f32 v8, v8  }
0x50: {  	s5 =	sor.u32 $0x80, s21;
	v16 =	vld [tilespmem:s29+$0x0];
	v15 =	vsub.f32 v51, v3;
	v11 =	vmul.f32 v11, v11;
	v5 =	vadd.f32 v6, v5  }
0x51: {  	v19 =	vld [tilespmem:s5+$0x0];
	v44 =	vmul.f32 v13, v13;
	v26 =	vsub.f32 v58, v4;
	v6 =	vadd.f32 v9, v8  }
0x52: {  	v20 =	vadd.f32 v12, v11;
	vm0 =	vlt.f32 v5, $1.599999960e-01;
	v5 =	vsub.f32 v14, v4  }
0x53: {  	v40 =	vld [tilespmem:s21+$0x290];
	v15 =	vmul.f32 v15, v15;
	v6 =	vadd.f32 v63, v6;
	v7 =	vsub.f32 v7, v3  }
0x54: {  	s22 =	sor.u32 $0x50, s21;
	v11 =	vmul.f32 v31, v31;
	v9 =	vsub.f32 v17, v3;
	v5 =	vmul.f32 v5, v5  }
0x55: {  	s23 =	sor.u32 $0x70, s21;
	v21 =	vld [tilespmem:s22+$0x0];
	vm1 =	vlt.f32 v6, $1.599999960e-01;
	v6 =	vsub.f32 v16, v4;
	v7 =	vmul.f32 v7, v7  }
0x56: {  	s7 =	sor.u32 $0x90, s21;
	v30 =	vld [tilespmem:s23+$0x0];
	v19 =	vsub.f32 v19, v4;
	v8 =	vadd.f32 v10, v20;
	v9 =	vmul.f32 v9, v9  }
0x57: {  	s24 =	sor.u32 $0x60, s21;
	v20 =	vld [tilespmem:s7+$0x0];
	v6 =	vmul.f32 v6, v6;
	v5 =	vadd.f32 v7, v5;
	v7 =	vmul.f32 v22, v22  }
0x58: {  	v25 =	vld [tilespmem:s24+$0x0];
	v12 =	vsub.f32 v40, v3;
	v10 =	vmul.f32 v35, v35;
	v43 =	vmul.f32 v19, v19  }
0x59: {  	v62 =	vld [tilespmem:s21+$0x2E0];
	vm3 =	vlt.f32 v8, $1.599999960e-01;
	v6 =	vadd.f32 v9, v6;
	v5 =	vadd.f32 v7, v5  }
0x5a: {  	s0 =	sor.u32 $0xA0, s21;
	v12 =	vmul.f32 v12, v12;
	v28 =	vsel vm0, $0x1, v0;
	v33 =	vsel vm3, $0x1, v0;
	v7 =	vld [tilespmem:s21+$0x460]  }
0x5b: {  	(xrf0) =	vadd.scan.msk.s32 $0xffff, v28;
	v22 =	vld [tilespmem:s0+$0x0];
	v6 =	vadd.f32 v29, v6;
	vm2 =	vlt.f32 v5, $1.599999960e-01;
	v5 =	vsub.f32 v21, v4  }
0x5c: {  	v17 =	vsel vm1, $0x1, v0;
	v46 =	vsub.f32 v20, v4;
	v9 =	vsub.f32 v30, v4  }
0x5d: {  	vm4 =	vlt.f32 v6, $1.599999960e-01;
	v6 =	vsub.f32 v25, v4;
	v5 =	vmul.f32 v5, v5  }
0x5e: {  	v34 =	vld [tilespmem:s21+$0x470];
	v49 =	vmul.f32 v46, v46;
	v30 =	vsub.f32 v62, v3;
	v9 =	vmul.f32 v9, v9  }
0x5f: {  	v53 =	vld [tilespmem:s21+$0x4B0];
	v7 =	vsub.f32 v7, v2;
	v6 =	vmul.f32 v6, v6;
	v5 =	vadd.f32 v11, v5  }
0x60: {  	v38 =	vld [tilespmem:s21+$0x480];
	v12 =	vadd.f32 v12, v49;
	v50 =	vmul.f32 v30, v30;
	v22 =	vsub.f32 v22, v4  }
0x61: {  	v41 =	vld [tilespmem:s21+$0x490];
	s4 =	sor.u32 $0xB0, s21;
	v31, _, _ =	vpop (xrf0);
	v6 =	vadd.f32 v10, v6;
	v7 =	vmul.f32 v7, v7;
	v5 =	vadd.f32 v37, v5  }
0x62: {  	v48 =	vld [tilespmem:s4+$0x0];
	(v2sf) =	vpush v31, $0xF;
	v18 =	vsel vm2, $0x1, v0;
	v21 =	vsel vm4, $0x1, v0  }
0x63: {  	s9 =	sor.u32 $0xE0, s21;
	v52 =	vmul.f32 v22, v22;
	vm5 =	vlt.f32 v5, $1.599999960e-01;
	v5 =	vadd.f32 v7, v6;
	v7 =	vld [tilespmem:s21+$0x2A0]  }
0x64: {  	(xrf0) =	vadd.scan.msk.s32 $0xffff, v17;
	v25 =	vld [tilespmem:s9+$0x0];
	v22 =	vsub.f32 v53, v2;
	v11 =	vmul.f32 v39, v39;
	v6 =	vsub.f32 v34, v2  }
0x65: {  	v47 =	vld [tilespmem:s21+$0x4A0];
	v53 =	vmul.f32 v27, v27;
	vm6 =	vlt.f32 v5, $1.599999960e-01;
	v5 =	vsub.f32 v38, v2  }
0x66: {  	s6 =	sor.u32 $0xC0, s21;
	v10 =	vsub.f32 v41, v2;
	v42 =	vadd.f32 v11, v9;
	v6 =	vmul.f32 v6, v6  }
0x67: {  	v23 =	vld [tilespmem:s6+$0x0];
	v9 =	vadd.f32 v44, v43;
	v11 =	vsub.f32 v48, v4;
	v5 =	vmul.f32 v5, v5  }
0x68: {  	v55 =	vld [tilespmem:s21+$0x4C0];
	v61 =	vmul.f32 v22, v22;
	v6 =	vadd.f32 v6, v42;
	v7 =	vsub.f32 v7, v3  }
0x69: {  	v29 =	vsub.f32 v25, v4;
	v10 =	vmul.f32 v10, v10;
	v5 =	vadd.f32 v5, v9  }
0x6a: {  	v48, _, _ =	vpop (xrf0);
	vm7 =	vlt.f32 v6, $1.599999960e-01;
	v6 =	vsub.f32 v47, v2;
	v7 =	vmul.f32 v7, v7  }
0x6b: {  	v59 =	vld [tilespmem:s21+$0x2D0];
	(v2sf) =	vpush v48, $0xF;
	v11 =	vmul.f32 v11, v11;
	vm8 =	vlt.f32 v5, $1.599999960e-01  }
0x6c: {  	(xrf0) =	vadd.scan.msk.s32 $0xffff, v33;
	v5 =	vsub.f32 v23, v4;
	v6 =	vmul.f32 v6, v6;
	v7 =	vadd.f32 v7, v52  }
0x6d: {  	(xrf0) =	vadd.scan.msk.s32 $0xffff, v18;
	v49 =	vmul.f32 v29, v29;
	v54 =	vadd.f32 v10, v12;
	v10 =	vsub.f32 v55, v2  }
0x6e: {  	v45 =	vsel vm5, $0x1, v0;
	v5 =	vmul.f32 v5, v5;
	v6 =	vadd.f32 v6, v7  }
0x6f: {  	v22 =	vld [tilespmem:s21+$0x4E0];
	v12 =	vmul.f32 v57, v57;
	v10 =	vmul.f32 v10, v10;
	vm9 =	vlt.f32 v54, $1.599999960e-01  }
0x70: {  	s10 =	sor.u32 $0xF0, s21;
	v54 =	vld [tilespmem:s21+$0x2F0];
	v5 =	vadd.f32 v15, v5;
	vm10 =	vlt.f32 v6, $1.599999960e-01;
	v6 =	vsub.f32 v59, v3  }
0x71: {  	v51 =	vld [tilespmem:s10+$0x0];
	v8 =	vadd.f32 v50, v49;
	v24 =	vsel vm6, $0x1, v0;
	v11 =	vadd.f32 v12, v11  }
0x72: {  	(xrf0) =	vadd.scan.msk.s32 $0xffff, v21;
	v52, _, _ =	vpop (xrf0);
	v5 =	vadd.f32 v10, v5;
	v10 =	vmul.f32 v26, v26;
	v6 =	vmul.f32 v6, v6  }
0x73: {  	v57 =	vld [tilespmem:s21+$0x4F0];
	(xrf0) =	vadd.scan.msk.s32 $0xffff, v45;
	v9 =	vsel vm9, $0x1, v0;
	v55, _, _ =	vpop (xrf0);
	(v2sf) =	vpush v52, $0xF;
	v7 =	vadd.f32 v61, v11  }
0x74: {  	(xrf0) =	vadd.scan.msk.s32 $0xffff, v24;
	v56 =	vsel vm7, $0x1, v0;
	(v2sf) =	vpush v55, $0xF;
	v6 =	vadd.f32 v6, v10  }
0x75: {  	(xrf0) =	vadd.scan.msk.s32 $0xffff, v56;
	v63 =	vsel vm8, $0x1, v0;
	v11 =	vsub.f32 v54, v3;
	v15 =	vsub.f32 v22, v2  }
0x76: {  	(xrf0) =	vadd.scan.msk.s32 $0xffff, v63;
	vm12 =	vlt.f32 v5, $1.599999960e-01;
	v5 =	vsub.f32 v51, v4;
	v6 =	vadd.f32 v53, v6  }
0x77: {  	(xrf0) =	vadd.scan.msk.s32 $0xffff, v9;
	vm11 =	vlt.f32 v7, $1.599999960e-01;
	v32 =	vmul.f32 v11, v11;
	v28 =	vsel vm10, $0x1, v0  }
0x78: {  	v58, _, _ =	vpop (xrf0);
	v5 =	vmul.f32 v5, v5;
	vm13 =	vlt.f32 v6, $1.599999960e-01;
	v6 =	vsub.f32 v57, v2  }
0x79: {  	(v2sf) =	vpush v58, $0xF;
	v56 =	vmul.f32 v15, v15;
	v59 =	vsel vm11, $0x1, v0;
	v7, _, _ =	vpop (xrf0);
	(xrf0) =	vadd.scan.msk.s32 $0xffff, v28  }
0x7a: {  	v60, _, _ =	vpop (xrf0);
	(v2sf) =	vpush v7, $0xF;
	(xrf0) =	vadd.scan.msk.s32 $0xffff, v59;
	v5 =	vadd.f32 v32, v5;
	v6 =	vmul.f32 v6, v6  }
0x7b: {  	v8 =	vadd.f32 v56, v8;
	v61, _, _ =	vpop (xrf0);
	v62 =	vsel vm12, $0x1, v0;
	(v2sf) =	vpush v60, $0xF  }
0x7c: {  	v63, _, _ =	vpop (xrf0);
	(v2sf) =	vpush v61, $0xF;
	(xrf0) =	vadd.scan.msk.s32 $0xffff, v62;
	v5 =	vadd.f32 v6, v5  }
0x7d: {  	vm14 =	vlt.f32 v8, $1.599999960e-01;
	(v2sf) =	vpush v63, $0xF;
	v33, _, _ =	vpop (xrf0);
	v34 =	vsel vm13, $0x1, v0  }
0x7e: {  	v36 =	vsel vm14, $0x1, v0;
	(v2sf) =	vpush v33, $0xF;
	(xrf0) =	vadd.scan.msk.s32 $0xffff, v34;
	vm15 =	vlt.f32 v5, $1.599999960e-01  }
0x7f: {  	v35, _, _ =	vpop (xrf0);
	(xrf0) =	vadd.scan.msk.s32 $0xffff, v36;
	v5 =	vsel vm15, $0x1, v0  }
0x80: {  	v6, _, _ =	vpop (xrf0);
	(xrf0) =	vadd.scan.msk.s32 $0xffff, v5  }
0x81: {  	(v2sf) =	vpush v35, $0xF  }
0x82: {  	s11 =	spop (v2sf);
	v37, _, _ =	vpop (xrf0);
	(v2sf) =	vpush v6, $0xF  }
0x83: {  	s11 =	sadd.s32 s28, s11;
	(v2sf) =	vpush v37, $0xF  }
0x84: {  	v40 =	vsel vm1, $0xFFFFFFFF, v0;
	p1 =	slt.s32 s11, $0x40;
	s12 =	spop (v2sf);
	v5, _, _ =	vpop (xrf0)  }
0x85: {  	v46 =	vor.u32 s31, v1;
	v39 =	vsel vm0, $0xFFFFFFFF, v0;
	s12 =	sadd.s32 s11, s12;
	s11 =	simm.s32 @!p1 $0x40;
	s13 =	spop (v2sf);
	v38, _, _ =	vpop (xrf0);
	(v2sf) =	vpush v5, $0xF  }
0x86: {  	v41 =	vor.u32 s21, v1;
	v43 =	vsel vm3, $0xFFFFFFFF, v0;
	p1 =	slt.s32 s12, $0x40;
	s14 =	spop (v2sf);
	s13 =	sadd.s32 s12, s13;
	(v2sf) =	vpush v38, $0xF;
	v42, _, _ =	vpop (xrf0)  }
0x87: {  	v44 =	vor.u32 s1, v1;
	v18 =	vadd.s32 v40, v48;
	s12 =	simm.s32 @!p1 $0x40;
	s1 =	sadd.s32 s13, s14;
	p1 =	slt.s32 s13, $0x40;
	(v2sf) =	vpush v42, $0xF  }
0x88: {  	v48 =	vor.u32 s30, v1;
	v45 =	vsel vm2, $0xFFFFFFFF, v0;
	v50 =	vor.u32 s29, v1;
	s25 =	spop (v2sf);
	s13 =	simm.s32 @!p1 $0x40;
	p1 =	slt.s32 s1, $0x40  }
0x89: {  	v49 =	vsel vm6, $0xFFFFFFFF, v0;
	v47 =	vsel vm4, $0xFFFFFFFF, v0;
	v15 =	vadd.s32 s28, v39;
	s14 =	sadd.s32 s1, s25;
	s1 =	simm.s32 @!p1 $0x40;
	s3 =	spop (v2sf)  }
0x8a: {  	v27 =	vsel vm7, $0xFFFFFFFF, v0;
	v29 =	vsel vm8, $0xFFFFFFFF, v0;
	v15 =	vadd.s32 v31, v15;
	p1 =	slt.s32 s14, $0x40;
	s17 =	spop (v2sf);
	s3 =	sadd.s32 s14, s3  }
0x8b: {  	v19 =	vadd.s32 v43, v52;
	v20 =	vadd.s32 v47, v58;
	v18 =	vadd.s32 s11, v18;
	s14 =	simm.s32 @!p1 $0x40;
	s21 =	spop (v2sf);
	p1 =	slt.s32 s3, $0x40  }
0x8c: {  	v17 =	vadd.s32 v45, v55;
	v19 =	vadd.s32 s12, v19;
	v20 =	vadd.s32 s1, v20;
	s1 =	sadd.s32 s3, s17;
	s11 =	spop (v2sf);
	s3 =	simm.s32 @!p1 $0x40  }
0x8d: {  	v52 =	vsel vm9, $0xFFFFFFFF, v0;
	v26 =	vsel vm5, $0xFFFFFFFF, v0;
	v17 =	vadd.s32 s13, v17;
	s17 =	sadd.s32 s1, s21;
	p1 =	slt.s32 s1, $0x40;
	s12 =	spop (v2sf)  }
0x8e: {  	v54 =	vor.u32 s5, v1;
	v7 =	vadd.s32 v26, v7;
	v12 =	vadd.s32 v27, v61;
	s11 =	sadd.s32 s17, s11;
	s1 =	simm.s32 @!p1 $0x40;
	p1 =	slt.s32 s17, $0x40  }
0x8f: {  	v10 =	vadd.s32 v49, v60;
	[tilespmem:v15+s20+$0x0] =	vst.idx.msk vm0, v41;
	v7 =	vadd.s32 s14, v7;
	v12 =	vadd.s32 s1, v12;
	s1 =	sadd.s32 s11, s12;
	s17 =	simm.s32 @!p1 $0x40;
	p1 =	slt.s32 s11, $0x40  }
0x90: {  	v55 =	vsel vm10, $0xFFFFFFFF, v0;
	v28 =	vor.u32 s24, v1;
	[tilespmem:v18+s20+$0x0] =	vst.idx.msk vm1, v44;
	v10 =	vadd.s32 s3, v10;
	s13 =	spop (v2sf);
	s11 =	simm.s32 @!p1 $0x40;
	p1 =	slt.s32 s1, $0x40  }
0x91: {  	v51 =	vor.u32 s22, v1;
	v14 =	vadd.s32 v29, v63;
	v11 =	vadd.s32 v52, v33;
	[tilespmem:v19+s20+$0x0] =	vst.idx.msk vm3, v46;
	s13 =	sadd.s32 s1, s13;
	s1 =	simm.s32 @!p1 $0x40;
	s31 =	spop (v2sf)  }
0x92: {  	v56 =	vor.u32 s7, v1;
	[tilespmem:v17+s20+$0x0] =	vst.idx.msk vm2, v48;
	v14 =	vadd.s32 s17, v14;
	v11 =	vadd.s32 s11, v11;
	p1 =	slt.s32 s13, $0x40;
	s25 =	spop (v2sf);
	s11 =	sadd.s32 s13, s31  }
0x93: {  	v58 =	vsel vm12, $0xFFFFFFFF, v0;
	v57 =	vsel vm11, $0xFFFFFFFF, v0;
	v8 =	vadd.s32 v55, v35;
	[tilespmem:v20+s20+$0x0] =	vst.idx.msk vm4, v50;
	s13 =	simm.s32 @!p1 $0x40;
	s3 =	sadd.s32 s11, s25;
	p1 =	slt.s32 s11, $0x40  }
0x94: {  	v53 =	vor.u32 s23, v1;
	v6 =	vadd.s32 v57, v6;
	[tilespmem:v7+s20+$0x0] =	vst.idx.msk vm5, v51;
	v8 =	vadd.s32 s1, v8;
	s11 =	simm.s32 @!p1 $0x40;
	p1 =	slt.s32 s3, $0x40;
	s29 =	spop (v2sf)  }
0x95: {  	v9 =	vadd.s32 v58, v37;
	v7 =	vsel vm13, $0xFFFFFFFF, v0;
	[tilespmem:v10+s20+$0x0] =	vst.idx.msk vm6, v28;
	v6 =	vadd.s32 s13, v6;
	s30 =	spop (v2sf);
	s1 =	sadd.s32 s3, s29;
	s3 =	simm.s32 @!p1 $0x40  }
0x96: {  	v59 =	vsel vm14, $0xFFFFFFFF, v0;
	v5 =	vadd.s32 v7, v5;
	[tilespmem:v12+s20+$0x0] =	vst.idx.msk vm7, v53;
	v9 =	vadd.s32 s11, v9;
	s5 =	sadd.s32 s1, s30;
	p1 =	slt.s32 s1, $0x40;
	s31 =	spop (v2sf)  }
0x97: {  	v7 =	vsel vm15, $0xFFFFFFFF, v0;
	v10 =	vadd.s32 v59, v38;
	[tilespmem:v14+s20+$0x0] =	vst.idx.msk vm8, v54;
	v5 =	vadd.s32 s3, v5;
	s1 =	simm.s32 @!p1 $0x40;
	p1 =	slt.s32 s5, $0x40;
	s28 =	sadd.s32 s5, s31  }
0x98: {  	v60 =	vor.u32 s0, v1;
	v7 =	vadd.s32 v7, v42;
	[tilespmem:v11+s20+$0x0] =	vst.idx.msk vm9, v56;
	v10 =	vadd.s32 s1, v10;
	s5 =	simm.s32 @!p1 $0x40;
	p1 =	slt.s32 @p0 s28, $0x40  }
0x99: {  	v61 =	vor.u32 s4, v1;
	[tilespmem:v8+s20+$0x0] =	vst.idx.msk vm10, v60;
	v7 =	vadd.s32 s5, v7;
	p1 =	por !p0, !p1  }
.Ltmp0:
0x9a: {  	v62 =	vor.u32 s6, v1;
	[tilespmem:v6+s20+$0x0] =	vst.idx.msk vm11, v61;
	(pc) =	sbr.rel @!p1 .LBB2_3-.Ltmp0, $4  }
0x9b: {  	v6 =	vor.u32 s8, v1;
	[tilespmem:v9+s20+$0x0] =	vst.idx.msk vm12, v62  }
0x9c: {  	v63 =	vor.u32 s9, v1;
	[tilespmem:v5+s20+$0x0] =	vst.idx.msk vm13, v6  }
0x9d: {  	v5 =	vor.u32 s10, v1;
	[tilespmem:v10+s20+$0x0] =	vst.idx.msk vm14, v63  }
0x9e: {  	s21 =	simm.s32 $0x100;
	p0 =	por $0x0, $0x0;
	[tilespmem:v7+s20+$0x0] =	vst.idx.msk vm15, v5  }
0x9f: {  	p0 =	slt.s32 s28, $0x40  }
0xa0: {  	s28 =	simm.s32 @!p0 $0x40  }
0xa1: {  	v5 =	vmov s28  }
0xa2: {  	vm0 =	vgt.s32 v5, v1  }
0xa3: {  	v6 =	vnsel vm0, $0x0, v1;
	_ =	sdelay $0x4  }
0xa4: {  	v6 =	vld.idx.msk [tilespmem:v6+s20+$0x0], $0xffff;
	_ =	sdelay $0x7  }
0xa5: {  	v7 =	vld.idx.msk [tilespmem:v6+s2+$0x0], $0xffff;
	_ =	sdelay $0x4  }
0xa6: {  	v7 =	vsub.f32 v7, v4  }
0xa7: {  	s0 =	sshll.u32 s26, $0x7  }
0xa8: {  	[tilespmem:s0+$0x800] =	vst v7  }
0xa9: {  	v7 =	vld.idx.msk [tilespmem:v6+s15+$0x0], $0xffff;
	_ =	sdelay $0x4  }
0xaa: {  	v7 =	vsub.f32 v7, v3;
	_ =	sdelay $0x1  }
0xab: {  	[tilespmem:s0+$0x2800] =	vst v7  }
0xac: {  	v7 =	vld.idx.msk [tilespmem:v6+s16+$0x0], $0xffff  }
0xad: {  	v8 =	vor.u32 $0x10, v1  }
0xae: {  	vm13 =	vgt.s32 v5, v8  }
0xaf: {  	v8 =	vnsel vm13, $0x0, v8;
	_ =	sdelay $0x1  }
0xb0: {  	v7 =	vsub.f32 v7, v2  }
0xb1: {  	[tilespmem:s0+$0x6800] =	vst v6  }
0xb2: {  	[tilespmem:s0+$0x4800] =	vst v7  }
0xb3: {  	v6 =	vld.idx.msk [tilespmem:v8+s20+$0x0], $0xffff;
	_ =	sdelay $0x7  }
0xb4: {  	v7 =	vld.idx.msk [tilespmem:v6+s2+$0x0], $0xffff;
	_ =	sdelay $0x4  }
0xb5: {  	v7 =	vsub.f32 v7, v4;
	_ =	sdelay $0x1  }
0xb6: {  	[tilespmem:s0+$0x810] =	vst v7  }
0xb7: {  	v7 =	vld.idx.msk [tilespmem:v6+s15+$0x0], $0xffff;
	_ =	sdelay $0x4  }
0xb8: {  	v7 =	vsub.f32 v7, v3;
	_ =	sdelay $0x1  }
0xb9: {  	[tilespmem:s0+$0x2810] =	vst v7  }
0xba: {  	v7 =	vld.idx.msk [tilespmem:v6+s16+$0x0], $0xffff  }
0xbb: {  	v61 =	vor.u32 $0x20, v1  }
0xbc: {  	vm14 =	vgt.s32 v5, v61  }
0xbd: {  	v8 =	vnsel vm14, $0x0, v61;
	_ =	sdelay $0x1  }
0xbe: {  	v7 =	vsub.f32 v7, v2  }
0xbf: {  	[tilespmem:s0+$0x6810] =	vst v6  }
0xc0: {  	[tilespmem:s0+$0x4810] =	vst v7  }
0xc1: {  	v6 =	vld.idx.msk [tilespmem:v8+s20+$0x0], $0xffff;
	_ =	sdelay $0x7  }
0xc2: {  	v7 =	vld.idx.msk [tilespmem:v6+s2+$0x0], $0xffff;
	_ =	sdelay $0x4  }
0xc3: {  	v7 =	vsub.f32 v7, v4;
	_ =	sdelay $0x1  }
0xc4: {  	[tilespmem:s0+$0x820] =	vst v7  }
0xc5: {  	v7 =	vld.idx.msk [tilespmem:v6+s15+$0x0], $0xffff;
	_ =	sdelay $0x4  }
0xc6: {  	v7 =	vsub.f32 v7, v3;
	_ =	sdelay $0x1  }
0xc7: {  	[tilespmem:s0+$0x2820] =	vst v7  }
0xc8: {  	v7 =	vld.idx.msk [tilespmem:v6+s16+$0x0], $0xffff  }
0xc9: {  	v62 =	vor.u32 $0x30, v1  }
0xca: {  	vm15 =	vgt.s32 v5, v62  }
0xcb: {  	v5 =	vnsel vm15, $0x0, v62;
	_ =	sdelay $0x1  }
0xcc: {  	v7 =	vsub.f32 v7, v2  }
0xcd: {  	[tilespmem:s0+$0x6820] =	vst v6  }
0xce: {  	[tilespmem:s0+$0x4820] =	vst v7  }
0xcf: {  	v5 =	vld.idx.msk [tilespmem:v5+s20+$0x0], $0xffff;
	_ =	sdelay $0x7  }
0xd0: {  	v6 =	vld.idx.msk [tilespmem:v5+s2+$0x0], $0xffff;
	_ =	sdelay $0x4  }
0xd1: {  	v63 =	vsub.f32 v6, v4;
	_ =	sdelay $0x1  }
0xd2: {  	[tilespmem:s0+$0x830] =	vst v63  }
0xd3: {  	v4 =	vld.idx.msk [tilespmem:v5+s15+$0x0], $0xffff;
	_ =	sdelay $0x4  }
0xd4: {  	v3 =	vsub.f32 v4, v3;
	_ =	sdelay $0x1  }
0xd5: {  	[tilespmem:s0+$0x2830] =	vst v3  }
0xd6: {  	v3 =	vld.idx.msk [tilespmem:v5+s16+$0x0], $0xffff  }
0xd7: {  	s26 =	sadd.s32 $0x1, s26  }
0xd8: {  	p0 =	sne.s32 s26, $0x40  }
.Ltmp1:
0xd9: {  	_ = 	snop;
	(pc) =	sbr.rel @p0 .LBB2_2-.Ltmp1, $4  }
0xda: {  	_ = 	snop  }
0xdb: {  	v2 =	vsub.f32 v3, v2  }
0xdc: {  	[tilespmem:s0+$0x6830] =	vst v5  }
0xdd: {  	[tilespmem:s0+$0x4830] =	vst v2  }
0xde: {  	s0 =	rddreg [dreg:$0x8];
	s1 =	simm.s32 $0x800;
	s3 =	simm.s32 $0x1  }
0xdf: {  	[hbm4b:s0+s2] =	stream.linear.scatter [tilespmem:s1], [sflag:$0x1], $0x2000, $0x38;
	[tilespmem:$0x8800] =	vst v63  }
0xe0: {  	_ =	swait.ge [sflag:s3], $0x2000  }
0xe1: {  	[sflag:s3] =	ssyncset.done $0x0  }
0xe2: {  	s24 =	simm.s32 $0x2800;
	s23 =	rddreg [dreg:$0x9];
	[sflag:s3] =	ssyncadd.s32 $0xFFFFE000  }
0xe3: {  	[hbm4b:s23+s2] =	stream.linear.scatter [tilespmem:s24], [sflag:$0x1], $0x2000, $0x38;
	[tilespmem:$0x8800] =	vst v63  }
0xe4: {  	_ =	swait.ge [sflag:s3], $0x2000  }
0xe5: {  	[sflag:s3] =	ssyncset.done $0x0  }
0xe6: {  	s26 =	simm.s32 $0x4800;
	s25 =	rddreg [dreg:$0xa];
	[sflag:s3] =	ssyncadd.s32 $0xFFFFE000  }
0xe7: {  	[hbm4b:s25+s2] =	stream.linear.scatter [tilespmem:s26], [sflag:$0x1], $0x2000, $0x38;
	[tilespmem:$0x8800] =	vst v63  }
0xe8: {  	_ =	swait.ge [sflag:s3], $0x2000  }
0xe9: {  	[sflag:s3] =	ssyncset.done $0x0  }
0xea: {  	s29 =	simm.s32 $0x6800;
	s28 =	rddreg [dreg:$0xb];
	[sflag:s3] =	ssyncadd.s32 $0xFFFFE000  }
0xeb: {  	[hbm4b:s28+s2] =	stream.linear.scatter [tilespmem:s29], [sflag:$0x1], $0x2000, $0x38;
	[tilespmem:$0x8800] =	vst v63  }
0xec: {  	_ =	swait.ge [sflag:s3], $0x2000  }
0xed: {  	s30 =	rddreg [dreg:$0xd]  }
0xee: {  	s31 =	rddreg [dreg:$0xc];
	s1 =	sadd.s32 $0x1, s30  }
0xef: {  	p0 =	sne.s32 s1, s31  }
.Ltmp2:
0xf0: {  	_ = 	snop;
	(pc) =	sbr.rel @p0 .LBB2_1-.Ltmp2, $3  }
0xf1: {  	_ =	sdelay $0x1  }
0xf2: {  	[sflag:s3] =	ssyncset.done $0x0  }
0xf3: {  	[sflag:s3] =	ssyncadd.s32 $0xFFFFE000  }
0xf4: {  	_ =	sfence.sel $0x180000  }
0xf5: {  	[bflag:$0x0] =	sbarrier.arrive $0xFFFF  }
0xf6: {  	_ =	strace $0x9000004A  }
0xf7: {  	s0 =	stileid.u32;
	[bflag:$0x2] =	sbarrier.arrive $0xFFFF  }
0xf8: {  	p0 =	sne.s32 s0, $0x0;
	s0 =	rddreg [dreg:$0x1]  }
0xf9: {  	s0 =	sadd.s32 @!p0 $0x100000, s0  }
0xfa: {  	[sflag:s0] =	ssyncadd.tile.s32 @!p0 $0x1;
	_ =	shalt  }
.Lfunc_end2:
_tile_overlayer_lowered:
.L_overlay_start_2:
0xfb: {  	(tag) =	ssettag $0x2  }
0xfc: {  	s0 =	rddreg [dreg:$0x0];
	s2 =	stileid.u32  }
0xfd: {  	s1 =	rddreg [dreg:$0x1];
	p0 =	sne.s32 s2, $0x0  }
0xfe: {  	s3 =	rddreg [dreg:$0x2];
	[bflag:$0x3] =	sbarrier.arrive $0xFFFF;
	s2 =	simm.s32 @!p0 $0x1C01  }
0xff: {  	[timem:s3], [sflag:s2] =	dma.local @!p0 [hbm:s0], s1  }
0x100: {  	s0 =	simm.s32 @!p0 $0x1  }
0x101: {  	_ =	swait.ge @!p0 [sflag:s0], s1  }
0x102: {  	s1 =	ssub.s32 @!p0 $0x0, s1;
	[sflag:s0] =	ssyncset.done @!p0 $0x0  }
0x103: {  	[sflag:s0] =	ssyncadd.s32 @!p0 s1  }
0x104: {  	[bflag:$0x3] =	sbarrier.arrive $0xFFFF  }
0x105: {  	_ =	shalt  }

// kernel: kernel.7.cloned.1.call-start
scs
__scs_entry_jumppad:
0x0: {  	(pc) =	sbr.rel $0x88, $3  }
0x1: {  	(tag) =	ssettag $0x0;
	lr =	simm.s32 $0x1  }
0x2: {  	[smem:$0x3F85] =	sst lr;
	_ =	strace $0xD0000000  }
0x3: {  	_ = 	snop  }
0x4: {  	_ = 	snop  }
0x5: {  	_ = 	snop  }
0x6: {  	_ = 	snop  }
0x7: {  	_ = 	snop  }
__scs_overlays_trampoline_lowered:
0x8: {  	[smem:$0x3F94] =	sst s0  }
0x9: {  	[smem:$0x3F95] =	sst s1  }
0xa: {  	[smem:$0x3F96] =	sst s2  }
0xb: {  	[smem:$0x3F97] =	sst s3  }
0xc: {  	[smem:$0x3F98] =	sst s4  }
0xd: {  	[smem:$0x3F99] =	sst s5  }
0xe: {  	[smem:$0x3F9A] =	sst s6  }
0xf: {  	[smem:$0x3F9B] =	sst s7  }
0x10: {  	[smem:$0x3F9C] =	sst s8  }
0x11: {  	[smem:$0x3F9D] =	sst s9;
	s0 =	simm.s32 @!p0 $0x0  }
0x12: {  	s1 =	sld [smem:$0x3F83];
	s0 =	simm.s32 @p0 $0x1  }
0x13: {  	[smem:$0x3F9E] =	sst s0;
	s0 =	simm.s32 @!p1 $0x0  }
0x14: {  	s2 =	sld [smem:$0x3F82];
	s0 =	simm.s32 @p1 $0x1  }
0x15: {  	[smem:$0x3F9F] =	sst s0;
	s0 =	simm.s32 @!p2 $0x0  }
0x16: {  	s3 =	sld [smem:$0x3FDB];
	s0 =	simm.s32 @p2 $0x1  }
0x17: {  	s4 =	simm.s32 $0x1BF5;
	[smem:$0x3FA1] =	sst s0  }
0x18: {  	s0 =	sld [smem:$0x3F84];
	_ =	swait.ge [sflag:s4], $0x0  }
0x19: {  	s7 =	sld [smem:$0x3F85]  }
0x1a: {  	s8 =	sadd.s32 $0xFFFFE003, lr  }
0x1b: {  	s9 =	sadd.s32 $0xFFFFFEF7, lr;
	s5 =	simm.s32 $0xFFFFFFFF;
	p2 =	slt.u32 s8, $0xFFFFF086  }
0x1c: {  	p1 =	slt.u32 s9, $0xF7A;
	s5 =	simm.s32 @!p2 $0x0  }
0x1d: {  	s5 =	simm.s32 @p1 $0x1;
	p0 =	seq.s32 s7, s2  }
0x1e: {  	s7 =	smul.u32 @!p0 $0xF7A, s2;
	p2 =	seq.s32 @!p0 s5, $0x0  }
0x1f: {  	s9 =	smul.u32 $0xF7A, s1;
	s8 =	simm.s32 @!p0 $0x1BF5;
	p2 =	por !p2, p0  }
0x20: {  	[sflag:s8] =	ssyncset.s32 @!p0 $0xFFFFF086;
	s6 =	sadd.s32 @!p0 s3, s7;
	s7 =	simm.s32 @!p0 $0x108  }
0x21: {  	s3 =	sadd.s32 s3, s9;
	s6 =	sadd.s32 @!p0 $0x88, s6;
	s7 =	simm.s32 @p2 $0x1082  }
0x22: {  	[simem:s7], [sflag:s8] =	dma.local @!p0 [hbm:s6], $0xF7A  }
0x23: {  	s9 =	sor.u32 $0xD0000000, s2;
	s6 =	simm.s32 $0x108;
	_ =	swait.ge @!p0 [sflag:s8], $0x0  }
0x24: {  	s3 =	sadd.s32 $0x88, s3;
	s6 =	simm.s32 @!p1 $0x1082;
	[sflag:s4] =	ssyncset.s32 $0xFFFFF086  }
0x25: {  	[simem:s6], [sflag:s4] =	dma.local [hbm:s3], $0xF7A  }
0x26: {  	[smem:$0x3F85] =	sst s1;
	(tag) =	ssettag s2;
	_ =	strace s9  }
0x27: {  	s1 =	sld [smem:$0x3F95]  }
0x28: {  	s2 =	sld [smem:$0x3F96]  }
0x29: {  	s4 =	sld [smem:$0x3F98]  }
0x2a: {  	p0 =	seq.s32 s5, $0x0;
	s5 =	sld [smem:$0x3F99]  }
0x2b: {  	s6 =	sld [smem:$0x3F9A]  }
0x2c: {  	s7 =	sld [smem:$0x3F9B]  }
0x2d: {  	s3 =	simm.s32 $0x108;
	s8 =	sld [smem:$0x3F9C]  }
0x2e: {  	s3 =	simm.s32 @!p0 $0x1082;
	s9 =	sld [smem:$0x3F9D]  }
0x2f: {  	lr =	sadd.s32 s0, s3;
	s0 =	sld [smem:$0x3F94]  }
0x30: {  	s3 =	sld [smem:$0x3F97]  }
0x31: {  	[smem:$0x3FA0] =	sst s10  }
0x32: {  	s10 =	sld [smem:$0x3F9E];
	_ =	sdelay $0x3  }
0x33: {  	p0 =	seq.s32 s10, $0x1;
	s10 =	sld [smem:$0x3FA0];
	_ =	sdelay $0x3  }
0x34: {  	[smem:$0x3FA0] =	sst s10  }
0x35: {  	s10 =	sld [smem:$0x3F9F];
	_ =	sdelay $0x3  }
0x36: {  	p1 =	seq.s32 s10, $0x1;
	s10 =	sld [smem:$0x3FA0];
	_ =	sdelay $0x3  }
0x37: {  	[smem:$0x3FA0] =	sst s10  }
0x38: {  	s10 =	sld [smem:$0x3FA1]  }
0x39: {  	_ = 	snop;
	(pc) =	sbr.ind lr, $3  }
0x3a: {  	_ = 	snop  }
0x3b: {  	_ = 	snop  }
0x3c: {  	p2 =	seq.s32 s10, $0x1;
	s10 =	sld [smem:$0x3FA0]  }
0x3d: {  	_ =	shalt  }
0x3e: {  	_ =	shalt  }
0x3f: {  	_ =	shalt  }
0x40: {  	_ =	shalt  }
0x41: {  	_ =	shalt  }
0x42: {  	_ =	shalt  }
0x43: {  	_ =	shalt  }
0x44: {  	_ =	shalt  }
0x45: {  	_ =	shalt  }
0x46: {  	_ =	shalt  }
0x47: {  	_ =	shalt  }
0x48: {  	_ =	shalt  }
0x49: {  	_ =	shalt  }
0x4a: {  	_ =	shalt  }
0x4b: {  	_ =	shalt  }
0x4c: {  	_ =	shalt  }
0x4d: {  	_ =	shalt  }
0x4e: {  	_ =	shalt  }
0x4f: {  	_ =	shalt  }
0x50: {  	_ =	shalt  }
0x51: {  	_ =	shalt  }
0x52: {  	_ =	shalt  }
0x53: {  	_ =	shalt  }
0x54: {  	_ =	shalt  }
0x55: {  	_ =	shalt  }
0x56: {  	_ =	shalt  }
0x57: {  	_ =	shalt  }
0x58: {  	_ =	shalt  }
0x59: {  	_ =	shalt  }
0x5a: {  	_ =	shalt  }
0x5b: {  	_ =	shalt  }
0x5c: {  	_ =	shalt  }
0x5d: {  	_ =	shalt  }
0x5e: {  	_ =	shalt  }
0x5f: {  	_ =	shalt  }
0x60: {  	_ =	shalt  }
0x61: {  	_ =	shalt  }
0x62: {  	_ =	shalt  }
0x63: {  	_ =	shalt  }
0x64: {  	_ =	shalt  }
0x65: {  	_ =	shalt  }
0x66: {  	_ =	shalt  }
0x67: {  	_ =	shalt  }
0x68: {  	_ =	shalt  }
0x69: {  	_ =	shalt  }
0x6a: {  	_ =	shalt  }
0x6b: {  	_ =	shalt  }
0x6c: {  	_ =	shalt  }
0x6d: {  	_ =	shalt  }
0x6e: {  	_ =	shalt  }
0x6f: {  	_ =	shalt  }
0x70: {  	_ =	shalt  }
0x71: {  	_ =	shalt  }
0x72: {  	_ =	shalt  }
0x73: {  	_ =	shalt  }
0x74: {  	_ =	shalt  }
0x75: {  	_ =	shalt  }
0x76: {  	_ =	shalt  }
0x77: {  	_ =	shalt  }
0x78: {  	_ =	shalt  }
0x79: {  	_ =	shalt  }
0x7a: {  	_ =	shalt  }
0x7b: {  	_ =	shalt  }
0x7c: {  	_ =	shalt  }
0x7d: {  	_ =	shalt  }
0x7e: {  	_ =	shalt  }
0x7f: {  	_ =	shalt  }
0x80: {  	_ =	shalt  }
0x81: {  	_ =	shalt  }
0x82: {  	_ =	shalt  }
0x83: {  	_ =	shalt  }
0x84: {  	_ =	shalt  }
0x85: {  	_ =	shalt  }
0x86: {  	_ =	shalt  }
0x87: {  	_ =	shalt  }
.Lfunc_end0:
.L_simem_size_0:
called_computation_lowered:
.L_overlay_start_0:
0x88: {  	s2 =	sld [smem:$0x3FD9]  }
0x89: {  	s3 =	sld [smem:$0x3FFE];
	_ =	sdelay $0x1  }
0x8a: {  	s1 =	srdreg.scid  }
0x8b: {  	s0 =	sand.u32 $0x1, s1  }
0x8c: {  	s16 =	sshll.u32 s0, $0xA;
	s2 =	sadd.s32 s3, s2  }
0x8d: {  	s2 =	sadd.s32 s2, s16  }
0x8e: {  	[smem:$0x3FAC] =	sst s2  }
0x8f: {  	_ = 	snop  }
0x90: {  	(tm) =	ssettm $0x1  }
0x91: {  	s17 =	sld [smem:$0x3FFB];
	_ =	sdelay $0x3  }
0x92: {  	_ =	strace s17  }
0x93: {  	s2 =	sld [smem:$0x3FFC];
	_ =	sdelay $0x3  }
0x94: {  	_ =	strace s2  }
0x95: {  	s2 =	sld [smem:$0x3FFD];
	_ =	sdelay $0x3  }
0x96: {  	_ =	strace s2  }
0x97: {  	_ =	strace $0x8FFFFFFF  }
0x98: {  	s18 =	sld [smem:$0x3FDB];
	_ =	sdelay $0x1  }
0x99: {  	s19 =	simm.s32 $_scs_section_size  }
0x9a: {  	s4 =	simm.s32 $_size__tile_overlayer_lowered;
	s5 =	simm.s32 $_tile_overlayer_lowered  }
0x9b: {  	s22 =	simm.s32 $0x1BFF;
	s21 =	sshll.u32 s5, $0x1;
	s2 =	sadd.s32 s19, s18  }
0x9c: {  	s6 =	simm.s32 $0x0;
	s20 =	sshll.u32 s4, $0x1;
	s4 =	sadd.s32 s21, s2  }
0x9d: {  	[timem:s6], [sflag:s22] =	dma.local [hbm:s4], s20  }
0x9e: {  	_ =	swait.ge [sflag:s22], s20  }
0x9f: {  	s3 =	ssub.s32 $0x0, s20;
	[sflag:s22] =	ssyncset.done $0x0  }
0xa0: {  	[sflag:s22] =	ssyncadd.s32 s3;
	_ =	sdelay $0x1  }
0xa1: {  	s23 =	simm.s32 $0x1B8B  }
0xa2: {  	_ =	swait.ge [sflag:s23], $0x1  }
0xa3: {  	[sflag:s23] =	ssyncset.done $0x0  }
0xa4: {  	s25 =	simm.s32 $0x1B8E;
	s24 =	sld [smem:$0x3FFE];
	[sflag:s23] =	ssyncadd.s32 $0xFFFFFFFF  }
0xa5: {  	s26 =	simm.s32 $execute0_lowered;
	[smem:$0x3FD2] =	sst s25  }
0xa6: {  	s4 =	sshll.u32 s26, $0x1;
	_ =	strace $0x80000046;
	[dreg:$0x1] =	wrdreg $0xFFFFFFFF  }
0xa7: {  	s28 =	simm.s32 $_size_execute0_lowered;
	s2 =	sadd.s32 s2, s4;
	[dreg:$0x0] =	wrdreg $0x0  }
0xa8: {  	s4 =	sshll.u32 s28, $0x1;
	[dreg:$0x2] =	wrdreg s2  }
0xa9: {  	[dreg:$0x3] =	wrdreg s4  }
0xaa: {  	[dreg:$0x4] =	wrdreg $0xC0  }
0xab: {  	_ =	task [dreg:s6], $0x5FFFF  }
0xac: {  	[dreg:$0x1] =	wrdreg $0xFFFFFFFF  }
0xad: {  	[dreg:$0x0] =	wrdreg $0x60  }
0xae: {  	[dreg:$0x2] =	wrdreg s24  }
0xaf: {  	[dreg:$0x3] =	wrdreg $0x9  }
0xb0: {  	_ =	task.clear_ibuf [dreg:s6], $0x4FFFF;
	_ =	strace $0x90000046  }
0xb1: {  	s29 =	simm.s32 $0x9;
	_ =	strace $0x80000048  }
0xb2: {  	_ =	swait.ge [sflag:s29], $0x1  }
0xb3: {  	[sflag:s29] =	ssyncadd.s32 $0xFFFFFFFF  }
0xb4: {  	_ =	strace $0x90000048  }
0xb5: {  	_ =	sfence  }
0xb6: {  	s30 =	sld [smem:$0x0];
	_ =	sdelay $0x2  }
0xb7: {  	s31 =	sshll.u32 s1, $0xD;
	s1 =	sshrl.u32 s1, $0x2  }
0xb8: {  	s3 =	sand.u32 $0x4000, s31;
	s1 =	sadd.s32 s1, s30  }
0xb9: {  	s0 =	sor.u32 s3, s0;
	s1 =	sshll.u32 s1, $0x11  }
0xba: {  	s0 =	sor.u32 s1, s0  }
0xbb: {  	s0 =	sadd.s32 $0x8F2B, s0  }
0xbc: {  	[sflag:s0] =	ssyncadd.remote.s32 $0x1  }
0xbd: {  	_ =	sfence.sel $0xFFFF  }
0xbe: {  	[dreg:$0x0] =	wrdreg $0xFFFFFFFF;
	(pc) =	sbr.abs _section_cstart, $3  }
0xbf: {  	[dreg:$0x1] =	wrdreg $0xFFFFFFFF  }
0xc0: {  	_ =	task.clear_ibuf [dreg:s6], $0x2FFFF;
	_ =	strace $0x9FFFFFFF  }
0xc1: {  	(tm) =	ssettm $0x7FFFFFFF  }
tec
execute0_lowered:
.L_overlay_start_1:
0x0: {  	(tag) =	ssettag $0x1  }
0x1: {  	s0 =	srdreg.scid;
	s3 =	stileid.u32  }
0x2: {  	s4 =	rddreg [dreg:$0x0];
	s2 =	simm.s32 $0x0;
	s14 =	simm.s32 $0x800  }
0x3: {  	s15 =	simm.s32 $0x1000;
	s0 =	sand.u32 $0x1, s0;
	[smem:$0x7FF] =	sst s2  }
0x4: {  	s5 =	sadd.s32 $0x6400, s4;
	s9 =	sadd.s32 $0x5800, s4;
	s1 =	sor.u32 s0, s3  }
0x5: {  	p1 =	seq.s32 s0, $0x1;
	s19 =	ssub.s32 $0x2, s0;
	p0 =	seq.s32 s1, $0x0  }
0x6: {  	_ =	strace $0x80000047;
	s8 =	sshrl.u32 s19, $0x1;
	p0 =	por !p0, !p1  }
0x7: {  	s1 =	simm.s32 $0x1;
	s13 =	ssub.s32 s19, s8;
	p0 =	por !p0, !p0  }
0x8: {  	s7 =	sshll.u32 s0, $0xF;
	s31 =	smax.u32 s13, $0x1;
	s1 =	simm.s32 @!p0 $0x0  }
0x9: {  	s0 =	sshll.u32 s0, $0x8;
	[dreg:$0xb] =	wrdreg s31;
	s1 =	ssub.s32 s3, s1  }
0xa: {  	s6 =	sshll.u32 s1, $0x10;
	s10 =	sshll.u32 s1, $0x8;
	s21 =	sshll.u32 s1, $0xB  }
0xb: {  	s1 =	sshll.u32 s1, $0x9;
	s6 =	sor.u32 s7, s6;
	s20 =	sand.u32 $0x1FFFFF00, s10  }
0xc: {  	s22 =	sadd.s32 $0x8000, s21;
	s0 =	sor.u32 s0, s1;
	s6 =	sshrl.u32 s6, $0x3  }
0xd: {  	s7 =	sshrl.u32 s22, $0x3;
	s25 =	sadd.s32 $0x2000, s0;
	s26 =	sshrl.u32 s0, $0x3  }
0xe: {  	s0 =	sadd.s32 $0x4000, s0;
	s4 =	sadd.s32 s6, s4;
	s6 =	sadd.s32 s5, s20  }
0xf: {  	s23 =	sadd.s32 s5, s7;
	s1 =	sshrl.u32 s25, $0x3;
	[dreg:$0x2] =	wrdreg s6  }
0x10: {  	s0 =	sshrl.u32 s0, $0x3;
	[dreg:$0x3] =	wrdreg s23;
	s1 =	sadd.s32 s9, s1  }
0x11: {  	s16 =	simm.s32 $0x1800;
	s0 =	sadd.s32 s9, s0;
	[dreg:$0x6] =	wrdreg s1  }
0x12: {  	s17 =	simm.s32 $0x1900;
	s28 =	sadd.s32 $0x9400, s4;
	[dreg:$0x7] =	wrdreg s0  }
0x13: {  	s6 =	sadd.s32 $0x10000, s21;
	s29 =	sadd.s32 $0x29400, s4;
	[dreg:$0x8] =	wrdreg s28  }
0x14: {  	s30 =	sadd.s32 $0x49400, s4;
	s6 =	sshrl.u32 s6, $0x3;
	[dreg:$0x9] =	wrdreg s29  }
0x15: {  	s18 =	simm.s32 $0x1A00;
	[dreg:$0xa] =	wrdreg s30;
	s24 =	sadd.s32 s5, s6  }
0x16: {  	s19 =	simm.s32 $0x1B00;
	s5 =	sadd.s32 s9, s26;
	[dreg:$0x4] =	wrdreg s24  }
0x17: {  	v0 =	vimm.s32 $0x0;
	v1 =	vlaneseq.u32;
	s3 =	simm.s32 $0x1;
	s23 =	simm.s32 $0x0;
	[dreg:$0x5] =	wrdreg s5  }
.LBB2_1:
0x18: {  	s0 =	rddreg [dreg:$0x2]  }
0x19: {  	[tilespmem:s2], [sflag:$0x1] =	stream.linear.gather [hbm4b:s0+s2], $0x800, $0x38;
	[tilespmem:$0x19B80] =	vst v63  }
0x1a: {  	_ =	swait.ge [sflag:s3], $0x800  }
0x1b: {  	[sflag:s3] =	ssyncset.done $0x0  }
0x1c: {  	s26 =	rddreg [dreg:$0x3];
	[sflag:s3] =	ssyncadd.s32 $0xFFFFF800  }
0x1d: {  	[tilespmem:s14], [sflag:$0x1] =	stream.linear.gather [hbm4b:s26+s2], $0x800, $0x38;
	[tilespmem:$0x19B80] =	vst v63  }
0x1e: {  	_ =	swait.ge [sflag:s3], $0x800  }
0x1f: {  	[sflag:s3] =	ssyncset.done $0x0  }
0x20: {  	s28 =	rddreg [dreg:$0x4];
	[sflag:s3] =	ssyncadd.s32 $0xFFFFF800  }
0x21: {  	[tilespmem:s15], [sflag:$0x1] =	stream.linear.gather [hbm4b:s28+s2], $0x800, $0x38;
	[tilespmem:$0x19B80] =	vst v63  }
0x22: {  	_ =	swait.ge [sflag:s3], $0x800  }
0x23: {  	[sflag:s3] =	ssyncset.done $0x0  }
0x24: {  	s29 =	rddreg [dreg:$0x5];
	[sflag:s3] =	ssyncadd.s32 $0xFFFFF800  }
0x25: {  	[tilespmem:s16], [sflag:$0x1] =	stream.linear.gather [hbm4b:s29+s2], $0x100, $0x38;
	[tilespmem:$0x19B80] =	vst v63  }
0x26: {  	_ =	swait.ge [sflag:s3], $0x100  }
0x27: {  	[sflag:s3] =	ssyncset.done $0x0  }
0x28: {  	s30 =	rddreg [dreg:$0x6];
	[sflag:s3] =	ssyncadd.s32 $0xFFFFFF00  }
0x29: {  	[tilespmem:s17], [sflag:$0x1] =	stream.linear.gather [hbm4b:s30+s2], $0x100, $0x38;
	[tilespmem:$0x19B80] =	vst v63  }
0x2a: {  	_ =	swait.ge [sflag:s3], $0x100  }
0x2b: {  	[sflag:s3] =	ssyncset.done $0x0  }
0x2c: {  	s31 =	rddreg [dreg:$0x7];
	[sflag:s3] =	ssyncadd.s32 $0xFFFFFF00  }
0x2d: {  	[tilespmem:s18], [sflag:$0x1] =	stream.linear.gather [hbm4b:s31+s2], $0x100, $0x38;
	[tilespmem:$0x19B80] =	vst v63  }
0x2e: {  	_ =	swait.ge [sflag:s3], $0x100  }
0x2f: {  	[sflag:s3] =	ssyncset.done $0x0  }
0x30: {  	s24 =	simm.s32 $0x0;
	[sflag:s3] =	ssyncadd.s32 $0xFFFFFF00  }
.LBB2_2:
0x31: {  	v3 =	vmov s24;
	_ =	sdelay $0x4  }
0x32: {  	v4 =	vld.idx.msk [tilespmem:v3+s16+$0x0], $0xffff  }
0x33: {  	s31 =	simm.s32 $0x0;
	s25 =	simm.s32 $0xF0;
	s26 =	simm.s32 $0x1080;
	v2 =	vld.idx.msk [tilespmem:v3+s17+$0x0], $0xffff  }
0x34: {  	s28 =	simm.s32 $0x880;
	s29 =	simm.s32 $0x80;
	s30 =	simm.s32 $0x0;
	v3 =	vld.idx.msk [tilespmem:v3+s18+$0x0], $0xffff  }
.LBB2_3:
0x35: {  	v5 =	vld [tilespmem:s29+$0xFFFFFF80]  }
0x36: {  	v6 =	vld [tilespmem:s28+$0xFFFFFF80]  }
0x37: {  	v7 =	vld [tilespmem:s29+$0xFFFFFF90]  }
0x38: {  	v8 =	vld [tilespmem:s28+$0xFFFFFF90]  }
0x39: {  	v9 =	vld [tilespmem:s26+$0xFFFFFF80]  }
0x3a: {  	v10 =	vld [tilespmem:s26+$0xFFFFFF90]  }
0x3b: {  	v11 =	vld [tilespmem:s29+$0xFFFFFFA0]  }
0x3c: {  	v12 =	vld [tilespmem:s28+$0xFFFFFFA0]  }
0x3d: {  	v14 =	vld [tilespmem:s29+$0xFFFFFFB0]  }
0x3e: {  	v15 =	vld [tilespmem:s28+$0xFFFFFFB0]  }
0x3f: {  	v32 =	vld [tilespmem:s29+$0xFFFFFFC0]  }
0x40: {  	v40 =	vld [tilespmem:s28+$0xFFFFFFD0]  }
0x41: {  	v16 =	vld [tilespmem:s29+$0xFFFFFFE0]  }
0x42: {  	v47 =	vld [tilespmem:s29+$0xFFFFFFF0]  }
0x43: {  	v18 =	vld [tilespmem:s28+$0xFFFFFFF0];
	v5 =	vsub.f32 v5, v4;
	v6 =	vsub.f32 v6, v2  }
0x44: {  	v19 =	vld [tilespmem:s26+$0xFFFFFFF0];
	v7 =	vsub.f32 v7, v4;
	v8 =	vsub.f32 v8, v2  }
0x45: {  	v20 =	vld [tilespmem:s29+$0x0];
	v9 =	vsub.f32 v9, v3;
	v10 =	vsub.f32 v10, v3  }
0x46: {  	v49 =	vld [tilespmem:s26+$0x0];
	v30 =	vsub.f32 v11, v4;
	v31 =	vsub.f32 v12, v2  }
0x47: {  	v52 =	vld [tilespmem:s29+$0x10];
	v35 =	vsub.f32 v14, v4;
	v36 =	vsub.f32 v15, v2  }
0x48: {  	v21 =	vld [tilespmem:s26+$0x10];
	v12 =	vsub.f32 v32, v4;
	v14 =	vsub.f32 v40, v2  }
0x49: {  	v16 =	vsub.f32 v16, v4;
	v15 =	vsub.f32 v47, v4  }
0x4a: {  	v24 =	vld [tilespmem:s29+$0x40];
	v51 =	vsub.f32 v18, v2;
	v54 =	vsub.f32 v19, v3  }
0x4b: {  	v13 =	vld [tilespmem:s26+$0xFFFFFFA0];
	v59 =	vsub.f32 v20, v4;
	v62 =	vsub.f32 v49, v3  }
0x4c: {  	v38 =	vld [tilespmem:s29+$0xFFFFFFD0];
	v18 =	vsub.f32 v52, v4;
	v5 =	vmul.f32 v5, v5;
	v6 =	vmul.f32 v6, v6  }
0x4d: {  	v43 =	vld [tilespmem:s26+$0xFFFFFFD0];
	v21 =	vsub.f32 v21, v3;
	v7 =	vmul.f32 v7, v7;
	v8 =	vmul.f32 v8, v8  }
0x4e: {  	v28 =	vld [tilespmem:s26+$0xFFFFFFB0];
	v29 =	vmul.f32 v10, v10;
	v5 =	vadd.f32 v6, v5;
	v6 =	vmul.f32 v9, v9  }
0x4f: {  	v40 =	vsub.f32 v24, v4;
	v33 =	vmul.f32 v30, v30;
	v34 =	vmul.f32 v31, v31  }
0x50: {  	v11 =	vmul.f32 v35, v35;
	v39 =	vmul.f32 v36, v36;
	v5 =	vadd.f32 v6, v5  }
0x51: {  	v42 =	vmul.f32 v12, v12;
	v10 =	vsub.f32 v38, v4;
	v7 =	vadd.f32 v8, v7;
	v6 =	vld [tilespmem:s28+$0xFFFFFFC0]  }
0x52: {  	v37 =	vld [tilespmem:s26+$0xFFFFFFC0];
	v12 =	vsub.f32 v43, v3;
	vm0 =	vlt.f32 v5, $3.999999910e-02;
	v5 =	vsub.f32 v13, v3  }
0x53: {  	v41 =	vld [tilespmem:s28+$0xFFFFFFE0];
	v14 =	vmul.f32 v14, v14;
	v8 =	vsub.f32 v28, v3;
	v7 =	vadd.f32 v29, v7  }
0x54: {  	v22 =	vld [tilespmem:s29+$0x30];
	v16 =	vmul.f32 v16, v16;
	v9 =	vadd.f32 v34, v33;
	v5 =	vmul.f32 v5, v5  }
0x55: {  	v45 =	vld [tilespmem:s26+$0xFFFFFFE0];
	v8 =	vmul.f32 v8, v8;
	vm1 =	vlt.f32 v7, $3.999999910e-02;
	v7 =	vadd.f32 v39, v11  }
0x56: {  	v23 =	vld [tilespmem:s28+$0x30];
	v55 =	vmul.f32 v15, v15;
	v6 =	vsub.f32 v6, v2;
	v5 =	vadd.f32 v5, v9  }
0x57: {  	v56 =	vmul.f32 v51, v51;
	v31 =	vmul.f32 v21, v21;
	v7 =	vadd.f32 v8, v7  }
0x58: {  	v32 =	vld [tilespmem:s26+$0x40];
	v6 =	vmul.f32 v6, v6;
	vm2 =	vlt.f32 v5, $3.999999910e-02;
	v5 =	vsub.f32 v37, v3  }
0x59: {  	v43 =	vld [tilespmem:s29+$0x60];
	v10 =	vmul.f32 v10, v10;
	v33 =	vsub.f32 v22, v4;
	v11 =	vsub.f32 v41, v2  }
0x5a: {  	vm3 =	vlt.f32 v7, $3.999999910e-02;
	v7 =	vld [tilespmem:s28+$0x0];
	v6 =	vadd.f32 v6, v42;
	v5 =	vmul.f32 v5, v5  }
0x5b: {  	v34 =	vsub.f32 v23, v2;
	v8 =	vsub.f32 v45, v3;
	v11 =	vmul.f32 v11, v11  }
0x5c: {  	v48 =	vmul.f32 v12, v12;
	v5 =	vadd.f32 v5, v6;
	v6 =	vadd.f32 v14, v10  }
0x5d: {  	v53 =	vld [tilespmem:s28+$0x10];
	v28 =	vmul.f32 v18, v18;
	v12 =	vsub.f32 v32, v3;
	v11 =	vadd.f32 v11, v16  }
0x5e: {  	v57 =	vld [tilespmem:s29+$0x20];
	v8 =	vmul.f32 v8, v8;
	vm5 =	vlt.f32 v5, $3.999999910e-02;
	v5 =	vadd.f32 v48, v6  }
0x5f: {  	v38 =	vmul.f32 v34, v34;
	v52 =	vsub.f32 v43, v4;
	v7 =	vsub.f32 v7, v2  }
0x60: {  	v10 =	vmul.f32 v54, v54;
	v6 =	vadd.f32 v8, v11;
	vm6 =	vlt.f32 v5, $3.999999910e-02;
	v5 =	vld [tilespmem:s28+$0x20]  }
0x61: {  	v44 =	vsel vm0, $0x1, v0;
	v7 =	vmul.f32 v7, v7;
	v11 =	vmul.f32 v59, v59  }
0x62: {  	v63 =	vld [tilespmem:s26+$0x20];
	v8 =	vsub.f32 v53, v2;
	vm4 =	vlt.f32 v6, $3.999999910e-02;
	v6 =	vadd.f32 v56, v55  }
0x63: {  	v35 =	vld [tilespmem:s29+$0x50];
	v17 =	vsel vm1, $0x1, v0;
	(xrf0) =	vadd.scan.msk.s32 $0xffff, v44;
	v16 =	vsub.f32 v57, v4;
	v7 =	vadd.f32 v7, v11  }
0x64: {  	v8 =	vmul.f32 v8, v8;
	v6 =	vadd.f32 v10, v6;
	v10 =	vmul.f32 v62, v62  }
0x65: {  	(xrf0) =	vadd.scan.msk.s32 $0xffff, v17;
	v50 =	vsel vm3, $0x1, v0;
	v16 =	vmul.f32 v16, v16;
	v5 =	vsub.f32 v5, v2  }
0x66: {  	v29 =	vld [tilespmem:s26+$0x30];
	v8 =	vadd.f32 v8, v28;
	vm7 =	vlt.f32 v6, $3.999999910e-02;
	v6 =	vadd.f32 v10, v7  }
0x67: {  	v30 =	vld [tilespmem:s28+$0x40];
	v46 =	vsel vm2, $0x1, v0;
	v7 =	vsub.f32 v63, v3;
	v5 =	vmul.f32 v5, v5  }
0x68: {  	v44 =	vsub.f32 v35, v4;
	v45 =	vld [tilespmem:s28+$0x60];
	(xrf0) =	vadd.scan.msk.s32 $0xffff, v46;
	vm8 =	vlt.f32 v6, $3.999999910e-02;
	v6 =	vadd.f32 v31, v8  }
0x69: {  	v9 =	vmul.f32 v52, v52;
	v37 =	vld [tilespmem:s28+$0x50];
	(xrf0) =	vadd.scan.msk.s32 $0xffff, v50;
	v50, _, _ =	vpop (xrf0);
	v7 =	vmul.f32 v7, v7;
	v5 =	vadd.f32 v5, v16  }
0x6a: {  	v42 =	vmul.f32 v40, v40;
	(v2sf) =	vpush v50, $0xF;
	vm9 =	vlt.f32 v6, $3.999999910e-02  }
0x6b: {  	v54, _, _ =	vpop (xrf0);
	v6 =	vsub.f32 v29, v3;
	v5 =	vadd.f32 v7, v5;
	v7 =	vmul.f32 v33, v33  }
0x6c: {  	v41 =	vld [tilespmem:s26+$0x50];
	v46 =	vmul.f32 v12, v12;
	(v2sf) =	vpush v54, $0xF;
	v10 =	vsub.f32 v30, v2  }
0x6d: {  	v53 =	vsub.f32 v45, v2;
	v6 =	vmul.f32 v6, v6;
	v7 =	vadd.f32 v38, v7  }
0x6e: {  	v47 =	vld [tilespmem:s26+$0x60];
	v58 =	vsel vm5, $0x1, v0;
	v10 =	vmul.f32 v10, v10;
	v8 =	vsub.f32 v37, v2  }
0x6f: {  	v14 =	vmul.f32 v53, v53;
	v60 =	vsel vm6, $0x1, v0;
	v6 =	vadd.f32 v6, v7  }
0x70: {  	v8 =	vmul.f32 v8, v8;
	vm10 =	vlt.f32 v5, $3.999999910e-02;
	v5 =	vadd.f32 v10, v42  }
0x71: {  	(xrf0) =	vadd.scan.msk.s32 $0xffff, v58;
	v7 =	vmul.f32 v44, v44;
	vm11 =	vlt.f32 v6, $3.999999910e-02;
	v6 =	vsub.f32 v41, v3  }
0x72: {  	v61 =	vsel vm4, $0x1, v0;
	(xrf0) =	vadd.scan.msk.s32 $0xffff, v60;
	v36 =	vsel vm7, $0x1, v0;
	v5 =	vadd.f32 v46, v5  }
0x73: {  	(xrf0) =	vadd.scan.msk.s32 $0xffff, v61;
	v10 =	vsub.f32 v47, v3;
	v7 =	vadd.f32 v8, v7;
	v6 =	vmul.f32 v6, v6  }
0x74: {  	(xrf0) =	vadd.scan.msk.s32 $0xffff, v36;
	v39 =	vsel vm8, $0x1, v0;
	v48 =	vsel vm9, $0x1, v0;
	vm12 =	vlt.f32 v5, $3.999999910e-02  }
0x75: {  	v55, _, _ =	vpop (xrf0);
	(xrf0) =	vadd.scan.msk.s32 $0xffff, v39;
	v5 =	vadd.f32 v6, v7;
	v6 =	vadd.f32 v14, v9;
	v7 =	vmul.f32 v10, v10  }
0x76: {  	v56, _, _ =	vpop (xrf0);
	(v2sf) =	vpush v55, $0xF;
	(xrf0) =	vadd.scan.msk.s32 $0xffff, v48;
	v49 =	vsel vm10, $0x1, v0  }
0x77: {  	(v2sf) =	vpush v56, $0xF;
	v57, _, _ =	vpop (xrf0);
	(xrf0) =	vadd.scan.msk.s32 $0xffff, v49;
	v51 =	vsel vm11, $0x1, v0;
	v6 =	vadd.f32 v7, v6  }
0x78: {  	(v2sf) =	vpush v57, $0xF;
	v58, _, _ =	vpop (xrf0);
	v59 =	vsel vm12, $0x1, v0;
	(xrf0) =	vadd.scan.msk.s32 $0xffff, v51;
	vm13 =	vlt.f32 v5, $3.999999910e-02  }
0x79: {  	v60, _, _ =	vpop (xrf0);
	(v2sf) =	vpush v58, $0xF;
	(xrf0) =	vadd.scan.msk.s32 $0xffff, v59;
	v5 =	vsel vm13, $0x1, v0;
	vm14 =	vlt.f32 v6, $3.999999910e-02  }
0x7a: {  	v31 =	vld [tilespmem:s29+$0x70];
	(v2sf) =	vpush v60, $0xF;
	v61, _, _ =	vpop (xrf0);
	(xrf0) =	vadd.scan.msk.s32 $0xffff, v5;
	v5 =	vsel vm14, $0x1, v0  }
0x7b: {  	(v2sf) =	vpush v61, $0xF;
	v62, _, _ =	vpop (xrf0);
	(xrf0) =	vadd.scan.msk.s32 $0xffff, v5;
	v5 =	vld [tilespmem:s28+$0x70]  }
0x7c: {  	v34 =	vld [tilespmem:s26+$0x70];
	(v2sf) =	vpush v62, $0xF;
	v63, _, _ =	vpop (xrf0)  }
0x7d: {  	(v2sf) =	vpush v63, $0xF;
	v32, _, _ =	vpop (xrf0)  }
0x7e: {  	(v2sf) =	vpush v32, $0xF;
	v33, _, _ =	vpop (xrf0)  }
0x7f: {  	v20 =	vsub.f32 v31, v4;
	v7, _, _ =	vpop (xrf0);
	(v2sf) =	vpush v33, $0xF  }
0x80: {  	(v2sf) =	vpush v7, $0xF;
	v6, _, _ =	vpop (xrf0);
	v35 =	vsub.f32 v5, v2  }
0x81: {  	v21 =	vsub.f32 v34, v3;
	(v2sf) =	vpush v6, $0xF;
	v5, _, _ =	vpop (xrf0)  }
0x82: {  	s20 =	spop (v2sf);
	v20 =	vmul.f32 v20, v20;
	v22 =	vmul.f32 v35, v35;
	(v2sf) =	vpush v5, $0xF;
	_ =	sdelay $0x1  }
0x83: {  	v21 =	vmul.f32 v21, v21;
	s6 =	spop (v2sf);
	v20 =	vadd.f32 v22, v20  }
0x84: {  	s7 =	spop (v2sf)  }
0x85: {  	s8 =	spop (v2sf);
	v20 =	vadd.f32 v21, v20  }
0x86: {  	s9 =	spop (v2sf)  }
0x87: {  	s10 =	spop (v2sf);
	vm15 =	vlt.f32 v20, $3.999999910e-02  }
0x88: {  	s11 =	spop (v2sf);
	v20 =	vsel vm15, $0x1, v0  }
0x89: {  	s5 =	spop (v2sf);
	(xrf0) =	vadd.scan.msk.s32 $0xffff, v20  }
0x8a: {  	s4 =	spop (v2sf)  }
0x8b: {  	s20 =	sadd.s32 s31, s20;
	s22 =	spop (v2sf)  }
0x8c: {  	s13 =	sadd.s32 $0xFFFFFF10, s25;
	s6 =	sadd.s32 s20, s6;
	s21 =	spop (v2sf)  }
0x8d: {  	p0 =	slt.s32 s20, $0x20;
	v38 =	vor.u32 s13, v1;
	s13 =	sadd.s32 $0xFFFFFF30, s25;
	s0 =	spop (v2sf)  }
0x8e: {  	v37 =	vsel vm1, $0xFFFFFFFF, v0;
	s20 =	simm.s32 @!p0 $0x20;
	v42 =	vor.u32 s13, v1;
	s13 =	sadd.s32 $0xFFFFFF50, s25;
	s1 =	spop (v2sf)  }
0x8f: {  	v40 =	vsel vm2, $0xFFFFFFFF, v0;
	v15 =	vadd.s32 v37, v54;
	p0 =	slt.s32 s6, $0x20;
	v46 =	vor.u32 s13, v1;
	s13 =	sadd.s32 $0xFFFFFF90, s25;
	s12 =	spop (v2sf);
	v39, _, _ =	vpop (xrf0)  }
0x90: {  	v17 =	vadd.s32 v40, v55;
	v15 =	vadd.s32 s20, v15;
	s7 =	sadd.s32 s6, s7;
	s6 =	simm.s32 @!p0 $0x20;
	s20 =	spop (v2sf);
	(v2sf) =	vpush v39, $0xF  }
0x91: {  	v25 =	vsel vm3, $0xFFFFFFFF, v0;
	v36 =	vsel vm0, $0xFFFFFFFF, v0;
	s8 =	sadd.s32 s7, s8;
	p0 =	slt.s32 s7, $0x20;
	v17 =	vadd.s32 s6, v17;
	s6 =	sadd.s32 $0xFFFFFF40, s25  }
0x92: {  	v16 =	vadd.s32 v25, v56;
	s7 =	simm.s32 @!p0 $0x20;
	p0 =	slt.s32 s8, $0x20;
	s9 =	sadd.s32 s8, s9;
	v20 =	vadd.s32 s31, v36  }
0x93: {  	v43 =	vsel vm5, $0xFFFFFFFF, v0;
	v16 =	vadd.s32 s7, v16;
	s7 =	sadd.s32 $0xFFFFFF60, s25;
	s8 =	simm.s32 @!p0 $0x20;
	p0 =	slt.s32 s9, $0x20;
	v11 =	vadd.s32 v50, v20  }
0x94: {  	v26 =	vsel vm6, $0xFFFFFFFF, v0;
	v12 =	vadd.s32 v43, v57;
	v44 =	vor.u32 s6, v1;
	s6 =	sadd.s32 s9, s10;
	s9 =	simm.s32 @!p0 $0x20;
	s10 =	sadd.s32 $0xFFFFFF70, s25  }
0x95: {  	v45 =	vsel vm4, $0xFFFFFFFF, v0;
	v27 =	vsel vm7, $0xFFFFFFFF, v0;
	v12 =	vadd.s32 s8, v12;
	s8 =	sadd.s32 s6, s11;
	p0 =	slt.s32 s6, $0x20;
	s11 =	sadd.s32 $0xFFFFFF80, s25  }
0x96: {  	v29 =	vsel vm8, $0xFFFFFFFF, v0;
	v13 =	vadd.s32 v45, v60;
	v28 =	vor.u32 s10, v1;
	s10 =	sadd.s32 $0xFFFFFFA0, s25;
	s6 =	simm.s32 @!p0 $0x20;
	p0 =	slt.s32 s8, $0x20  }
0x97: {  	v48 =	vadd.s32 v27, v61;
	v10 =	vadd.s32 v26, v58;
	v51 =	vor.u32 s11, v1;
	s11 =	sadd.s32 $0xFFFFFFB0, s25;
	s5 =	sadd.s32 s8, s5;
	s31 =	sadd.s32 $0xFFFFFF20, s25  }
0x98: {  	v53 =	vsel vm10, $0xFFFFFFFF, v0;
	v10 =	vadd.s32 s9, v10;
	s8 =	simm.s32 @!p0 $0x20;
	p0 =	slt.s32 s5, $0x20;
	s4 =	sadd.s32 s5, s4;
	v41 =	vor.u32 s31, v1;
	[tilespmem:v11+s19+$0x0] =	vst.idx.msk vm0, v38  }
0x99: {  	v49 =	vsel vm9, $0xFFFFFFFF, v0;
	v47 =	vor.u32 s7, v1;
	v13 =	vadd.s32 s6, v13;
	s5 =	simm.s32 @!p0 $0x20;
	p0 =	slt.s32 s4, $0x20;
	s7 =	sadd.s32 s4, s22;
	[tilespmem:v15+s19+$0x0] =	vst.idx.msk vm1, v41  }
0x9a: {  	v52 =	vor.u32 s13, v1;
	s4 =	simm.s32 @!p0 $0x20;
	p0 =	slt.s32 s7, $0x20;
	v50 =	vadd.s32 v29, v62;
	v11 =	vadd.s32 s8, v48;
	s8 =	sadd.s32 s7, s21;
	[tilespmem:v17+s19+$0x0] =	vst.idx.msk vm2, v42  }
0x9b: {  	v55 =	vsel vm11, $0xFFFFFFFF, v0;
	v14 =	vadd.s32 v49, v63;
	s7 =	simm.s32 @!p0 $0x20;
	v15 =	vadd.s32 s5, v50;
	s0 =	sadd.s32 s8, s0;
	p0 =	slt.s32 s8, $0x20;
	[tilespmem:v16+s19+$0x0] =	vst.idx.msk vm3, v44  }
0x9c: {  	v56 =	vsel vm12, $0xFFFFFFFF, v0;
	v9 =	vadd.s32 v53, v32;
	v14 =	vadd.s32 s4, v14;
	s1 =	sadd.s32 s0, s1;
	s8 =	simm.s32 @!p0 $0x20;
	p0 =	slt.s32 s0, $0x20;
	[tilespmem:v12+s19+$0x0] =	vst.idx.msk vm5, v46  }
0x9d: {  	v57 =	vsel vm13, $0xFFFFFFFF, v0;
	v8 =	vadd.s32 v55, v33;
	v9 =	vadd.s32 s7, v9;
	s5 =	sadd.s32 s1, s12;
	s0 =	simm.s32 @!p0 $0x20;
	p0 =	slt.s32 s1, $0x20;
	[tilespmem:v10+s19+$0x0] =	vst.idx.msk vm6, v47  }
0x9e: {  	v58 =	vsel vm14, $0xFFFFFFFF, v0;
	v7 =	vadd.s32 v56, v7;
	v8 =	vadd.s32 s8, v8;
	s6 =	sadd.s32 s5, s20;
	s1 =	simm.s32 @!p0 $0x20;
	p0 =	slt.s32 s5, $0x20;
	[tilespmem:v13+s19+$0x0] =	vst.idx.msk vm4, v28  }
0x9f: {  	v54 =	vor.u32 s10, v1;
	v6 =	vadd.s32 v57, v6;
	v7 =	vadd.s32 s0, v7;
	s5 =	simm.s32 @!p0 $0x20;
	p0 =	slt.s32 s6, $0x20;
	[tilespmem:v11+s19+$0x0] =	vst.idx.msk vm7, v51;
	s12 =	spop (v2sf)  }
0xa0: {  	v5 =	vadd.s32 v58, v5;
	v59 =	vsel vm15, $0xFFFFFFFF, v0;
	v6 =	vadd.s32 s1, v6;
	[tilespmem:v15+s19+$0x0] =	vst.idx.msk vm8, v52;
	s31 =	sadd.s32 s6, s12;
	s6 =	simm.s32 @!p0 $0x20;
	p0 =	sgt.u32 s30, $0x6  }
0xa1: {  	s13 =	sadd.s32 $0xFFFFFFC0, s25;
	v60 =	vor.u32 s11, v1;
	v10 =	vadd.s32 v59, v39;
	v5 =	vadd.s32 s5, v5;
	[tilespmem:v14+s19+$0x0] =	vst.idx.msk vm9, v54;
	p1 =	slt.s32 @!p0 s31, $0x20  }
0xa2: {  	v61 =	vor.u32 s13, v1;
	s20 =	sadd.s32 $0xFFFFFFD0, s25;
	[tilespmem:v9+s19+$0x0] =	vst.idx.msk vm10, v60;
	v10 =	vadd.s32 s6, v10;
	p0 =	por p0, !p1  }
.Ltmp0:
0xa3: {  	s21 =	sadd.s32 $0xFFFFFFE0, s25;
	v62 =	vor.u32 s20, v1;
	[tilespmem:v8+s19+$0x0] =	vst.idx.msk vm11, v61;
	(pc) =	sbr.rel @!p0 .LBB2_3-.Ltmp0, $4  }
0xa4: {  	s22 =	sadd.s32 $0xFFFFFFF0, s25;
	v63 =	vor.u32 s21, v1;
	[tilespmem:v7+s19+$0x0] =	vst.idx.msk vm12, v62  }
0xa5: {  	v7 =	vor.u32 s22, v1;
	[tilespmem:v6+s19+$0x0] =	vst.idx.msk vm13, v63  }
0xa6: {  	s26 =	sadd.s32 $0x100, s26;
	s29 =	sadd.s32 $0x100, s29;
	v6 =	vor.u32 s25, v1;
	[tilespmem:v5+s19+$0x0] =	vst.idx.msk vm14, v7  }
0xa7: {  	s28 =	sadd.s32 $0x100, s28;
	s25 =	sadd.s32 $0x100, s25;
	s30 =	sadd.s32 $0x1, s30;
	[tilespmem:v10+s19+$0x0] =	vst.idx.msk vm15, v6  }
0xa8: {  	p0 =	slt.s32 s31, $0x20  }
0xa9: {  	s31 =	simm.s32 @!p0 $0x20  }
0xaa: {  	v5 =	vmov s31  }
0xab: {  	vm0 =	vgt.s32 v5, v1  }
0xac: {  	v6 =	vnsel vm0, $0x0, v1;
	_ =	sdelay $0x4  }
0xad: {  	v6 =	vld.idx.msk [tilespmem:v6+s19+$0x0], $0xffff;
	_ =	sdelay $0x7  }
0xae: {  	v7 =	vld.idx.msk [tilespmem:v6+s2+$0x0], $0xffff;
	_ =	sdelay $0x4  }
0xaf: {  	s0 =	sshll.u32 s24, $0x7;
	v7 =	vsub.f32 v7, v4  }
0xb0: {  	s0 =	sand.u32 $0x3FFFFF80, s0  }
0xb1: {  	[tilespmem:s0+$0x1B80] =	vst v7  }
0xb2: {  	v7 =	vld.idx.msk [tilespmem:v6+s14+$0x0], $0xffff;
	_ =	sdelay $0x4  }
0xb3: {  	v7 =	vsub.f32 v7, v2;
	_ =	sdelay $0x1  }
0xb4: {  	[tilespmem:s0+$0x9B80] =	vst v7  }
0xb5: {  	v6 =	vld.idx.msk [tilespmem:v6+s15+$0x0], $0xffff  }
0xb6: {  	v62 =	vor.u32 $0x10, v1  }
0xb7: {  	vm15 =	vgt.s32 v5, v62  }
0xb8: {  	v5 =	vnsel vm15, $0x0, v62;
	_ =	sdelay $0x1  }
0xb9: {  	v6 =	vsub.f32 v6, v3;
	_ =	sdelay $0x1  }
0xba: {  	[tilespmem:s0+$0x11B80] =	vst v6  }
0xbb: {  	v5 =	vld.idx.msk [tilespmem:v5+s19+$0x0], $0xffff;
	_ =	sdelay $0x7  }
0xbc: {  	v6 =	vld.idx.msk [tilespmem:v5+s2+$0x0], $0xffff;
	_ =	sdelay $0x4  }
0xbd: {  	v63 =	vsub.f32 v6, v4;
	_ =	sdelay $0x1  }
0xbe: {  	[tilespmem:s0+$0x1B90] =	vst v63  }
0xbf: {  	v4 =	vld.idx.msk [tilespmem:v5+s14+$0x0], $0xffff;
	_ =	sdelay $0x4  }
0xc0: {  	v2 =	vsub.f32 v4, v2;
	_ =	sdelay $0x1  }
0xc1: {  	[tilespmem:s0+$0x9B90] =	vst v2  }
0xc2: {  	v2 =	vld.idx.msk [tilespmem:v5+s15+$0x0], $0xffff  }
0xc3: {  	s24 =	sadd.s32 $0x1, s24  }
0xc4: {  	p0 =	sne.s32 s24, $0x100  }
.Ltmp1:
0xc5: {  	_ = 	snop;
	(pc) =	sbr.rel @p0 .LBB2_2-.Ltmp1, $3  }
0xc6: {  	_ = 	snop  }
0xc7: {  	v2 =	vsub.f32 v2, v3;
	_ =	sdelay $0x1  }
0xc8: {  	[tilespmem:s0+$0x11B90] =	vst v2  }
0xc9: {  	s0 =	rddreg [dreg:$0x8];
	s1 =	simm.s32 $0x1B80  }
0xca: {  	[hbm4b:s0+s2] =	stream.linear.scatter [tilespmem:s1], [sflag:$0x1], $0x8000, $0x38;
	[tilespmem:$0x19B80] =	vst v63  }
0xcb: {  	_ =	swait.ge [sflag:s3], $0x8000  }
0xcc: {  	[sflag:s3] =	ssyncset.done $0x0  }
0xcd: {  	s28 =	simm.s32 $0x9B80;
	s26 =	rddreg [dreg:$0x9];
	[sflag:s3] =	ssyncadd.s32 $0xFFFF8000  }
0xce: {  	[hbm4b:s26+s2] =	stream.linear.scatter [tilespmem:s28], [sflag:$0x1], $0x8000, $0x38;
	[tilespmem:$0x19B80] =	vst v63  }
0xcf: {  	_ =	swait.ge [sflag:s3], $0x8000  }
0xd0: {  	[sflag:s3] =	ssyncset.done $0x0  }
0xd1: {  	s30 =	simm.s32 $0x11B80;
	s29 =	rddreg [dreg:$0xa];
	[sflag:s3] =	ssyncadd.s32 $0xFFFF8000  }
0xd2: {  	[hbm4b:s29+s2] =	stream.linear.scatter [tilespmem:s30], [sflag:$0x1], $0x8000, $0x38;
	[tilespmem:$0x19B80] =	vst v63  }
0xd3: {  	_ =	swait.ge [sflag:s3], $0x8000  }
0xd4: {  	s23 =	sadd.s32 $0x1, s23;
	s31 =	rddreg [dreg:$0xb]  }
0xd5: {  	p0 =	sne.s32 s23, s31  }
.Ltmp2:
0xd6: {  	_ = 	snop;
	(pc) =	sbr.rel @p0 .LBB2_1-.Ltmp2, $3  }
0xd7: {  	_ =	sdelay $0x1  }
0xd8: {  	[sflag:s3] =	ssyncset.done $0x0  }
0xd9: {  	[sflag:s3] =	ssyncadd.s32 $0xFFFF8000  }
0xda: {  	_ =	sfence.sel $0x180000  }
0xdb: {  	[bflag:$0x0] =	sbarrier.arrive $0xFFFF  }
0xdc: {  	_ =	strace $0x90000047  }
0xdd: {  	s0 =	stileid.u32;
	[bflag:$0x2] =	sbarrier.arrive $0xFFFF  }
0xde: {  	p0 =	sne.s32 s0, $0x0;
	s0 =	rddreg [dreg:$0x1]  }
0xdf: {  	s0 =	sadd.s32 @!p0 $0x100000, s0  }
0xe0: {  	[sflag:s0] =	ssyncadd.tile.s32 @!p0 $0x1;
	_ =	shalt  }
.Lfunc_end2:
_tile_overlayer_lowered:
.L_overlay_start_2:
0xe1: {  	(tag) =	ssettag $0x2  }
0xe2: {  	s0 =	rddreg [dreg:$0x0];
	s2 =	stileid.u32  }
0xe3: {  	s1 =	rddreg [dreg:$0x1];
	p0 =	sne.s32 s2, $0x0  }
0xe4: {  	s3 =	rddreg [dreg:$0x2];
	[bflag:$0x3] =	sbarrier.arrive $0xFFFF;
	s2 =	simm.s32 @!p0 $0x1C01  }
0xe5: {  	[timem:s3], [sflag:s2] =	dma.local @!p0 [hbm:s0], s1  }
0xe6: {  	s0 =	simm.s32 @!p0 $0x1  }
0xe7: {  	_ =	swait.ge @!p0 [sflag:s0], s1  }
0xe8: {  	s1 =	ssub.s32 @!p0 $0x0, s1;
	[sflag:s0] =	ssyncset.done @!p0 $0x0  }
0xe9: {  	[sflag:s0] =	ssyncadd.s32 @!p0 s1  }
0xea: {  	[bflag:$0x3] =	sbarrier.arrive $0xFFFF  }
0xeb: {  	_ =	shalt  }

</sc_bundles>
